<compile_context>
chip_gen: v7x
topology: tpu7x:2x2x1
jax: 0.10.2.dev20260603
libtpu: 0.0.44.dev20260713+nightly
codegen_flags: <defaults>
</compile_context>

<pallas_src>
import functools

import jax
import jax.numpy as jnp
from jax import lax
from jax.experimental import pallas as pl
from jax.experimental.pallas import tpu as pltpu
from jax.experimental.pallas import tpu_sc as plsc

_N = 2048
_D = 256
_K = 64

_NUM_WORKERS = 32
_ROWS_PER_WORKER = _N // _NUM_WORKERS
_BATCH = 8
_LANES = 16

_MASKVAL = -1e30


def _sc_build_s_body(cs_hbm, s_hbm, cs_v, buf, sem):
    wid = lax.axis_index("s") * 2 + lax.axis_index("c")
    row_base = wid * _ROWS_PER_WORKER

    pltpu.sync_copy(cs_hbm.at[pl.ds(row_base * _K, _ROWS_PER_WORKER * _K)],
                    cs_v)

    zeros16 = jnp.zeros((_LANES,), jnp.float32)
    ones16 = jnp.ones((_LANES,), jnp.float32)

    def _zero_chunk(i, _):
        for c in range(8):
            buf[pl.ds((i * 8 + c) * _LANES, _LANES)] = zeros16
        return 0

    lax.fori_loop(0, _BATCH * _N // (8 * _LANES), _zero_chunk, 0)

    def _scatter_batch(b, values):
        for r8 in range(_BATCH):
            for c in range(_K // _LANES):
                cols = cs_v[pl.ds((b * _BATCH + r8) * _K + c * _LANES,
                                  _LANES)]
                plsc.store_scatter(buf, [cols + r8 * _N], values)

    for b in range(_ROWS_PER_WORKER // _BATCH):
        _scatter_batch(b, ones16)
        copy = pltpu.make_async_copy(
            buf,
            s_hbm.at[pl.ds((row_base + b * _BATCH) * _N, _BATCH * _N)],
            sem)
        copy.start()
        copy.wait()
        _scatter_batch(b, zeros16)


@jax.jit
def _sc_build_s(current_samples):
    mesh = plsc.VectorSubcoreMesh(core_axis_name="c", subcore_axis_name="s")
    s_flat = pl.kernel(
        _sc_build_s_body,
        out_type=jax.ShapeDtypeStruct((_N * _N,), jnp.float32),
        mesh=mesh,
        scratch_types=[
            pltpu.VMEM((_ROWS_PER_WORKER * _K,), jnp.int32),
            pltpu.VMEM((_BATCH * _N,), jnp.float32),
            pltpu.SemaphoreType.DMA,
        ],
        compiler_params=pltpu.CompilerParams(needs_layout_passes=False),
    )(current_samples.reshape(-1))
    return s_flat.reshape(_N, _N)


_BR = 256


def _tc_body(x_blk, xt_full, a_blk, s_full, s_own, cs_blk, out_ref):
    f32 = jnp.float32
    sims = lax.dot_general(
        x_blk[...], xt_full[...], (((1,), (0,)), ((), ())),
        preferred_element_type=f32)
    counts = lax.dot_general(
        a_blk[...], s_full[...], (((1,), (0,)), ((), ())),
        preferred_element_type=f32)
    cand = (counts > 0.0) | (s_own[...] > jnp.bfloat16(0.0))
    vals0 = jnp.where(cand, sims, f32(_MASKVAL))

    has_nbrs = jnp.max(a_blk[...], axis=1, keepdims=True) > jnp.bfloat16(0.0)

    iota_col = lax.broadcasted_iota(jnp.int32, (_BR, _N), 1)
    iota_k = lax.broadcasted_iota(jnp.int32, (_BR, _K), 1)

    def body(t, carry):
        vals, m, out = carry
        eq = vals == m
        idx = jnp.min(jnp.where(eq, iota_col, _N), axis=1, keepdims=True)
        vals = jnp.where(iota_col == idx, -jnp.inf, vals)
        m = jnp.max(vals, axis=1, keepdims=True)
        out = jnp.where(iota_k == t, idx, out)
        return vals, m, out

    out0 = jnp.zeros((_BR, _K), jnp.int32)
    m0 = jnp.max(vals0, axis=1, keepdims=True)
    _, _, top = lax.fori_loop(0, _K, body, (vals0, m0, out0))

    out_ref[...] = jnp.where(has_nbrs, top, cs_blk[...])


@jax.jit
def _tc_topk(x, xt, a16, s16, current_samples):
    grid = (_N // _BR,)
    return pl.pallas_call(
        _tc_body,
        grid=grid,
        in_specs=[
            pl.BlockSpec((_BR, _D), lambda i: (i, 0)),
            pl.BlockSpec((_D, _N), lambda i: (0, 0)),
            pl.BlockSpec((_BR, _N), lambda i: (i, 0)),
            pl.BlockSpec((_N, _N), lambda i: (0, 0)),
            pl.BlockSpec((_BR, _N), lambda i: (i, 0)),
            pl.BlockSpec((_BR, _K), lambda i: (i, 0)),
        ],
        out_specs=pl.BlockSpec((_BR, _K), lambda i: (i, 0)),
        out_shape=jax.ShapeDtypeStruct((_N, _K), jnp.int32),
    )(x, xt, a16, s16, s16, current_samples)


def kernel(x, adj, current_samples):
    s = _sc_build_s(current_samples)
    s16 = s.astype(jnp.bfloat16)
    a16 = adj.astype(jnp.bfloat16)
    xt = x.T
    return _tc_topk(x, xt, a16, s16, current_samples)

# --- scband reference (transcript-rebuilt; emitter-appended) ---
"""Pipeline reference for scband-attention-sample-updater-60301340835948 (READ-ONLY COPY).

The authoritative reference and input builder live on the scoring server;
editing this copy changes nothing except your own understanding.
"""

import jax, jax.numpy as jnp
import numpy as np

N = 2048
D = 256
K = 64

def setup_inputs(seed: int = 0):
    key = jax.random.key(seed)
    k1, k2, k3 = jax.random.split(key, 3)
    x = jax.random.normal(k1, (N, D), dtype=jnp.float32)
    adj = jax.random.randint(k2, (N, N), 0, 2, dtype=jnp.int32)
    current_samples = jax.random.randint(k3, (N, K), 0, N, dtype=jnp.int32)
    return {"x": x, "adj": adj, "current_samples": current_samples}

def reference(x, adj, current_samples):
    # Vectorized faithful translation of AttentionSampleUpdater.message_passing_update.
    # For each node i the torch code builds candidate_pool = unique(samples of
    # neighbors of i  U  current_samples[i]) and keeps the top-k candidates by
    # dot-product similarity with x[i]. Because candidate ids index rows of x,
    # this is equivalent to masking the dense similarity matrix x @ x.T with a
    # candidate-membership mask and taking a row-wise top-k (indices returned in
    # descending-similarity order, matching candidate_pool[top_indices]).
    n = x.shape[0]
    k = current_samples.shape[1]
    row = jnp.repeat(jnp.arange(n), k)
    # S[v, j] = 1 iff node j appears in current_samples[v] (scatter-overwrite)
    S = jnp.zeros((n, n), dtype=jnp.float32).at[row, current_samples.reshape(-1)].set(1.0)
    A = (adj != 0).astype(jnp.float32)
    neighbor_sample_mask = (A @ S) > 0.0   # j in samples of some neighbor of i
    own_sample_mask = S > 0.0              # j in current_samples[i]
    candidate_mask = neighbor_sample_mask | own_sample_mask
    has_neighbors = A.sum(axis=1) > 0.0
    sims = x @ x.T
    masked = jnp.where(candidate_mask, sims, -jnp.inf)
    _, top_idx = jax.lax.top_k(masked, k)
    # nodes without neighbors keep their current samples (torch early-continue branch)
    new_samples = jnp.where(has_neighbors[:, None], top_idx.astype(current_samples.dtype), current_samples)
    return new_samples

if __name__ == "__main__":
    import jax
    _d = setup_inputs()
    print(jax.jit(kernel)(*tuple(_d.values())))

</pallas_src>

<mosaic_0001>
#map = affine_map<(d0, d1) -> (0)>
module attributes {stable_mosaic.version = 14 : i64} {
  func.func @_sc_build_s_body(%arg0: i32, %arg1: i32, %arg2: memref<131072xi32, #tpu.memory_space<hbm>>, %arg3: memref<4194304xf32, #tpu.memory_space<hbm>>, %arg4: memref<4096xi32, #tpu.memory_space<vmem>>, %arg5: memref<16384xf32, #tpu.memory_space<vmem>>, %arg6: memref<!tpu.dma_semaphore, #tpu.memory_space<semaphore_mem>>) attributes {dimension_semantics = [#tpu.dimension_semantics<core_parallel>, #tpu.dimension_semantics<subcore_parallel>], iteration_bounds = array<i64: 2, 16>, scalar_prefetch = 0 : i64, scratch_operands = 3 : i64, tpu.core_type = #tpu.core_type<sc_vector_subcore>, window_params = [{transform_indices = #map}, {transform_indices = #map}]} {
    %mul3A = arith.constant 2 : i32
    %mul3A_0 = arith.muli %arg1, %mul3A : i32
    %add3A = arith.addi %mul3A_0, %arg0 : i32
    %mul3A_1 = arith.constant 64 : i32
    %mul3A_2 = arith.muli %add3A, %mul3A_1 : i32
    %mul3A_3 = arith.constant 64 : i32
    %mul3A_4 = arith.muli %mul3A_2, %mul3A_3 : i32
    "tpu.region"() ({
      %run_scoped3A = tpu.sem_alloc : memref<!tpu.dma_semaphore, #tpu.memory_space<semaphore_mem>>
      %dma_start3A_2635 = tpu.memref_slice %arg2[%mul3A_4] : memref<131072xi32, #tpu.memory_space<hbm>> -> memref<4096xi32, #tpu.memory_space<hbm>>
      %dma_start3A_2636 = tpu.memref_slice %arg2[%mul3A_4] : memref<131072xi32, #tpu.memory_space<hbm>> -> memref<4096xi32, #tpu.memory_space<hbm>>
      tpu.enqueue_dma source(%dma_start3A_2636 : memref<4096xi32, #tpu.memory_space<hbm>>) target(%arg4 : memref<4096xi32, #tpu.memory_space<vmem>>) target_semaphore(%run_scoped3A : memref<!tpu.dma_semaphore, #tpu.memory_space<semaphore_mem>>)
      %dma_wait3A_2637 = tpu.memref_slice %arg2[%mul3A_4] : memref<131072xi32, #tpu.memory_space<hbm>> -> memref<4096xi32, #tpu.memory_space<hbm>>
      %dma_wait3A_2638 = tpu.memref_slice %arg2[%mul3A_4] : memref<131072xi32, #tpu.memory_space<hbm>> -> memref<4096xi32, #tpu.memory_space<hbm>>
      tpu.wait_dma2 semaphore(%run_scoped3A : memref<!tpu.dma_semaphore, #tpu.memory_space<semaphore_mem>>) src(%dma_wait3A_2638 : memref<4096xi32, #tpu.memory_space<hbm>>) dst(%arg4 : memref<4096xi32, #tpu.memory_space<vmem>>)
      tpu.yield
    }) : () -> ()
    %broadcast_in_dim3A = arith.constant 0.000000e+00 : f32
    %broadcast_in_dim3A_5 = vector.broadcast %broadcast_in_dim3A : f32 to vector<16xf32>
    %broadcast_in_dim3A_6 = arith.constant 1.000000e+00 : f32
    %broadcast_in_dim3A_7 = vector.broadcast %broadcast_in_dim3A_6 : f32 to vector<16xf32>
    %scan3A = arith.constant 0 : i32
    %scan3A_8 = arith.constant 0 : i32
    %scan3A_9 = arith.constant 128 : i32
    %scan3A_10 = arith.addi %scan3A_8, %scan3A_9 : i32
    %scan3A_11 = arith.constant 1 : i32
    %scan3A_12 = scf.for %scan3A_2635 = %scan3A_8 to %scan3A_10 step %scan3A_11 iter_args(%scan3A_2636 = %scan3A) -> (i32)  : i32 {
      %mul3A_2637 = arith.constant 8 : i32
      %mul3A_2638 = arith.muli %scan3A_2635, %mul3A_2637 : i32
      %add3A_2639 = arith.constant 0 : i32
      %add3A_2640 = arith.addi %mul3A_2638, %add3A_2639 : i32
      %mul3A_2641 = arith.constant 16 : i32
      %mul3A_2642 = arith.muli %add3A_2640, %mul3A_2641 : i32
      %swap3A = arith.index_cast %mul3A_2642 : i32 to index
      %swap3A_2643 = tpu.vector_load %arg5[%swap3A] {strides = array<i32>} : memref<16384xf32, #tpu.memory_space<vmem>>, vector<16xf32>,
      tpu.vector_store %arg5[%swap3A], %broadcast_in_dim3A_5 {strides = array<i32>} : memref<16384xf32, #tpu.memory_space<vmem>>, vector<16xf32>,
      %mul3A_2644 = arith.constant 8 : i32
      %mul3A_2645 = arith.muli %scan3A_2635, %mul3A_2644 : i32
      %add3A_2646 = arith.constant 1 : i32
      %add3A_2647 = arith.addi %mul3A_2645, %add3A_2646 : i32
      %mul3A_2648 = arith.constant 16 : i32
      %mul3A_2649 = arith.muli %add3A_2647, %mul3A_2648 : i32
      %swap3A_2650 = arith.index_cast %mul3A_2649 : i32 to index
      %swap3A_2651 = tpu.vector_load %arg5[%swap3A_2650] {strides = array<i32>} : memref<16384xf32, #tpu.memory_space<vmem>>, vector<16xf32>,
      tpu.vector_store %arg5[%swap3A_2650], %broadcast_in_dim3A_5 {strides = array<i32>} : memref<16384xf32, #tpu.memory_space<vmem>>, vector<16xf32>,
      %mul3A_2652 = arith.constant 8 : i32
      %mul3A_2653 = arith.muli %scan3A_2635, %mul3A_2652 : i32
      %add3A_2654 = arith.constant 2 : i32
      %add3A_2655 = arith.addi %mul3A_2653, %add3A_2654 : i32
      %mul3A_2656 = arith.constant 16 : i32
      %mul3A_2657 = arith.muli %add3A_2655, %mul3A_2656 : i32
      %swap3A_2658 = arith.index_cast %mul3A_2657 : i32 to index
      %swap3A_2659 = tpu.vector_load %arg5[%swap3A_2658] {strides = array<i32>} : memref<16384xf32, #tpu.memory_space<vmem>>, vector<16xf32>,
      tpu.vector_store %arg5[%swap3A_2658], %broadcast_in_dim3A_5 {strides = array<i32>} : memref<16384xf32, #tpu.memory_space<vmem>>, vector<16xf32>,
      %mul3A_2660 = arith.constant 8 : i32
      %mul3A_2661 = arith.muli %scan3A_2635, %mul3A_2660 : i32
      %add3A_2662 = arith.constant 3 : i32
      %add3A_2663 = arith.addi %mul3A_2661, %add3A_2662 : i32
      %mul3A_2664 = arith.constant 16 : i32
      %mul3A_2665 = arith.muli %add3A_2663, %mul3A_2664 : i32
      %swap3A_2666 = arith.index_cast %mul3A_2665 : i32 to index
      %swap3A_2667 = tpu.vector_load %arg5[%swap3A_2666] {strides = array<i32>} : memref<16384xf32, #tpu.memory_space<vmem>>, vector<16xf32>,
      tpu.vector_store %arg5[%swap3A_2666], %broadcast_in_dim3A_5 {strides = array<i32>} : memref<16384xf32, #tpu.memory_space<vmem>>, vector<16xf32>,
      %mul3A_2668 = arith.constant 8 : i32
      %mul3A_2669 = arith.muli %scan3A_2635, %mul3A_2668 : i32
      %add3A_2670 = arith.constant 4 : i32
      %add3A_2671 = arith.addi %mul3A_2669, %add3A_2670 : i32
      %mul3A_2672 = arith.constant 16 : i32
      %mul3A_2673 = arith.muli %add3A_2671, %mul3A_2672 : i32
      %swap3A_2674 = arith.index_cast %mul3A_2673 : i32 to index
      %swap3A_2675 = tpu.vector_load %arg5[%swap3A_2674] {strides = array<i32>} : memref<16384xf32, #tpu.memory_space<vmem>>, vector<16xf32>,
      tpu.vector_store %arg5[%swap3A_2674], %broadcast_in_dim3A_5 {strides = array<i32>} : memref<16384xf32, #tpu.memory_space<vmem>>, vector<16xf32>,
      %mul3A_2676 = arith.constant 8 : i32
      %mul3A_2677 = arith.muli %scan3A_2635, %mul3A_2676 : i32
      %add3A_2678 = arith.constant 5 : i32
      %add3A_2679 = arith.addi %mul3A_2677, %add3A_2678 : i32
      %mul3A_2680 = arith.constant 16 : i32
      %mul3A_2681 = arith.muli %add3A_2679, %mul3A_2680 : i32
      %swap3A_2682 = arith.index_cast %mul3A_2681 : i32 to index
      %swap3A_2683 = tpu.vector_load %arg5[%swap3A_2682] {strides = array<i32>} : memref<16384xf32, #tpu.memory_space<vmem>>, vector<16xf32>,
      tpu.vector_store %arg5[%swap3A_2682], %broadcast_in_dim3A_5 {strides = array<i32>} : memref<16384xf32, #tpu.memory_space<vmem>>, vector<16xf32>,
      %mul3A_2684 = arith.constant 8 : i32
      %mul3A_2685 = arith.muli %scan3A_2635, %mul3A_2684 : i32
      %add3A_2686 = arith.constant 6 : i32
      %add3A_2687 = arith.addi %mul3A_2685, %add3A_2686 : i32
      %mul3A_2688 = arith.constant 16 : i32
      %mul3A_2689 = arith.muli %add3A_2687, %mul3A_2688 : i32
      %swap3A_2690 = arith.index_cast %mul3A_2689 : i32 to index
      %swap3A_2691 = tpu.vector_load %arg5[%swap3A_2690] {strides = array<i32>} : memref<16384xf32, #tpu.memory_space<vmem>>, vector<16xf32>,
      tpu.vector_store %arg5[%swap3A_2690], %broadcast_in_dim3A_5 {strides = array<i32>} : memref<16384xf32, #tpu.memory_space<vmem>>, vector<16xf32>,
      %mul3A_2692 = arith.constant 8 : i32
      %mul3A_2693 = arith.muli %scan3A_2635, %mul3A_2692 : i32
      %add3A_2694 = arith.constant 7 : i32
      %add3A_2695 = arith.addi %mul3A_2693, %add3A_2694 : i32
      %mul3A_2696 = arith.constant 16 : i32
      %mul3A_2697 = arith.muli %add3A_2695, %mul3A_2696 : i32
      %swap3A_2698 = arith.index_cast %mul3A_2697 : i32 to index
      %swap3A_2699 = tpu.vector_load %arg5[%swap3A_2698] {strides = array<i32>} : memref<16384xf32, #tpu.memory_space<vmem>>, vector<16xf32>,
      tpu.vector_store %arg5[%swap3A_2698], %broadcast_in_dim3A_5 {strides = array<i32>} : memref<16384xf32, #tpu.memory_space<vmem>>, vector<16xf32>,
      %scan3A_2700 = arith.constant 0 : i32
      scf.yield %scan3A_2700 : i32
    }
    %scan3A_13 = arith.constant 128 : i32
    %get3A = arith.constant 0 : index
    %get3A_14 = tpu.vector_load %arg4[%get3A] {strides = array<i32>} : memref<4096xi32, #tpu.memory_space<vmem>>, vector<16xi32>,
    %add3A_15 = arith.constant 0 : i32
    %add3A_16 = vector.broadcast %add3A_15 : i32 to vector<16xi32>
    %add3A_17 = arith.addi %get3A_14, %add3A_16 : vector<16xi32>
    tpu.vector_store_idx %arg5[%add3A_17], %broadcast_in_dim3A_7 : memref<16384xf32, #tpu.memory_space<vmem>>[vector<16xi32>], vector<16xf32>,
    %get3A_18 = arith.constant 16 : index
    %get3A_19 = tpu.vector_load %arg4[%get3A_18] {strides = array<i32>} : memref<4096xi32, #tpu.memory_space<vmem>>, vector<16xi32>,
    %add3A_20 = arith.constant 0 : i32
    %add3A_21 = vector.broadcast %add3A_20 : i32 to vector<16xi32>
    %add3A_22 = arith.addi %get3A_19, %add3A_21 : vector<16xi32>
    tpu.vector_store_idx %arg5[%add3A_22], %broadcast_in_dim3A_7 : memref<16384xf32, #tpu.memory_space<vmem>>[vector<16xi32>], vector<16xf32>,
    %get3A_23 = arith.constant 32 : index
    %get3A_24 = tpu.vector_load %arg4[%get3A_23] {strides = array<i32>} : memref<4096xi32, #tpu.memory_space<vmem>>, vector<16xi32>,
    %add3A_25 = arith.constant 0 : i32
    %add3A_26 = vector.broadcast %add3A_25 : i32 to vector<16xi32>
    %add3A_27 = arith.addi %get3A_24, %add3A_26 : vector<16xi32>
    tpu.vector_store_idx %arg5[%add3A_27], %broadcast_in_dim3A_7 : memref<16384xf32, #tpu.memory_space<vmem>>[vector<16xi32>], vector<16xf32>,
    %get3A_28 = arith.constant 48 : index
    %get3A_29 = tpu.vector_load %arg4[%get3A_28] {strides = array<i32>} : memref<4096xi32, #tpu.memory_space<vmem>>, vector<16xi32>,
    %add3A_30 = arith.constant 0 : i32
    %add3A_31 = vector.broadcast %add3A_30 : i32 to vector<16xi32>
    %add3A_32 = arith.addi %get3A_29, %add3A_31 : vector<16xi32>
    tpu.vector_store_idx %arg5[%add3A_32], %broadcast_in_dim3A_7 : memref<16384xf32, #tpu.memory_space<vmem>>[vector<16xi32>], vector<16xf32>,
    %get3A_33 = arith.constant 64 : index
    %get3A_34 = tpu.vector_load %arg4[%get3A_33] {strides = array<i32>} : memref<4096xi32, #tpu.memory_space<vmem>>, vector<16xi32>,
    %add3A_35 = arith.constant 2048 : i32
    %add3A_36 = vector.broadcast %add3A_35 : i32 to vector<16xi32>
    %add3A_37 = arith.addi %get3A_34, %add3A_36 : vector<16xi32>
    tpu.vector_store_idx %arg5[%add3A_37], %broadcast_in_dim3A_7 : memref<16384xf32, #tpu.memory_space<vmem>>[vector<16xi32>], vector<16xf32>,
    %get3A_38 = arith.constant 80 : index
    %get3A_39 = tpu.vector_load %arg4[%get3A_38] {strides = array<i32>} : memref<4096xi32, #tpu.memory_space<vmem>>, vector<16xi32>,
    %add3A_40 = arith.constant 2048 : i32
    %add3A_41 = vector.broadcast %add3A_40 : i32 to vector<16xi32>
    %add3A_42 = arith.addi %get3A_39, %add3A_41 : vector<16xi32>
    tpu.vector_store_idx %arg5[%add3A_42], %broadcast_in_dim3A_7 : memref<16384xf32, #tpu.memory_space<vmem>>[vector<16xi32>], vector<16xf32>,
    %get3A_43 = arith.constant 96 : index
    %get3A_44 = tpu.vector_load %arg4[%get3A_43] {strides = array<i32>} : memref<4096xi32, #tpu.memory_space<vmem>>, vector<16xi32>,
    %add3A_45 = arith.constant 2048 : i32
    %add3A_46 = vector.broadcast %add3A_45 : i32 to vector<16xi32>
    %add3A_47 = arith.addi %get3A_44, %add3A_46 : vector<16xi32>
    tpu.vector_store_idx %arg5[%add3A_47], %broadcast_in_dim3A_7 : memref<16384xf32, #tpu.memory_space<vmem>>[vector<16xi32>], vector<16xf32>,
    %get3A_48 = arith.constant 112 : index
    %get3A_49 = tpu.vector_load %arg4[%get3A_48] {strides = array<i32>} : memref<4096xi32, #tpu.memory_space<vmem>>, vector<16xi32>,
    %add3A_50 = arith.constant 2048 : i32
    %add3A_51 = vector.broadcast %add3A_50 : i32 to vector<16xi32>
    %add3A_52 = arith.addi %get3A_49, %add3A_51 : vector<16xi32>
    tpu.vector_store_idx %arg5[%add3A_52], %broadcast_in_dim3A_7 : memref<16384xf32, #tpu.memory_space<vmem>>[vector<16xi32>], vector<16xf32>,
    %get3A_53 = arith.constant 128 : index
    %get3A_54 = tpu.vector_load %arg4[%get3A_53] {strides = array<i32>} : memref<4096xi32, #tpu.memory_space<vmem>>, vector<16xi32>,
    %add3A_55 = arith.constant 4096 : i32
    %add3A_56 = vector.broadcast %add3A_55 : i32 to vector<16xi32>
    %add3A_57 = arith.addi %get3A_54, %add3A_56 : vector<16xi32>
    tpu.vector_store_idx %arg5[%add3A_57], %broadcast_in_dim3A_7 : memref<16384xf32, #tpu.memory_space<vmem>>[vector<16xi32>], vector<16xf32>,
    %get3A_58 = arith.constant 144 : index
    %get3A_59 = tpu.vector_load %arg4[%get3A_58] {strides = array<i32>} : memref<4096xi32, #tpu.memory_space<vmem>>, vector<16xi32>,
    %add3A_60 = arith.constant 4096 : i32
    %add3A_61 = vector.broadcast %add3A_60 : i32 to vector<16xi32>
    %add3A_62 = arith.addi %get3A_59, %add3A_61 : vector<16xi32>
    tpu.vector_store_idx %arg5[%add3A_62], %broadcast_in_dim3A_7 : memref<16384xf32, #tpu.memory_space<vmem>>[vector<16xi32>], vector<16xf32>,
    %get3A_63 = arith.constant 160 : index
    %get3A_64 = tpu.vector_load %arg4[%get3A_63] {strides = array<i32>} : memref<4096xi32, #tpu.memory_space<vmem>>, vector<16xi32>,
    %add3A_65 = arith.constant 4096 : i32
    %add3A_66 = vector.broadcast %add3A_65 : i32 to vector<16xi32>
    %add3A_67 = arith.addi %get3A_64, %add3A_66 : vector<16xi32>
    tpu.vector_store_idx %arg5[%add3A_67], %broadcast_in_dim3A_7 : memref<16384xf32, #tpu.memory_space<vmem>>[vector<16xi32>], vector<16xf32>,
    %get3A_68 = arith.constant 176 : index
    %get3A_69 = tpu.vector_load %arg4[%get3A_68] {strides = array<i32>} : memref<4096xi32, #tpu.memory_space<vmem>>, vector<16xi32>,
    %add3A_70 = arith.constant 4096 : i32
    %add3A_71 = vector.broadcast %add3A_70 : i32 to vector<16xi32>
    %add3A_72 = arith.addi %get3A_69, %add3A_71 : vector<16xi32>
    tpu.vector_store_idx %arg5[%add3A_72], %broadcast_in_dim3A_7 : memref<16384xf32, #tpu.memory_space<vmem>>[vector<16xi32>], vector<16xf32>,
    %get3A_73 = arith.constant 192 : index
    %get3A_74 = tpu.vector_load %arg4[%get3A_73] {strides = array<i32>} : memref<4096xi32, #tpu.memory_space<vmem>>, vector<16xi32>,
    %add3A_75 = arith.constant 6144 : i32
    %add3A_76 = vector.broadcast %add3A_75 : i32 to vector<16xi32>
    %add3A_77 = arith.addi %get3A_74, %add3A_76 : vector<16xi32>
    tpu.vector_store_idx %arg5[%add3A_77], %broadcast_in_dim3A_7 : memref<16384xf32, #tpu.memory_space<vmem>>[vector<16xi32>], vector<16xf32>,
    %get3A_78 = arith.constant 208 : index
    %get3A_79 = tpu.vector_load %arg4[%get3A_78] {strides = array<i32>} : memref<4096xi32, #tpu.memory_space<vmem>>, vector<16xi32>,
    %add3A_80 = arith.constant 6144 : i32
    %add3A_81 = vector.broadcast %add3A_80 : i32 to vector<16xi32>
    %add3A_82 = arith.addi %get3A_79, %add3A_81 : vector<16xi32>
    tpu.vector_store_idx %arg5[%add3A_82], %broadcast_in_dim3A_7 : memref<16384xf32, #tpu.memory_space<vmem>>[vector<16xi32>], vector<16xf32>,
    %get3A_83 = arith.constant 224 : index
    %get3A_84 = tpu.vector_load %arg4[%get3A_83] {strides = array<i32>} : memref<4096xi32, #tpu.memory_space<vmem>>, vector<16xi32>,
    %add3A_85 = arith.constant 6144 : i32
    %add3A_86 = vector.broadcast %add3A_85 : i32 to vector<16xi32>
    %add3A_87 = arith.addi %get3A_84, %add3A_86 : vector<16xi32>
    tpu.vector_store_idx %arg5[%add3A_87], %broadcast_in_dim3A_7 : memref<16384xf32, #tpu.memory_space<vmem>>[vector<16xi32>], vector<16xf32>,
    %get3A_88 = arith.constant 240 : index
    %get3A_89 = tpu.vector_load %arg4[%get3A_88] {strides = array<i32>} : memref<4096xi32, #tpu.memory_space<vmem>>, vector<16xi32>,
    %add3A_90 = arith.constant 6144 : i32
    %add3A_91 = vector.broadcast %add3A_90 : i32 to vector<16xi32>
    %add3A_92 = arith.addi %get3A_89, %add3A_91 : vector<16xi32>
    tpu.vector_store_idx %arg5[%add3A_92], %broadcast_in_dim3A_7 : memref<16384xf32, #tpu.memory_space<vmem>>[vector<16xi32>], vector<16xf32>,
    %get3A_93 = arith.constant 256 : index
    %get3A_94 = tpu.vector_load %arg4[%get3A_93] {strides = array<i32>} : memref<4096xi32, #tpu.memory_space<vmem>>, vector<16xi32>,
    %add3A_95 = arith.constant 8192 : i32
    %add3A_96 = vector.broadcast %add3A_95 : i32 to vector<16xi32>
    %add3A_97 = arith.addi %get3A_94, %add3A_96 : vector<16xi32>
    tpu.vector_store_idx %arg5[%add3A_97], %broadcast_in_dim3A_7 : memref<16384xf32, #tpu.memory_space<vmem>>[vector<16xi32>], vector<16xf32>,
    %get3A_98 = arith.constant 272 : index
    %get3A_99 = tpu.vector_load %arg4[%get3A_98] {strides = array<i32>} : memref<4096xi32, #tpu.memory_space<vmem>>, vector<16xi32>,
    %add3A_100 = arith.constant 8192 : i32
    %add3A_101 = vector.broadcast %add3A_100 : i32 to vector<16xi32>
    %add3A_102 = arith.addi %get3A_99, %add3A_101 : vector<16xi32>
    tpu.vector_store_idx %arg5[%add3A_102], %broadcast_in_dim3A_7 : memref<16384xf32, #tpu.memory_space<vmem>>[vector<16xi32>], vector<16xf32>,
    %get3A_103 = arith.constant 288 : index
    %get3A_104 = tpu.vector_load %arg4[%get3A_103] {strides = array<i32>} : memref<4096xi32, #tpu.memory_space<vmem>>, vector<16xi32>,
    %add3A_105 = arith.constant 8192 : i32
    %add3A_106 = vector.broadcast %add3A_105 : i32 to vector<16xi32>
    %add3A_107 = arith.addi %get3A_104, %add3A_106 : vector<16xi32>
    tpu.vector_store_idx %arg5[%add3A_107], %broadcast_in_dim3A_7 : memref<16384xf32, #tpu.memory_space<vmem>>[vector<16xi32>], vector<16xf32>,
    %get3A_108 = arith.constant 304 : index
    %get3A_109 = tpu.vector_load %arg4[%get3A_108] {strides = array<i32>} : memref<4096xi32, #tpu.memory_space<vmem>>, vector<16xi32>,
    %add3A_110 = arith.constant 8192 : i32
    %add3A_111 = vector.broadcast %add3A_110 : i32 to vector<16xi32>
    %add3A_112 = arith.addi %get3A_109, %add3A_111 : vector<16xi32>
    tpu.vector_store_idx %arg5[%add3A_112], %broadcast_in_dim3A_7 : memref<16384xf32, #tpu.memory_space<vmem>>[vector<16xi32>], vector<16xf32>,
    %get3A_113 = arith.constant 320 : index
    %get3A_114 = tpu.vector_load %arg4[%get3A_113] {strides = array<i32>} : memref<4096xi32, #tpu.memory_space<vmem>>, vector<16xi32>,
    %add3A_115 = arith.constant 10240 : i32
    %add3A_116 = vector.broadcast %add3A_115 : i32 to vector<16xi32>
    %add3A_117 = arith.addi %get3A_114, %add3A_116 : vector<16xi32>
    tpu.vector_store_idx %arg5[%add3A_117], %broadcast_in_dim3A_7 : memref<16384xf32, #tpu.memory_space<vmem>>[vector<16xi32>], vector<16xf32>,
    %get3A_118 = arith.constant 336 : index
    %get3A_119 = tpu.vector_load %arg4[%get3A_118] {strides = array<i32>} : memref<4096xi32, #tpu.memory_space<vmem>>, vector<16xi32>,
    %add3A_120 = arith.constant 10240 : i32
    %add3A_121 = vector.broadcast %add3A_120 : i32 to vector<16xi32>
    %add3A_122 = arith.addi %get3A_119, %add3A_121 : vector<16xi32>
    tpu.vector_store_idx %arg5[%add3A_122], %broadcast_in_dim3A_7 : memref<16384xf32, #tpu.memory_space<vmem>>[vector<16xi32>], vector<16xf32>,
    %get3A_123 = arith.constant 352 : index
    %get3A_124 = tpu.vector_load %arg4[%get3A_123] {strides = array<i32>} : memref<4096xi32, #tpu.memory_space<vmem>>, vector<16xi32>,
    %add3A_125 = arith.constant 10240 : i32
    %add3A_126 = vector.broadcast %add3A_125 : i32 to vector<16xi32>
    %add3A_127 = arith.addi %get3A_124, %add3A_126 : vector<16xi32>
    tpu.vector_store_idx %arg5[%add3A_127], %broadcast_in_dim3A_7 : memref<16384xf32, #tpu.memory_space<vmem>>[vector<16xi32>], vector<16xf32>,
    %get3A_128 = arith.constant 368 : index
    %get3A_129 = tpu.vector_load %arg4[%get3A_128] {strides = array<i32>} : memref<4096xi32, #tpu.memory_space<vmem>>, vector<16xi32>,
    %add3A_130 = arith.constant 10240 : i32
    %add3A_131 = vector.broadcast %add3A_130 : i32 to vector<16xi32>
    %add3A_132 = arith.addi %get3A_129, %add3A_131 : vector<16xi32>
    tpu.vector_store_idx %arg5[%add3A_132], %broadcast_in_dim3A_7 : memref<16384xf32, #tpu.memory_space<vmem>>[vector<16xi32>], vector<16xf32>,
    %get3A_133 = arith.constant 384 : index
    %get3A_134 = tpu.vector_load %arg4[%get3A_133] {strides = array<i32>} : memref<4096xi32, #tpu.memory_space<vmem>>, vector<16xi32>,
    %add3A_135 = arith.constant 12288 : i32
    %add3A_136 = vector.broadcast %add3A_135 : i32 to vector<16xi32>
    %add3A_137 = arith.addi %get3A_134, %add3A_136 : vector<16xi32>
    tpu.vector_store_idx %arg5[%add3A_137], %broadcast_in_dim3A_7 : memref<16384xf32, #tpu.memory_space<vmem>>[vector<16xi32>], vector<16xf32>,
    %get3A_138 = arith.constant 400 : index
    %get3A_139 = tpu.vector_load %arg4[%get3A_138] {strides = array<i32>} : memref<4096xi32, #tpu.memory_space<vmem>>, vector<16xi32>,
    %add3A_140 = arith.constant 12288 : i32
    %add3A_141 = vector.broadcast %add3A_140 : i32 to vector<16xi32>
    %add3A_142 = arith.addi %get3A_139, %add3A_141 : vector<16xi32>
    tpu.vector_store_idx %arg5[%add3A_142], %broadcast_in_dim3A_7 : memref<16384xf32, #tpu.memory_space<vmem>>[vector<16xi32>], vector<16xf32>,
    %get3A_143 = arith.constant 416 : index
    %get3A_144 = tpu.vector_load %arg4[%get3A_143] {strides = array<i32>} : memref<4096xi32, #tpu.memory_space<vmem>>, vector<16xi32>,
    %add3A_145 = arith.constant 12288 : i32
    %add3A_146 = vector.broadcast %add3A_145 : i32 to vector<16xi32>
    %add3A_147 = arith.addi %get3A_144, %add3A_146 : vector<16xi32>
    tpu.vector_store_idx %arg5[%add3A_147], %broadcast_in_dim3A_7 : memref<16384xf32, #tpu.memory_space<vmem>>[vector<16xi32>], vector<16xf32>,
    %get3A_148 = arith.constant 432 : index
    %get3A_149 = tpu.vector_load %arg4[%get3A_148] {strides = array<i32>} : memref<4096xi32, #tpu.memory_space<vmem>>, vector<16xi32>,
    %add3A_150 = arith.constant 12288 : i32
    %add3A_151 = vector.broadcast %add3A_150 : i32 to vector<16xi32>
    %add3A_152 = arith.addi %get3A_149, %add3A_151 : vector<16xi32>
    tpu.vector_store_idx %arg5[%add3A_152], %broadcast_in_dim3A_7 : memref<16384xf32, #tpu.memory_space<vmem>>[vector<16xi32>], vector<16xf32>,
    %get3A_153 = arith.constant 448 : index
    %get3A_154 = tpu.vector_load %arg4[%get3A_153] {strides = array<i32>} : memref<4096xi32, #tpu.memory_space<vmem>>, vector<16xi32>,
    %add3A_155 = arith.constant 14336 : i32
    %add3A_156 = vector.broadcast %add3A_155 : i32 to vector<16xi32>
    %add3A_157 = arith.addi %get3A_154, %add3A_156 : vector<16xi32>
    tpu.vector_store_idx %arg5[%add3A_157], %broadcast_in_dim3A_7 : memref<16384xf32, #tpu.memory_space<vmem>>[vector<16xi32>], vector<16xf32>,
    %get3A_158 = arith.constant 464 : index
    %get3A_159 = tpu.vector_load %arg4[%get3A_158] {strides = array<i32>} : memref<4096xi32, #tpu.memory_space<vmem>>, vector<16xi32>,
    %add3A_160 = arith.constant 14336 : i32
    %add3A_161 = vector.broadcast %add3A_160 : i32 to vector<16xi32>
    %add3A_162 = arith.addi %get3A_159, %add3A_161 : vector<16xi32>
    tpu.vector_store_idx %arg5[%add3A_162], %broadcast_in_dim3A_7 : memref<16384xf32, #tpu.memory_space<vmem>>[vector<16xi32>], vector<16xf32>,
    %get3A_163 = arith.constant 480 : index
    %get3A_164 = tpu.vector_load %arg4[%get3A_163] {strides = array<i32>} : memref<4096xi32, #tpu.memory_space<vmem>>, vector<16xi32>,
    %add3A_165 = arith.constant 14336 : i32
    %add3A_166 = vector.broadcast %add3A_165 : i32 to vector<16xi32>
    %add3A_167 = arith.addi %get3A_164, %add3A_166 : vector<16xi32>
    tpu.vector_store_idx %arg5[%add3A_167], %broadcast_in_dim3A_7 : memref<16384xf32, #tpu.memory_space<vmem>>[vector<16xi32>], vector<16xf32>,
    %get3A_168 = arith.constant 496 : index
    %get3A_169 = tpu.vector_load %arg4[%get3A_168] {strides = array<i32>} : memref<4096xi32, #tpu.memory_space<vmem>>, vector<16xi32>,
    %add3A_170 = arith.constant 14336 : i32
    %add3A_171 = vector.broadcast %add3A_170 : i32 to vector<16xi32>
    %add3A_172 = arith.addi %get3A_169, %add3A_171 : vector<16xi32>
    tpu.vector_store_idx %arg5[%add3A_172], %broadcast_in_dim3A_7 : memref<16384xf32, #tpu.memory_space<vmem>>[vector<16xi32>], vector<16xf32>,
    %add3A_173 = arith.constant 0 : i32
    %add3A_174 = arith.addi %mul3A_2, %add3A_173 : i32
    %mul3A_175 = arith.constant 2048 : i32
    %mul3A_176 = arith.muli %add3A_174, %mul3A_175 : i32
    %dma_start3A = tpu.memref_slice %arg3[%mul3A_176] : memref<4194304xf32, #tpu.memory_space<hbm>> -> memref<16384xf32, #tpu.memory_space<hbm>>
    %dma_start3A_177 = tpu.memref_slice %arg3[%mul3A_176] : memref<4194304xf32, #tpu.memory_space<hbm>> -> memref<16384xf32, #tpu.memory_space<hbm>>
    tpu.enqueue_dma source(%arg5 : memref<16384xf32, #tpu.memory_space<vmem>>) target(%dma_start3A_177 : memref<16384xf32, #tpu.memory_space<hbm>>) target_semaphore(%arg6 : memref<!tpu.dma_semaphore, #tpu.memory_space<semaphore_mem>>)
    %dma_wait3A = tpu.memref_slice %arg3[%mul3A_176] : memref<4194304xf32, #tpu.memory_space<hbm>> -> memref<16384xf32, #tpu.memory_space<hbm>>
    %dma_wait3A_178 = tpu.memref_slice %arg3[%mul3A_176] : memref<4194304xf32, #tpu.memory_space<hbm>> -> memref<16384xf32, #tpu.memory_space<hbm>>
    tpu.wait_dma2 semaphore(%arg6 : memref<!tpu.dma_semaphore, #tpu.memory_space<semaphore_mem>>) src(%arg5 : memref<16384xf32, #tpu.memory_space<vmem>>) dst(%dma_wait3A_178 : memref<16384xf32, #tpu.memory_space<hbm>>)
    %get3A_179 = arith.constant 0 : index
    %get3A_180 = tpu.vector_load %arg4[%get3A_179] {strides = array<i32>} : memref<4096xi32, #tpu.memory_space<vmem>>, vector<16xi32>,
    %add3A_181 = arith.constant 0 : i32
    %add3A_182 = vector.broadcast %add3A_181 : i32 to vector<16xi32>
    %add3A_183 = arith.addi %get3A_180, %add3A_182 : vector<16xi32>
    tpu.vector_store_idx %arg5[%add3A_183], %broadcast_in_dim3A_5 : memref<16384xf32, #tpu.memory_space<vmem>>[vector<16xi32>], vector<16xf32>,
    %get3A_184 = arith.constant 16 : index
    %get3A_185 = tpu.vector_load %arg4[%get3A_184] {strides = array<i32>} : memref<4096xi32, #tpu.memory_space<vmem>>, vector<16xi32>,
    %add3A_186 = arith.constant 0 : i32
    %add3A_187 = vector.broadcast %add3A_186 : i32 to vector<16xi32>
    %add3A_188 = arith.addi %get3A_185, %add3A_187 : vector<16xi32>
    tpu.vector_store_idx %arg5[%add3A_188], %broadcast_in_dim3A_5 : memref<16384xf32, #tpu.memory_space<vmem>>[vector<16xi32>], vector<16xf32>,
    %get3A_189 = arith.constant 32 : index
    %get3A_190 = tpu.vector_load %arg4[%get3A_189] {strides = array<i32>} : memref<4096xi32, #tpu.memory_space<vmem>>, vector<16xi32>,
    %add3A_191 = arith.constant 0 : i32
    %add3A_192 = vector.broadcast %add3A_191 : i32 to vector<16xi32>
    %add3A_193 = arith.addi %get3A_190, %add3A_192 : vector<16xi32>
    tpu.vector_store_idx %arg5[%add3A_193], %broadcast_in_dim3A_5 : memref<16384xf32, #tpu.memory_space<vmem>>[vector<16xi32>], vector<16xf32>,
    %get3A_194 = arith.constant 48 : index
    %get3A_195 = tpu.vector_load %arg4[%get3A_194] {strides = array<i32>} : memref<4096xi32, #tpu.memory_space<vmem>>, vector<16xi32>,
    %add3A_196 = arith.constant 0 : i32
    %add3A_197 = vector.broadcast %add3A_196 : i32 to vector<16xi32>
    %add3A_198 = arith.addi %get3A_195, %add3A_197 : vector<16xi32>
    tpu.vector_store_idx %arg5[%add3A_198], %broadcast_in_dim3A_5 : memref<16384xf32, #tpu.memory_space<vmem>>[vector<16xi32>], vector<16xf32>,
    %get3A_199 = arith.constant 64 : index
    %get3A_200 = tpu.vector_load %arg4[%get3A_199] {strides = array<i32>} : memref<4096xi32, #tpu.memory_space<vmem>>, vector<16xi32>,
    %add3A_201 = arith.constant 2048 : i32
    %add3A_202 = vector.broadcast %add3A_201 : i32 to vector<16xi32>
    %add3A_203 = arith.addi %get3A_200, %add3A_202 : vector<16xi32>
    tpu.vector_store_idx %arg5[%add3A_203], %broadcast_in_dim3A_5 : memref<16384xf32, #tpu.memory_space<vmem>>[vector<16xi32>], vector<16xf32>,
    %get3A_204 = arith.constant 80 : index
    %get3A_205 = tpu.vector_load %arg4[%get3A_204] {strides = array<i32>} : memref<4096xi32, #tpu.memory_space<vmem>>, vector<16xi32>,
    %add3A_206 = arith.constant 2048 : i32
    %add3A_207 = vector.broadcast %add3A_206 : i32 to vector<16xi32>
    %add3A_208 = arith.addi %get3A_205, %add3A_207 : vector<16xi32>
    tpu.vector_store_idx %arg5[%add3A_208], %broadcast_in_dim3A_5 : memref<16384xf32, #tpu.memory_space<vmem>>[vector<16xi32>], vector<16xf32>,
    %get3A_209 = arith.constant 96 : index
    %get3A_210 = tpu.vector_load %arg4[%get3A_209] {strides = array<i32>} : memref<4096xi32, #tpu.memory_space<vmem>>, vector<16xi32>,
    %add3A_211 = arith.constant 2048 : i32
    %add3A_212 = vector.broadcast %add3A_211 : i32 to vector<16xi32>
    %add3A_213 = arith.addi %get3A_210, %add3A_212 : vector<16xi32>
    tpu.vector_store_idx %arg5[%add3A_213], %broadcast_in_dim3A_5 : memref<16384xf32, #tpu.memory_space<vmem>>[vector<16xi32>], vector<16xf32>,
    %get3A_214 = arith.constant 112 : index
    %get3A_215 = tpu.vector_load %arg4[%get3A_214] {strides = array<i32>} : memref<4096xi32, #tpu.memory_space<vmem>>, vector<16xi32>,
    %add3A_216 = arith.constant 2048 : i32
    %add3A_217 = vector.broadcast %add3A_216 : i32 to vector<16xi32>
    %add3A_218 = arith.addi %get3A_215, %add3A_217 : vector<16xi32>
    tpu.vector_store_idx %arg5[%add3A_218], %broadcast_in_dim3A_5 : memref<16384xf32, #tpu.memory_space<vmem>>[vector<16xi32>], vector<16xf32>,
    %get3A_219 = arith.constant 128 : index
    %get3A_220 = tpu.vector_load %arg4[%get3A_219] {strides = array<i32>} : memref<4096xi32, #tpu.memory_space<vmem>>, vector<16xi32>,
    %add3A_221 = arith.constant 4096 : i32
    %add3A_222 = vector.broadcast %add3A_221 : i32 to vector<16xi32>
    %add3A_223 = arith.addi %get3A_220, %add3A_222 : vector<16xi32>
    tpu.vector_store_idx %arg5[%add3A_223], %broadcast_in_dim3A_5 : memref<16384xf32, #tpu.memory_space<vmem>>[vector<16xi32>], vector<16xf32>,
    %get3A_224 = arith.constant 144 : index
    %get3A_225 = tpu.vector_load %arg4[%get3A_224] {strides = array<i32>} : memref<4096xi32, #tpu.memory_space<vmem>>, vector<16xi32>,
    %add3A_226 = arith.constant 4096 : i32
    %add3A_227 = vector.broadcast %add3A_226 : i32 to vector<16xi32>
    %add3A_228 = arith.addi %get3A_225, %add3A_227 : vector<16xi32>
    tpu.vector_store_idx %arg5[%add3A_228], %broadcast_in_dim3A_5 : memref<16384xf32, #tpu.memory_space<vmem>>[vector<16xi32>], vector<16xf32>,
    %get3A_229 = arith.constant 160 : index
    %get3A_230 = tpu.vector_load %arg4[%get3A_229] {strides = array<i32>} : memref<4096xi32, #tpu.memory_space<vmem>>, vector<16xi32>,
    %add3A_231 = arith.constant 4096 : i32
    %add3A_232 = vector.broadcast %add3A_231 : i32 to vector<16xi32>
    %add3A_233 = arith.addi %get3A_230, %add3A_232 : vector<16xi32>
    tpu.vector_store_idx %arg5[%add3A_233], %broadcast_in_dim3A_5 : memref<16384xf32, #tpu.memory_space<vmem>>[vector<16xi32>], vector<16xf32>,
    %get3A_234 = arith.constant 176 : index
    %get3A_235 = tpu.vector_load %arg4[%get3A_234] {strides = array<i32>} : memref<4096xi32, #tpu.memory_space<vmem>>, vector<16xi32>,
    %add3A_236 = arith.constant 4096 : i32
    %add3A_237 = vector.broadcast %add3A_236 : i32 to vector<16xi32>
    %add3A_238 = arith.addi %get3A_235, %add3A_237 : vector<16xi32>
    tpu.vector_store_idx %arg5[%add3A_238], %broadcast_in_dim3A_5 : memref<16384xf32, #tpu.memory_space<vmem>>[vector<16xi32>], vector<16xf32>,
    %get3A_239 = arith.constant 192 : index
    %get3A_240 = tpu.vector_load %arg4[%get3A_239] {strides = array<i32>} : memref<4096xi32, #tpu.memory_space<vmem>>, vector<16xi32>,
    %add3A_241 = arith.constant 6144 : i32
    %add3A_242 = vector.broadcast %add3A_241 : i32 to vector<16xi32>
    %add3A_243 = arith.addi %get3A_240, %add3A_242 : vector<16xi32>
    tpu.vector_store_idx %arg5[%add3A_243], %broadcast_in_dim3A_5 : memref<16384xf32, #tpu.memory_space<vmem>>[vector<16xi32>], vector<16xf32>,
    %get3A_244 = arith.constant 208 : index
    %get3A_245 = tpu.vector_load %arg4[%get3A_244] {strides = array<i32>} : memref<4096xi32, #tpu.memory_space<vmem>>, vector<16xi32>,
    %add3A_246 = arith.constant 6144 : i32
    %add3A_247 = vector.broadcast %add3A_246 : i32 to vector<16xi32>
    %add3A_248 = arith.addi %get3A_245, %add3A_247 : vector<16xi32>
    tpu.vector_store_idx %arg5[%add3A_248], %broadcast_in_dim3A_5 : memref<16384xf32, #tpu.memory_space<vmem>>[vector<16xi32>], vector<16xf32>,
    %get3A_249 = arith.constant 224 : index
    %get3A_250 = tpu.vector_load %arg4[%get3A_249] {strides = array<i32>} : memref<4096xi32, #tpu.memory_space<vmem>>, vector<16xi32>,
    %add3A_251 = arith.constant 6144 : i32
    %add3A_252 = vector.broadcast %add3A_251 : i32 to vector<16xi32>
    %add3A_253 = arith.addi %get3A_250, %add3A_252 : vector<16xi32>
    tpu.vector_store_idx %arg5[%add3A_253], %broadcast_in_dim3A_5 : memref<16384xf32, #tpu.memory_space<vmem>>[vector<16xi32>], vector<16xf32>,
    %get3A_254 = arith.constant 240 : index
    %get3A_255 = tpu.vector_load %arg4[%get3A_254] {strides = array<i32>} : memref<4096xi32, #tpu.memory_space<vmem>>, vector<16xi32>,
    %add3A_256 = arith.constant 6144 : i32
    %add3A_257 = vector.broadcast %add3A_256 : i32 to vector<16xi32>
    %add3A_258 = arith.addi %get3A_255, %add3A_257 : vector<16xi32>
    tpu.vector_store_idx %arg5[%add3A_258], %broadcast_in_dim3A_5 : memref<16384xf32, #tpu.memory_space<vmem>>[vector<16xi32>], vector<16xf32>,
    %get3A_259 = arith.constant 256 : index
    %get3A_260 = tpu.vector_load %arg4[%get3A_259] {strides = array<i32>} : memref<4096xi32, #tpu.memory_space<vmem>>, vector<16xi32>,
    %add3A_261 = arith.constant 8192 : i32
    %add3A_262 = vector.broadcast %add3A_261 : i32 to vector<16xi32>
    %add3A_263 = arith.addi %get3A_260, %add3A_262 : vector<16xi32>
    tpu.vector_store_idx %arg5[%add3A_263], %broadcast_in_dim3A_5 : memref<16384xf32, #tpu.memory_space<vmem>>[vector<16xi32>], vector<16xf32>,
    %get3A_264 = arith.constant 272 : index
    %get3A_265 = tpu.vector_load %arg4[%get3A_264] {strides = array<i32>} : memref<4096xi32, #tpu.memory_space<vmem>>, vector<16xi32>,
    %add3A_266 = arith.constant 8192 : i32
    %add3A_267 = vector.broadcast %add3A_266 : i32 to vector<16xi32>
    %add3A_268 = arith.addi %get3A_265, %add3A_267 : vector<16xi32>
    tpu.vector_store_idx %arg5[%add3A_268], %broadcast_in_dim3A_5 : memref<16384xf32, #tpu.memory_space<vmem>>[vector<16xi32>], vector<16xf32>,
    %get3A_269 = arith.constant 288 : index
    %get3A_270 = tpu.vector_load %arg4[%get3A_269] {strides = array<i32>} : memref<4096xi32, #tpu.memory_space<vmem>>, vector<16xi32>,
    %add3A_271 = arith.constant 8192 : i32
    %add3A_272 = vector.broadcast %add3A_271 : i32 to vector<16xi32>
    %add3A_273 = arith.addi %get3A_270, %add3A_272 : vector<16xi32>
    tpu.vector_store_idx %arg5[%add3A_273], %broadcast_in_dim3A_5 : memref<16384xf32, #tpu.memory_space<vmem>>[vector<16xi32>], vector<16xf32>,
    %get3A_274 = arith.constant 304 : index
    %get3A_275 = tpu.vector_load %arg4[%get3A_274] {strides = array<i32>} : memref<4096xi32, #tpu.memory_space<vmem>>, vector<16xi32>,
    %add3A_276 = arith.constant 8192 : i32
    %add3A_277 = vector.broadcast %add3A_276 : i32 to vector<16xi32>
    %add3A_278 = arith.addi %get3A_275, %add3A_277 : vector<16xi32>
    tpu.vector_store_idx %arg5[%add3A_278], %broadcast_in_dim3A_5 : memref<16384xf32, #tpu.memory_space<vmem>>[vector<16xi32>], vector<16xf32>,
    %get3A_279 = arith.constant 320 : index
    %get3A_280 = tpu.vector_load %arg4[%get3A_279] {strides = array<i32>} : memref<4096xi32, #tpu.memory_space<vmem>>, vector<16xi32>,
    %add3A_281 = arith.constant 10240 : i32
    %add3A_282 = vector.broadcast %add3A_281 : i32 to vector<16xi32>
    %add3A_283 = arith.addi %get3A_280, %add3A_282 : vector<16xi32>
    tpu.vector_store_idx %arg5[%add3A_283], %broadcast_in_dim3A_5 : memref<16384xf32, #tpu.memory_space<vmem>>[vector<16xi32>], vector<16xf32>,
    %get3A_284 = arith.constant 336 : index
    %get3A_285 = tpu.vector_load %arg4[%get3A_284] {strides = array<i32>} : memref<4096xi32, #tpu.memory_space<vmem>>, vector<16xi32>,
    %add3A_286 = arith.constant 10240 : i32
    %add3A_287 = vector.broadcast %add3A_286 : i32 to vector<16xi32>
    %add3A_288 = arith.addi %get3A_285, %add3A_287 : vector<16xi32>
    tpu.vector_store_idx %arg5[%add3A_288], %broadcast_in_dim3A_5 : memref<16384xf32, #tpu.memory_space<vmem>>[vector<16xi32>], vector<16xf32>,
    %get3A_289 = arith.constant 352 : index
    %get3A_290 = tpu.vector_load %arg4[%get3A_289] {strides = array<i32>} : memref<4096xi32, #tpu.memory_space<vmem>>, vector<16xi32>,
    %add3A_291 = arith.constant 10240 : i32
    %add3A_292 = vector.broadcast %add3A_291 : i32 to vector<16xi32>
    %add3A_293 = arith.addi %get3A_290, %add3A_292 : vector<16xi32>
    tpu.vector_store_idx %arg5[%add3A_293], %broadcast_in_dim3A_5 : memref<16384xf32, #tpu.memory_space<vmem>>[vector<16xi32>], vector<16xf32>,
    %get3A_294 = arith.constant 368 : index
    %get3A_295 = tpu.vector_load %arg4[%get3A_294] {strides = array<i32>} : memref<4096xi32, #tpu.memory_space<vmem>>, vector<16xi32>,
    %add3A_296 = arith.constant 10240 : i32
    %add3A_297 = vector.broadcast %add3A_296 : i32 to vector<16xi32>
    %add3A_298 = arith.addi %get3A_295, %add3A_297 : vector<16xi32>
    tpu.vector_store_idx %arg5[%add3A_298], %broadcast_in_dim3A_5 : memref<16384xf32, #tpu.memory_space<vmem>>[vector<16xi32>], vector<16xf32>,
    %get3A_299 = arith.constant 384 : index
    %get3A_300 = tpu.vector_load %arg4[%get3A_299] {strides = array<i32>} : memref<4096xi32, #tpu.memory_space<vmem>>, vector<16xi32>,
    %add3A_301 = arith.constant 12288 : i32
    %add3A_302 = vector.broadcast %add3A_301 : i32 to vector<16xi32>
    %add3A_303 = arith.addi %get3A_300, %add3A_302 : vector<16xi32>
    tpu.vector_store_idx %arg5[%add3A_303], %broadcast_in_dim3A_5 : memref<16384xf32, #tpu.memory_space<vmem>>[vector<16xi32>], vector<16xf32>,
    %get3A_304 = arith.constant 400 : index
    %get3A_305 = tpu.vector_load %arg4[%get3A_304] {strides = array<i32>} : memref<4096xi32, #tpu.memory_space<vmem>>, vector<16xi32>,
    %add3A_306 = arith.constant 12288 : i32
    %add3A_307 = vector.broadcast %add3A_306 : i32 to vector<16xi32>
    %add3A_308 = arith.addi %get3A_305, %add3A_307 : vector<16xi32>
    tpu.vector_store_idx %arg5[%add3A_308], %broadcast_in_dim3A_5 : memref<16384xf32, #tpu.memory_space<vmem>>[vector<16xi32>], vector<16xf32>,
    %get3A_309 = arith.constant 416 : index
    %get3A_310 = tpu.vector_load %arg4[%get3A_309] {strides = array<i32>} : memref<4096xi32, #tpu.memory_space<vmem>>, vector<16xi32>,
    %add3A_311 = arith.constant 12288 : i32
    %add3A_312 = vector.broadcast %add3A_311 : i32 to vector<16xi32>
    %add3A_313 = arith.addi %get3A_310, %add3A_312 : vector<16xi32>
    tpu.vector_store_idx %arg5[%add3A_313], %broadcast_in_dim3A_5 : memref<16384xf32, #tpu.memory_space<vmem>>[vector<16xi32>], vector<16xf32>,
    %get3A_314 = arith.constant 432 : index
    %get3A_315 = tpu.vector_load %arg4[%get3A_314] {strides = array<i32>} : memref<4096xi32, #tpu.memory_space<vmem>>, vector<16xi32>,
    %add3A_316 = arith.constant 12288 : i32
    %add3A_317 = vector.broadcast %add3A_316 : i32 to vector<16xi32>
    %add3A_318 = arith.addi %get3A_315, %add3A_317 : vector<16xi32>
    tpu.vector_store_idx %arg5[%add3A_318], %broadcast_in_dim3A_5 : memref<16384xf32, #tpu.memory_space<vmem>>[vector<16xi32>], vector<16xf32>,
    %get3A_319 = arith.constant 448 : index
    %get3A_320 = tpu.vector_load %arg4[%get3A_319] {strides = array<i32>} : memref<4096xi32, #tpu.memory_space<vmem>>, vector<16xi32>,
    %add3A_321 = arith.constant 14336 : i32
    %add3A_322 = vector.broadcast %add3A_321 : i32 to vector<16xi32>
    %add3A_323 = arith.addi %get3A_320, %add3A_322 : vector<16xi32>
    tpu.vector_store_idx %arg5[%add3A_323], %broadcast_in_dim3A_5 : memref<16384xf32, #tpu.memory_space<vmem>>[vector<16xi32>], vector<16xf32>,
    %get3A_324 = arith.constant 464 : index
    %get3A_325 = tpu.vector_load %arg4[%get3A_324] {strides = array<i32>} : memref<4096xi32, #tpu.memory_space<vmem>>, vector<16xi32>,
    %add3A_326 = arith.constant 14336 : i32
    %add3A_327 = vector.broadcast %add3A_326 : i32 to vector<16xi32>
    %add3A_328 = arith.addi %get3A_325, %add3A_327 : vector<16xi32>
    tpu.vector_store_idx %arg5[%add3A_328], %broadcast_in_dim3A_5 : memref<16384xf32, #tpu.memory_space<vmem>>[vector<16xi32>], vector<16xf32>,
    %get3A_329 = arith.constant 480 : index
    %get3A_330 = tpu.vector_load %arg4[%get3A_329] {strides = array<i32>} : memref<4096xi32, #tpu.memory_space<vmem>>, vector<16xi32>,
    %add3A_331 = arith.constant 14336 : i32
    %add3A_332 = vector.broadcast %add3A_331 : i32 to vector<16xi32>
    %add3A_333 = arith.addi %get3A_330, %add3A_332 : vector<16xi32>
    tpu.vector_store_idx %arg5[%add3A_333], %broadcast_in_dim3A_5 : memref<16384xf32, #tpu.memory_space<vmem>>[vector<16xi32>], vector<16xf32>,
    %get3A_334 = arith.constant 496 : index
    %get3A_335 = tpu.vector_load %arg4[%get3A_334] {strides = array<i32>} : memref<4096xi32, #tpu.memory_space<vmem>>, vector<16xi32>,
    %add3A_336 = arith.constant 14336 : i32
    %add3A_337 = vector.broadcast %add3A_336 : i32 to vector<16xi32>
    %add3A_338 = arith.addi %get3A_335, %add3A_337 : vector<16xi32>
    tpu.vector_store_idx %arg5[%add3A_338], %broadcast_in_dim3A_5 : memref<16384xf32, #tpu.memory_space<vmem>>[vector<16xi32>], vector<16xf32>,
    %get3A_339 = arith.constant 512 : index
    %get3A_340 = tpu.vector_load %arg4[%get3A_339] {strides = array<i32>} : memref<4096xi32, #tpu.memory_space<vmem>>, vector<16xi32>,
    %add3A_341 = arith.constant 0 : i32
    %add3A_342 = vector.broadcast %add3A_341 : i32 to vector<16xi32>
    %add3A_343 = arith.addi %get3A_340, %add3A_342 : vector<16xi32>
    tpu.vector_store_idx %arg5[%add3A_343], %broadcast_in_dim3A_7 : memref<16384xf32, #tpu.memory_space<vmem>>[vector<16xi32>], vector<16xf32>,
    %get3A_344 = arith.constant 528 : index
    %get3A_345 = tpu.vector_load %arg4[%get3A_344] {strides = array<i32>} : memref<4096xi32, #tpu.memory_space<vmem>>, vector<16xi32>,
    %add3A_346 = arith.constant 0 : i32
    %add3A_347 = vector.broadcast %add3A_346 : i32 to vector<16xi32>
    %add3A_348 = arith.addi %get3A_345, %add3A_347 : vector<16xi32>
    tpu.vector_store_idx %arg5[%add3A_348], %broadcast_in_dim3A_7 : memref<16384xf32, #tpu.memory_space<vmem>>[vector<16xi32>], vector<16xf32>,
    %get3A_349 = arith.constant 544 : index
    %get3A_350 = tpu.vector_load %arg4[%get3A_349] {strides = array<i32>} : memref<4096xi32, #tpu.memory_space<vmem>>, vector<16xi32>,
    %add3A_351 = arith.constant 0 : i32
    %add3A_352 = vector.broadcast %add3A_351 : i32 to vector<16xi32>
    %add3A_353 = arith.addi %get3A_350, %add3A_352 : vector<16xi32>
    tpu.vector_store_idx %arg5[%add3A_353], %broadcast_in_dim3A_7 : memref<16384xf32, #tpu.memory_space<vmem>>[vector<16xi32>], vector<16xf32>,
    %get3A_354 = arith.constant 560 : index
    %get3A_355 = tpu.vector_load %arg4[%get3A_354] {strides = array<i32>} : memref<4096xi32, #tpu.memory_space<vmem>>, vector<16xi32>,
    %add3A_356 = arith.constant 0 : i32
    %add3A_357 = vector.broadcast %add3A_356 : i32 to vector<16xi32>
    %add3A_358 = arith.addi %get3A_355, %add3A_357 : vector<16xi32>
    tpu.vector_store_idx %arg5[%add3A_358], %broadcast_in_dim3A_7 : memref<16384xf32, #tpu.memory_space<vmem>>[vector<16xi32>], vector<16xf32>,
    %get3A_359 = arith.constant 576 : index
    %get3A_360 = tpu.vector_load %arg4[%get3A_359] {strides = array<i32>} : memref<4096xi32, #tpu.memory_space<vmem>>, vector<16xi32>,
    %add3A_361 = arith.constant 2048 : i32
    %add3A_362 = vector.broadcast %add3A_361 : i32 to vector<16xi32>
    %add3A_363 = arith.addi %get3A_360, %add3A_362 : vector<16xi32>
    tpu.vector_store_idx %arg5[%add3A_363], %broadcast_in_dim3A_7 : memref<16384xf32, #tpu.memory_space<vmem>>[vector<16xi32>], vector<16xf32>,
    %get3A_364 = arith.constant 592 : index
    %get3A_365 = tpu.vector_load %arg4[%get3A_364] {strides = array<i32>} : memref<4096xi32, #tpu.memory_space<vmem>>, vector<16xi32>,
    %add3A_366 = arith.constant 2048 : i32
    %add3A_367 = vector.broadcast %add3A_366 : i32 to vector<16xi32>
    %add3A_368 = arith.addi %get3A_365, %add3A_367 : vector<16xi32>
    tpu.vector_store_idx %arg5[%add3A_368], %broadcast_in_dim3A_7 : memref<16384xf32, #tpu.memory_space<vmem>>[vector<16xi32>], vector<16xf32>,
    %get3A_369 = arith.constant 608 : index
    %get3A_370 = tpu.vector_load %arg4[%get3A_369] {strides = array<i32>} : memref<4096xi32, #tpu.memory_space<vmem>>, vector<16xi32>,
    %add3A_371 = arith.constant 2048 : i32
    %add3A_372 = vector.broadcast %add3A_371 : i32 to vector<16xi32>
    %add3A_373 = arith.addi %get3A_370, %add3A_372 : vector<16xi32>
    tpu.vector_store_idx %arg5[%add3A_373], %broadcast_in_dim3A_7 : memref<16384xf32, #tpu.memory_space<vmem>>[vector<16xi32>], vector<16xf32>,
    %get3A_374 = arith.constant 624 : index
    %get3A_375 = tpu.vector_load %arg4[%get3A_374] {strides = array<i32>} : memref<4096xi32, #tpu.memory_space<vmem>>, vector<16xi32>,
    %add3A_376 = arith.constant 2048 : i32
    %add3A_377 = vector.broadcast %add3A_376 : i32 to vector<16xi32>
    %add3A_378 = arith.addi %get3A_375, %add3A_377 : vector<16xi32>
    tpu.vector_store_idx %arg5[%add3A_378], %broadcast_in_dim3A_7 : memref<16384xf32, #tpu.memory_space<vmem>>[vector<16xi32>], vector<16xf32>,
    %get3A_379 = arith.constant 640 : index
    %get3A_380 = tpu.vector_load %arg4[%get3A_379] {strides = array<i32>} : memref<4096xi32, #tpu.memory_space<vmem>>, vector<16xi32>,
    %add3A_381 = arith.constant 4096 : i32
    %add3A_382 = vector.broadcast %add3A_381 : i32 to vector<16xi32>
    %add3A_383 = arith.addi %get3A_380, %add3A_382 : vector<16xi32>
    tpu.vector_store_idx %arg5[%add3A_383], %broadcast_in_dim3A_7 : memref<16384xf32, #tpu.memory_space<vmem>>[vector<16xi32>], vector<16xf32>,
    %get3A_384 = arith.constant 656 : index
    %get3A_385 = tpu.vector_load %arg4[%get3A_384] {strides = array<i32>} : memref<4096xi32, #tpu.memory_space<vmem>>, vector<16xi32>,
    %add3A_386 = arith.constant 4096 : i32
    %add3A_387 = vector.broadcast %add3A_386 : i32 to vector<16xi32>
    %add3A_388 = arith.addi %get3A_385, %add3A_387 : vector<16xi32>
    tpu.vector_store_idx %arg5[%add3A_388], %broadcast_in_dim3A_7 : memref<16384xf32, #tpu.memory_space<vmem>>[vector<16xi32>], vector<16xf32>,
    %get3A_389 = arith.constant 672 : index
    %get3A_390 = tpu.vector_load %arg4[%get3A_389] {strides = array<i32>} : memref<4096xi32, #tpu.memory_space<vmem>>, vector<16xi32>,
    %add3A_391 = arith.constant 4096 : i32
    %add3A_392 = vector.broadcast %add3A_391 : i32 to vector<16xi32>
    %add3A_393 = arith.addi %get3A_390, %add3A_392 : vector<16xi32>
    tpu.vector_store_idx %arg5[%add3A_393], %broadcast_in_dim3A_7 : memref<16384xf32, #tpu.memory_space<vmem>>[vector<16xi32>], vector<16xf32>,
    %get3A_394 = arith.constant 688 : index
    %get3A_395 = tpu.vector_load %arg4[%get3A_394] {strides = array<i32>} : memref<4096xi32, #tpu.memory_space<vmem>>, vector<16xi32>,
    %add3A_396 = arith.constant 4096 : i32
    %add3A_397 = vector.broadcast %add3A_396 : i32 to vector<16xi32>
    %add3A_398 = arith.addi %get3A_395, %add3A_397 : vector<16xi32>
    tpu.vector_store_idx %arg5[%add3A_398], %broadcast_in_dim3A_7 : memref<16384xf32, #tpu.memory_space<vmem>>[vector<16xi32>], vector<16xf32>,
    %get3A_399 = arith.constant 704 : index
    %get3A_400 = tpu.vector_load %arg4[%get3A_399] {strides = array<i32>} : memref<4096xi32, #tpu.memory_space<vmem>>, vector<16xi32>,
    %add3A_401 = arith.constant 6144 : i32
    %add3A_402 = vector.broadcast %add3A_401 : i32 to vector<16xi32>
    %add3A_403 = arith.addi %get3A_400, %add3A_402 : vector<16xi32>
    tpu.vector_store_idx %arg5[%add3A_403], %broadcast_in_dim3A_7 : memref<16384xf32, #tpu.memory_space<vmem>>[vector<16xi32>], vector<16xf32>,
    %get3A_404 = arith.constant 720 : index
    %get3A_405 = tpu.vector_load %arg4[%get3A_404] {strides = array<i32>} : memref<4096xi32, #tpu.memory_space<vmem>>, vector<16xi32>,
    %add3A_406 = arith.constant 6144 : i32
    %add3A_407 = vector.broadcast %add3A_406 : i32 to vector<16xi32>
    %add3A_408 = arith.addi %get3A_405, %add3A_407 : vector<16xi32>
    tpu.vector_store_idx %arg5[%add3A_408], %broadcast_in_dim3A_7 : memref<16384xf32, #tpu.memory_space<vmem>>[vector<16xi32>], vector<16xf32>,
    %get3A_409 = arith.constant 736 : index
    %get3A_410 = tpu.vector_load %arg4[%get3A_409] {strides = array<i32>} : memref<4096xi32, #tpu.memory_space<vmem>>, vector<16xi32>,
    %add3A_411 = arith.constant 6144 : i32
    %add3A_412 = vector.broadcast %add3A_411 : i32 to vector<16xi32>
    %add3A_413 = arith.addi %get3A_410, %add3A_412 : vector<16xi32>
    tpu.vector_store_idx %arg5[%add3A_413], %broadcast_in_dim3A_7 : memref<16384xf32, #tpu.memory_space<vmem>>[vector<16xi32>], vector<16xf32>,
    %get3A_414 = arith.constant 752 : index
    %get3A_415 = tpu.vector_load %arg4[%get3A_414] {strides = array<i32>} : memref<4096xi32, #tpu.memory_space<vmem>>, vector<16xi32>,
    %add3A_416 = arith.constant 6144 : i32
    %add3A_417 = vector.broadcast %add3A_416 : i32 to vector<16xi32>
    %add3A_418 = arith.addi %get3A_415, %add3A_417 : vector<16xi32>
    tpu.vector_store_idx %arg5[%add3A_418], %broadcast_in_dim3A_7 : memref<16384xf32, #tpu.memory_space<vmem>>[vector<16xi32>], vector<16xf32>,
    %get3A_419 = arith.constant 768 : index
    %get3A_420 = tpu.vector_load %arg4[%get3A_419] {strides = array<i32>} : memref<4096xi32, #tpu.memory_space<vmem>>, vector<16xi32>,
    %add3A_421 = arith.constant 8192 : i32
    %add3A_422 = vector.broadcast %add3A_421 : i32 to vector<16xi32>
    %add3A_423 = arith.addi %get3A_420, %add3A_422 : vector<16xi32>
    tpu.vector_store_idx %arg5[%add3A_423], %broadcast_in_dim3A_7 : memref<16384xf32, #tpu.memory_space<vmem>>[vector<16xi32>], vector<16xf32>,
    %get3A_424 = arith.constant 784 : index
    %get3A_425 = tpu.vector_load %arg4[%get3A_424] {strides = array<i32>} : memref<4096xi32, #tpu.memory_space<vmem>>, vector<16xi32>,
    %add3A_426 = arith.constant 8192 : i32
    %add3A_427 = vector.broadcast %add3A_426 : i32 to vector<16xi32>
    %add3A_428 = arith.addi %get3A_425, %add3A_427 : vector<16xi32>
    tpu.vector_store_idx %arg5[%add3A_428], %broadcast_in_dim3A_7 : memref<16384xf32, #tpu.memory_space<vmem>>[vector<16xi32>], vector<16xf32>,
    %get3A_429 = arith.constant 800 : index
    %get3A_430 = tpu.vector_load %arg4[%get3A_429] {strides = array<i32>} : memref<4096xi32, #tpu.memory_space<vmem>>, vector<16xi32>,
    %add3A_431 = arith.constant 8192 : i32
    %add3A_432 = vector.broadcast %add3A_431 : i32 to vector<16xi32>
    %add3A_433 = arith.addi %get3A_430, %add3A_432 : vector<16xi32>
    tpu.vector_store_idx %arg5[%add3A_433], %broadcast_in_dim3A_7 : memref<16384xf32, #tpu.memory_space<vmem>>[vector<16xi32>], vector<16xf32>,
    %get3A_434 = arith.constant 816 : index
    %get3A_435 = tpu.vector_load %arg4[%get3A_434] {strides = array<i32>} : memref<4096xi32, #tpu.memory_space<vmem>>, vector<16xi32>,
    %add3A_436 = arith.constant 8192 : i32
    %add3A_437 = vector.broadcast %add3A_436 : i32 to vector<16xi32>
    %add3A_438 = arith.addi %get3A_435, %add3A_437 : vector<16xi32>
    tpu.vector_store_idx %arg5[%add3A_438], %broadcast_in_dim3A_7 : memref<16384xf32, #tpu.memory_space<vmem>>[vector<16xi32>], vector<16xf32>,
    %get3A_439 = arith.constant 832 : index
    %get3A_440 = tpu.vector_load %arg4[%get3A_439] {strides = array<i32>} : memref<4096xi32, #tpu.memory_space<vmem>>, vector<16xi32>,
    %add3A_441 = arith.constant 10240 : i32
    %add3A_442 = vector.broadcast %add3A_441 : i32 to vector<16xi32>
    %add3A_443 = arith.addi %get3A_440, %add3A_442 : vector<16xi32>
    tpu.vector_store_idx %arg5[%add3A_443], %broadcast_in_dim3A_7 : memref<16384xf32, #tpu.memory_space<vmem>>[vector<16xi32>], vector<16xf32>,
    %get3A_444 = arith.constant 848 : index
    %get3A_445 = tpu.vector_load %arg4[%get3A_444] {strides = array<i32>} : memref<4096xi32, #tpu.memory_space<vmem>>, vector<16xi32>,
    %add3A_446 = arith.constant 10240 : i32
    %add3A_447 = vector.broadcast %add3A_446 : i32 to vector<16xi32>
    %add3A_448 = arith.addi %get3A_445, %add3A_447 : vector<16xi32>
    tpu.vector_store_idx %arg5[%add3A_448], %broadcast_in_dim3A_7 : memref<16384xf32, #tpu.memory_space<vmem>>[vector<16xi32>], vector<16xf32>,
    %get3A_449 = arith.constant 864 : index
    %get3A_450 = tpu.vector_load %arg4[%get3A_449] {strides = array<i32>} : memref<4096xi32, #tpu.memory_space<vmem>>, vector<16xi32>,
    %add3A_451 = arith.constant 10240 : i32
    %add3A_452 = vector.broadcast %add3A_451 : i32 to vector<16xi32>
    %add3A_453 = arith.addi %get3A_450, %add3A_452 : vector<16xi32>
    tpu.vector_store_idx %arg5[%add3A_453], %broadcast_in_dim3A_7 : memref<16384xf32, #tpu.memory_space<vmem>>[vector<16xi32>], vector<16xf32>,
    %get3A_454 = arith.constant 880 : index
    %get3A_455 = tpu.vector_load %arg4[%get3A_454] {strides = array<i32>} : memref<4096xi32, #tpu.memory_space<vmem>>, vector<16xi32>,
    %add3A_456 = arith.constant 10240 : i32
    %add3A_457 = vector.broadcast %add3A_456 : i32 to vector<16xi32>
    %add3A_458 = arith.addi %get3A_455, %add3A_457 : vector<16xi32>
    tpu.vector_store_idx %arg5[%add3A_458], %broadcast_in_dim3A_7 : memref<16384xf32, #tpu.memory_space<vmem>>[vector<16xi32>], vector<16xf32>,
    %get3A_459 = arith.constant 896 : index
    %get3A_460 = tpu.vector_load %arg4[%get3A_459] {strides = array<i32>} : memref<4096xi32, #tpu.memory_space<vmem>>, vector<16xi32>,
    %add3A_461 = arith.constant 12288 : i32
    %add3A_462 = vector.broadcast %add3A_461 : i32 to vector<16xi32>
    %add3A_463 = arith.addi %get3A_460, %add3A_462 : vector<16xi32>
    tpu.vector_store_idx %arg5[%add3A_463], %broadcast_in_dim3A_7 : memref<16384xf32, #tpu.memory_space<vmem>>[vector<16xi32>], vector<16xf32>,
    %get3A_464 = arith.constant 912 : index
    %get3A_465 = tpu.vector_load %arg4[%get3A_464] {strides = array<i32>} : memref<4096xi32, #tpu.memory_space<vmem>>, vector<16xi32>,
    %add3A_466 = arith.constant 12288 : i32
    %add3A_467 = vector.broadcast %add3A_466 : i32 to vector<16xi32>
    %add3A_468 = arith.addi %get3A_465, %add3A_467 : vector<16xi32>
    tpu.vector_store_idx %arg5[%add3A_468], %broadcast_in_dim3A_7 : memref<16384xf32, #tpu.memory_space<vmem>>[vector<16xi32>], vector<16xf32>,
    %get3A_469 = arith.constant 928 : index
    %get3A_470 = tpu.vector_load %arg4[%get3A_469] {strides = array<i32>} : memref<4096xi32, #tpu.memory_space<vmem>>, vector<16xi32>,
    %add3A_471 = arith.constant 12288 : i32
    %add3A_472 = vector.broadcast %add3A_471 : i32 to vector<16xi32>
    %add3A_473 = arith.addi %get3A_470, %add3A_472 : vector<16xi32>
    tpu.vector_store_idx %arg5[%add3A_473], %broadcast_in_dim3A_7 : memref<16384xf32, #tpu.memory_space<vmem>>[vector<16xi32>], vector<16xf32>,
    %get3A_474 = arith.constant 944 : index
    %get3A_475 = tpu.vector_load %arg4[%get3A_474] {strides = array<i32>} : memref<4096xi32, #tpu.memory_space<vmem>>, vector<16xi32>,
    %add3A_476 = arith.constant 12288 : i32
    %add3A_477 = vector.broadcast %add3A_476 : i32 to vector<16xi32>
    %add3A_478 = arith.addi %get3A_475, %add3A_477 : vector<16xi32>
    tpu.vector_store_idx %arg5[%add3A_478], %broadcast_in_dim3A_7 : memref<16384xf32, #tpu.memory_space<vmem>>[vector<16xi32>], vector<16xf32>,
    %get3A_479 = arith.constant 960 : index
    %get3A_480 = tpu.vector_load %arg4[%get3A_479] {strides = array<i32>} : memref<4096xi32, #tpu.memory_space<vmem>>, vector<16xi32>,
    %add3A_481 = arith.constant 14336 : i32
    %add3A_482 = vector.broadcast %add3A_481 : i32 to vector<16xi32>
    %add3A_483 = arith.addi %get3A_480, %add3A_482 : vector<16xi32>
    tpu.vector_store_idx %arg5[%add3A_483], %broadcast_in_dim3A_7 : memref<16384xf32, #tpu.memory_space<vmem>>[vector<16xi32>], vector<16xf32>,
    %get3A_484 = arith.constant 976 : index
    %get3A_485 = tpu.vector_load %arg4[%get3A_484] {strides = array<i32>} : memref<4096xi32, #tpu.memory_space<vmem>>, vector<16xi32>,
    %add3A_486 = arith.constant 14336 : i32
    %add3A_487 = vector.broadcast %add3A_486 : i32 to vector<16xi32>
    %add3A_488 = arith.addi %get3A_485, %add3A_487 : vector<16xi32>
    tpu.vector_store_idx %arg5[%add3A_488], %broadcast_in_dim3A_7 : memref<16384xf32, #tpu.memory_space<vmem>>[vector<16xi32>], vector<16xf32>,
    %get3A_489 = arith.constant 992 : index
    %get3A_490 = tpu.vector_load %arg4[%get3A_489] {strides = array<i32>} : memref<4096xi32, #tpu.memory_space<vmem>>, vector<16xi32>,
    %add3A_491 = arith.constant 14336 : i32
    %add3A_492 = vector.broadcast %add3A_491 : i32 to vector<16xi32>
    %add3A_493 = arith.addi %get3A_490, %add3A_492 : vector<16xi32>
    tpu.vector_store_idx %arg5[%add3A_493], %broadcast_in_dim3A_7 : memref<16384xf32, #tpu.memory_space<vmem>>[vector<16xi32>], vector<16xf32>,
    %get3A_494 = arith.constant 1008 : index
    %get3A_495 = tpu.vector_load %arg4[%get3A_494] {strides = array<i32>} : memref<4096xi32, #tpu.memory_space<vmem>>, vector<16xi32>,
    %add3A_496 = arith.constant 14336 : i32
    %add3A_497 = vector.broadcast %add3A_496 : i32 to vector<16xi32>
    %add3A_498 = arith.addi %get3A_495, %add3A_497 : vector<16xi32>
    tpu.vector_store_idx %arg5[%add3A_498], %broadcast_in_dim3A_7 : memref<16384xf32, #tpu.memory_space<vmem>>[vector<16xi32>], vector<16xf32>,
    %add3A_499 = arith.constant 8 : i32
    %add3A_500 = arith.addi %mul3A_2, %add3A_499 : i32
    %mul3A_501 = arith.constant 2048 : i32
    %mul3A_502 = arith.muli %add3A_500, %mul3A_501 : i32
    %dma_start3A_503 = tpu.memref_slice %arg3[%mul3A_502] : memref<4194304xf32, #tpu.memory_space<hbm>> -> memref<16384xf32, #tpu.memory_space<hbm>>
    %dma_start3A_504 = tpu.memref_slice %arg3[%mul3A_502] : memref<4194304xf32, #tpu.memory_space<hbm>> -> memref<16384xf32, #tpu.memory_space<hbm>>
    tpu.enqueue_dma source(%arg5 : memref<16384xf32, #tpu.memory_space<vmem>>) target(%dma_start3A_504 : memref<16384xf32, #tpu.memory_space<hbm>>) target_semaphore(%arg6 : memref<!tpu.dma_semaphore, #tpu.memory_space<semaphore_mem>>)
    %dma_wait3A_505 = tpu.memref_slice %arg3[%mul3A_502] : memref<4194304xf32, #tpu.memory_space<hbm>> -> memref<16384xf32, #tpu.memory_space<hbm>>
    %dma_wait3A_506 = tpu.memref_slice %arg3[%mul3A_502] : memref<4194304xf32, #tpu.memory_space<hbm>> -> memref<16384xf32, #tpu.memory_space<hbm>>
    tpu.wait_dma2 semaphore(%arg6 : memref<!tpu.dma_semaphore, #tpu.memory_space<semaphore_mem>>) src(%arg5 : memref<16384xf32, #tpu.memory_space<vmem>>) dst(%dma_wait3A_506 : memref<16384xf32, #tpu.memory_space<hbm>>)
    %get3A_507 = arith.constant 512 : index
    %get3A_508 = tpu.vector_load %arg4[%get3A_507] {strides = array<i32>} : memref<4096xi32, #tpu.memory_space<vmem>>, vector<16xi32>,
    %add3A_509 = arith.constant 0 : i32
    %add3A_510 = vector.broadcast %add3A_509 : i32 to vector<16xi32>
    %add3A_511 = arith.addi %get3A_508, %add3A_510 : vector<16xi32>
    tpu.vector_store_idx %arg5[%add3A_511], %broadcast_in_dim3A_5 : memref<16384xf32, #tpu.memory_space<vmem>>[vector<16xi32>], vector<16xf32>,
    %get3A_512 = arith.constant 528 : index
    %get3A_513 = tpu.vector_load %arg4[%get3A_512] {strides = array<i32>} : memref<4096xi32, #tpu.memory_space<vmem>>, vector<16xi32>,
    %add3A_514 = arith.constant 0 : i32
    %add3A_515 = vector.broadcast %add3A_514 : i32 to vector<16xi32>
    %add3A_516 = arith.addi %get3A_513, %add3A_515 : vector<16xi32>
    tpu.vector_store_idx %arg5[%add3A_516], %broadcast_in_dim3A_5 : memref<16384xf32, #tpu.memory_space<vmem>>[vector<16xi32>], vector<16xf32>,
    %get3A_517 = arith.constant 544 : index
    %get3A_518 = tpu.vector_load %arg4[%get3A_517] {strides = array<i32>} : memref<4096xi32, #tpu.memory_space<vmem>>, vector<16xi32>,
    %add3A_519 = arith.constant 0 : i32
    %add3A_520 = vector.broadcast %add3A_519 : i32 to vector<16xi32>
    %add3A_521 = arith.addi %get3A_518, %add3A_520 : vector<16xi32>
    tpu.vector_store_idx %arg5[%add3A_521], %broadcast_in_dim3A_5 : memref<16384xf32, #tpu.memory_space<vmem>>[vector<16xi32>], vector<16xf32>,
    %get3A_522 = arith.constant 560 : index
    %get3A_523 = tpu.vector_load %arg4[%get3A_522] {strides = array<i32>} : memref<4096xi32, #tpu.memory_space<vmem>>, vector<16xi32>,
    %add3A_524 = arith.constant 0 : i32
    %add3A_525 = vector.broadcast %add3A_524 : i32 to vector<16xi32>
    %add3A_526 = arith.addi %get3A_523, %add3A_525 : vector<16xi32>
    tpu.vector_store_idx %arg5[%add3A_526], %broadcast_in_dim3A_5 : memref<16384xf32, #tpu.memory_space<vmem>>[vector<16xi32>], vector<16xf32>,
    %get3A_527 = arith.constant 576 : index
    %get3A_528 = tpu.vector_load %arg4[%get3A_527] {strides = array<i32>} : memref<4096xi32, #tpu.memory_space<vmem>>, vector<16xi32>,
    %add3A_529 = arith.constant 2048 : i32
    %add3A_530 = vector.broadcast %add3A_529 : i32 to vector<16xi32>
    %add3A_531 = arith.addi %get3A_528, %add3A_530 : vector<16xi32>
    tpu.vector_store_idx %arg5[%add3A_531], %broadcast_in_dim3A_5 : memref<16384xf32, #tpu.memory_space<vmem>>[vector<16xi32>], vector<16xf32>,
    %get3A_532 = arith.constant 592 : index
    %get3A_533 = tpu.vector_load %arg4[%get3A_532] {strides = array<i32>} : memref<4096xi32, #tpu.memory_space<vmem>>, vector<16xi32>,
    %add3A_534 = arith.constant 2048 : i32
    %add3A_535 = vector.broadcast %add3A_534 : i32 to vector<16xi32>
    %add3A_536 = arith.addi %get3A_533, %add3A_535 : vector<16xi32>
    tpu.vector_store_idx %arg5[%add3A_536], %broadcast_in_dim3A_5 : memref<16384xf32, #tpu.memory_space<vmem>>[vector<16xi32>], vector<16xf32>,
    %get3A_537 = arith.constant 608 : index
    %get3A_538 = tpu.vector_load %arg4[%get3A_537] {strides = array<i32>} : memref<4096xi32, #tpu.memory_space<vmem>>, vector<16xi32>,
    %add3A_539 = arith.constant 2048 : i32
    %add3A_540 = vector.broadcast %add3A_539 : i32 to vector<16xi32>
    %add3A_541 = arith.addi %get3A_538, %add3A_540 : vector<16xi32>
    tpu.vector_store_idx %arg5[%add3A_541], %broadcast_in_dim3A_5 : memref<16384xf32, #tpu.memory_space<vmem>>[vector<16xi32>], vector<16xf32>,
    %get3A_542 = arith.constant 624 : index
    %get3A_543 = tpu.vector_load %arg4[%get3A_542] {strides = array<i32>} : memref<4096xi32, #tpu.memory_space<vmem>>, vector<16xi32>,
    %add3A_544 = arith.constant 2048 : i32
    %add3A_545 = vector.broadcast %add3A_544 : i32 to vector<16xi32>
    %add3A_546 = arith.addi %get3A_543, %add3A_545 : vector<16xi32>
    tpu.vector_store_idx %arg5[%add3A_546], %broadcast_in_dim3A_5 : memref<16384xf32, #tpu.memory_space<vmem>>[vector<16xi32>], vector<16xf32>,
    %get3A_547 = arith.constant 640 : index
    %get3A_548 = tpu.vector_load %arg4[%get3A_547] {strides = array<i32>} : memref<4096xi32, #tpu.memory_space<vmem>>, vector<16xi32>,
    %add3A_549 = arith.constant 4096 : i32
    %add3A_550 = vector.broadcast %add3A_549 : i32 to vector<16xi32>
    %add3A_551 = arith.addi %get3A_548, %add3A_550 : vector<16xi32>
    tpu.vector_store_idx %arg5[%add3A_551], %broadcast_in_dim3A_5 : memref<16384xf32, #tpu.memory_space<vmem>>[vector<16xi32>], vector<16xf32>,
    %get3A_552 = arith.constant 656 : index
    %get3A_553 = tpu.vector_load %arg4[%get3A_552] {strides = array<i32>} : memref<4096xi32, #tpu.memory_space<vmem>>, vector<16xi32>,
    %add3A_554 = arith.constant 4096 : i32
    %add3A_555 = vector.broadcast %add3A_554 : i32 to vector<16xi32>
    %add3A_556 = arith.addi %get3A_553, %add3A_555 : vector<16xi32>
    tpu.vector_store_idx %arg5[%add3A_556], %broadcast_in_dim3A_5 : memref<16384xf32, #tpu.memory_space<vmem>>[vector<16xi32>], vector<16xf32>,
    %get3A_557 = arith.constant 672 : index
    %get3A_558 = tpu.vector_load %arg4[%get3A_557] {strides = array<i32>} : memref<4096xi32, #tpu.memory_space<vmem>>, vector<16xi32>,
    %add3A_559 = arith.constant 4096 : i32
    %add3A_560 = vector.broadcast %add3A_559 : i32 to vector<16xi32>
    %add3A_561 = arith.addi %get3A_558, %add3A_560 : vector<16xi32>
    tpu.vector_store_idx %arg5[%add3A_561], %broadcast_in_dim3A_5 : memref<16384xf32, #tpu.memory_space<vmem>>[vector<16xi32>], vector<16xf32>,
    %get3A_562 = arith.constant 688 : index
    %get3A_563 = tpu.vector_load %arg4[%get3A_562] {strides = array<i32>} : memref<4096xi32, #tpu.memory_space<vmem>>, vector<16xi32>,
    %add3A_564 = arith.constant 4096 : i32
    %add3A_565 = vector.broadcast %add3A_564 : i32 to vector<16xi32>
    %add3A_566 = arith.addi %get3A_563, %add3A_565 : vector<16xi32>
    tpu.vector_store_idx %arg5[%add3A_566], %broadcast_in_dim3A_5 : memref<16384xf32, #tpu.memory_space<vmem>>[vector<16xi32>], vector<16xf32>,
    %get3A_567 = arith.constant 704 : index
    %get3A_568 = tpu.vector_load %arg4[%get3A_567] {strides = array<i32>} : memref<4096xi32, #tpu.memory_space<vmem>>, vector<16xi32>,
    %add3A_569 = arith.constant 6144 : i32
    %add3A_570 = vector.broadcast %add3A_569 : i32 to vector<16xi32>
    %add3A_571 = arith.addi %get3A_568, %add3A_570 : vector<16xi32>
    tpu.vector_store_idx %arg5[%add3A_571], %broadcast_in_dim3A_5 : memref<16384xf32, #tpu.memory_space<vmem>>[vector<16xi32>], vector<16xf32>,
    %get3A_572 = arith.constant 720 : index
    %get3A_573 = tpu.vector_load %arg4[%get3A_572] {strides = array<i32>} : memref<4096xi32, #tpu.memory_space<vmem>>, vector<16xi32>,
    %add3A_574 = arith.constant 6144 : i32
    %add3A_575 = vector.broadcast %add3A_574 : i32 to vector<16xi32>
    %add3A_576 = arith.addi %get3A_573, %add3A_575 : vector<16xi32>
    tpu.vector_store_idx %arg5[%add3A_576], %broadcast_in_dim3A_5 : memref<16384xf32, #tpu.memory_space<vmem>>[vector<16xi32>], vector<16xf32>,
    %get3A_577 = arith.constant 736 : index
    %get3A_578 = tpu.vector_load %arg4[%get3A_577] {strides = array<i32>} : memref<4096xi32, #tpu.memory_space<vmem>>, vector<16xi32>,
    %add3A_579 = arith.constant 6144 : i32
    %add3A_580 = vector.broadcast %add3A_579 : i32 to vector<16xi32>
    %add3A_581 = arith.addi %get3A_578, %add3A_580 : vector<16xi32>
    tpu.vector_store_idx %arg5[%add3A_581], %broadcast_in_dim3A_5 : memref<16384xf32, #tpu.memory_space<vmem>>[vector<16xi32>], vector<16xf32>,
    %get3A_582 = arith.constant 752 : index
    %get3A_583 = tpu.vector_load %arg4[%get3A_582] {strides = array<i32>} : memref<4096xi32, #tpu.memory_space<vmem>>, vector<16xi32>,
    %add3A_584 = arith.constant 6144 : i32
    %add3A_585 = vector.broadcast %add3A_584 : i32 to vector<16xi32>
    %add3A_586 = arith.addi %get3A_583, %add3A_585 : vector<16xi32>
    tpu.vector_store_idx %arg5[%add3A_586], %broadcast_in_dim3A_5 : memref<16384xf32, #tpu.memory_space<vmem>>[vector<16xi32>], vector<16xf32>,
    %get3A_587 = arith.constant 768 : index
    %get3A_588 = tpu.vector_load %arg4[%get3A_587] {strides = array<i32>} : memref<4096xi32, #tpu.memory_space<vmem>>, vector<16xi32>,
    %add3A_589 = arith.constant 8192 : i32
    %add3A_590 = vector.broadcast %add3A_589 : i32 to vector<16xi32>
    %add3A_591 = arith.addi %get3A_588, %add3A_590 : vector<16xi32>
    tpu.vector_store_idx %arg5[%add3A_591], %broadcast_in_dim3A_5 : memref<16384xf32, #tpu.memory_space<vmem>>[vector<16xi32>], vector<16xf32>,
    %get3A_592 = arith.constant 784 : index
    %get3A_593 = tpu.vector_load %arg4[%get3A_592] {strides = array<i32>} : memref<4096xi32, #tpu.memory_space<vmem>>, vector<16xi32>,
    %add3A_594 = arith.constant 8192 : i32
    %add3A_595 = vector.broadcast %add3A_594 : i32 to vector<16xi32>
    %add3A_596 = arith.addi %get3A_593, %add3A_595 : vector<16xi32>
    tpu.vector_store_idx %arg5[%add3A_596], %broadcast_in_dim3A_5 : memref<16384xf32, #tpu.memory_space<vmem>>[vector<16xi32>], vector<16xf32>,
    %get3A_597 = arith.constant 800 : index
    %get3A_598 = tpu.vector_load %arg4[%get3A_597] {strides = array<i32>} : memref<4096xi32, #tpu.memory_space<vmem>>, vector<16xi32>,
    %add3A_599 = arith.constant 8192 : i32
    %add3A_600 = vector.broadcast %add3A_599 : i32 to vector<16xi32>
    %add3A_601 = arith.addi %get3A_598, %add3A_600 : vector<16xi32>
    tpu.vector_store_idx %arg5[%add3A_601], %broadcast_in_dim3A_5 : memref<16384xf32, #tpu.memory_space<vmem>>[vector<16xi32>], vector<16xf32>,
    %get3A_602 = arith.constant 816 : index
    %get3A_603 = tpu.vector_load %arg4[%get3A_602] {strides = array<i32>} : memref<4096xi32, #tpu.memory_space<vmem>>, vector<16xi32>,
    %add3A_604 = arith.constant 8192 : i32
    %add3A_605 = vector.broadcast %add3A_604 : i32 to vector<16xi32>
    %add3A_606 = arith.addi %get3A_603, %add3A_605 : vector<16xi32>
    tpu.vector_store_idx %arg5[%add3A_606], %broadcast_in_dim3A_5 : memref<16384xf32, #tpu.memory_space<vmem>>[vector<16xi32>], vector<16xf32>,
    %get3A_607 = arith.constant 832 : index
    %get3A_608 = tpu.vector_load %arg4[%get3A_607] {strides = array<i32>} : memref<4096xi32, #tpu.memory_space<vmem>>, vector<16xi32>,
    %add3A_609 = arith.constant 10240 : i32
    %add3A_610 = vector.broadcast %add3A_609 : i32 to vector<16xi32>
    %add3A_611 = arith.addi %get3A_608, %add3A_610 : vector<16xi32>
    tpu.vector_store_idx %arg5[%add3A_611], %broadcast_in_dim3A_5 : memref<16384xf32, #tpu.memory_space<vmem>>[vector<16xi32>], vector<16xf32>,
    %get3A_612 = arith.constant 848 : index
    %get3A_613 = tpu.vector_load %arg4[%get3A_612] {strides = array<i32>} : memref<4096xi32, #tpu.memory_space<vmem>>, vector<16xi32>,
    %add3A_614 = arith.constant 10240 : i32
    %add3A_615 = vector.broadcast %add3A_614 : i32 to vector<16xi32>
    %add3A_616 = arith.addi %get3A_613, %add3A_615 : vector<16xi32>
    tpu.vector_store_idx %arg5[%add3A_616], %broadcast_in_dim3A_5 : memref<16384xf32, #tpu.memory_space<vmem>>[vector<16xi32>], vector<16xf32>,
    %get3A_617 = arith.constant 864 : index
    %get3A_618 = tpu.vector_load %arg4[%get3A_617] {strides = array<i32>} : memref<4096xi32, #tpu.memory_space<vmem>>, vector<16xi32>,
    %add3A_619 = arith.constant 10240 : i32
    %add3A_620 = vector.broadcast %add3A_619 : i32 to vector<16xi32>
    %add3A_621 = arith.addi %get3A_618, %add3A_620 : vector<16xi32>
    tpu.vector_store_idx %arg5[%add3A_621], %broadcast_in_dim3A_5 : memref<16384xf32, #tpu.memory_space<vmem>>[vector<16xi32>], vector<16xf32>,
    %get3A_622 = arith.constant 880 : index
    %get3A_623 = tpu.vector_load %arg4[%get3A_622] {strides = array<i32>} : memref<4096xi32, #tpu.memory_space<vmem>>, vector<16xi32>,
    %add3A_624 = arith.constant 10240 : i32
    %add3A_625 = vector.broadcast %add3A_624 : i32 to vector<16xi32>
    %add3A_626 = arith.addi %get3A_623, %add3A_625 : vector<16xi32>
    tpu.vector_store_idx %arg5[%add3A_626], %broadcast_in_dim3A_5 : memref<16384xf32, #tpu.memory_space<vmem>>[vector<16xi32>], vector<16xf32>,
    %get3A_627 = arith.constant 896 : index
    %get3A_628 = tpu.vector_load %arg4[%get3A_627] {strides = array<i32>} : memref<4096xi32, #tpu.memory_space<vmem>>, vector<16xi32>,
    %add3A_629 = arith.constant 12288 : i32
    %add3A_630 = vector.broadcast %add3A_629 : i32 to vector<16xi32>
    %add3A_631 = arith.addi %get3A_628, %add3A_630 : vector<16xi32>
    tpu.vector_store_idx %arg5[%add3A_631], %broadcast_in_dim3A_5 : memref<16384xf32, #tpu.memory_space<vmem>>[vector<16xi32>], vector<16xf32>,
    %get3A_632 = arith.constant 912 : index
    %get3A_633 = tpu.vector_load %arg4[%get3A_632] {strides = array<i32>} : memref<4096xi32, #tpu.memory_space<vmem>>, vector<16xi32>,
    %add3A_634 = arith.constant 12288 : i32
    %add3A_635 = vector.broadcast %add3A_634 : i32 to vector<16xi32>
    %add3A_636 = arith.addi %get3A_633, %add3A_635 : vector<16xi32>
    tpu.vector_store_idx %arg5[%add3A_636], %broadcast_in_dim3A_5 : memref<16384xf32, #tpu.memory_space<vmem>>[vector<16xi32>], vector<16xf32>,
    %get3A_637 = arith.constant 928 : index
    %get3A_638 = tpu.vector_load %arg4[%get3A_637] {strides = array<i32>} : memref<4096xi32, #tpu.memory_space<vmem>>, vector<16xi32>,
    %add3A_639 = arith.constant 12288 : i32
    %add3A_640 = vector.broadcast %add3A_639 : i32 to vector<16xi32>
    %add3A_641 = arith.addi %get3A_638, %add3A_640 : vector<16xi32>
    tpu.vector_store_idx %arg5[%add3A_641], %broadcast_in_dim3A_5 : memref<16384xf32, #tpu.memory_space<vmem>>[vector<16xi32>], vector<16xf32>,
    %get3A_642 = arith.constant 944 : index
    %get3A_643 = tpu.vector_load %arg4[%get3A_642] {strides = array<i32>} : memref<4096xi32, #tpu.memory_space<vmem>>, vector<16xi32>,
    %add3A_644 = arith.constant 12288 : i32
    %add3A_645 = vector.broadcast %add3A_644 : i32 to vector<16xi32>
    %add3A_646 = arith.addi %get3A_643, %add3A_645 : vector<16xi32>
    tpu.vector_store_idx %arg5[%add3A_646], %broadcast_in_dim3A_5 : memref<16384xf32, #tpu.memory_space<vmem>>[vector<16xi32>], vector<16xf32>,
    %get3A_647 = arith.constant 960 : index
    %get3A_648 = tpu.vector_load %arg4[%get3A_647] {strides = array<i32>} : memref<4096xi32, #tpu.memory_space<vmem>>, vector<16xi32>,
    %add3A_649 = arith.constant 14336 : i32
    %add3A_650 = vector.broadcast %add3A_649 : i32 to vector<16xi32>
    %add3A_651 = arith.addi %get3A_648, %add3A_650 : vector<16xi32>
    tpu.vector_store_idx %arg5[%add3A_651], %broadcast_in_dim3A_5 : memref<16384xf32, #tpu.memory_space<vmem>>[vector<16xi32>], vector<16xf32>,
    %get3A_652 = arith.constant 976 : index
    %get3A_653 = tpu.vector_load %arg4[%get3A_652] {strides = array<i32>} : memref<4096xi32, #tpu.memory_space<vmem>>, vector<16xi32>,
    %add3A_654 = arith.constant 14336 : i32
    %add3A_655 = vector.broadcast %add3A_654 : i32 to vector<16xi32>
    %add3A_656 = arith.addi %get3A_653, %add3A_655 : vector<16xi32>
    tpu.vector_store_idx %arg5[%add3A_656], %broadcast_in_dim3A_5 : memref<16384xf32, #tpu.memory_space<vmem>>[vector<16xi32>], vector<16xf32>,
    %get3A_657 = arith.constant 992 : index
    %get3A_658 = tpu.vector_load %arg4[%get3A_657] {strides = array<i32>} : memref<4096xi32, #tpu.memory_space<vmem>>, vector<16xi32>,
    %add3A_659 = arith.constant 14336 : i32
    %add3A_660 = vector.broadcast %add3A_659 : i32 to vector<16xi32>
    %add3A_661 = arith.addi %get3A_658, %add3A_660 : vector<16xi32>
    tpu.vector_store_idx %arg5[%add3A_661], %broadcast_in_dim3A_5 : memref<16384xf32, #tpu.memory_space<vmem>>[vector<16xi32>], vector<16xf32>,
    %get3A_662 = arith.constant 1008 : index
    %get3A_663 = tpu.vector_load %arg4[%get3A_662] {strides = array<i32>} : memref<4096xi32, #tpu.memory_space<vmem>>, vector<16xi32>,
    %add3A_664 = arith.constant 14336 : i32
    %add3A_665 = vector.broadcast %add3A_664 : i32 to vector<16xi32>
    %add3A_666 = arith.addi %get3A_663, %add3A_665 : vector<16xi32>
    tpu.vector_store_idx %arg5[%add3A_666], %broadcast_in_dim3A_5 : memref<16384xf32, #tpu.memory_space<vmem>>[vector<16xi32>], vector<16xf32>,
    %get3A_667 = arith.constant 1024 : index
    %get3A_668 = tpu.vector_load %arg4[%get3A_667] {strides = array<i32>} : memref<4096xi32, #tpu.memory_space<vmem>>, vector<16xi32>,
    %add3A_669 = arith.constant 0 : i32
    %add3A_670 = vector.broadcast %add3A_669 : i32 to vector<16xi32>
    %add3A_671 = arith.addi %get3A_668, %add3A_670 : vector<16xi32>
    tpu.vector_store_idx %arg5[%add3A_671], %broadcast_in_dim3A_7 : memref<16384xf32, #tpu.memory_space<vmem>>[vector<16xi32>], vector<16xf32>,
    %get3A_672 = arith.constant 1040 : index
    %get3A_673 = tpu.vector_load %arg4[%get3A_672] {strides = array<i32>} : memref<4096xi32, #tpu.memory_space<vmem>>, vector<16xi32>,
    %add3A_674 = arith.constant 0 : i32
    %add3A_675 = vector.broadcast %add3A_674 : i32 to vector<16xi32>
    %add3A_676 = arith.addi %get3A_673, %add3A_675 : vector<16xi32>
    tpu.vector_store_idx %arg5[%add3A_676], %broadcast_in_dim3A_7 : memref<16384xf32, #tpu.memory_space<vmem>>[vector<16xi32>], vector<16xf32>,
    %get3A_677 = arith.constant 1056 : index
    %get3A_678 = tpu.vector_load %arg4[%get3A_677] {strides = array<i32>} : memref<4096xi32, #tpu.memory_space<vmem>>, vector<16xi32>,
    %add3A_679 = arith.constant 0 : i32
    %add3A_680 = vector.broadcast %add3A_679 : i32 to vector<16xi32>
    %add3A_681 = arith.addi %get3A_678, %add3A_680 : vector<16xi32>
    tpu.vector_store_idx %arg5[%add3A_681], %broadcast_in_dim3A_7 : memref<16384xf32, #tpu.memory_space<vmem>>[vector<16xi32>], vector<16xf32>,
    %get3A_682 = arith.constant 1072 : index
    %get3A_683 = tpu.vector_load %arg4[%get3A_682] {strides = array<i32>} : memref<4096xi32, #tpu.memory_space<vmem>>, vector<16xi32>,
    %add3A_684 = arith.constant 0 : i32
    %add3A_685 = vector.broadcast %add3A_684 : i32 to vector<16xi32>
    %add3A_686 = arith.addi %get3A_683, %add3A_685 : vector<16xi32>
    tpu.vector_store_idx %arg5[%add3A_686], %broadcast_in_dim3A_7 : memref<16384xf32, #tpu.memory_space<vmem>>[vector<16xi32>], vector<16xf32>,
    %get3A_687 = arith.constant 1088 : index
    %get3A_688 = tpu.vector_load %arg4[%get3A_687] {strides = array<i32>} : memref<4096xi32, #tpu.memory_space<vmem>>, vector<16xi32>,
    %add3A_689 = arith.constant 2048 : i32
    %add3A_690 = vector.broadcast %add3A_689 : i32 to vector<16xi32>
    %add3A_691 = arith.addi %get3A_688, %add3A_690 : vector<16xi32>
    tpu.vector_store_idx %arg5[%add3A_691], %broadcast_in_dim3A_7 : memref<16384xf32, #tpu.memory_space<vmem>>[vector<16xi32>], vector<16xf32>,
    %get3A_692 = arith.constant 1104 : index
    %get3A_693 = tpu.vector_load %arg4[%get3A_692] {strides = array<i32>} : memref<4096xi32, #tpu.memory_space<vmem>>, vector<16xi32>,
    %add3A_694 = arith.constant 2048 : i32
    %add3A_695 = vector.broadcast %add3A_694 : i32 to vector<16xi32>
    %add3A_696 = arith.addi %get3A_693, %add3A_695 : vector<16xi32>
    tpu.vector_store_idx %arg5[%add3A_696], %broadcast_in_dim3A_7 : memref<16384xf32, #tpu.memory_space<vmem>>[vector<16xi32>], vector<16xf32>,
    %get3A_697 = arith.constant 1120 : index
    %get3A_698 = tpu.vector_load %arg4[%get3A_697] {strides = array<i32>} : memref<4096xi32, #tpu.memory_space<vmem>>, vector<16xi32>,
    %add3A_699 = arith.constant 2048 : i32
    %add3A_700 = vector.broadcast %add3A_699 : i32 to vector<16xi32>
    %add3A_701 = arith.addi %get3A_698, %add3A_700 : vector<16xi32>
    tpu.vector_store_idx %arg5[%add3A_701], %broadcast_in_dim3A_7 : memref<16384xf32, #tpu.memory_space<vmem>>[vector<16xi32>], vector<16xf32>,
    %get3A_702 = arith.constant 1136 : index
    %get3A_703 = tpu.vector_load %arg4[%get3A_702] {strides = array<i32>} : memref<4096xi32, #tpu.memory_space<vmem>>, vector<16xi32>,
    %add3A_704 = arith.constant 2048 : i32
    %add3A_705 = vector.broadcast %add3A_704 : i32 to vector<16xi32>
    %add3A_706 = arith.addi %get3A_703, %add3A_705 : vector<16xi32>
    tpu.vector_store_idx %arg5[%add3A_706], %broadcast_in_dim3A_7 : memref<16384xf32, #tpu.memory_space<vmem>>[vector<16xi32>], vector<16xf32>,
    %get3A_707 = arith.constant 1152 : index
    %get3A_708 = tpu.vector_load %arg4[%get3A_707] {strides = array<i32>} : memref<4096xi32, #tpu.memory_space<vmem>>, vector<16xi32>,
    %add3A_709 = arith.constant 4096 : i32
    %add3A_710 = vector.broadcast %add3A_709 : i32 to vector<16xi32>
    %add3A_711 = arith.addi %get3A_708, %add3A_710 : vector<16xi32>
    tpu.vector_store_idx %arg5[%add3A_711], %broadcast_in_dim3A_7 : memref<16384xf32, #tpu.memory_space<vmem>>[vector<16xi32>], vector<16xf32>,
    %get3A_712 = arith.constant 1168 : index
    %get3A_713 = tpu.vector_load %arg4[%get3A_712] {strides = array<i32>} : memref<4096xi32, #tpu.memory_space<vmem>>, vector<16xi32>,
    %add3A_714 = arith.constant 4096 : i32
    %add3A_715 = vector.broadcast %add3A_714 : i32 to vector<16xi32>
    %add3A_716 = arith.addi %get3A_713, %add3A_715 : vector<16xi32>
    tpu.vector_store_idx %arg5[%add3A_716], %broadcast_in_dim3A_7 : memref<16384xf32, #tpu.memory_space<vmem>>[vector<16xi32>], vector<16xf32>,
    %get3A_717 = arith.constant 1184 : index
    %get3A_718 = tpu.vector_load %arg4[%get3A_717] {strides = array<i32>} : memref<4096xi32, #tpu.memory_space<vmem>>, vector<16xi32>,
    %add3A_719 = arith.constant 4096 : i32
    %add3A_720 = vector.broadcast %add3A_719 : i32 to vector<16xi32>
    %add3A_721 = arith.addi %get3A_718, %add3A_720 : vector<16xi32>
    tpu.vector_store_idx %arg5[%add3A_721], %broadcast_in_dim3A_7 : memref<16384xf32, #tpu.memory_space<vmem>>[vector<16xi32>], vector<16xf32>,
    %get3A_722 = arith.constant 1200 : index
    %get3A_723 = tpu.vector_load %arg4[%get3A_722] {strides = array<i32>} : memref<4096xi32, #tpu.memory_space<vmem>>, vector<16xi32>,
    %add3A_724 = arith.constant 4096 : i32
    %add3A_725 = vector.broadcast %add3A_724 : i32 to vector<16xi32>
    %add3A_726 = arith.addi %get3A_723, %add3A_725 : vector<16xi32>
    tpu.vector_store_idx %arg5[%add3A_726], %broadcast_in_dim3A_7 : memref<16384xf32, #tpu.memory_space<vmem>>[vector<16xi32>], vector<16xf32>,
    %get3A_727 = arith.constant 1216 : index
    %get3A_728 = tpu.vector_load %arg4[%get3A_727] {strides = array<i32>} : memref<4096xi32, #tpu.memory_space<vmem>>, vector<16xi32>,
    %add3A_729 = arith.constant 6144 : i32
    %add3A_730 = vector.broadcast %add3A_729 : i32 to vector<16xi32>
    %add3A_731 = arith.addi %get3A_728, %add3A_730 : vector<16xi32>
    tpu.vector_store_idx %arg5[%add3A_731], %broadcast_in_dim3A_7 : memref<16384xf32, #tpu.memory_space<vmem>>[vector<16xi32>], vector<16xf32>,
    %get3A_732 = arith.constant 1232 : index
    %get3A_733 = tpu.vector_load %arg4[%get3A_732] {strides = array<i32>} : memref<4096xi32, #tpu.memory_space<vmem>>, vector<16xi32>,
    %add3A_734 = arith.constant 6144 : i32
    %add3A_735 = vector.broadcast %add3A_734 : i32 to vector<16xi32>
    %add3A_736 = arith.addi %get3A_733, %add3A_735 : vector<16xi32>
    tpu.vector_store_idx %arg5[%add3A_736], %broadcast_in_dim3A_7 : memref<16384xf32, #tpu.memory_space<vmem>>[vector<16xi32>], vector<16xf32>,
    %get3A_737 = arith.constant 1248 : index
    %get3A_738 = tpu.vector_load %arg4[%get3A_737] {strides = array<i32>} : memref<4096xi32, #tpu.memory_space<vmem>>, vector<16xi32>,
    %add3A_739 = arith.constant 6144 : i32
    %add3A_740 = vector.broadcast %add3A_739 : i32 to vector<16xi32>
    %add3A_741 = arith.addi %get3A_738, %add3A_740 : vector<16xi32>
    tpu.vector_store_idx %arg5[%add3A_741], %broadcast_in_dim3A_7 : memref<16384xf32, #tpu.memory_space<vmem>>[vector<16xi32>], vector<16xf32>,
    %get3A_742 = arith.constant 1264 : index
    %get3A_743 = tpu.vector_load %arg4[%get3A_742] {strides = array<i32>} : memref<4096xi32, #tpu.memory_space<vmem>>, vector<16xi32>,
    %add3A_744 = arith.constant 6144 : i32
    %add3A_745 = vector.broadcast %add3A_744 : i32 to vector<16xi32>
    %add3A_746 = arith.addi %get3A_743, %add3A_745 : vector<16xi32>
    tpu.vector_store_idx %arg5[%add3A_746], %broadcast_in_dim3A_7 : memref<16384xf32, #tpu.memory_space<vmem>>[vector<16xi32>], vector<16xf32>,
    %get3A_747 = arith.constant 1280 : index
    %get3A_748 = tpu.vector_load %arg4[%get3A_747] {strides = array<i32>} : memref<4096xi32, #tpu.memory_space<vmem>>, vector<16xi32>,
    %add3A_749 = arith.constant 8192 : i32
    %add3A_750 = vector.broadcast %add3A_749 : i32 to vector<16xi32>
    %add3A_751 = arith.addi %get3A_748, %add3A_750 : vector<16xi32>
    tpu.vector_store_idx %arg5[%add3A_751], %broadcast_in_dim3A_7 : memref<16384xf32, #tpu.memory_space<vmem>>[vector<16xi32>], vector<16xf32>,
    %get3A_752 = arith.constant 1296 : index
    %get3A_753 = tpu.vector_load %arg4[%get3A_752] {strides = array<i32>} : memref<4096xi32, #tpu.memory_space<vmem>>, vector<16xi32>,
    %add3A_754 = arith.constant 8192 : i32
    %add3A_755 = vector.broadcast %add3A_754 : i32 to vector<16xi32>
    %add3A_756 = arith.addi %get3A_753, %add3A_755 : vector<16xi32>
    tpu.vector_store_idx %arg5[%add3A_756], %broadcast_in_dim3A_7 : memref<16384xf32, #tpu.memory_space<vmem>>[vector<16xi32>], vector<16xf32>,
    %get3A_757 = arith.constant 1312 : index
    %get3A_758 = tpu.vector_load %arg4[%get3A_757] {strides = array<i32>} : memref<4096xi32, #tpu.memory_space<vmem>>, vector<16xi32>,
    %add3A_759 = arith.constant 8192 : i32
    %add3A_760 = vector.broadcast %add3A_759 : i32 to vector<16xi32>
    %add3A_761 = arith.addi %get3A_758, %add3A_760 : vector<16xi32>
    tpu.vector_store_idx %arg5[%add3A_761], %broadcast_in_dim3A_7 : memref<16384xf32, #tpu.memory_space<vmem>>[vector<16xi32>], vector<16xf32>,
    %get3A_762 = arith.constant 1328 : index
    %get3A_763 = tpu.vector_load %arg4[%get3A_762] {strides = array<i32>} : memref<4096xi32, #tpu.memory_space<vmem>>, vector<16xi32>,
    %add3A_764 = arith.constant 8192 : i32
    %add3A_765 = vector.broadcast %add3A_764 : i32 to vector<16xi32>
    %add3A_766 = arith.addi %get3A_763, %add3A_765 : vector<16xi32>
    tpu.vector_store_idx %arg5[%add3A_766], %broadcast_in_dim3A_7 : memref<16384xf32, #tpu.memory_space<vmem>>[vector<16xi32>], vector<16xf32>,
    %get3A_767 = arith.constant 1344 : index
    %get3A_768 = tpu.vector_load %arg4[%get3A_767] {strides = array<i32>} : memref<4096xi32, #tpu.memory_space<vmem>>, vector<16xi32>,
    %add3A_769 = arith.constant 10240 : i32
    %add3A_770 = vector.broadcast %add3A_769 : i32 to vector<16xi32>
    %add3A_771 = arith.addi %get3A_768, %add3A_770 : vector<16xi32>
    tpu.vector_store_idx %arg5[%add3A_771], %broadcast_in_dim3A_7 : memref<16384xf32, #tpu.memory_space<vmem>>[vector<16xi32>], vector<16xf32>,
    %get3A_772 = arith.constant 1360 : index
    %get3A_773 = tpu.vector_load %arg4[%get3A_772] {strides = array<i32>} : memref<4096xi32, #tpu.memory_space<vmem>>, vector<16xi32>,
    %add3A_774 = arith.constant 10240 : i32
    %add3A_775 = vector.broadcast %add3A_774 : i32 to vector<16xi32>
    %add3A_776 = arith.addi %get3A_773, %add3A_775 : vector<16xi32>
    tpu.vector_store_idx %arg5[%add3A_776], %broadcast_in_dim3A_7 : memref<16384xf32, #tpu.memory_space<vmem>>[vector<16xi32>], vector<16xf32>,
    %get3A_777 = arith.constant 1376 : index
    %get3A_778 = tpu.vector_load %arg4[%get3A_777] {strides = array<i32>} : memref<4096xi32, #tpu.memory_space<vmem>>, vector<16xi32>,
    %add3A_779 = arith.constant 10240 : i32
    %add3A_780 = vector.broadcast %add3A_779 : i32 to vector<16xi32>
    %add3A_781 = arith.addi %get3A_778, %add3A_780 : vector<16xi32>
    tpu.vector_store_idx %arg5[%add3A_781], %broadcast_in_dim3A_7 : memref<16384xf32, #tpu.memory_space<vmem>>[vector<16xi32>], vector<16xf32>,
    %get3A_782 = arith.constant 1392 : index
    %get3A_783 = tpu.vector_load %arg4[%get3A_782] {strides = array<i32>} : memref<4096xi32, #tpu.memory_space<vmem>>, vector<16xi32>,
    %add3A_784 = arith.constant 10240 : i32
    %add3A_785 = vector.broadcast %add3A_784 : i32 to vector<16xi32>
    %add3A_786 = arith.addi %get3A_783, %add3A_785 : vector<16xi32>
    tpu.vector_store_idx %arg5[%add3A_786], %broadcast_in_dim3A_7 : memref<16384xf32, #tpu.memory_space<vmem>>[vector<16xi32>], vector<16xf32>,
    %get3A_787 = arith.constant 1408 : index
    %get3A_788 = tpu.vector_load %arg4[%get3A_787] {strides = array<i32>} : memref<4096xi32, #tpu.memory_space<vmem>>, vector<16xi32>,
    %add3A_789 = arith.constant 12288 : i32
    %add3A_790 = vector.broadcast %add3A_789 : i32 to vector<16xi32>
    %add3A_791 = arith.addi %get3A_788, %add3A_790 : vector<16xi32>
    tpu.vector_store_idx %arg5[%add3A_791], %broadcast_in_dim3A_7 : memref<16384xf32, #tpu.memory_space<vmem>>[vector<16xi32>], vector<16xf32>,
    %get3A_792 = arith.constant 1424 : index
    %get3A_793 = tpu.vector_load %arg4[%get3A_792] {strides = array<i32>} : memref<4096xi32, #tpu.memory_space<vmem>>, vector<16xi32>,
    %add3A_794 = arith.constant 12288 : i32
    %add3A_795 = vector.broadcast %add3A_794 : i32 to vector<16xi32>
    %add3A_796 = arith.addi %get3A_793, %add3A_795 : vector<16xi32>
    tpu.vector_store_idx %arg5[%add3A_796], %broadcast_in_dim3A_7 : memref<16384xf32, #tpu.memory_space<vmem>>[vector<16xi32>], vector<16xf32>,
    %get3A_797 = arith.constant 1440 : index
    %get3A_798 = tpu.vector_load %arg4[%get3A_797] {strides = array<i32>} : memref<4096xi32, #tpu.memory_space<vmem>>, vector<16xi32>,
    %add3A_799 = arith.constant 12288 : i32
    %add3A_800 = vector.broadcast %add3A_799 : i32 to vector<16xi32>
    %add3A_801 = arith.addi %get3A_798, %add3A_800 : vector<16xi32>
    tpu.vector_store_idx %arg5[%add3A_801], %broadcast_in_dim3A_7 : memref<16384xf32, #tpu.memory_space<vmem>>[vector<16xi32>], vector<16xf32>,
    %get3A_802 = arith.constant 1456 : index
    %get3A_803 = tpu.vector_load %arg4[%get3A_802] {strides = array<i32>} : memref<4096xi32, #tpu.memory_space<vmem>>, vector<16xi32>,
    %add3A_804 = arith.constant 12288 : i32
    %add3A_805 = vector.broadcast %add3A_804 : i32 to vector<16xi32>
    %add3A_806 = arith.addi %get3A_803, %add3A_805 : vector<16xi32>
    tpu.vector_store_idx %arg5[%add3A_806], %broadcast_in_dim3A_7 : memref<16384xf32, #tpu.memory_space<vmem>>[vector<16xi32>], vector<16xf32>,
    %get3A_807 = arith.constant 1472 : index
    %get3A_808 = tpu.vector_load %arg4[%get3A_807] {strides = array<i32>} : memref<4096xi32, #tpu.memory_space<vmem>>, vector<16xi32>,
    %add3A_809 = arith.constant 14336 : i32
    %add3A_810 = vector.broadcast %add3A_809 : i32 to vector<16xi32>
    %add3A_811 = arith.addi %get3A_808, %add3A_810 : vector<16xi32>
    tpu.vector_store_idx %arg5[%add3A_811], %broadcast_in_dim3A_7 : memref<16384xf32, #tpu.memory_space<vmem>>[vector<16xi32>], vector<16xf32>,
    %get3A_812 = arith.constant 1488 : index
    %get3A_813 = tpu.vector_load %arg4[%get3A_812] {strides = array<i32>} : memref<4096xi32, #tpu.memory_space<vmem>>, vector<16xi32>,
    %add3A_814 = arith.constant 14336 : i32
    %add3A_815 = vector.broadcast %add3A_814 : i32 to vector<16xi32>
    %add3A_816 = arith.addi %get3A_813, %add3A_815 : vector<16xi32>
    tpu.vector_store_idx %arg5[%add3A_816], %broadcast_in_dim3A_7 : memref<16384xf32, #tpu.memory_space<vmem>>[vector<16xi32>], vector<16xf32>,
    %get3A_817 = arith.constant 1504 : index
    %get3A_818 = tpu.vector_load %arg4[%get3A_817] {strides = array<i32>} : memref<4096xi32, #tpu.memory_space<vmem>>, vector<16xi32>,
    %add3A_819 = arith.constant 14336 : i32
    %add3A_820 = vector.broadcast %add3A_819 : i32 to vector<16xi32>
    %add3A_821 = arith.addi %get3A_818, %add3A_820 : vector<16xi32>
    tpu.vector_store_idx %arg5[%add3A_821], %broadcast_in_dim3A_7 : memref<16384xf32, #tpu.memory_space<vmem>>[vector<16xi32>], vector<16xf32>,
    %get3A_822 = arith.constant 1520 : index
    %get3A_823 = tpu.vector_load %arg4[%get3A_822] {strides = array<i32>} : memref<4096xi32, #tpu.memory_space<vmem>>, vector<16xi32>,
    %add3A_824 = arith.constant 14336 : i32
    %add3A_825 = vector.broadcast %add3A_824 : i32 to vector<16xi32>
    %add3A_826 = arith.addi %get3A_823, %add3A_825 : vector<16xi32>
    tpu.vector_store_idx %arg5[%add3A_826], %broadcast_in_dim3A_7 : memref<16384xf32, #tpu.memory_space<vmem>>[vector<16xi32>], vector<16xf32>,
    %add3A_827 = arith.constant 16 : i32
    %add3A_828 = arith.addi %mul3A_2, %add3A_827 : i32
    %mul3A_829 = arith.constant 2048 : i32
    %mul3A_830 = arith.muli %add3A_828, %mul3A_829 : i32
    %dma_start3A_831 = tpu.memref_slice %arg3[%mul3A_830] : memref<4194304xf32, #tpu.memory_space<hbm>> -> memref<16384xf32, #tpu.memory_space<hbm>>
    %dma_start3A_832 = tpu.memref_slice %arg3[%mul3A_830] : memref<4194304xf32, #tpu.memory_space<hbm>> -> memref<16384xf32, #tpu.memory_space<hbm>>
    tpu.enqueue_dma source(%arg5 : memref<16384xf32, #tpu.memory_space<vmem>>) target(%dma_start3A_832 : memref<16384xf32, #tpu.memory_space<hbm>>) target_semaphore(%arg6 : memref<!tpu.dma_semaphore, #tpu.memory_space<semaphore_mem>>)
    %dma_wait3A_833 = tpu.memref_slice %arg3[%mul3A_830] : memref<4194304xf32, #tpu.memory_space<hbm>> -> memref<16384xf32, #tpu.memory_space<hbm>>
    %dma_wait3A_834 = tpu.memref_slice %arg3[%mul3A_830] : memref<4194304xf32, #tpu.memory_space<hbm>> -> memref<16384xf32, #tpu.memory_space<hbm>>
    tpu.wait_dma2 semaphore(%arg6 : memref<!tpu.dma_semaphore, #tpu.memory_space<semaphore_mem>>) src(%arg5 : memref<16384xf32, #tpu.memory_space<vmem>>) dst(%dma_wait3A_834 : memref<16384xf32, #tpu.memory_space<hbm>>)
    %get3A_835 = arith.constant 1024 : index
    %get3A_836 = tpu.vector_load %arg4[%get3A_835] {strides = array<i32>} : memref<4096xi32, #tpu.memory_space<vmem>>, vector<16xi32>,
    %add3A_837 = arith.constant 0 : i32
    %add3A_838 = vector.broadcast %add3A_837 : i32 to vector<16xi32>
    %add3A_839 = arith.addi %get3A_836, %add3A_838 : vector<16xi32>
    tpu.vector_store_idx %arg5[%add3A_839], %broadcast_in_dim3A_5 : memref<16384xf32, #tpu.memory_space<vmem>>[vector<16xi32>], vector<16xf32>,
    %get3A_840 = arith.constant 1040 : index
    %get3A_841 = tpu.vector_load %arg4[%get3A_840] {strides = array<i32>} : memref<4096xi32, #tpu.memory_space<vmem>>, vector<16xi32>,
    %add3A_842 = arith.constant 0 : i32
    %add3A_843 = vector.broadcast %add3A_842 : i32 to vector<16xi32>
    %add3A_844 = arith.addi %get3A_841, %add3A_843 : vector<16xi32>
    tpu.vector_store_idx %arg5[%add3A_844], %broadcast_in_dim3A_5 : memref<16384xf32, #tpu.memory_space<vmem>>[vector<16xi32>], vector<16xf32>,
    %get3A_845 = arith.constant 1056 : index
    %get3A_846 = tpu.vector_load %arg4[%get3A_845] {strides = array<i32>} : memref<4096xi32, #tpu.memory_space<vmem>>, vector<16xi32>,
    %add3A_847 = arith.constant 0 : i32
    %add3A_848 = vector.broadcast %add3A_847 : i32 to vector<16xi32>
    %add3A_849 = arith.addi %get3A_846, %add3A_848 : vector<16xi32>
    tpu.vector_store_idx %arg5[%add3A_849], %broadcast_in_dim3A_5 : memref<16384xf32, #tpu.memory_space<vmem>>[vector<16xi32>], vector<16xf32>,
    %get3A_850 = arith.constant 1072 : index
    %get3A_851 = tpu.vector_load %arg4[%get3A_850] {strides = array<i32>} : memref<4096xi32, #tpu.memory_space<vmem>>, vector<16xi32>,
    %add3A_852 = arith.constant 0 : i32
    %add3A_853 = vector.broadcast %add3A_852 : i32 to vector<16xi32>
    %add3A_854 = arith.addi %get3A_851, %add3A_853 : vector<16xi32>
    tpu.vector_store_idx %arg5[%add3A_854], %broadcast_in_dim3A_5 : memref<16384xf32, #tpu.memory_space<vmem>>[vector<16xi32>], vector<16xf32>,
    %get3A_855 = arith.constant 1088 : index
    %get3A_856 = tpu.vector_load %arg4[%get3A_855] {strides = array<i32>} : memref<4096xi32, #tpu.memory_space<vmem>>, vector<16xi32>,
    %add3A_857 = arith.constant 2048 : i32
    %add3A_858 = vector.broadcast %add3A_857 : i32 to vector<16xi32>
    %add3A_859 = arith.addi %get3A_856, %add3A_858 : vector<16xi32>
    tpu.vector_store_idx %arg5[%add3A_859], %broadcast_in_dim3A_5 : memref<16384xf32, #tpu.memory_space<vmem>>[vector<16xi32>], vector<16xf32>,
    %get3A_860 = arith.constant 1104 : index
    %get3A_861 = tpu.vector_load %arg4[%get3A_860] {strides = array<i32>} : memref<4096xi32, #tpu.memory_space<vmem>>, vector<16xi32>,
    %add3A_862 = arith.constant 2048 : i32
    %add3A_863 = vector.broadcast %add3A_862 : i32 to vector<16xi32>
    %add3A_864 = arith.addi %get3A_861, %add3A_863 : vector<16xi32>
    tpu.vector_store_idx %arg5[%add3A_864], %broadcast_in_dim3A_5 : memref<16384xf32, #tpu.memory_space<vmem>>[vector<16xi32>], vector<16xf32>,
    %get3A_865 = arith.constant 1120 : index
    %get3A_866 = tpu.vector_load %arg4[%get3A_865] {strides = array<i32>} : memref<4096xi32, #tpu.memory_space<vmem>>, vector<16xi32>,
    %add3A_867 = arith.constant 2048 : i32
    %add3A_868 = vector.broadcast %add3A_867 : i32 to vector<16xi32>
    %add3A_869 = arith.addi %get3A_866, %add3A_868 : vector<16xi32>
    tpu.vector_store_idx %arg5[%add3A_869], %broadcast_in_dim3A_5 : memref<16384xf32, #tpu.memory_space<vmem>>[vector<16xi32>], vector<16xf32>,
    %get3A_870 = arith.constant 1136 : index
    %get3A_871 = tpu.vector_load %arg4[%get3A_870] {strides = array<i32>} : memref<4096xi32, #tpu.memory_space<vmem>>, vector<16xi32>,
    %add3A_872 = arith.constant 2048 : i32
    %add3A_873 = vector.broadcast %add3A_872 : i32 to vector<16xi32>
    %add3A_874 = arith.addi %get3A_871, %add3A_873 : vector<16xi32>
    tpu.vector_store_idx %arg5[%add3A_874], %broadcast_in_dim3A_5 : memref<16384xf32, #tpu.memory_space<vmem>>[vector<16xi32>], vector<16xf32>,
    %get3A_875 = arith.constant 1152 : index
    %get3A_876 = tpu.vector_load %arg4[%get3A_875] {strides = array<i32>} : memref<4096xi32, #tpu.memory_space<vmem>>, vector<16xi32>,
    %add3A_877 = arith.constant 4096 : i32
    %add3A_878 = vector.broadcast %add3A_877 : i32 to vector<16xi32>
    %add3A_879 = arith.addi %get3A_876, %add3A_878 : vector<16xi32>
    tpu.vector_store_idx %arg5[%add3A_879], %broadcast_in_dim3A_5 : memref<16384xf32, #tpu.memory_space<vmem>>[vector<16xi32>], vector<16xf32>,
    %get3A_880 = arith.constant 1168 : index
    %get3A_881 = tpu.vector_load %arg4[%get3A_880] {strides = array<i32>} : memref<4096xi32, #tpu.memory_space<vmem>>, vector<16xi32>,
    %add3A_882 = arith.constant 4096 : i32
    %add3A_883 = vector.broadcast %add3A_882 : i32 to vector<16xi32>
    %add3A_884 = arith.addi %get3A_881, %add3A_883 : vector<16xi32>
    tpu.vector_store_idx %arg5[%add3A_884], %broadcast_in_dim3A_5 : memref<16384xf32, #tpu.memory_space<vmem>>[vector<16xi32>], vector<16xf32>,
    %get3A_885 = arith.constant 1184 : index
    %get3A_886 = tpu.vector_load %arg4[%get3A_885] {strides = array<i32>} : memref<4096xi32, #tpu.memory_space<vmem>>, vector<16xi32>,
    %add3A_887 = arith.constant 4096 : i32
    %add3A_888 = vector.broadcast %add3A_887 : i32 to vector<16xi32>
    %add3A_889 = arith.addi %get3A_886, %add3A_888 : vector<16xi32>
    tpu.vector_store_idx %arg5[%add3A_889], %broadcast_in_dim3A_5 : memref<16384xf32, #tpu.memory_space<vmem>>[vector<16xi32>], vector<16xf32>,
    %get3A_890 = arith.constant 1200 : index
    %get3A_891 = tpu.vector_load %arg4[%get3A_890] {strides = array<i32>} : memref<4096xi32, #tpu.memory_space<vmem>>, vector<16xi32>,
    %add3A_892 = arith.constant 4096 : i32
    %add3A_893 = vector.broadcast %add3A_892 : i32 to vector<16xi32>
    %add3A_894 = arith.addi %get3A_891, %add3A_893 : vector<16xi32>
    tpu.vector_store_idx %arg5[%add3A_894], %broadcast_in_dim3A_5 : memref<16384xf32, #tpu.memory_space<vmem>>[vector<16xi32>], vector<16xf32>,
    %get3A_895 = arith.constant 1216 : index
    %get3A_896 = tpu.vector_load %arg4[%get3A_895] {strides = array<i32>} : memref<4096xi32, #tpu.memory_space<vmem>>, vector<16xi32>,
    %add3A_897 = arith.constant 6144 : i32
    %add3A_898 = vector.broadcast %add3A_897 : i32 to vector<16xi32>
    %add3A_899 = arith.addi %get3A_896, %add3A_898 : vector<16xi32>
    tpu.vector_store_idx %arg5[%add3A_899], %broadcast_in_dim3A_5 : memref<16384xf32, #tpu.memory_space<vmem>>[vector<16xi32>], vector<16xf32>,
    %get3A_900 = arith.constant 1232 : index
    %get3A_901 = tpu.vector_load %arg4[%get3A_900] {strides = array<i32>} : memref<4096xi32, #tpu.memory_space<vmem>>, vector<16xi32>,
    %add3A_902 = arith.constant 6144 : i32
    %add3A_903 = vector.broadcast %add3A_902 : i32 to vector<16xi32>
    %add3A_904 = arith.addi %get3A_901, %add3A_903 : vector<16xi32>
    tpu.vector_store_idx %arg5[%add3A_904], %broadcast_in_dim3A_5 : memref<16384xf32, #tpu.memory_space<vmem>>[vector<16xi32>], vector<16xf32>,
    %get3A_905 = arith.constant 1248 : index
    %get3A_906 = tpu.vector_load %arg4[%get3A_905] {strides = array<i32>} : memref<4096xi32, #tpu.memory_space<vmem>>, vector<16xi32>,
    %add3A_907 = arith.constant 6144 : i32
    %add3A_908 = vector.broadcast %add3A_907 : i32 to vector<16xi32>
    %add3A_909 = arith.addi %get3A_906, %add3A_908 : vector<16xi32>
    tpu.vector_store_idx %arg5[%add3A_909], %broadcast_in_dim3A_5 : memref<16384xf32, #tpu.memory_space<vmem>>[vector<16xi32>], vector<16xf32>,
    %get3A_910 = arith.constant 1264 : index
    %get3A_911 = tpu.vector_load %arg4[%get3A_910] {strides = array<i32>} : memref<4096xi32, #tpu.memory_space<vmem>>, vector<16xi32>,
    %add3A_912 = arith.constant 6144 : i32
    %add3A_913 = vector.broadcast %add3A_912 : i32 to vector<16xi32>
    %add3A_914 = arith.addi %get3A_911, %add3A_913 : vector<16xi32>
    tpu.vector_store_idx %arg5[%add3A_914], %broadcast_in_dim3A_5 : memref<16384xf32, #tpu.memory_space<vmem>>[vector<16xi32>], vector<16xf32>,
    %get3A_915 = arith.constant 1280 : index
    %get3A_916 = tpu.vector_load %arg4[%get3A_915] {strides = array<i32>} : memref<4096xi32, #tpu.memory_space<vmem>>, vector<16xi32>,
    %add3A_917 = arith.constant 8192 : i32
    %add3A_918 = vector.broadcast %add3A_917 : i32 to vector<16xi32>
    %add3A_919 = arith.addi %get3A_916, %add3A_918 : vector<16xi32>
    tpu.vector_store_idx %arg5[%add3A_919], %broadcast_in_dim3A_5 : memref<16384xf32, #tpu.memory_space<vmem>>[vector<16xi32>], vector<16xf32>,
    %get3A_920 = arith.constant 1296 : index
    %get3A_921 = tpu.vector_load %arg4[%get3A_920] {strides = array<i32>} : memref<4096xi32, #tpu.memory_space<vmem>>, vector<16xi32>,
    %add3A_922 = arith.constant 8192 : i32
    %add3A_923 = vector.broadcast %add3A_922 : i32 to vector<16xi32>
    %add3A_924 = arith.addi %get3A_921, %add3A_923 : vector<16xi32>
    tpu.vector_store_idx %arg5[%add3A_924], %broadcast_in_dim3A_5 : memref<16384xf32, #tpu.memory_space<vmem>>[vector<16xi32>], vector<16xf32>,
    %get3A_925 = arith.constant 1312 : index
    %get3A_926 = tpu.vector_load %arg4[%get3A_925] {strides = array<i32>} : memref<4096xi32, #tpu.memory_space<vmem>>, vector<16xi32>,
    %add3A_927 = arith.constant 8192 : i32
    %add3A_928 = vector.broadcast %add3A_927 : i32 to vector<16xi32>
    %add3A_929 = arith.addi %get3A_926, %add3A_928 : vector<16xi32>
    tpu.vector_store_idx %arg5[%add3A_929], %broadcast_in_dim3A_5 : memref<16384xf32, #tpu.memory_space<vmem>>[vector<16xi32>], vector<16xf32>,
    %get3A_930 = arith.constant 1328 : index
    %get3A_931 = tpu.vector_load %arg4[%get3A_930] {strides = array<i32>} : memref<4096xi32, #tpu.memory_space<vmem>>, vector<16xi32>,
    %add3A_932 = arith.constant 8192 : i32
    %add3A_933 = vector.broadcast %add3A_932 : i32 to vector<16xi32>
    %add3A_934 = arith.addi %get3A_931, %add3A_933 : vector<16xi32>
    tpu.vector_store_idx %arg5[%add3A_934], %broadcast_in_dim3A_5 : memref<16384xf32, #tpu.memory_space<vmem>>[vector<16xi32>], vector<16xf32>,
    %get3A_935 = arith.constant 1344 : index
    %get3A_936 = tpu.vector_load %arg4[%get3A_935] {strides = array<i32>} : memref<4096xi32, #tpu.memory_space<vmem>>, vector<16xi32>,
    %add3A_937 = arith.constant 10240 : i32
    %add3A_938 = vector.broadcast %add3A_937 : i32 to vector<16xi32>
    %add3A_939 = arith.addi %get3A_936, %add3A_938 : vector<16xi32>
    tpu.vector_store_idx %arg5[%add3A_939], %broadcast_in_dim3A_5 : memref<16384xf32, #tpu.memory_space<vmem>>[vector<16xi32>], vector<16xf32>,
    %get3A_940 = arith.constant 1360 : index
    %get3A_941 = tpu.vector_load %arg4[%get3A_940] {strides = array<i32>} : memref<4096xi32, #tpu.memory_space<vmem>>, vector<16xi32>,
    %add3A_942 = arith.constant 10240 : i32
    %add3A_943 = vector.broadcast %add3A_942 : i32 to vector<16xi32>
    %add3A_944 = arith.addi %get3A_941, %add3A_943 : vector<16xi32>
    tpu.vector_store_idx %arg5[%add3A_944], %broadcast_in_dim3A_5 : memref<16384xf32, #tpu.memory_space<vmem>>[vector<16xi32>], vector<16xf32>,
    %get3A_945 = arith.constant 1376 : index
    %get3A_946 = tpu.vector_load %arg4[%get3A_945] {strides = array<i32>} : memref<4096xi32, #tpu.memory_space<vmem>>, vector<16xi32>,
    %add3A_947 = arith.constant 10240 : i32
    %add3A_948 = vector.broadcast %add3A_947 : i32 to vector<16xi32>
    %add3A_949 = arith.addi %get3A_946, %add3A_948 : vector<16xi32>
    tpu.vector_store_idx %arg5[%add3A_949], %broadcast_in_dim3A_5 : memref<16384xf32, #tpu.memory_space<vmem>>[vector<16xi32>], vector<16xf32>,
    %get3A_950 = arith.constant 1392 : index
    %get3A_951 = tpu.vector_load %arg4[%get3A_950] {strides = array<i32>} : memref<4096xi32, #tpu.memory_space<vmem>>, vector<16xi32>,
    %add3A_952 = arith.constant 10240 : i32
    %add3A_953 = vector.broadcast %add3A_952 : i32 to vector<16xi32>
    %add3A_954 = arith.addi %get3A_951, %add3A_953 : vector<16xi32>
    tpu.vector_store_idx %arg5[%add3A_954], %broadcast_in_dim3A_5 : memref<16384xf32, #tpu.memory_space<vmem>>[vector<16xi32>], vector<16xf32>,
    %get3A_955 = arith.constant 1408 : index
    %get3A_956 = tpu.vector_load %arg4[%get3A_955] {strides = array<i32>} : memref<4096xi32, #tpu.memory_space<vmem>>, vector<16xi32>,
    %add3A_957 = arith.constant 12288 : i32
    %add3A_958 = vector.broadcast %add3A_957 : i32 to vector<16xi32>
    %add3A_959 = arith.addi %get3A_956, %add3A_958 : vector<16xi32>
    tpu.vector_store_idx %arg5[%add3A_959], %broadcast_in_dim3A_5 : memref<16384xf32, #tpu.memory_space<vmem>>[vector<16xi32>], vector<16xf32>,
    %get3A_960 = arith.constant 1424 : index
    %get3A_961 = tpu.vector_load %arg4[%get3A_960] {strides = array<i32>} : memref<4096xi32, #tpu.memory_space<vmem>>, vector<16xi32>,
    %add3A_962 = arith.constant 12288 : i32
    %add3A_963 = vector.broadcast %add3A_962 : i32 to vector<16xi32>
    %add3A_964 = arith.addi %get3A_961, %add3A_963 : vector<16xi32>
    tpu.vector_store_idx %arg5[%add3A_964], %broadcast_in_dim3A_5 : memref<16384xf32, #tpu.memory_space<vmem>>[vector<16xi32>], vector<16xf32>,
    %get3A_965 = arith.constant 1440 : index
    %get3A_966 = tpu.vector_load %arg4[%get3A_965] {strides = array<i32>} : memref<4096xi32, #tpu.memory_space<vmem>>, vector<16xi32>,
    %add3A_967 = arith.constant 12288 : i32
    %add3A_968 = vector.broadcast %add3A_967 : i32 to vector<16xi32>
    %add3A_969 = arith.addi %get3A_966, %add3A_968 : vector<16xi32>
    tpu.vector_store_idx %arg5[%add3A_969], %broadcast_in_dim3A_5 : memref<16384xf32, #tpu.memory_space<vmem>>[vector<16xi32>], vector<16xf32>,
    %get3A_970 = arith.constant 1456 : index
    %get3A_971 = tpu.vector_load %arg4[%get3A_970] {strides = array<i32>} : memref<4096xi32, #tpu.memory_space<vmem>>, vector<16xi32>,
    %add3A_972 = arith.constant 12288 : i32
    %add3A_973 = vector.broadcast %add3A_972 : i32 to vector<16xi32>
    %add3A_974 = arith.addi %get3A_971, %add3A_973 : vector<16xi32>
    tpu.vector_store_idx %arg5[%add3A_974], %broadcast_in_dim3A_5 : memref<16384xf32, #tpu.memory_space<vmem>>[vector<16xi32>], vector<16xf32>,
    %get3A_975 = arith.constant 1472 : index
    %get3A_976 = tpu.vector_load %arg4[%get3A_975] {strides = array<i32>} : memref<4096xi32, #tpu.memory_space<vmem>>, vector<16xi32>,
    %add3A_977 = arith.constant 14336 : i32
    %add3A_978 = vector.broadcast %add3A_977 : i32 to vector<16xi32>
    %add3A_979 = arith.addi %get3A_976, %add3A_978 : vector<16xi32>
    tpu.vector_store_idx %arg5[%add3A_979], %broadcast_in_dim3A_5 : memref<16384xf32, #tpu.memory_space<vmem>>[vector<16xi32>], vector<16xf32>,
    %get3A_980 = arith.constant 1488 : index
    %get3A_981 = tpu.vector_load %arg4[%get3A_980] {strides = array<i32>} : memref<4096xi32, #tpu.memory_space<vmem>>, vector<16xi32>,
    %add3A_982 = arith.constant 14336 : i32
    %add3A_983 = vector.broadcast %add3A_982 : i32 to vector<16xi32>
    %add3A_984 = arith.addi %get3A_981, %add3A_983 : vector<16xi32>
    tpu.vector_store_idx %arg5[%add3A_984], %broadcast_in_dim3A_5 : memref<16384xf32, #tpu.memory_space<vmem>>[vector<16xi32>], vector<16xf32>,
    %get3A_985 = arith.constant 1504 : index
    %get3A_986 = tpu.vector_load %arg4[%get3A_985] {strides = array<i32>} : memref<4096xi32, #tpu.memory_space<vmem>>, vector<16xi32>,
    %add3A_987 = arith.constant 14336 : i32
    %add3A_988 = vector.broadcast %add3A_987 : i32 to vector<16xi32>
    %add3A_989 = arith.addi %get3A_986, %add3A_988 : vector<16xi32>
    tpu.vector_store_idx %arg5[%add3A_989], %broadcast_in_dim3A_5 : memref<16384xf32, #tpu.memory_space<vmem>>[vector<16xi32>], vector<16xf32>,
    %get3A_990 = arith.constant 1520 : index
    %get3A_991 = tpu.vector_load %arg4[%get3A_990] {strides = array<i32>} : memref<4096xi32, #tpu.memory_space<vmem>>, vector<16xi32>,
    %add3A_992 = arith.constant 14336 : i32
    %add3A_993 = vector.broadcast %add3A_992 : i32 to vector<16xi32>
    %add3A_994 = arith.addi %get3A_991, %add3A_993 : vector<16xi32>
    tpu.vector_store_idx %arg5[%add3A_994], %broadcast_in_dim3A_5 : memref<16384xf32, #tpu.memory_space<vmem>>[vector<16xi32>], vector<16xf32>,
    %get3A_995 = arith.constant 1536 : index
    %get3A_996 = tpu.vector_load %arg4[%get3A_995] {strides = array<i32>} : memref<4096xi32, #tpu.memory_space<vmem>>, vector<16xi32>,
    %add3A_997 = arith.constant 0 : i32
    %add3A_998 = vector.broadcast %add3A_997 : i32 to vector<16xi32>
    %add3A_999 = arith.addi %get3A_996, %add3A_998 : vector<16xi32>
    tpu.vector_store_idx %arg5[%add3A_999], %broadcast_in_dim3A_7 : memref<16384xf32, #tpu.memory_space<vmem>>[vector<16xi32>], vector<16xf32>,
    %get3A_1000 = arith.constant 1552 : index
    %get3A_1001 = tpu.vector_load %arg4[%get3A_1000] {strides = array<i32>} : memref<4096xi32, #tpu.memory_space<vmem>>, vector<16xi32>,
    %add3A_1002 = arith.constant 0 : i32
    %add3A_1003 = vector.broadcast %add3A_1002 : i32 to vector<16xi32>
    %add3A_1004 = arith.addi %get3A_1001, %add3A_1003 : vector<16xi32>
    tpu.vector_store_idx %arg5[%add3A_1004], %broadcast_in_dim3A_7 : memref<16384xf32, #tpu.memory_space<vmem>>[vector<16xi32>], vector<16xf32>,
    %get3A_1005 = arith.constant 1568 : index
    %get3A_1006 = tpu.vector_load %arg4[%get3A_1005] {strides = array<i32>} : memref<4096xi32, #tpu.memory_space<vmem>>, vector<16xi32>,
    %add3A_1007 = arith.constant 0 : i32
    %add3A_1008 = vector.broadcast %add3A_1007 : i32 to vector<16xi32>
    %add3A_1009 = arith.addi %get3A_1006, %add3A_1008 : vector<16xi32>
    tpu.vector_store_idx %arg5[%add3A_1009], %broadcast_in_dim3A_7 : memref<16384xf32, #tpu.memory_space<vmem>>[vector<16xi32>], vector<16xf32>,
    %get3A_1010 = arith.constant 1584 : index
    %get3A_1011 = tpu.vector_load %arg4[%get3A_1010] {strides = array<i32>} : memref<4096xi32, #tpu.memory_space<vmem>>, vector<16xi32>,
    %add3A_1012 = arith.constant 0 : i32
    %add3A_1013 = vector.broadcast %add3A_1012 : i32 to vector<16xi32>
    %add3A_1014 = arith.addi %get3A_1011, %add3A_1013 : vector<16xi32>
    tpu.vector_store_idx %arg5[%add3A_1014], %broadcast_in_dim3A_7 : memref<16384xf32, #tpu.memory_space<vmem>>[vector<16xi32>], vector<16xf32>,
    %get3A_1015 = arith.constant 1600 : index
    %get3A_1016 = tpu.vector_load %arg4[%get3A_1015] {strides = array<i32>} : memref<4096xi32, #tpu.memory_space<vmem>>, vector<16xi32>,
    %add3A_1017 = arith.constant 2048 : i32
    %add3A_1018 = vector.broadcast %add3A_1017 : i32 to vector<16xi32>
    %add3A_1019 = arith.addi %get3A_1016, %add3A_1018 : vector<16xi32>
    tpu.vector_store_idx %arg5[%add3A_1019], %broadcast_in_dim3A_7 : memref<16384xf32, #tpu.memory_space<vmem>>[vector<16xi32>], vector<16xf32>,
    %get3A_1020 = arith.constant 1616 : index
    %get3A_1021 = tpu.vector_load %arg4[%get3A_1020] {strides = array<i32>} : memref<4096xi32, #tpu.memory_space<vmem>>, vector<16xi32>,
    %add3A_1022 = arith.constant 2048 : i32
    %add3A_1023 = vector.broadcast %add3A_1022 : i32 to vector<16xi32>
    %add3A_1024 = arith.addi %get3A_1021, %add3A_1023 : vector<16xi32>
    tpu.vector_store_idx %arg5[%add3A_1024], %broadcast_in_dim3A_7 : memref<16384xf32, #tpu.memory_space<vmem>>[vector<16xi32>], vector<16xf32>,
    %get3A_1025 = arith.constant 1632 : index
    %get3A_1026 = tpu.vector_load %arg4[%get3A_1025] {strides = array<i32>} : memref<4096xi32, #tpu.memory_space<vmem>>, vector<16xi32>,
    %add3A_1027 = arith.constant 2048 : i32
    %add3A_1028 = vector.broadcast %add3A_1027 : i32 to vector<16xi32>
    %add3A_1029 = arith.addi %get3A_1026, %add3A_1028 : vector<16xi32>
    tpu.vector_store_idx %arg5[%add3A_1029], %broadcast_in_dim3A_7 : memref<16384xf32, #tpu.memory_space<vmem>>[vector<16xi32>], vector<16xf32>,
    %get3A_1030 = arith.constant 1648 : index
    %get3A_1031 = tpu.vector_load %arg4[%get3A_1030] {strides = array<i32>} : memref<4096xi32, #tpu.memory_space<vmem>>, vector<16xi32>,
    %add3A_1032 = arith.constant 2048 : i32
    %add3A_1033 = vector.broadcast %add3A_1032 : i32 to vector<16xi32>
    %add3A_1034 = arith.addi %get3A_1031, %add3A_1033 : vector<16xi32>
    tpu.vector_store_idx %arg5[%add3A_1034], %broadcast_in_dim3A_7 : memref<16384xf32, #tpu.memory_space<vmem>>[vector<16xi32>], vector<16xf32>,
    %get3A_1035 = arith.constant 1664 : index
    %get3A_1036 = tpu.vector_load %arg4[%get3A_1035] {strides = array<i32>} : memref<4096xi32, #tpu.memory_space<vmem>>, vector<16xi32>,
    %add3A_1037 = arith.constant 4096 : i32
    %add3A_1038 = vector.broadcast %add3A_1037 : i32 to vector<16xi32>
    %add3A_1039 = arith.addi %get3A_1036, %add3A_1038 : vector<16xi32>
    tpu.vector_store_idx %arg5[%add3A_1039], %broadcast_in_dim3A_7 : memref<16384xf32, #tpu.memory_space<vmem>>[vector<16xi32>], vector<16xf32>,
    %get3A_1040 = arith.constant 1680 : index
    %get3A_1041 = tpu.vector_load %arg4[%get3A_1040] {strides = array<i32>} : memref<4096xi32, #tpu.memory_space<vmem>>, vector<16xi32>,
    %add3A_1042 = arith.constant 4096 : i32
    %add3A_1043 = vector.broadcast %add3A_1042 : i32 to vector<16xi32>
    %add3A_1044 = arith.addi %get3A_1041, %add3A_1043 : vector<16xi32>
    tpu.vector_store_idx %arg5[%add3A_1044], %broadcast_in_dim3A_7 : memref<16384xf32, #tpu.memory_space<vmem>>[vector<16xi32>], vector<16xf32>,
    %get3A_1045 = arith.constant 1696 : index
    %get3A_1046 = tpu.vector_load %arg4[%get3A_1045] {strides = array<i32>} : memref<4096xi32, #tpu.memory_space<vmem>>, vector<16xi32>,
    %add3A_1047 = arith.constant 4096 : i32
    %add3A_1048 = vector.broadcast %add3A_1047 : i32 to vector<16xi32>
    %add3A_1049 = arith.addi %get3A_1046, %add3A_1048 : vector<16xi32>
    tpu.vector_store_idx %arg5[%add3A_1049], %broadcast_in_dim3A_7 : memref<16384xf32, #tpu.memory_space<vmem>>[vector<16xi32>], vector<16xf32>,
    %get3A_1050 = arith.constant 1712 : index
    %get3A_1051 = tpu.vector_load %arg4[%get3A_1050] {strides = array<i32>} : memref<4096xi32, #tpu.memory_space<vmem>>, vector<16xi32>,
    %add3A_1052 = arith.constant 4096 : i32
    %add3A_1053 = vector.broadcast %add3A_1052 : i32 to vector<16xi32>
    %add3A_1054 = arith.addi %get3A_1051, %add3A_1053 : vector<16xi32>
    tpu.vector_store_idx %arg5[%add3A_1054], %broadcast_in_dim3A_7 : memref<16384xf32, #tpu.memory_space<vmem>>[vector<16xi32>], vector<16xf32>,
    %get3A_1055 = arith.constant 1728 : index
    %get3A_1056 = tpu.vector_load %arg4[%get3A_1055] {strides = array<i32>} : memref<4096xi32, #tpu.memory_space<vmem>>, vector<16xi32>,
    %add3A_1057 = arith.constant 6144 : i32
    %add3A_1058 = vector.broadcast %add3A_1057 : i32 to vector<16xi32>
    %add3A_1059 = arith.addi %get3A_1056, %add3A_1058 : vector<16xi32>
    tpu.vector_store_idx %arg5[%add3A_1059], %broadcast_in_dim3A_7 : memref<16384xf32, #tpu.memory_space<vmem>>[vector<16xi32>], vector<16xf32>,
    %get3A_1060 = arith.constant 1744 : index
    %get3A_1061 = tpu.vector_load %arg4[%get3A_1060] {strides = array<i32>} : memref<4096xi32, #tpu.memory_space<vmem>>, vector<16xi32>,
    %add3A_1062 = arith.constant 6144 : i32
    %add3A_1063 = vector.broadcast %add3A_1062 : i32 to vector<16xi32>
    %add3A_1064 = arith.addi %get3A_1061, %add3A_1063 : vector<16xi32>
    tpu.vector_store_idx %arg5[%add3A_1064], %broadcast_in_dim3A_7 : memref<16384xf32, #tpu.memory_space<vmem>>[vector<16xi32>], vector<16xf32>,
    %get3A_1065 = arith.constant 1760 : index
    %get3A_1066 = tpu.vector_load %arg4[%get3A_1065] {strides = array<i32>} : memref<4096xi32, #tpu.memory_space<vmem>>, vector<16xi32>,
    %add3A_1067 = arith.constant 6144 : i32
    %add3A_1068 = vector.broadcast %add3A_1067 : i32 to vector<16xi32>
    %add3A_1069 = arith.addi %get3A_1066, %add3A_1068 : vector<16xi32>
    tpu.vector_store_idx %arg5[%add3A_1069], %broadcast_in_dim3A_7 : memref<16384xf32, #tpu.memory_space<vmem>>[vector<16xi32>], vector<16xf32>,
    %get3A_1070 = arith.constant 1776 : index
    %get3A_1071 = tpu.vector_load %arg4[%get3A_1070] {strides = array<i32>} : memref<4096xi32, #tpu.memory_space<vmem>>, vector<16xi32>,
    %add3A_1072 = arith.constant 6144 : i32
    %add3A_1073 = vector.broadcast %add3A_1072 : i32 to vector<16xi32>
    %add3A_1074 = arith.addi %get3A_1071, %add3A_1073 : vector<16xi32>
    tpu.vector_store_idx %arg5[%add3A_1074], %broadcast_in_dim3A_7 : memref<16384xf32, #tpu.memory_space<vmem>>[vector<16xi32>], vector<16xf32>,
    %get3A_1075 = arith.constant 1792 : index
    %get3A_1076 = tpu.vector_load %arg4[%get3A_1075] {strides = array<i32>} : memref<4096xi32, #tpu.memory_space<vmem>>, vector<16xi32>,
    %add3A_1077 = arith.constant 8192 : i32
    %add3A_1078 = vector.broadcast %add3A_1077 : i32 to vector<16xi32>
    %add3A_1079 = arith.addi %get3A_1076, %add3A_1078 : vector<16xi32>
    tpu.vector_store_idx %arg5[%add3A_1079], %broadcast_in_dim3A_7 : memref<16384xf32, #tpu.memory_space<vmem>>[vector<16xi32>], vector<16xf32>,
    %get3A_1080 = arith.constant 1808 : index
    %get3A_1081 = tpu.vector_load %arg4[%get3A_1080] {strides = array<i32>} : memref<4096xi32, #tpu.memory_space<vmem>>, vector<16xi32>,
    %add3A_1082 = arith.constant 8192 : i32
    %add3A_1083 = vector.broadcast %add3A_1082 : i32 to vector<16xi32>
    %add3A_1084 = arith.addi %get3A_1081, %add3A_1083 : vector<16xi32>
    tpu.vector_store_idx %arg5[%add3A_1084], %broadcast_in_dim3A_7 : memref<16384xf32, #tpu.memory_space<vmem>>[vector<16xi32>], vector<16xf32>,
    %get3A_1085 = arith.constant 1824 : index
    %get3A_1086 = tpu.vector_load %arg4[%get3A_1085] {strides = array<i32>} : memref<4096xi32, #tpu.memory_space<vmem>>, vector<16xi32>,
    %add3A_1087 = arith.constant 8192 : i32
    %add3A_1088 = vector.broadcast %add3A_1087 : i32 to vector<16xi32>
    %add3A_1089 = arith.addi %get3A_1086, %add3A_1088 : vector<16xi32>
    tpu.vector_store_idx %arg5[%add3A_1089], %broadcast_in_dim3A_7 : memref<16384xf32, #tpu.memory_space<vmem>>[vector<16xi32>], vector<16xf32>,
    %get3A_1090 = arith.constant 1840 : index
    %get3A_1091 = tpu.vector_load %arg4[%get3A_1090] {strides = array<i32>} : memref<4096xi32, #tpu.memory_space<vmem>>, vector<16xi32>,
    %add3A_1092 = arith.constant 8192 : i32
    %add3A_1093 = vector.broadcast %add3A_1092 : i32 to vector<16xi32>
    %add3A_1094 = arith.addi %get3A_1091, %add3A_1093 : vector<16xi32>
    tpu.vector_store_idx %arg5[%add3A_1094], %broadcast_in_dim3A_7 : memref<16384xf32, #tpu.memory_space<vmem>>[vector<16xi32>], vector<16xf32>,
    %get3A_1095 = arith.constant 1856 : index
    %get3A_1096 = tpu.vector_load %arg4[%get3A_1095] {strides = array<i32>} : memref<4096xi32, #tpu.memory_space<vmem>>, vector<16xi32>,
    %add3A_1097 = arith.constant 10240 : i32
    %add3A_1098 = vector.broadcast %add3A_1097 : i32 to vector<16xi32>
    %add3A_1099 = arith.addi %get3A_1096, %add3A_1098 : vector<16xi32>
    tpu.vector_store_idx %arg5[%add3A_1099], %broadcast_in_dim3A_7 : memref<16384xf32, #tpu.memory_space<vmem>>[vector<16xi32>], vector<16xf32>,
    %get3A_1100 = arith.constant 1872 : index
    %get3A_1101 = tpu.vector_load %arg4[%get3A_1100] {strides = array<i32>} : memref<4096xi32, #tpu.memory_space<vmem>>, vector<16xi32>,
    %add3A_1102 = arith.constant 10240 : i32
    %add3A_1103 = vector.broadcast %add3A_1102 : i32 to vector<16xi32>
    %add3A_1104 = arith.addi %get3A_1101, %add3A_1103 : vector<16xi32>
    tpu.vector_store_idx %arg5[%add3A_1104], %broadcast_in_dim3A_7 : memref<16384xf32, #tpu.memory_space<vmem>>[vector<16xi32>], vector<16xf32>,
    %get3A_1105 = arith.constant 1888 : index
    %get3A_1106 = tpu.vector_load %arg4[%get3A_1105] {strides = array<i32>} : memref<4096xi32, #tpu.memory_space<vmem>>, vector<16xi32>,
    %add3A_1107 = arith.constant 10240 : i32
    %add3A_1108 = vector.broadcast %add3A_1107 : i32 to vector<16xi32>
    %add3A_1109 = arith.addi %get3A_1106, %add3A_1108 : vector<16xi32>
    tpu.vector_store_idx %arg5[%add3A_1109], %broadcast_in_dim3A_7 : memref<16384xf32, #tpu.memory_space<vmem>>[vector<16xi32>], vector<16xf32>,
    %get3A_1110 = arith.constant 1904 : index
    %get3A_1111 = tpu.vector_load %arg4[%get3A_1110] {strides = array<i32>} : memref<4096xi32, #tpu.memory_space<vmem>>, vector<16xi32>,
    %add3A_1112 = arith.constant 10240 : i32
    %add3A_1113 = vector.broadcast %add3A_1112 : i32 to vector<16xi32>
    %add3A_1114 = arith.addi %get3A_1111, %add3A_1113 : vector<16xi32>
    tpu.vector_store_idx %arg5[%add3A_1114], %broadcast_in_dim3A_7 : memref<16384xf32, #tpu.memory_space<vmem>>[vector<16xi32>], vector<16xf32>,
    %get3A_1115 = arith.constant 1920 : index
    %get3A_1116 = tpu.vector_load %arg4[%get3A_1115] {strides = array<i32>} : memref<4096xi32, #tpu.memory_space<vmem>>, vector<16xi32>,
    %add3A_1117 = arith.constant 12288 : i32
    %add3A_1118 = vector.broadcast %add3A_1117 : i32 to vector<16xi32>
    %add3A_1119 = arith.addi %get3A_1116, %add3A_1118 : vector<16xi32>
    tpu.vector_store_idx %arg5[%add3A_1119], %broadcast_in_dim3A_7 : memref<16384xf32, #tpu.memory_space<vmem>>[vector<16xi32>], vector<16xf32>,
    %get3A_1120 = arith.constant 1936 : index
    %get3A_1121 = tpu.vector_load %arg4[%get3A_1120] {strides = array<i32>} : memref<4096xi32, #tpu.memory_space<vmem>>, vector<16xi32>,
    %add3A_1122 = arith.constant 12288 : i32
    %add3A_1123 = vector.broadcast %add3A_1122 : i32 to vector<16xi32>
    %add3A_1124 = arith.addi %get3A_1121, %add3A_1123 : vector<16xi32>
    tpu.vector_store_idx %arg5[%add3A_1124], %broadcast_in_dim3A_7 : memref<16384xf32, #tpu.memory_space<vmem>>[vector<16xi32>], vector<16xf32>,
    %get3A_1125 = arith.constant 1952 : index
    %get3A_1126 = tpu.vector_load %arg4[%get3A_1125] {strides = array<i32>} : memref<4096xi32, #tpu.memory_space<vmem>>, vector<16xi32>,
    %add3A_1127 = arith.constant 12288 : i32
    %add3A_1128 = vector.broadcast %add3A_1127 : i32 to vector<16xi32>
    %add3A_1129 = arith.addi %get3A_1126, %add3A_1128 : vector<16xi32>
    tpu.vector_store_idx %arg5[%add3A_1129], %broadcast_in_dim3A_7 : memref<16384xf32, #tpu.memory_space<vmem>>[vector<16xi32>], vector<16xf32>,
    %get3A_1130 = arith.constant 1968 : index
    %get3A_1131 = tpu.vector_load %arg4[%get3A_1130] {strides = array<i32>} : memref<4096xi32, #tpu.memory_space<vmem>>, vector<16xi32>,
    %add3A_1132 = arith.constant 12288 : i32
    %add3A_1133 = vector.broadcast %add3A_1132 : i32 to vector<16xi32>
    %add3A_1134 = arith.addi %get3A_1131, %add3A_1133 : vector<16xi32>
    tpu.vector_store_idx %arg5[%add3A_1134], %broadcast_in_dim3A_7 : memref<16384xf32, #tpu.memory_space<vmem>>[vector<16xi32>], vector<16xf32>,
    %get3A_1135 = arith.constant 1984 : index
    %get3A_1136 = tpu.vector_load %arg4[%get3A_1135] {strides = array<i32>} : memref<4096xi32, #tpu.memory_space<vmem>>, vector<16xi32>,
    %add3A_1137 = arith.constant 14336 : i32
    %add3A_1138 = vector.broadcast %add3A_1137 : i32 to vector<16xi32>
    %add3A_1139 = arith.addi %get3A_1136, %add3A_1138 : vector<16xi32>
    tpu.vector_store_idx %arg5[%add3A_1139], %broadcast_in_dim3A_7 : memref<16384xf32, #tpu.memory_space<vmem>>[vector<16xi32>], vector<16xf32>,
    %get3A_1140 = arith.constant 2000 : index
    %get3A_1141 = tpu.vector_load %arg4[%get3A_1140] {strides = array<i32>} : memref<4096xi32, #tpu.memory_space<vmem>>, vector<16xi32>,
    %add3A_1142 = arith.constant 14336 : i32
    %add3A_1143 = vector.broadcast %add3A_1142 : i32 to vector<16xi32>
    %add3A_1144 = arith.addi %get3A_1141, %add3A_1143 : vector<16xi32>
    tpu.vector_store_idx %arg5[%add3A_1144], %broadcast_in_dim3A_7 : memref<16384xf32, #tpu.memory_space<vmem>>[vector<16xi32>], vector<16xf32>,
    %get3A_1145 = arith.constant 2016 : index
    %get3A_1146 = tpu.vector_load %arg4[%get3A_1145] {strides = array<i32>} : memref<4096xi32, #tpu.memory_space<vmem>>, vector<16xi32>,
    %add3A_1147 = arith.constant 14336 : i32
    %add3A_1148 = vector.broadcast %add3A_1147 : i32 to vector<16xi32>
    %add3A_1149 = arith.addi %get3A_1146, %add3A_1148 : vector<16xi32>
    tpu.vector_store_idx %arg5[%add3A_1149], %broadcast_in_dim3A_7 : memref<16384xf32, #tpu.memory_space<vmem>>[vector<16xi32>], vector<16xf32>,
    %get3A_1150 = arith.constant 2032 : index
    %get3A_1151 = tpu.vector_load %arg4[%get3A_1150] {strides = array<i32>} : memref<4096xi32, #tpu.memory_space<vmem>>, vector<16xi32>,
    %add3A_1152 = arith.constant 14336 : i32
    %add3A_1153 = vector.broadcast %add3A_1152 : i32 to vector<16xi32>
    %add3A_1154 = arith.addi %get3A_1151, %add3A_1153 : vector<16xi32>
    tpu.vector_store_idx %arg5[%add3A_1154], %broadcast_in_dim3A_7 : memref<16384xf32, #tpu.memory_space<vmem>>[vector<16xi32>], vector<16xf32>,
    %add3A_1155 = arith.constant 24 : i32
    %add3A_1156 = arith.addi %mul3A_2, %add3A_1155 : i32
    %mul3A_1157 = arith.constant 2048 : i32
    %mul3A_1158 = arith.muli %add3A_1156, %mul3A_1157 : i32
    %dma_start3A_1159 = tpu.memref_slice %arg3[%mul3A_1158] : memref<4194304xf32, #tpu.memory_space<hbm>> -> memref<16384xf32, #tpu.memory_space<hbm>>
    %dma_start3A_1160 = tpu.memref_slice %arg3[%mul3A_1158] : memref<4194304xf32, #tpu.memory_space<hbm>> -> memref<16384xf32, #tpu.memory_space<hbm>>
    tpu.enqueue_dma source(%arg5 : memref<16384xf32, #tpu.memory_space<vmem>>) target(%dma_start3A_1160 : memref<16384xf32, #tpu.memory_space<hbm>>) target_semaphore(%arg6 : memref<!tpu.dma_semaphore, #tpu.memory_space<semaphore_mem>>)
    %dma_wait3A_1161 = tpu.memref_slice %arg3[%mul3A_1158] : memref<4194304xf32, #tpu.memory_space<hbm>> -> memref<16384xf32, #tpu.memory_space<hbm>>
    %dma_wait3A_1162 = tpu.memref_slice %arg3[%mul3A_1158] : memref<4194304xf32, #tpu.memory_space<hbm>> -> memref<16384xf32, #tpu.memory_space<hbm>>
    tpu.wait_dma2 semaphore(%arg6 : memref<!tpu.dma_semaphore, #tpu.memory_space<semaphore_mem>>) src(%arg5 : memref<16384xf32, #tpu.memory_space<vmem>>) dst(%dma_wait3A_1162 : memref<16384xf32, #tpu.memory_space<hbm>>)
    %get3A_1163 = arith.constant 1536 : index
    %get3A_1164 = tpu.vector_load %arg4[%get3A_1163] {strides = array<i32>} : memref<4096xi32, #tpu.memory_space<vmem>>, vector<16xi32>,
    %add3A_1165 = arith.constant 0 : i32
    %add3A_1166 = vector.broadcast %add3A_1165 : i32 to vector<16xi32>
    %add3A_1167 = arith.addi %get3A_1164, %add3A_1166 : vector<16xi32>
    tpu.vector_store_idx %arg5[%add3A_1167], %broadcast_in_dim3A_5 : memref<16384xf32, #tpu.memory_space<vmem>>[vector<16xi32>], vector<16xf32>,
    %get3A_1168 = arith.constant 1552 : index
    %get3A_1169 = tpu.vector_load %arg4[%get3A_1168] {strides = array<i32>} : memref<4096xi32, #tpu.memory_space<vmem>>, vector<16xi32>,
    %add3A_1170 = arith.constant 0 : i32
    %add3A_1171 = vector.broadcast %add3A_1170 : i32 to vector<16xi32>
    %add3A_1172 = arith.addi %get3A_1169, %add3A_1171 : vector<16xi32>
    tpu.vector_store_idx %arg5[%add3A_1172], %broadcast_in_dim3A_5 : memref<16384xf32, #tpu.memory_space<vmem>>[vector<16xi32>], vector<16xf32>,
    %get3A_1173 = arith.constant 1568 : index
    %get3A_1174 = tpu.vector_load %arg4[%get3A_1173] {strides = array<i32>} : memref<4096xi32, #tpu.memory_space<vmem>>, vector<16xi32>,
    %add3A_1175 = arith.constant 0 : i32
    %add3A_1176 = vector.broadcast %add3A_1175 : i32 to vector<16xi32>
    %add3A_1177 = arith.addi %get3A_1174, %add3A_1176 : vector<16xi32>
    tpu.vector_store_idx %arg5[%add3A_1177], %broadcast_in_dim3A_5 : memref<16384xf32, #tpu.memory_space<vmem>>[vector<16xi32>], vector<16xf32>,
    %get3A_1178 = arith.constant 1584 : index
    %get3A_1179 = tpu.vector_load %arg4[%get3A_1178] {strides = array<i32>} : memref<4096xi32, #tpu.memory_space<vmem>>, vector<16xi32>,
    %add3A_1180 = arith.constant 0 : i32
    %add3A_1181 = vector.broadcast %add3A_1180 : i32 to vector<16xi32>
    %add3A_1182 = arith.addi %get3A_1179, %add3A_1181 : vector<16xi32>
    tpu.vector_store_idx %arg5[%add3A_1182], %broadcast_in_dim3A_5 : memref<16384xf32, #tpu.memory_space<vmem>>[vector<16xi32>], vector<16xf32>,
    %get3A_1183 = arith.constant 1600 : index
    %get3A_1184 = tpu.vector_load %arg4[%get3A_1183] {strides = array<i32>} : memref<4096xi32, #tpu.memory_space<vmem>>, vector<16xi32>,
    %add3A_1185 = arith.constant 2048 : i32
    %add3A_1186 = vector.broadcast %add3A_1185 : i32 to vector<16xi32>
    %add3A_1187 = arith.addi %get3A_1184, %add3A_1186 : vector<16xi32>
    tpu.vector_store_idx %arg5[%add3A_1187], %broadcast_in_dim3A_5 : memref<16384xf32, #tpu.memory_space<vmem>>[vector<16xi32>], vector<16xf32>,
    %get3A_1188 = arith.constant 1616 : index
    %get3A_1189 = tpu.vector_load %arg4[%get3A_1188] {strides = array<i32>} : memref<4096xi32, #tpu.memory_space<vmem>>, vector<16xi32>,
    %add3A_1190 = arith.constant 2048 : i32
    %add3A_1191 = vector.broadcast %add3A_1190 : i32 to vector<16xi32>
    %add3A_1192 = arith.addi %get3A_1189, %add3A_1191 : vector<16xi32>
    tpu.vector_store_idx %arg5[%add3A_1192], %broadcast_in_dim3A_5 : memref<16384xf32, #tpu.memory_space<vmem>>[vector<16xi32>], vector<16xf32>,
    %get3A_1193 = arith.constant 1632 : index
    %get3A_1194 = tpu.vector_load %arg4[%get3A_1193] {strides = array<i32>} : memref<4096xi32, #tpu.memory_space<vmem>>, vector<16xi32>,
    %add3A_1195 = arith.constant 2048 : i32
    %add3A_1196 = vector.broadcast %add3A_1195 : i32 to vector<16xi32>
    %add3A_1197 = arith.addi %get3A_1194, %add3A_1196 : vector<16xi32>
    tpu.vector_store_idx %arg5[%add3A_1197], %broadcast_in_dim3A_5 : memref<16384xf32, #tpu.memory_space<vmem>>[vector<16xi32>], vector<16xf32>,
    %get3A_1198 = arith.constant 1648 : index
    %get3A_1199 = tpu.vector_load %arg4[%get3A_1198] {strides = array<i32>} : memref<4096xi32, #tpu.memory_space<vmem>>, vector<16xi32>,
    %add3A_1200 = arith.constant 2048 : i32
    %add3A_1201 = vector.broadcast %add3A_1200 : i32 to vector<16xi32>
    %add3A_1202 = arith.addi %get3A_1199, %add3A_1201 : vector<16xi32>
    tpu.vector_store_idx %arg5[%add3A_1202], %broadcast_in_dim3A_5 : memref<16384xf32, #tpu.memory_space<vmem>>[vector<16xi32>], vector<16xf32>,
    %get3A_1203 = arith.constant 1664 : index
    %get3A_1204 = tpu.vector_load %arg4[%get3A_1203] {strides = array<i32>} : memref<4096xi32, #tpu.memory_space<vmem>>, vector<16xi32>,
    %add3A_1205 = arith.constant 4096 : i32
    %add3A_1206 = vector.broadcast %add3A_1205 : i32 to vector<16xi32>
    %add3A_1207 = arith.addi %get3A_1204, %add3A_1206 : vector<16xi32>
    tpu.vector_store_idx %arg5[%add3A_1207], %broadcast_in_dim3A_5 : memref<16384xf32, #tpu.memory_space<vmem>>[vector<16xi32>], vector<16xf32>,
    %get3A_1208 = arith.constant 1680 : index
    %get3A_1209 = tpu.vector_load %arg4[%get3A_1208] {strides = array<i32>} : memref<4096xi32, #tpu.memory_space<vmem>>, vector<16xi32>,
    %add3A_1210 = arith.constant 4096 : i32
    %add3A_1211 = vector.broadcast %add3A_1210 : i32 to vector<16xi32>
    %add3A_1212 = arith.addi %get3A_1209, %add3A_1211 : vector<16xi32>
    tpu.vector_store_idx %arg5[%add3A_1212], %broadcast_in_dim3A_5 : memref<16384xf32, #tpu.memory_space<vmem>>[vector<16xi32>], vector<16xf32>,
    %get3A_1213 = arith.constant 1696 : index
    %get3A_1214 = tpu.vector_load %arg4[%get3A_1213] {strides = array<i32>} : memref<4096xi32, #tpu.memory_space<vmem>>, vector<16xi32>,
    %add3A_1215 = arith.constant 4096 : i32
    %add3A_1216 = vector.broadcast %add3A_1215 : i32 to vector<16xi32>
    %add3A_1217 = arith.addi %get3A_1214, %add3A_1216 : vector<16xi32>
    tpu.vector_store_idx %arg5[%add3A_1217], %broadcast_in_dim3A_5 : memref<16384xf32, #tpu.memory_space<vmem>>[vector<16xi32>], vector<16xf32>,
    %get3A_1218 = arith.constant 1712 : index
    %get3A_1219 = tpu.vector_load %arg4[%get3A_1218] {strides = array<i32>} : memref<4096xi32, #tpu.memory_space<vmem>>, vector<16xi32>,
    %add3A_1220 = arith.constant 4096 : i32
    %add3A_1221 = vector.broadcast %add3A_1220 : i32 to vector<16xi32>
    %add3A_1222 = arith.addi %get3A_1219, %add3A_1221 : vector<16xi32>
    tpu.vector_store_idx %arg5[%add3A_1222], %broadcast_in_dim3A_5 : memref<16384xf32, #tpu.memory_space<vmem>>[vector<16xi32>], vector<16xf32>,
    %get3A_1223 = arith.constant 1728 : index
    %get3A_1224 = tpu.vector_load %arg4[%get3A_1223] {strides = array<i32>} : memref<4096xi32, #tpu.memory_space<vmem>>, vector<16xi32>,
    %add3A_1225 = arith.constant 6144 : i32
    %add3A_1226 = vector.broadcast %add3A_1225 : i32 to vector<16xi32>
    %add3A_1227 = arith.addi %get3A_1224, %add3A_1226 : vector<16xi32>
    tpu.vector_store_idx %arg5[%add3A_1227], %broadcast_in_dim3A_5 : memref<16384xf32, #tpu.memory_space<vmem>>[vector<16xi32>], vector<16xf32>,
    %get3A_1228 = arith.constant 1744 : index
    %get3A_1229 = tpu.vector_load %arg4[%get3A_1228] {strides = array<i32>} : memref<4096xi32, #tpu.memory_space<vmem>>, vector<16xi32>,
    %add3A_1230 = arith.constant 6144 : i32
    %add3A_1231 = vector.broadcast %add3A_1230 : i32 to vector<16xi32>
    %add3A_1232 = arith.addi %get3A_1229, %add3A_1231 : vector<16xi32>
    tpu.vector_store_idx %arg5[%add3A_1232], %broadcast_in_dim3A_5 : memref<16384xf32, #tpu.memory_space<vmem>>[vector<16xi32>], vector<16xf32>,
    %get3A_1233 = arith.constant 1760 : index
    %get3A_1234 = tpu.vector_load %arg4[%get3A_1233] {strides = array<i32>} : memref<4096xi32, #tpu.memory_space<vmem>>, vector<16xi32>,
    %add3A_1235 = arith.constant 6144 : i32
    %add3A_1236 = vector.broadcast %add3A_1235 : i32 to vector<16xi32>
    %add3A_1237 = arith.addi %get3A_1234, %add3A_1236 : vector<16xi32>
    tpu.vector_store_idx %arg5[%add3A_1237], %broadcast_in_dim3A_5 : memref<16384xf32, #tpu.memory_space<vmem>>[vector<16xi32>], vector<16xf32>,
    %get3A_1238 = arith.constant 1776 : index
    %get3A_1239 = tpu.vector_load %arg4[%get3A_1238] {strides = array<i32>} : memref<4096xi32, #tpu.memory_space<vmem>>, vector<16xi32>,
    %add3A_1240 = arith.constant 6144 : i32
    %add3A_1241 = vector.broadcast %add3A_1240 : i32 to vector<16xi32>
    %add3A_1242 = arith.addi %get3A_1239, %add3A_1241 : vector<16xi32>
    tpu.vector_store_idx %arg5[%add3A_1242], %broadcast_in_dim3A_5 : memref<16384xf32, #tpu.memory_space<vmem>>[vector<16xi32>], vector<16xf32>,
    %get3A_1243 = arith.constant 1792 : index
    %get3A_1244 = tpu.vector_load %arg4[%get3A_1243] {strides = array<i32>} : memref<4096xi32, #tpu.memory_space<vmem>>, vector<16xi32>,
    %add3A_1245 = arith.constant 8192 : i32
    %add3A_1246 = vector.broadcast %add3A_1245 : i32 to vector<16xi32>
    %add3A_1247 = arith.addi %get3A_1244, %add3A_1246 : vector<16xi32>
    tpu.vector_store_idx %arg5[%add3A_1247], %broadcast_in_dim3A_5 : memref<16384xf32, #tpu.memory_space<vmem>>[vector<16xi32>], vector<16xf32>,
    %get3A_1248 = arith.constant 1808 : index
    %get3A_1249 = tpu.vector_load %arg4[%get3A_1248] {strides = array<i32>} : memref<4096xi32, #tpu.memory_space<vmem>>, vector<16xi32>,
    %add3A_1250 = arith.constant 8192 : i32
    %add3A_1251 = vector.broadcast %add3A_1250 : i32 to vector<16xi32>
    %add3A_1252 = arith.addi %get3A_1249, %add3A_1251 : vector<16xi32>
    tpu.vector_store_idx %arg5[%add3A_1252], %broadcast_in_dim3A_5 : memref<16384xf32, #tpu.memory_space<vmem>>[vector<16xi32>], vector<16xf32>,
    %get3A_1253 = arith.constant 1824 : index
    %get3A_1254 = tpu.vector_load %arg4[%get3A_1253] {strides = array<i32>} : memref<4096xi32, #tpu.memory_space<vmem>>, vector<16xi32>,
    %add3A_1255 = arith.constant 8192 : i32
    %add3A_1256 = vector.broadcast %add3A_1255 : i32 to vector<16xi32>
    %add3A_1257 = arith.addi %get3A_1254, %add3A_1256 : vector<16xi32>
    tpu.vector_store_idx %arg5[%add3A_1257], %broadcast_in_dim3A_5 : memref<16384xf32, #tpu.memory_space<vmem>>[vector<16xi32>], vector<16xf32>,
    %get3A_1258 = arith.constant 1840 : index
    %get3A_1259 = tpu.vector_load %arg4[%get3A_1258] {strides = array<i32>} : memref<4096xi32, #tpu.memory_space<vmem>>, vector<16xi32>,
    %add3A_1260 = arith.constant 8192 : i32
    %add3A_1261 = vector.broadcast %add3A_1260 : i32 to vector<16xi32>
    %add3A_1262 = arith.addi %get3A_1259, %add3A_1261 : vector<16xi32>
    tpu.vector_store_idx %arg5[%add3A_1262], %broadcast_in_dim3A_5 : memref<16384xf32, #tpu.memory_space<vmem>>[vector<16xi32>], vector<16xf32>,
    %get3A_1263 = arith.constant 1856 : index
    %get3A_1264 = tpu.vector_load %arg4[%get3A_1263] {strides = array<i32>} : memref<4096xi32, #tpu.memory_space<vmem>>, vector<16xi32>,
    %add3A_1265 = arith.constant 10240 : i32
    %add3A_1266 = vector.broadcast %add3A_1265 : i32 to vector<16xi32>
    %add3A_1267 = arith.addi %get3A_1264, %add3A_1266 : vector<16xi32>
    tpu.vector_store_idx %arg5[%add3A_1267], %broadcast_in_dim3A_5 : memref<16384xf32, #tpu.memory_space<vmem>>[vector<16xi32>], vector<16xf32>,
    %get3A_1268 = arith.constant 1872 : index
    %get3A_1269 = tpu.vector_load %arg4[%get3A_1268] {strides = array<i32>} : memref<4096xi32, #tpu.memory_space<vmem>>, vector<16xi32>,
    %add3A_1270 = arith.constant 10240 : i32
    %add3A_1271 = vector.broadcast %add3A_1270 : i32 to vector<16xi32>
    %add3A_1272 = arith.addi %get3A_1269, %add3A_1271 : vector<16xi32>
    tpu.vector_store_idx %arg5[%add3A_1272], %broadcast_in_dim3A_5 : memref<16384xf32, #tpu.memory_space<vmem>>[vector<16xi32>], vector<16xf32>,
    %get3A_1273 = arith.constant 1888 : index
    %get3A_1274 = tpu.vector_load %arg4[%get3A_1273] {strides = array<i32>} : memref<4096xi32, #tpu.memory_space<vmem>>, vector<16xi32>,
    %add3A_1275 = arith.constant 10240 : i32
    %add3A_1276 = vector.broadcast %add3A_1275 : i32 to vector<16xi32>
    %add3A_1277 = arith.addi %get3A_1274, %add3A_1276 : vector<16xi32>
    tpu.vector_store_idx %arg5[%add3A_1277], %broadcast_in_dim3A_5 : memref<16384xf32, #tpu.memory_space<vmem>>[vector<16xi32>], vector<16xf32>,
    %get3A_1278 = arith.constant 1904 : index
    %get3A_1279 = tpu.vector_load %arg4[%get3A_1278] {strides = array<i32>} : memref<4096xi32, #tpu.memory_space<vmem>>, vector<16xi32>,
    %add3A_1280 = arith.constant 10240 : i32
    %add3A_1281 = vector.broadcast %add3A_1280 : i32 to vector<16xi32>
    %add3A_1282 = arith.addi %get3A_1279, %add3A_1281 : vector<16xi32>
    tpu.vector_store_idx %arg5[%add3A_1282], %broadcast_in_dim3A_5 : memref<16384xf32, #tpu.memory_space<vmem>>[vector<16xi32>], vector<16xf32>,
    %get3A_1283 = arith.constant 1920 : index
    %get3A_1284 = tpu.vector_load %arg4[%get3A_1283] {strides = array<i32>} : memref<4096xi32, #tpu.memory_space<vmem>>, vector<16xi32>,
    %add3A_1285 = arith.constant 12288 : i32
    %add3A_1286 = vector.broadcast %add3A_1285 : i32 to vector<16xi32>
    %add3A_1287 = arith.addi %get3A_1284, %add3A_1286 : vector<16xi32>
    tpu.vector_store_idx %arg5[%add3A_1287], %broadcast_in_dim3A_5 : memref<16384xf32, #tpu.memory_space<vmem>>[vector<16xi32>], vector<16xf32>,
    %get3A_1288 = arith.constant 1936 : index
    %get3A_1289 = tpu.vector_load %arg4[%get3A_1288] {strides = array<i32>} : memref<4096xi32, #tpu.memory_space<vmem>>, vector<16xi32>,
    %add3A_1290 = arith.constant 12288 : i32
    %add3A_1291 = vector.broadcast %add3A_1290 : i32 to vector<16xi32>
    %add3A_1292 = arith.addi %get3A_1289, %add3A_1291 : vector<16xi32>
    tpu.vector_store_idx %arg5[%add3A_1292], %broadcast_in_dim3A_5 : memref<16384xf32, #tpu.memory_space<vmem>>[vector<16xi32>], vector<16xf32>,
    %get3A_1293 = arith.constant 1952 : index
    %get3A_1294 = tpu.vector_load %arg4[%get3A_1293] {strides = array<i32>} : memref<4096xi32, #tpu.memory_space<vmem>>, vector<16xi32>,
    %add3A_1295 = arith.constant 12288 : i32
    %add3A_1296 = vector.broadcast %add3A_1295 : i32 to vector<16xi32>
    %add3A_1297 = arith.addi %get3A_1294, %add3A_1296 : vector<16xi32>
    tpu.vector_store_idx %arg5[%add3A_1297], %broadcast_in_dim3A_5 : memref<16384xf32, #tpu.memory_space<vmem>>[vector<16xi32>], vector<16xf32>,
    %get3A_1298 = arith.constant 1968 : index
    %get3A_1299 = tpu.vector_load %arg4[%get3A_1298] {strides = array<i32>} : memref<4096xi32, #tpu.memory_space<vmem>>, vector<16xi32>,
    %add3A_1300 = arith.constant 12288 : i32
    %add3A_1301 = vector.broadcast %add3A_1300 : i32 to vector<16xi32>
    %add3A_1302 = arith.addi %get3A_1299, %add3A_1301 : vector<16xi32>
    tpu.vector_store_idx %arg5[%add3A_1302], %broadcast_in_dim3A_5 : memref<16384xf32, #tpu.memory_space<vmem>>[vector<16xi32>], vector<16xf32>,
    %get3A_1303 = arith.constant 1984 : index
    %get3A_1304 = tpu.vector_load %arg4[%get3A_1303] {strides = array<i32>} : memref<4096xi32, #tpu.memory_space<vmem>>, vector<16xi32>,
    %add3A_1305 = arith.constant 14336 : i32
    %add3A_1306 = vector.broadcast %add3A_1305 : i32 to vector<16xi32>
    %add3A_1307 = arith.addi %get3A_1304, %add3A_1306 : vector<16xi32>
    tpu.vector_store_idx %arg5[%add3A_1307], %broadcast_in_dim3A_5 : memref<16384xf32, #tpu.memory_space<vmem>>[vector<16xi32>], vector<16xf32>,
    %get3A_1308 = arith.constant 2000 : index
    %get3A_1309 = tpu.vector_load %arg4[%get3A_1308] {strides = array<i32>} : memref<4096xi32, #tpu.memory_space<vmem>>, vector<16xi32>,
    %add3A_1310 = arith.constant 14336 : i32
    %add3A_1311 = vector.broadcast %add3A_1310 : i32 to vector<16xi32>
    %add3A_1312 = arith.addi %get3A_1309, %add3A_1311 : vector<16xi32>
    tpu.vector_store_idx %arg5[%add3A_1312], %broadcast_in_dim3A_5 : memref<16384xf32, #tpu.memory_space<vmem>>[vector<16xi32>], vector<16xf32>,
    %get3A_1313 = arith.constant 2016 : index
    %get3A_1314 = tpu.vector_load %arg4[%get3A_1313] {strides = array<i32>} : memref<4096xi32, #tpu.memory_space<vmem>>, vector<16xi32>,
    %add3A_1315 = arith.constant 14336 : i32
    %add3A_1316 = vector.broadcast %add3A_1315 : i32 to vector<16xi32>
    %add3A_1317 = arith.addi %get3A_1314, %add3A_1316 : vector<16xi32>
    tpu.vector_store_idx %arg5[%add3A_1317], %broadcast_in_dim3A_5 : memref<16384xf32, #tpu.memory_space<vmem>>[vector<16xi32>], vector<16xf32>,
    %get3A_1318 = arith.constant 2032 : index
    %get3A_1319 = tpu.vector_load %arg4[%get3A_1318] {strides = array<i32>} : memref<4096xi32, #tpu.memory_space<vmem>>, vector<16xi32>,
    %add3A_1320 = arith.constant 14336 : i32
    %add3A_1321 = vector.broadcast %add3A_1320 : i32 to vector<16xi32>
    %add3A_1322 = arith.addi %get3A_1319, %add3A_1321 : vector<16xi32>
    tpu.vector_store_idx %arg5[%add3A_1322], %broadcast_in_dim3A_5 : memref<16384xf32, #tpu.memory_space<vmem>>[vector<16xi32>], vector<16xf32>,
    %get3A_1323 = arith.constant 2048 : index
    %get3A_1324 = tpu.vector_load %arg4[%get3A_1323] {strides = array<i32>} : memref<4096xi32, #tpu.memory_space<vmem>>, vector<16xi32>,
    %add3A_1325 = arith.constant 0 : i32
    %add3A_1326 = vector.broadcast %add3A_1325 : i32 to vector<16xi32>
    %add3A_1327 = arith.addi %get3A_1324, %add3A_1326 : vector<16xi32>
    tpu.vector_store_idx %arg5[%add3A_1327], %broadcast_in_dim3A_7 : memref<16384xf32, #tpu.memory_space<vmem>>[vector<16xi32>], vector<16xf32>,
    %get3A_1328 = arith.constant 2064 : index
    %get3A_1329 = tpu.vector_load %arg4[%get3A_1328] {strides = array<i32>} : memref<4096xi32, #tpu.memory_space<vmem>>, vector<16xi32>,
    %add3A_1330 = arith.constant 0 : i32
    %add3A_1331 = vector.broadcast %add3A_1330 : i32 to vector<16xi32>
    %add3A_1332 = arith.addi %get3A_1329, %add3A_1331 : vector<16xi32>
    tpu.vector_store_idx %arg5[%add3A_1332], %broadcast_in_dim3A_7 : memref<16384xf32, #tpu.memory_space<vmem>>[vector<16xi32>], vector<16xf32>,
    %get3A_1333 = arith.constant 2080 : index
    %get3A_1334 = tpu.vector_load %arg4[%get3A_1333] {strides = array<i32>} : memref<4096xi32, #tpu.memory_space<vmem>>, vector<16xi32>,
    %add3A_1335 = arith.constant 0 : i32
    %add3A_1336 = vector.broadcast %add3A_1335 : i32 to vector<16xi32>
    %add3A_1337 = arith.addi %get3A_1334, %add3A_1336 : vector<16xi32>
    tpu.vector_store_idx %arg5[%add3A_1337], %broadcast_in_dim3A_7 : memref<16384xf32, #tpu.memory_space<vmem>>[vector<16xi32>], vector<16xf32>,
    %get3A_1338 = arith.constant 2096 : index
    %get3A_1339 = tpu.vector_load %arg4[%get3A_1338] {strides = array<i32>} : memref<4096xi32, #tpu.memory_space<vmem>>, vector<16xi32>,
    %add3A_1340 = arith.constant 0 : i32
    %add3A_1341 = vector.broadcast %add3A_1340 : i32 to vector<16xi32>
    %add3A_1342 = arith.addi %get3A_1339, %add3A_1341 : vector<16xi32>
    tpu.vector_store_idx %arg5[%add3A_1342], %broadcast_in_dim3A_7 : memref<16384xf32, #tpu.memory_space<vmem>>[vector<16xi32>], vector<16xf32>,
    %get3A_1343 = arith.constant 2112 : index
    %get3A_1344 = tpu.vector_load %arg4[%get3A_1343] {strides = array<i32>} : memref<4096xi32, #tpu.memory_space<vmem>>, vector<16xi32>,
    %add3A_1345 = arith.constant 2048 : i32
    %add3A_1346 = vector.broadcast %add3A_1345 : i32 to vector<16xi32>
    %add3A_1347 = arith.addi %get3A_1344, %add3A_1346 : vector<16xi32>
    tpu.vector_store_idx %arg5[%add3A_1347], %broadcast_in_dim3A_7 : memref<16384xf32, #tpu.memory_space<vmem>>[vector<16xi32>], vector<16xf32>,
    %get3A_1348 = arith.constant 2128 : index
    %get3A_1349 = tpu.vector_load %arg4[%get3A_1348] {strides = array<i32>} : memref<4096xi32, #tpu.memory_space<vmem>>, vector<16xi32>,
    %add3A_1350 = arith.constant 2048 : i32
    %add3A_1351 = vector.broadcast %add3A_1350 : i32 to vector<16xi32>
    %add3A_1352 = arith.addi %get3A_1349, %add3A_1351 : vector<16xi32>
    tpu.vector_store_idx %arg5[%add3A_1352], %broadcast_in_dim3A_7 : memref<16384xf32, #tpu.memory_space<vmem>>[vector<16xi32>], vector<16xf32>,
    %get3A_1353 = arith.constant 2144 : index
    %get3A_1354 = tpu.vector_load %arg4[%get3A_1353] {strides = array<i32>} : memref<4096xi32, #tpu.memory_space<vmem>>, vector<16xi32>,
    %add3A_1355 = arith.constant 2048 : i32
    %add3A_1356 = vector.broadcast %add3A_1355 : i32 to vector<16xi32>
    %add3A_1357 = arith.addi %get3A_1354, %add3A_1356 : vector<16xi32>
    tpu.vector_store_idx %arg5[%add3A_1357], %broadcast_in_dim3A_7 : memref<16384xf32, #tpu.memory_space<vmem>>[vector<16xi32>], vector<16xf32>,
    %get3A_1358 = arith.constant 2160 : index
    %get3A_1359 = tpu.vector_load %arg4[%get3A_1358] {strides = array<i32>} : memref<4096xi32, #tpu.memory_space<vmem>>, vector<16xi32>,
    %add3A_1360 = arith.constant 2048 : i32
    %add3A_1361 = vector.broadcast %add3A_1360 : i32 to vector<16xi32>
    %add3A_1362 = arith.addi %get3A_1359, %add3A_1361 : vector<16xi32>
    tpu.vector_store_idx %arg5[%add3A_1362], %broadcast_in_dim3A_7 : memref<16384xf32, #tpu.memory_space<vmem>>[vector<16xi32>], vector<16xf32>,
    %get3A_1363 = arith.constant 2176 : index
    %get3A_1364 = tpu.vector_load %arg4[%get3A_1363] {strides = array<i32>} : memref<4096xi32, #tpu.memory_space<vmem>>, vector<16xi32>,
    %add3A_1365 = arith.constant 4096 : i32
    %add3A_1366 = vector.broadcast %add3A_1365 : i32 to vector<16xi32>
    %add3A_1367 = arith.addi %get3A_1364, %add3A_1366 : vector<16xi32>
    tpu.vector_store_idx %arg5[%add3A_1367], %broadcast_in_dim3A_7 : memref<16384xf32, #tpu.memory_space<vmem>>[vector<16xi32>], vector<16xf32>,
    %get3A_1368 = arith.constant 2192 : index
    %get3A_1369 = tpu.vector_load %arg4[%get3A_1368] {strides = array<i32>} : memref<4096xi32, #tpu.memory_space<vmem>>, vector<16xi32>,
    %add3A_1370 = arith.constant 4096 : i32
    %add3A_1371 = vector.broadcast %add3A_1370 : i32 to vector<16xi32>
    %add3A_1372 = arith.addi %get3A_1369, %add3A_1371 : vector<16xi32>
    tpu.vector_store_idx %arg5[%add3A_1372], %broadcast_in_dim3A_7 : memref<16384xf32, #tpu.memory_space<vmem>>[vector<16xi32>], vector<16xf32>,
    %get3A_1373 = arith.constant 2208 : index
    %get3A_1374 = tpu.vector_load %arg4[%get3A_1373] {strides = array<i32>} : memref<4096xi32, #tpu.memory_space<vmem>>, vector<16xi32>,
    %add3A_1375 = arith.constant 4096 : i32
    %add3A_1376 = vector.broadcast %add3A_1375 : i32 to vector<16xi32>
    %add3A_1377 = arith.addi %get3A_1374, %add3A_1376 : vector<16xi32>
    tpu.vector_store_idx %arg5[%add3A_1377], %broadcast_in_dim3A_7 : memref<16384xf32, #tpu.memory_space<vmem>>[vector<16xi32>], vector<16xf32>,
    %get3A_1378 = arith.constant 2224 : index
    %get3A_1379 = tpu.vector_load %arg4[%get3A_1378] {strides = array<i32>} : memref<4096xi32, #tpu.memory_space<vmem>>, vector<16xi32>,
    %add3A_1380 = arith.constant 4096 : i32
    %add3A_1381 = vector.broadcast %add3A_1380 : i32 to vector<16xi32>
    %add3A_1382 = arith.addi %get3A_1379, %add3A_1381 : vector<16xi32>
    tpu.vector_store_idx %arg5[%add3A_1382], %broadcast_in_dim3A_7 : memref<16384xf32, #tpu.memory_space<vmem>>[vector<16xi32>], vector<16xf32>,
    %get3A_1383 = arith.constant 2240 : index
    %get3A_1384 = tpu.vector_load %arg4[%get3A_1383] {strides = array<i32>} : memref<4096xi32, #tpu.memory_space<vmem>>, vector<16xi32>,
    %add3A_1385 = arith.constant 6144 : i32
    %add3A_1386 = vector.broadcast %add3A_1385 : i32 to vector<16xi32>
    %add3A_1387 = arith.addi %get3A_1384, %add3A_1386 : vector<16xi32>
    tpu.vector_store_idx %arg5[%add3A_1387], %broadcast_in_dim3A_7 : memref<16384xf32, #tpu.memory_space<vmem>>[vector<16xi32>], vector<16xf32>,
    %get3A_1388 = arith.constant 2256 : index
    %get3A_1389 = tpu.vector_load %arg4[%get3A_1388] {strides = array<i32>} : memref<4096xi32, #tpu.memory_space<vmem>>, vector<16xi32>,
    %add3A_1390 = arith.constant 6144 : i32
    %add3A_1391 = vector.broadcast %add3A_1390 : i32 to vector<16xi32>
    %add3A_1392 = arith.addi %get3A_1389, %add3A_1391 : vector<16xi32>
    tpu.vector_store_idx %arg5[%add3A_1392], %broadcast_in_dim3A_7 : memref<16384xf32, #tpu.memory_space<vmem>>[vector<16xi32>], vector<16xf32>,
    %get3A_1393 = arith.constant 2272 : index
    %get3A_1394 = tpu.vector_load %arg4[%get3A_1393] {strides = array<i32>} : memref<4096xi32, #tpu.memory_space<vmem>>, vector<16xi32>,
    %add3A_1395 = arith.constant 6144 : i32
    %add3A_1396 = vector.broadcast %add3A_1395 : i32 to vector<16xi32>
    %add3A_1397 = arith.addi %get3A_1394, %add3A_1396 : vector<16xi32>
    tpu.vector_store_idx %arg5[%add3A_1397], %broadcast_in_dim3A_7 : memref<16384xf32, #tpu.memory_space<vmem>>[vector<16xi32>], vector<16xf32>,
    %get3A_1398 = arith.constant 2288 : index
    %get3A_1399 = tpu.vector_load %arg4[%get3A_1398] {strides = array<i32>} : memref<4096xi32, #tpu.memory_space<vmem>>, vector<16xi32>,
    %add3A_1400 = arith.constant 6144 : i32
    %add3A_1401 = vector.broadcast %add3A_1400 : i32 to vector<16xi32>
    %add3A_1402 = arith.addi %get3A_1399, %add3A_1401 : vector<16xi32>
    tpu.vector_store_idx %arg5[%add3A_1402], %broadcast_in_dim3A_7 : memref<16384xf32, #tpu.memory_space<vmem>>[vector<16xi32>], vector<16xf32>,
    %get3A_1403 = arith.constant 2304 : index
    %get3A_1404 = tpu.vector_load %arg4[%get3A_1403] {strides = array<i32>} : memref<4096xi32, #tpu.memory_space<vmem>>, vector<16xi32>,
    %add3A_1405 = arith.constant 8192 : i32
    %add3A_1406 = vector.broadcast %add3A_1405 : i32 to vector<16xi32>
    %add3A_1407 = arith.addi %get3A_1404, %add3A_1406 : vector<16xi32>
    tpu.vector_store_idx %arg5[%add3A_1407], %broadcast_in_dim3A_7 : memref<16384xf32, #tpu.memory_space<vmem>>[vector<16xi32>], vector<16xf32>,
    %get3A_1408 = arith.constant 2320 : index
    %get3A_1409 = tpu.vector_load %arg4[%get3A_1408] {strides = array<i32>} : memref<4096xi32, #tpu.memory_space<vmem>>, vector<16xi32>,
    %add3A_1410 = arith.constant 8192 : i32
    %add3A_1411 = vector.broadcast %add3A_1410 : i32 to vector<16xi32>
    %add3A_1412 = arith.addi %get3A_1409, %add3A_1411 : vector<16xi32>
    tpu.vector_store_idx %arg5[%add3A_1412], %broadcast_in_dim3A_7 : memref<16384xf32, #tpu.memory_space<vmem>>[vector<16xi32>], vector<16xf32>,
    %get3A_1413 = arith.constant 2336 : index
    %get3A_1414 = tpu.vector_load %arg4[%get3A_1413] {strides = array<i32>} : memref<4096xi32, #tpu.memory_space<vmem>>, vector<16xi32>,
    %add3A_1415 = arith.constant 8192 : i32
    %add3A_1416 = vector.broadcast %add3A_1415 : i32 to vector<16xi32>
    %add3A_1417 = arith.addi %get3A_1414, %add3A_1416 : vector<16xi32>
    tpu.vector_store_idx %arg5[%add3A_1417], %broadcast_in_dim3A_7 : memref<16384xf32, #tpu.memory_space<vmem>>[vector<16xi32>], vector<16xf32>,
    %get3A_1418 = arith.constant 2352 : index
    %get3A_1419 = tpu.vector_load %arg4[%get3A_1418] {strides = array<i32>} : memref<4096xi32, #tpu.memory_space<vmem>>, vector<16xi32>,
    %add3A_1420 = arith.constant 8192 : i32
    %add3A_1421 = vector.broadcast %add3A_1420 : i32 to vector<16xi32>
    %add3A_1422 = arith.addi %get3A_1419, %add3A_1421 : vector<16xi32>
    tpu.vector_store_idx %arg5[%add3A_1422], %broadcast_in_dim3A_7 : memref<16384xf32, #tpu.memory_space<vmem>>[vector<16xi32>], vector<16xf32>,
    %get3A_1423 = arith.constant 2368 : index
    %get3A_1424 = tpu.vector_load %arg4[%get3A_1423] {strides = array<i32>} : memref<4096xi32, #tpu.memory_space<vmem>>, vector<16xi32>,
    %add3A_1425 = arith.constant 10240 : i32
    %add3A_1426 = vector.broadcast %add3A_1425 : i32 to vector<16xi32>
    %add3A_1427 = arith.addi %get3A_1424, %add3A_1426 : vector<16xi32>
    tpu.vector_store_idx %arg5[%add3A_1427], %broadcast_in_dim3A_7 : memref<16384xf32, #tpu.memory_space<vmem>>[vector<16xi32>], vector<16xf32>,
    %get3A_1428 = arith.constant 2384 : index
    %get3A_1429 = tpu.vector_load %arg4[%get3A_1428] {strides = array<i32>} : memref<4096xi32, #tpu.memory_space<vmem>>, vector<16xi32>,
    %add3A_1430 = arith.constant 10240 : i32
    %add3A_1431 = vector.broadcast %add3A_1430 : i32 to vector<16xi32>
    %add3A_1432 = arith.addi %get3A_1429, %add3A_1431 : vector<16xi32>
    tpu.vector_store_idx %arg5[%add3A_1432], %broadcast_in_dim3A_7 : memref<16384xf32, #tpu.memory_space<vmem>>[vector<16xi32>], vector<16xf32>,
    %get3A_1433 = arith.constant 2400 : index
    %get3A_1434 = tpu.vector_load %arg4[%get3A_1433] {strides = array<i32>} : memref<4096xi32, #tpu.memory_space<vmem>>, vector<16xi32>,
    %add3A_1435 = arith.constant 10240 : i32
    %add3A_1436 = vector.broadcast %add3A_1435 : i32 to vector<16xi32>
    %add3A_1437 = arith.addi %get3A_1434, %add3A_1436 : vector<16xi32>
    tpu.vector_store_idx %arg5[%add3A_1437], %broadcast_in_dim3A_7 : memref<16384xf32, #tpu.memory_space<vmem>>[vector<16xi32>], vector<16xf32>,
    %get3A_1438 = arith.constant 2416 : index
    %get3A_1439 = tpu.vector_load %arg4[%get3A_1438] {strides = array<i32>} : memref<4096xi32, #tpu.memory_space<vmem>>, vector<16xi32>,
    %add3A_1440 = arith.constant 10240 : i32
    %add3A_1441 = vector.broadcast %add3A_1440 : i32 to vector<16xi32>
    %add3A_1442 = arith.addi %get3A_1439, %add3A_1441 : vector<16xi32>
    tpu.vector_store_idx %arg5[%add3A_1442], %broadcast_in_dim3A_7 : memref<16384xf32, #tpu.memory_space<vmem>>[vector<16xi32>], vector<16xf32>,
    %get3A_1443 = arith.constant 2432 : index
    %get3A_1444 = tpu.vector_load %arg4[%get3A_1443] {strides = array<i32>} : memref<4096xi32, #tpu.memory_space<vmem>>, vector<16xi32>,
    %add3A_1445 = arith.constant 12288 : i32
    %add3A_1446 = vector.broadcast %add3A_1445 : i32 to vector<16xi32>
    %add3A_1447 = arith.addi %get3A_1444, %add3A_1446 : vector<16xi32>
    tpu.vector_store_idx %arg5[%add3A_1447], %broadcast_in_dim3A_7 : memref<16384xf32, #tpu.memory_space<vmem>>[vector<16xi32>], vector<16xf32>,
    %get3A_1448 = arith.constant 2448 : index
    %get3A_1449 = tpu.vector_load %arg4[%get3A_1448] {strides = array<i32>} : memref<4096xi32, #tpu.memory_space<vmem>>, vector<16xi32>,
    %add3A_1450 = arith.constant 12288 : i32
    %add3A_1451 = vector.broadcast %add3A_1450 : i32 to vector<16xi32>
    %add3A_1452 = arith.addi %get3A_1449, %add3A_1451 : vector<16xi32>
    tpu.vector_store_idx %arg5[%add3A_1452], %broadcast_in_dim3A_7 : memref<16384xf32, #tpu.memory_space<vmem>>[vector<16xi32>], vector<16xf32>,
    %get3A_1453 = arith.constant 2464 : index
    %get3A_1454 = tpu.vector_load %arg4[%get3A_1453] {strides = array<i32>} : memref<4096xi32, #tpu.memory_space<vmem>>, vector<16xi32>,
    %add3A_1455 = arith.constant 12288 : i32
    %add3A_1456 = vector.broadcast %add3A_1455 : i32 to vector<16xi32>
    %add3A_1457 = arith.addi %get3A_1454, %add3A_1456 : vector<16xi32>
    tpu.vector_store_idx %arg5[%add3A_1457], %broadcast_in_dim3A_7 : memref<16384xf32, #tpu.memory_space<vmem>>[vector<16xi32>], vector<16xf32>,
    %get3A_1458 = arith.constant 2480 : index
    %get3A_1459 = tpu.vector_load %arg4[%get3A_1458] {strides = array<i32>} : memref<4096xi32, #tpu.memory_space<vmem>>, vector<16xi32>,
    %add3A_1460 = arith.constant 12288 : i32
    %add3A_1461 = vector.broadcast %add3A_1460 : i32 to vector<16xi32>
    %add3A_1462 = arith.addi %get3A_1459, %add3A_1461 : vector<16xi32>
    tpu.vector_store_idx %arg5[%add3A_1462], %broadcast_in_dim3A_7 : memref<16384xf32, #tpu.memory_space<vmem>>[vector<16xi32>], vector<16xf32>,
    %get3A_1463 = arith.constant 2496 : index
    %get3A_1464 = tpu.vector_load %arg4[%get3A_1463] {strides = array<i32>} : memref<4096xi32, #tpu.memory_space<vmem>>, vector<16xi32>,
    %add3A_1465 = arith.constant 14336 : i32
    %add3A_1466 = vector.broadcast %add3A_1465 : i32 to vector<16xi32>
    %add3A_1467 = arith.addi %get3A_1464, %add3A_1466 : vector<16xi32>
    tpu.vector_store_idx %arg5[%add3A_1467], %broadcast_in_dim3A_7 : memref<16384xf32, #tpu.memory_space<vmem>>[vector<16xi32>], vector<16xf32>,
    %get3A_1468 = arith.constant 2512 : index
    %get3A_1469 = tpu.vector_load %arg4[%get3A_1468] {strides = array<i32>} : memref<4096xi32, #tpu.memory_space<vmem>>, vector<16xi32>,
    %add3A_1470 = arith.constant 14336 : i32
    %add3A_1471 = vector.broadcast %add3A_1470 : i32 to vector<16xi32>
    %add3A_1472 = arith.addi %get3A_1469, %add3A_1471 : vector<16xi32>
    tpu.vector_store_idx %arg5[%add3A_1472], %broadcast_in_dim3A_7 : memref<16384xf32, #tpu.memory_space<vmem>>[vector<16xi32>], vector<16xf32>,
    %get3A_1473 = arith.constant 2528 : index
    %get3A_1474 = tpu.vector_load %arg4[%get3A_1473] {strides = array<i32>} : memref<4096xi32, #tpu.memory_space<vmem>>, vector<16xi32>,
    %add3A_1475 = arith.constant 14336 : i32
    %add3A_1476 = vector.broadcast %add3A_1475 : i32 to vector<16xi32>
    %add3A_1477 = arith.addi %get3A_1474, %add3A_1476 : vector<16xi32>
    tpu.vector_store_idx %arg5[%add3A_1477], %broadcast_in_dim3A_7 : memref<16384xf32, #tpu.memory_space<vmem>>[vector<16xi32>], vector<16xf32>,
    %get3A_1478 = arith.constant 2544 : index
    %get3A_1479 = tpu.vector_load %arg4[%get3A_1478] {strides = array<i32>} : memref<4096xi32, #tpu.memory_space<vmem>>, vector<16xi32>,
    %add3A_1480 = arith.constant 14336 : i32
    %add3A_1481 = vector.broadcast %add3A_1480 : i32 to vector<16xi32>
    %add3A_1482 = arith.addi %get3A_1479, %add3A_1481 : vector<16xi32>
    tpu.vector_store_idx %arg5[%add3A_1482], %broadcast_in_dim3A_7 : memref<16384xf32, #tpu.memory_space<vmem>>[vector<16xi32>], vector<16xf32>,
    %add3A_1483 = arith.constant 32 : i32
    %add3A_1484 = arith.addi %mul3A_2, %add3A_1483 : i32
    %mul3A_1485 = arith.constant 2048 : i32
    %mul3A_1486 = arith.muli %add3A_1484, %mul3A_1485 : i32
    %dma_start3A_1487 = tpu.memref_slice %arg3[%mul3A_1486] : memref<4194304xf32, #tpu.memory_space<hbm>> -> memref<16384xf32, #tpu.memory_space<hbm>>
    %dma_start3A_1488 = tpu.memref_slice %arg3[%mul3A_1486] : memref<4194304xf32, #tpu.memory_space<hbm>> -> memref<16384xf32, #tpu.memory_space<hbm>>
    tpu.enqueue_dma source(%arg5 : memref<16384xf32, #tpu.memory_space<vmem>>) target(%dma_start3A_1488 : memref<16384xf32, #tpu.memory_space<hbm>>) target_semaphore(%arg6 : memref<!tpu.dma_semaphore, #tpu.memory_space<semaphore_mem>>)
    %dma_wait3A_1489 = tpu.memref_slice %arg3[%mul3A_1486] : memref<4194304xf32, #tpu.memory_space<hbm>> -> memref<16384xf32, #tpu.memory_space<hbm>>
    %dma_wait3A_1490 = tpu.memref_slice %arg3[%mul3A_1486] : memref<4194304xf32, #tpu.memory_space<hbm>> -> memref<16384xf32, #tpu.memory_space<hbm>>
    tpu.wait_dma2 semaphore(%arg6 : memref<!tpu.dma_semaphore, #tpu.memory_space<semaphore_mem>>) src(%arg5 : memref<16384xf32, #tpu.memory_space<vmem>>) dst(%dma_wait3A_1490 : memref<16384xf32, #tpu.memory_space<hbm>>)
    %get3A_1491 = arith.constant 2048 : index
    %get3A_1492 = tpu.vector_load %arg4[%get3A_1491] {strides = array<i32>} : memref<4096xi32, #tpu.memory_space<vmem>>, vector<16xi32>,
    %add3A_1493 = arith.constant 0 : i32
    %add3A_1494 = vector.broadcast %add3A_1493 : i32 to vector<16xi32>
    %add3A_1495 = arith.addi %get3A_1492, %add3A_1494 : vector<16xi32>
    tpu.vector_store_idx %arg5[%add3A_1495], %broadcast_in_dim3A_5 : memref<16384xf32, #tpu.memory_space<vmem>>[vector<16xi32>], vector<16xf32>,
    %get3A_1496 = arith.constant 2064 : index
    %get3A_1497 = tpu.vector_load %arg4[%get3A_1496] {strides = array<i32>} : memref<4096xi32, #tpu.memory_space<vmem>>, vector<16xi32>,
    %add3A_1498 = arith.constant 0 : i32
    %add3A_1499 = vector.broadcast %add3A_1498 : i32 to vector<16xi32>
    %add3A_1500 = arith.addi %get3A_1497, %add3A_1499 : vector<16xi32>
    tpu.vector_store_idx %arg5[%add3A_1500], %broadcast_in_dim3A_5 : memref<16384xf32, #tpu.memory_space<vmem>>[vector<16xi32>], vector<16xf32>,
    %get3A_1501 = arith.constant 2080 : index
    %get3A_1502 = tpu.vector_load %arg4[%get3A_1501] {strides = array<i32>} : memref<4096xi32, #tpu.memory_space<vmem>>, vector<16xi32>,
    %add3A_1503 = arith.constant 0 : i32
    %add3A_1504 = vector.broadcast %add3A_1503 : i32 to vector<16xi32>
    %add3A_1505 = arith.addi %get3A_1502, %add3A_1504 : vector<16xi32>
    tpu.vector_store_idx %arg5[%add3A_1505], %broadcast_in_dim3A_5 : memref<16384xf32, #tpu.memory_space<vmem>>[vector<16xi32>], vector<16xf32>,
    %get3A_1506 = arith.constant 2096 : index
    %get3A_1507 = tpu.vector_load %arg4[%get3A_1506] {strides = array<i32>} : memref<4096xi32, #tpu.memory_space<vmem>>, vector<16xi32>,
    %add3A_1508 = arith.constant 0 : i32
    %add3A_1509 = vector.broadcast %add3A_1508 : i32 to vector<16xi32>
    %add3A_1510 = arith.addi %get3A_1507, %add3A_1509 : vector<16xi32>
    tpu.vector_store_idx %arg5[%add3A_1510], %broadcast_in_dim3A_5 : memref<16384xf32, #tpu.memory_space<vmem>>[vector<16xi32>], vector<16xf32>,
    %get3A_1511 = arith.constant 2112 : index
    %get3A_1512 = tpu.vector_load %arg4[%get3A_1511] {strides = array<i32>} : memref<4096xi32, #tpu.memory_space<vmem>>, vector<16xi32>,
    %add3A_1513 = arith.constant 2048 : i32
    %add3A_1514 = vector.broadcast %add3A_1513 : i32 to vector<16xi32>
    %add3A_1515 = arith.addi %get3A_1512, %add3A_1514 : vector<16xi32>
    tpu.vector_store_idx %arg5[%add3A_1515], %broadcast_in_dim3A_5 : memref<16384xf32, #tpu.memory_space<vmem>>[vector<16xi32>], vector<16xf32>,
    %get3A_1516 = arith.constant 2128 : index
    %get3A_1517 = tpu.vector_load %arg4[%get3A_1516] {strides = array<i32>} : memref<4096xi32, #tpu.memory_space<vmem>>, vector<16xi32>,
    %add3A_1518 = arith.constant 2048 : i32
    %add3A_1519 = vector.broadcast %add3A_1518 : i32 to vector<16xi32>
    %add3A_1520 = arith.addi %get3A_1517, %add3A_1519 : vector<16xi32>
    tpu.vector_store_idx %arg5[%add3A_1520], %broadcast_in_dim3A_5 : memref<16384xf32, #tpu.memory_space<vmem>>[vector<16xi32>], vector<16xf32>,
    %get3A_1521 = arith.constant 2144 : index
    %get3A_1522 = tpu.vector_load %arg4[%get3A_1521] {strides = array<i32>} : memref<4096xi32, #tpu.memory_space<vmem>>, vector<16xi32>,
    %add3A_1523 = arith.constant 2048 : i32
    %add3A_1524 = vector.broadcast %add3A_1523 : i32 to vector<16xi32>
    %add3A_1525 = arith.addi %get3A_1522, %add3A_1524 : vector<16xi32>
    tpu.vector_store_idx %arg5[%add3A_1525], %broadcast_in_dim3A_5 : memref<16384xf32, #tpu.memory_space<vmem>>[vector<16xi32>], vector<16xf32>,
    %get3A_1526 = arith.constant 2160 : index
    %get3A_1527 = tpu.vector_load %arg4[%get3A_1526] {strides = array<i32>} : memref<4096xi32, #tpu.memory_space<vmem>>, vector<16xi32>,
    %add3A_1528 = arith.constant 2048 : i32
    %add3A_1529 = vector.broadcast %add3A_1528 : i32 to vector<16xi32>
    %add3A_1530 = arith.addi %get3A_1527, %add3A_1529 : vector<16xi32>
    tpu.vector_store_idx %arg5[%add3A_1530], %broadcast_in_dim3A_5 : memref<16384xf32, #tpu.memory_space<vmem>>[vector<16xi32>], vector<16xf32>,
    %get3A_1531 = arith.constant 2176 : index
    %get3A_1532 = tpu.vector_load %arg4[%get3A_1531] {strides = array<i32>} : memref<4096xi32, #tpu.memory_space<vmem>>, vector<16xi32>,
    %add3A_1533 = arith.constant 4096 : i32
    %add3A_1534 = vector.broadcast %add3A_1533 : i32 to vector<16xi32>
    %add3A_1535 = arith.addi %get3A_1532, %add3A_1534 : vector<16xi32>
    tpu.vector_store_idx %arg5[%add3A_1535], %broadcast_in_dim3A_5 : memref<16384xf32, #tpu.memory_space<vmem>>[vector<16xi32>], vector<16xf32>,
    %get3A_1536 = arith.constant 2192 : index
    %get3A_1537 = tpu.vector_load %arg4[%get3A_1536] {strides = array<i32>} : memref<4096xi32, #tpu.memory_space<vmem>>, vector<16xi32>,
    %add3A_1538 = arith.constant 4096 : i32
    %add3A_1539 = vector.broadcast %add3A_1538 : i32 to vector<16xi32>
    %add3A_1540 = arith.addi %get3A_1537, %add3A_1539 : vector<16xi32>
    tpu.vector_store_idx %arg5[%add3A_1540], %broadcast_in_dim3A_5 : memref<16384xf32, #tpu.memory_space<vmem>>[vector<16xi32>], vector<16xf32>,
    %get3A_1541 = arith.constant 2208 : index
    %get3A_1542 = tpu.vector_load %arg4[%get3A_1541] {strides = array<i32>} : memref<4096xi32, #tpu.memory_space<vmem>>, vector<16xi32>,
    %add3A_1543 = arith.constant 4096 : i32
    %add3A_1544 = vector.broadcast %add3A_1543 : i32 to vector<16xi32>
    %add3A_1545 = arith.addi %get3A_1542, %add3A_1544 : vector<16xi32>
    tpu.vector_store_idx %arg5[%add3A_1545], %broadcast_in_dim3A_5 : memref<16384xf32, #tpu.memory_space<vmem>>[vector<16xi32>], vector<16xf32>,
    %get3A_1546 = arith.constant 2224 : index
    %get3A_1547 = tpu.vector_load %arg4[%get3A_1546] {strides = array<i32>} : memref<4096xi32, #tpu.memory_space<vmem>>, vector<16xi32>,
    %add3A_1548 = arith.constant 4096 : i32
    %add3A_1549 = vector.broadcast %add3A_1548 : i32 to vector<16xi32>
    %add3A_1550 = arith.addi %get3A_1547, %add3A_1549 : vector<16xi32>
    tpu.vector_store_idx %arg5[%add3A_1550], %broadcast_in_dim3A_5 : memref<16384xf32, #tpu.memory_space<vmem>>[vector<16xi32>], vector<16xf32>,
    %get3A_1551 = arith.constant 2240 : index
    %get3A_1552 = tpu.vector_load %arg4[%get3A_1551] {strides = array<i32>} : memref<4096xi32, #tpu.memory_space<vmem>>, vector<16xi32>,
    %add3A_1553 = arith.constant 6144 : i32
    %add3A_1554 = vector.broadcast %add3A_1553 : i32 to vector<16xi32>
    %add3A_1555 = arith.addi %get3A_1552, %add3A_1554 : vector<16xi32>
    tpu.vector_store_idx %arg5[%add3A_1555], %broadcast_in_dim3A_5 : memref<16384xf32, #tpu.memory_space<vmem>>[vector<16xi32>], vector<16xf32>,
    %get3A_1556 = arith.constant 2256 : index
    %get3A_1557 = tpu.vector_load %arg4[%get3A_1556] {strides = array<i32>} : memref<4096xi32, #tpu.memory_space<vmem>>, vector<16xi32>,
    %add3A_1558 = arith.constant 6144 : i32
    %add3A_1559 = vector.broadcast %add3A_1558 : i32 to vector<16xi32>
    %add3A_1560 = arith.addi %get3A_1557, %add3A_1559 : vector<16xi32>
    tpu.vector_store_idx %arg5[%add3A_1560], %broadcast_in_dim3A_5 : memref<16384xf32, #tpu.memory_space<vmem>>[vector<16xi32>], vector<16xf32>,
    %get3A_1561 = arith.constant 2272 : index
    %get3A_1562 = tpu.vector_load %arg4[%get3A_1561] {strides = array<i32>} : memref<4096xi32, #tpu.memory_space<vmem>>, vector<16xi32>,
    %add3A_1563 = arith.constant 6144 : i32
    %add3A_1564 = vector.broadcast %add3A_1563 : i32 to vector<16xi32>
    %add3A_1565 = arith.addi %get3A_1562, %add3A_1564 : vector<16xi32>
    tpu.vector_store_idx %arg5[%add3A_1565], %broadcast_in_dim3A_5 : memref<16384xf32, #tpu.memory_space<vmem>>[vector<16xi32>], vector<16xf32>,
    %get3A_1566 = arith.constant 2288 : index
    %get3A_1567 = tpu.vector_load %arg4[%get3A_1566] {strides = array<i32>} : memref<4096xi32, #tpu.memory_space<vmem>>, vector<16xi32>,
    %add3A_1568 = arith.constant 6144 : i32
    %add3A_1569 = vector.broadcast %add3A_1568 : i32 to vector<16xi32>
    %add3A_1570 = arith.addi %get3A_1567, %add3A_1569 : vector<16xi32>
    tpu.vector_store_idx %arg5[%add3A_1570], %broadcast_in_dim3A_5 : memref<16384xf32, #tpu.memory_space<vmem>>[vector<16xi32>], vector<16xf32>,
    %get3A_1571 = arith.constant 2304 : index
    %get3A_1572 = tpu.vector_load %arg4[%get3A_1571] {strides = array<i32>} : memref<4096xi32, #tpu.memory_space<vmem>>, vector<16xi32>,
    %add3A_1573 = arith.constant 8192 : i32
    %add3A_1574 = vector.broadcast %add3A_1573 : i32 to vector<16xi32>
    %add3A_1575 = arith.addi %get3A_1572, %add3A_1574 : vector<16xi32>
    tpu.vector_store_idx %arg5[%add3A_1575], %broadcast_in_dim3A_5 : memref<16384xf32, #tpu.memory_space<vmem>>[vector<16xi32>], vector<16xf32>,
    %get3A_1576 = arith.constant 2320 : index
    %get3A_1577 = tpu.vector_load %arg4[%get3A_1576] {strides = array<i32>} : memref<4096xi32, #tpu.memory_space<vmem>>, vector<16xi32>,
    %add3A_1578 = arith.constant 8192 : i32
    %add3A_1579 = vector.broadcast %add3A_1578 : i32 to vector<16xi32>
    %add3A_1580 = arith.addi %get3A_1577, %add3A_1579 : vector<16xi32>
    tpu.vector_store_idx %arg5[%add3A_1580], %broadcast_in_dim3A_5 : memref<16384xf32, #tpu.memory_space<vmem>>[vector<16xi32>], vector<16xf32>,
    %get3A_1581 = arith.constant 2336 : index
    %get3A_1582 = tpu.vector_load %arg4[%get3A_1581] {strides = array<i32>} : memref<4096xi32, #tpu.memory_space<vmem>>, vector<16xi32>,
    %add3A_1583 = arith.constant 8192 : i32
    %add3A_1584 = vector.broadcast %add3A_1583 : i32 to vector<16xi32>
    %add3A_1585 = arith.addi %get3A_1582, %add3A_1584 : vector<16xi32>
    tpu.vector_store_idx %arg5[%add3A_1585], %broadcast_in_dim3A_5 : memref<16384xf32, #tpu.memory_space<vmem>>[vector<16xi32>], vector<16xf32>,
    %get3A_1586 = arith.constant 2352 : index
    %get3A_1587 = tpu.vector_load %arg4[%get3A_1586] {strides = array<i32>} : memref<4096xi32, #tpu.memory_space<vmem>>, vector<16xi32>,
    %add3A_1588 = arith.constant 8192 : i32
    %add3A_1589 = vector.broadcast %add3A_1588 : i32 to vector<16xi32>
    %add3A_1590 = arith.addi %get3A_1587, %add3A_1589 : vector<16xi32>
    tpu.vector_store_idx %arg5[%add3A_1590], %broadcast_in_dim3A_5 : memref<16384xf32, #tpu.memory_space<vmem>>[vector<16xi32>], vector<16xf32>,
    %get3A_1591 = arith.constant 2368 : index
    %get3A_1592 = tpu.vector_load %arg4[%get3A_1591] {strides = array<i32>} : memref<4096xi32, #tpu.memory_space<vmem>>, vector<16xi32>,
    %add3A_1593 = arith.constant 10240 : i32
    %add3A_1594 = vector.broadcast %add3A_1593 : i32 to vector<16xi32>
    %add3A_1595 = arith.addi %get3A_1592, %add3A_1594 : vector<16xi32>
    tpu.vector_store_idx %arg5[%add3A_1595], %broadcast_in_dim3A_5 : memref<16384xf32, #tpu.memory_space<vmem>>[vector<16xi32>], vector<16xf32>,
    %get3A_1596 = arith.constant 2384 : index
    %get3A_1597 = tpu.vector_load %arg4[%get3A_1596] {strides = array<i32>} : memref<4096xi32, #tpu.memory_space<vmem>>, vector<16xi32>,
    %add3A_1598 = arith.constant 10240 : i32
    %add3A_1599 = vector.broadcast %add3A_1598 : i32 to vector<16xi32>
    %add3A_1600 = arith.addi %get3A_1597, %add3A_1599 : vector<16xi32>
    tpu.vector_store_idx %arg5[%add3A_1600], %broadcast_in_dim3A_5 : memref<16384xf32, #tpu.memory_space<vmem>>[vector<16xi32>], vector<16xf32>,
    %get3A_1601 = arith.constant 2400 : index
    %get3A_1602 = tpu.vector_load %arg4[%get3A_1601] {strides = array<i32>} : memref<4096xi32, #tpu.memory_space<vmem>>, vector<16xi32>,
    %add3A_1603 = arith.constant 10240 : i32
    %add3A_1604 = vector.broadcast %add3A_1603 : i32 to vector<16xi32>
    %add3A_1605 = arith.addi %get3A_1602, %add3A_1604 : vector<16xi32>
    tpu.vector_store_idx %arg5[%add3A_1605], %broadcast_in_dim3A_5 : memref<16384xf32, #tpu.memory_space<vmem>>[vector<16xi32>], vector<16xf32>,
    %get3A_1606 = arith.constant 2416 : index
    %get3A_1607 = tpu.vector_load %arg4[%get3A_1606] {strides = array<i32>} : memref<4096xi32, #tpu.memory_space<vmem>>, vector<16xi32>,
    %add3A_1608 = arith.constant 10240 : i32
    %add3A_1609 = vector.broadcast %add3A_1608 : i32 to vector<16xi32>
    %add3A_1610 = arith.addi %get3A_1607, %add3A_1609 : vector<16xi32>
    tpu.vector_store_idx %arg5[%add3A_1610], %broadcast_in_dim3A_5 : memref<16384xf32, #tpu.memory_space<vmem>>[vector<16xi32>], vector<16xf32>,
    %get3A_1611 = arith.constant 2432 : index
    %get3A_1612 = tpu.vector_load %arg4[%get3A_1611] {strides = array<i32>} : memref<4096xi32, #tpu.memory_space<vmem>>, vector<16xi32>,
    %add3A_1613 = arith.constant 12288 : i32
    %add3A_1614 = vector.broadcast %add3A_1613 : i32 to vector<16xi32>
    %add3A_1615 = arith.addi %get3A_1612, %add3A_1614 : vector<16xi32>
    tpu.vector_store_idx %arg5[%add3A_1615], %broadcast_in_dim3A_5 : memref<16384xf32, #tpu.memory_space<vmem>>[vector<16xi32>], vector<16xf32>,
    %get3A_1616 = arith.constant 2448 : index
    %get3A_1617 = tpu.vector_load %arg4[%get3A_1616] {strides = array<i32>} : memref<4096xi32, #tpu.memory_space<vmem>>, vector<16xi32>,
    %add3A_1618 = arith.constant 12288 : i32
    %add3A_1619 = vector.broadcast %add3A_1618 : i32 to vector<16xi32>
    %add3A_1620 = arith.addi %get3A_1617, %add3A_1619 : vector<16xi32>
    tpu.vector_store_idx %arg5[%add3A_1620], %broadcast_in_dim3A_5 : memref<16384xf32, #tpu.memory_space<vmem>>[vector<16xi32>], vector<16xf32>,
    %get3A_1621 = arith.constant 2464 : index
    %get3A_1622 = tpu.vector_load %arg4[%get3A_1621] {strides = array<i32>} : memref<4096xi32, #tpu.memory_space<vmem>>, vector<16xi32>,
    %add3A_1623 = arith.constant 12288 : i32
    %add3A_1624 = vector.broadcast %add3A_1623 : i32 to vector<16xi32>
    %add3A_1625 = arith.addi %get3A_1622, %add3A_1624 : vector<16xi32>
    tpu.vector_store_idx %arg5[%add3A_1625], %broadcast_in_dim3A_5 : memref<16384xf32, #tpu.memory_space<vmem>>[vector<16xi32>], vector<16xf32>,
    %get3A_1626 = arith.constant 2480 : index
    %get3A_1627 = tpu.vector_load %arg4[%get3A_1626] {strides = array<i32>} : memref<4096xi32, #tpu.memory_space<vmem>>, vector<16xi32>,
    %add3A_1628 = arith.constant 12288 : i32
    %add3A_1629 = vector.broadcast %add3A_1628 : i32 to vector<16xi32>
    %add3A_1630 = arith.addi %get3A_1627, %add3A_1629 : vector<16xi32>
    tpu.vector_store_idx %arg5[%add3A_1630], %broadcast_in_dim3A_5 : memref<16384xf32, #tpu.memory_space<vmem>>[vector<16xi32>], vector<16xf32>,
    %get3A_1631 = arith.constant 2496 : index
    %get3A_1632 = tpu.vector_load %arg4[%get3A_1631] {strides = array<i32>} : memref<4096xi32, #tpu.memory_space<vmem>>, vector<16xi32>,
    %add3A_1633 = arith.constant 14336 : i32
    %add3A_1634 = vector.broadcast %add3A_1633 : i32 to vector<16xi32>
    %add3A_1635 = arith.addi %get3A_1632, %add3A_1634 : vector<16xi32>
    tpu.vector_store_idx %arg5[%add3A_1635], %broadcast_in_dim3A_5 : memref<16384xf32, #tpu.memory_space<vmem>>[vector<16xi32>], vector<16xf32>,
    %get3A_1636 = arith.constant 2512 : index
    %get3A_1637 = tpu.vector_load %arg4[%get3A_1636] {strides = array<i32>} : memref<4096xi32, #tpu.memory_space<vmem>>, vector<16xi32>,
    %add3A_1638 = arith.constant 14336 : i32
    %add3A_1639 = vector.broadcast %add3A_1638 : i32 to vector<16xi32>
    %add3A_1640 = arith.addi %get3A_1637, %add3A_1639 : vector<16xi32>
    tpu.vector_store_idx %arg5[%add3A_1640], %broadcast_in_dim3A_5 : memref<16384xf32, #tpu.memory_space<vmem>>[vector<16xi32>], vector<16xf32>,
    %get3A_1641 = arith.constant 2528 : index
    %get3A_1642 = tpu.vector_load %arg4[%get3A_1641] {strides = array<i32>} : memref<4096xi32, #tpu.memory_space<vmem>>, vector<16xi32>,
    %add3A_1643 = arith.constant 14336 : i32
    %add3A_1644 = vector.broadcast %add3A_1643 : i32 to vector<16xi32>
    %add3A_1645 = arith.addi %get3A_1642, %add3A_1644 : vector<16xi32>
    tpu.vector_store_idx %arg5[%add3A_1645], %broadcast_in_dim3A_5 : memref<16384xf32, #tpu.memory_space<vmem>>[vector<16xi32>], vector<16xf32>,
    %get3A_1646 = arith.constant 2544 : index
    %get3A_1647 = tpu.vector_load %arg4[%get3A_1646] {strides = array<i32>} : memref<4096xi32, #tpu.memory_space<vmem>>, vector<16xi32>,
    %add3A_1648 = arith.constant 14336 : i32
    %add3A_1649 = vector.broadcast %add3A_1648 : i32 to vector<16xi32>
    %add3A_1650 = arith.addi %get3A_1647, %add3A_1649 : vector<16xi32>
    tpu.vector_store_idx %arg5[%add3A_1650], %broadcast_in_dim3A_5 : memref<16384xf32, #tpu.memory_space<vmem>>[vector<16xi32>], vector<16xf32>,
    %get3A_1651 = arith.constant 2560 : index
    %get3A_1652 = tpu.vector_load %arg4[%get3A_1651] {strides = array<i32>} : memref<4096xi32, #tpu.memory_space<vmem>>, vector<16xi32>,
    %add3A_1653 = arith.constant 0 : i32
    %add3A_1654 = vector.broadcast %add3A_1653 : i32 to vector<16xi32>
    %add3A_1655 = arith.addi %get3A_1652, %add3A_1654 : vector<16xi32>
    tpu.vector_store_idx %arg5[%add3A_1655], %broadcast_in_dim3A_7 : memref<16384xf32, #tpu.memory_space<vmem>>[vector<16xi32>], vector<16xf32>,
    %get3A_1656 = arith.constant 2576 : index
    %get3A_1657 = tpu.vector_load %arg4[%get3A_1656] {strides = array<i32>} : memref<4096xi32, #tpu.memory_space<vmem>>, vector<16xi32>,
    %add3A_1658 = arith.constant 0 : i32
    %add3A_1659 = vector.broadcast %add3A_1658 : i32 to vector<16xi32>
    %add3A_1660 = arith.addi %get3A_1657, %add3A_1659 : vector<16xi32>
    tpu.vector_store_idx %arg5[%add3A_1660], %broadcast_in_dim3A_7 : memref<16384xf32, #tpu.memory_space<vmem>>[vector<16xi32>], vector<16xf32>,
    %get3A_1661 = arith.constant 2592 : index
    %get3A_1662 = tpu.vector_load %arg4[%get3A_1661] {strides = array<i32>} : memref<4096xi32, #tpu.memory_space<vmem>>, vector<16xi32>,
    %add3A_1663 = arith.constant 0 : i32
    %add3A_1664 = vector.broadcast %add3A_1663 : i32 to vector<16xi32>
    %add3A_1665 = arith.addi %get3A_1662, %add3A_1664 : vector<16xi32>
    tpu.vector_store_idx %arg5[%add3A_1665], %broadcast_in_dim3A_7 : memref<16384xf32, #tpu.memory_space<vmem>>[vector<16xi32>], vector<16xf32>,
    %get3A_1666 = arith.constant 2608 : index
    %get3A_1667 = tpu.vector_load %arg4[%get3A_1666] {strides = array<i32>} : memref<4096xi32, #tpu.memory_space<vmem>>, vector<16xi32>,
    %add3A_1668 = arith.constant 0 : i32
    %add3A_1669 = vector.broadcast %add3A_1668 : i32 to vector<16xi32>
    %add3A_1670 = arith.addi %get3A_1667, %add3A_1669 : vector<16xi32>
    tpu.vector_store_idx %arg5[%add3A_1670], %broadcast_in_dim3A_7 : memref<16384xf32, #tpu.memory_space<vmem>>[vector<16xi32>], vector<16xf32>,
    %get3A_1671 = arith.constant 2624 : index
    %get3A_1672 = tpu.vector_load %arg4[%get3A_1671] {strides = array<i32>} : memref<4096xi32, #tpu.memory_space<vmem>>, vector<16xi32>,
    %add3A_1673 = arith.constant 2048 : i32
    %add3A_1674 = vector.broadcast %add3A_1673 : i32 to vector<16xi32>
    %add3A_1675 = arith.addi %get3A_1672, %add3A_1674 : vector<16xi32>
    tpu.vector_store_idx %arg5[%add3A_1675], %broadcast_in_dim3A_7 : memref<16384xf32, #tpu.memory_space<vmem>>[vector<16xi32>], vector<16xf32>,
    %get3A_1676 = arith.constant 2640 : index
    %get3A_1677 = tpu.vector_load %arg4[%get3A_1676] {strides = array<i32>} : memref<4096xi32, #tpu.memory_space<vmem>>, vector<16xi32>,
    %add3A_1678 = arith.constant 2048 : i32
    %add3A_1679 = vector.broadcast %add3A_1678 : i32 to vector<16xi32>
    %add3A_1680 = arith.addi %get3A_1677, %add3A_1679 : vector<16xi32>
    tpu.vector_store_idx %arg5[%add3A_1680], %broadcast_in_dim3A_7 : memref<16384xf32, #tpu.memory_space<vmem>>[vector<16xi32>], vector<16xf32>,
    %get3A_1681 = arith.constant 2656 : index
    %get3A_1682 = tpu.vector_load %arg4[%get3A_1681] {strides = array<i32>} : memref<4096xi32, #tpu.memory_space<vmem>>, vector<16xi32>,
    %add3A_1683 = arith.constant 2048 : i32
    %add3A_1684 = vector.broadcast %add3A_1683 : i32 to vector<16xi32>
    %add3A_1685 = arith.addi %get3A_1682, %add3A_1684 : vector<16xi32>
    tpu.vector_store_idx %arg5[%add3A_1685], %broadcast_in_dim3A_7 : memref<16384xf32, #tpu.memory_space<vmem>>[vector<16xi32>], vector<16xf32>,
    %get3A_1686 = arith.constant 2672 : index
    %get3A_1687 = tpu.vector_load %arg4[%get3A_1686] {strides = array<i32>} : memref<4096xi32, #tpu.memory_space<vmem>>, vector<16xi32>,
    %add3A_1688 = arith.constant 2048 : i32
    %add3A_1689 = vector.broadcast %add3A_1688 : i32 to vector<16xi32>
    %add3A_1690 = arith.addi %get3A_1687, %add3A_1689 : vector<16xi32>
    tpu.vector_store_idx %arg5[%add3A_1690], %broadcast_in_dim3A_7 : memref<16384xf32, #tpu.memory_space<vmem>>[vector<16xi32>], vector<16xf32>,
    %get3A_1691 = arith.constant 2688 : index
    %get3A_1692 = tpu.vector_load %arg4[%get3A_1691] {strides = array<i32>} : memref<4096xi32, #tpu.memory_space<vmem>>, vector<16xi32>,
    %add3A_1693 = arith.constant 4096 : i32
    %add3A_1694 = vector.broadcast %add3A_1693 : i32 to vector<16xi32>
    %add3A_1695 = arith.addi %get3A_1692, %add3A_1694 : vector<16xi32>
    tpu.vector_store_idx %arg5[%add3A_1695], %broadcast_in_dim3A_7 : memref<16384xf32, #tpu.memory_space<vmem>>[vector<16xi32>], vector<16xf32>,
    %get3A_1696 = arith.constant 2704 : index
    %get3A_1697 = tpu.vector_load %arg4[%get3A_1696] {strides = array<i32>} : memref<4096xi32, #tpu.memory_space<vmem>>, vector<16xi32>,
    %add3A_1698 = arith.constant 4096 : i32
    %add3A_1699 = vector.broadcast %add3A_1698 : i32 to vector<16xi32>
    %add3A_1700 = arith.addi %get3A_1697, %add3A_1699 : vector<16xi32>
    tpu.vector_store_idx %arg5[%add3A_1700], %broadcast_in_dim3A_7 : memref<16384xf32, #tpu.memory_space<vmem>>[vector<16xi32>], vector<16xf32>,
    %get3A_1701 = arith.constant 2720 : index
    %get3A_1702 = tpu.vector_load %arg4[%get3A_1701] {strides = array<i32>} : memref<4096xi32, #tpu.memory_space<vmem>>, vector<16xi32>,
    %add3A_1703 = arith.constant 4096 : i32
    %add3A_1704 = vector.broadcast %add3A_1703 : i32 to vector<16xi32>
    %add3A_1705 = arith.addi %get3A_1702, %add3A_1704 : vector<16xi32>
    tpu.vector_store_idx %arg5[%add3A_1705], %broadcast_in_dim3A_7 : memref<16384xf32, #tpu.memory_space<vmem>>[vector<16xi32>], vector<16xf32>,
    %get3A_1706 = arith.constant 2736 : index
    %get3A_1707 = tpu.vector_load %arg4[%get3A_1706] {strides = array<i32>} : memref<4096xi32, #tpu.memory_space<vmem>>, vector<16xi32>,
    %add3A_1708 = arith.constant 4096 : i32
    %add3A_1709 = vector.broadcast %add3A_1708 : i32 to vector<16xi32>
    %add3A_1710 = arith.addi %get3A_1707, %add3A_1709 : vector<16xi32>
    tpu.vector_store_idx %arg5[%add3A_1710], %broadcast_in_dim3A_7 : memref<16384xf32, #tpu.memory_space<vmem>>[vector<16xi32>], vector<16xf32>,
    %get3A_1711 = arith.constant 2752 : index
    %get3A_1712 = tpu.vector_load %arg4[%get3A_1711] {strides = array<i32>} : memref<4096xi32, #tpu.memory_space<vmem>>, vector<16xi32>,
    %add3A_1713 = arith.constant 6144 : i32
    %add3A_1714 = vector.broadcast %add3A_1713 : i32 to vector<16xi32>
    %add3A_1715 = arith.addi %get3A_1712, %add3A_1714 : vector<16xi32>
    tpu.vector_store_idx %arg5[%add3A_1715], %broadcast_in_dim3A_7 : memref<16384xf32, #tpu.memory_space<vmem>>[vector<16xi32>], vector<16xf32>,
    %get3A_1716 = arith.constant 2768 : index
    %get3A_1717 = tpu.vector_load %arg4[%get3A_1716] {strides = array<i32>} : memref<4096xi32, #tpu.memory_space<vmem>>, vector<16xi32>,
    %add3A_1718 = arith.constant 6144 : i32
    %add3A_1719 = vector.broadcast %add3A_1718 : i32 to vector<16xi32>
    %add3A_1720 = arith.addi %get3A_1717, %add3A_1719 : vector<16xi32>
    tpu.vector_store_idx %arg5[%add3A_1720], %broadcast_in_dim3A_7 : memref<16384xf32, #tpu.memory_space<vmem>>[vector<16xi32>], vector<16xf32>,
    %get3A_1721 = arith.constant 2784 : index
    %get3A_1722 = tpu.vector_load %arg4[%get3A_1721] {strides = array<i32>} : memref<4096xi32, #tpu.memory_space<vmem>>, vector<16xi32>,
    %add3A_1723 = arith.constant 6144 : i32
    %add3A_1724 = vector.broadcast %add3A_1723 : i32 to vector<16xi32>
    %add3A_1725 = arith.addi %get3A_1722, %add3A_1724 : vector<16xi32>
    tpu.vector_store_idx %arg5[%add3A_1725], %broadcast_in_dim3A_7 : memref<16384xf32, #tpu.memory_space<vmem>>[vector<16xi32>], vector<16xf32>,
    %get3A_1726 = arith.constant 2800 : index
    %get3A_1727 = tpu.vector_load %arg4[%get3A_1726] {strides = array<i32>} : memref<4096xi32, #tpu.memory_space<vmem>>, vector<16xi32>,
    %add3A_1728 = arith.constant 6144 : i32
    %add3A_1729 = vector.broadcast %add3A_1728 : i32 to vector<16xi32>
    %add3A_1730 = arith.addi %get3A_1727, %add3A_1729 : vector<16xi32>
    tpu.vector_store_idx %arg5[%add3A_1730], %broadcast_in_dim3A_7 : memref<16384xf32, #tpu.memory_space<vmem>>[vector<16xi32>], vector<16xf32>,
    %get3A_1731 = arith.constant 2816 : index
    %get3A_1732 = tpu.vector_load %arg4[%get3A_1731] {strides = array<i32>} : memref<4096xi32, #tpu.memory_space<vmem>>, vector<16xi32>,
    %add3A_1733 = arith.constant 8192 : i32
    %add3A_1734 = vector.broadcast %add3A_1733 : i32 to vector<16xi32>
    %add3A_1735 = arith.addi %get3A_1732, %add3A_1734 : vector<16xi32>
    tpu.vector_store_idx %arg5[%add3A_1735], %broadcast_in_dim3A_7 : memref<16384xf32, #tpu.memory_space<vmem>>[vector<16xi32>], vector<16xf32>,
    %get3A_1736 = arith.constant 2832 : index
    %get3A_1737 = tpu.vector_load %arg4[%get3A_1736] {strides = array<i32>} : memref<4096xi32, #tpu.memory_space<vmem>>, vector<16xi32>,
    %add3A_1738 = arith.constant 8192 : i32
    %add3A_1739 = vector.broadcast %add3A_1738 : i32 to vector<16xi32>
    %add3A_1740 = arith.addi %get3A_1737, %add3A_1739 : vector<16xi32>
    tpu.vector_store_idx %arg5[%add3A_1740], %broadcast_in_dim3A_7 : memref<16384xf32, #tpu.memory_space<vmem>>[vector<16xi32>], vector<16xf32>,
    %get3A_1741 = arith.constant 2848 : index
    %get3A_1742 = tpu.vector_load %arg4[%get3A_1741] {strides = array<i32>} : memref<4096xi32, #tpu.memory_space<vmem>>, vector<16xi32>,
    %add3A_1743 = arith.constant 8192 : i32
    %add3A_1744 = vector.broadcast %add3A_1743 : i32 to vector<16xi32>
    %add3A_1745 = arith.addi %get3A_1742, %add3A_1744 : vector<16xi32>
    tpu.vector_store_idx %arg5[%add3A_1745], %broadcast_in_dim3A_7 : memref<16384xf32, #tpu.memory_space<vmem>>[vector<16xi32>], vector<16xf32>,
    %get3A_1746 = arith.constant 2864 : index
    %get3A_1747 = tpu.vector_load %arg4[%get3A_1746] {strides = array<i32>} : memref<4096xi32, #tpu.memory_space<vmem>>, vector<16xi32>,
    %add3A_1748 = arith.constant 8192 : i32
    %add3A_1749 = vector.broadcast %add3A_1748 : i32 to vector<16xi32>
    %add3A_1750 = arith.addi %get3A_1747, %add3A_1749 : vector<16xi32>
    tpu.vector_store_idx %arg5[%add3A_1750], %broadcast_in_dim3A_7 : memref<16384xf32, #tpu.memory_space<vmem>>[vector<16xi32>], vector<16xf32>,
    %get3A_1751 = arith.constant 2880 : index
    %get3A_1752 = tpu.vector_load %arg4[%get3A_1751] {strides = array<i32>} : memref<4096xi32, #tpu.memory_space<vmem>>, vector<16xi32>,
    %add3A_1753 = arith.constant 10240 : i32
    %add3A_1754 = vector.broadcast %add3A_1753 : i32 to vector<16xi32>
    %add3A_1755 = arith.addi %get3A_1752, %add3A_1754 : vector<16xi32>
    tpu.vector_store_idx %arg5[%add3A_1755], %broadcast_in_dim3A_7 : memref<16384xf32, #tpu.memory_space<vmem>>[vector<16xi32>], vector<16xf32>,
    %get3A_1756 = arith.constant 2896 : index
    %get3A_1757 = tpu.vector_load %arg4[%get3A_1756] {strides = array<i32>} : memref<4096xi32, #tpu.memory_space<vmem>>, vector<16xi32>,
    %add3A_1758 = arith.constant 10240 : i32
    %add3A_1759 = vector.broadcast %add3A_1758 : i32 to vector<16xi32>
    %add3A_1760 = arith.addi %get3A_1757, %add3A_1759 : vector<16xi32>
    tpu.vector_store_idx %arg5[%add3A_1760], %broadcast_in_dim3A_7 : memref<16384xf32, #tpu.memory_space<vmem>>[vector<16xi32>], vector<16xf32>,
    %get3A_1761 = arith.constant 2912 : index
    %get3A_1762 = tpu.vector_load %arg4[%get3A_1761] {strides = array<i32>} : memref<4096xi32, #tpu.memory_space<vmem>>, vector<16xi32>,
    %add3A_1763 = arith.constant 10240 : i32
    %add3A_1764 = vector.broadcast %add3A_1763 : i32 to vector<16xi32>
    %add3A_1765 = arith.addi %get3A_1762, %add3A_1764 : vector<16xi32>
    tpu.vector_store_idx %arg5[%add3A_1765], %broadcast_in_dim3A_7 : memref<16384xf32, #tpu.memory_space<vmem>>[vector<16xi32>], vector<16xf32>,
    %get3A_1766 = arith.constant 2928 : index
    %get3A_1767 = tpu.vector_load %arg4[%get3A_1766] {strides = array<i32>} : memref<4096xi32, #tpu.memory_space<vmem>>, vector<16xi32>,
    %add3A_1768 = arith.constant 10240 : i32
    %add3A_1769 = vector.broadcast %add3A_1768 : i32 to vector<16xi32>
    %add3A_1770 = arith.addi %get3A_1767, %add3A_1769 : vector<16xi32>
    tpu.vector_store_idx %arg5[%add3A_1770], %broadcast_in_dim3A_7 : memref<16384xf32, #tpu.memory_space<vmem>>[vector<16xi32>], vector<16xf32>,
    %get3A_1771 = arith.constant 2944 : index
    %get3A_1772 = tpu.vector_load %arg4[%get3A_1771] {strides = array<i32>} : memref<4096xi32, #tpu.memory_space<vmem>>, vector<16xi32>,
    %add3A_1773 = arith.constant 12288 : i32
    %add3A_1774 = vector.broadcast %add3A_1773 : i32 to vector<16xi32>
    %add3A_1775 = arith.addi %get3A_1772, %add3A_1774 : vector<16xi32>
    tpu.vector_store_idx %arg5[%add3A_1775], %broadcast_in_dim3A_7 : memref<16384xf32, #tpu.memory_space<vmem>>[vector<16xi32>], vector<16xf32>,
    %get3A_1776 = arith.constant 2960 : index
    %get3A_1777 = tpu.vector_load %arg4[%get3A_1776] {strides = array<i32>} : memref<4096xi32, #tpu.memory_space<vmem>>, vector<16xi32>,
    %add3A_1778 = arith.constant 12288 : i32
    %add3A_1779 = vector.broadcast %add3A_1778 : i32 to vector<16xi32>
    %add3A_1780 = arith.addi %get3A_1777, %add3A_1779 : vector<16xi32>
    tpu.vector_store_idx %arg5[%add3A_1780], %broadcast_in_dim3A_7 : memref<16384xf32, #tpu.memory_space<vmem>>[vector<16xi32>], vector<16xf32>,
    %get3A_1781 = arith.constant 2976 : index
    %get3A_1782 = tpu.vector_load %arg4[%get3A_1781] {strides = array<i32>} : memref<4096xi32, #tpu.memory_space<vmem>>, vector<16xi32>,
    %add3A_1783 = arith.constant 12288 : i32
    %add3A_1784 = vector.broadcast %add3A_1783 : i32 to vector<16xi32>
    %add3A_1785 = arith.addi %get3A_1782, %add3A_1784 : vector<16xi32>
    tpu.vector_store_idx %arg5[%add3A_1785], %broadcast_in_dim3A_7 : memref<16384xf32, #tpu.memory_space<vmem>>[vector<16xi32>], vector<16xf32>,
    %get3A_1786 = arith.constant 2992 : index
    %get3A_1787 = tpu.vector_load %arg4[%get3A_1786] {strides = array<i32>} : memref<4096xi32, #tpu.memory_space<vmem>>, vector<16xi32>,
    %add3A_1788 = arith.constant 12288 : i32
    %add3A_1789 = vector.broadcast %add3A_1788 : i32 to vector<16xi32>
    %add3A_1790 = arith.addi %get3A_1787, %add3A_1789 : vector<16xi32>
    tpu.vector_store_idx %arg5[%add3A_1790], %broadcast_in_dim3A_7 : memref<16384xf32, #tpu.memory_space<vmem>>[vector<16xi32>], vector<16xf32>,
    %get3A_1791 = arith.constant 3008 : index
    %get3A_1792 = tpu.vector_load %arg4[%get3A_1791] {strides = array<i32>} : memref<4096xi32, #tpu.memory_space<vmem>>, vector<16xi32>,
    %add3A_1793 = arith.constant 14336 : i32
    %add3A_1794 = vector.broadcast %add3A_1793 : i32 to vector<16xi32>
    %add3A_1795 = arith.addi %get3A_1792, %add3A_1794 : vector<16xi32>
    tpu.vector_store_idx %arg5[%add3A_1795], %broadcast_in_dim3A_7 : memref<16384xf32, #tpu.memory_space<vmem>>[vector<16xi32>], vector<16xf32>,
    %get3A_1796 = arith.constant 3024 : index
    %get3A_1797 = tpu.vector_load %arg4[%get3A_1796] {strides = array<i32>} : memref<4096xi32, #tpu.memory_space<vmem>>, vector<16xi32>,
    %add3A_1798 = arith.constant 14336 : i32
    %add3A_1799 = vector.broadcast %add3A_1798 : i32 to vector<16xi32>
    %add3A_1800 = arith.addi %get3A_1797, %add3A_1799 : vector<16xi32>
    tpu.vector_store_idx %arg5[%add3A_1800], %broadcast_in_dim3A_7 : memref<16384xf32, #tpu.memory_space<vmem>>[vector<16xi32>], vector<16xf32>,
    %get3A_1801 = arith.constant 3040 : index
    %get3A_1802 = tpu.vector_load %arg4[%get3A_1801] {strides = array<i32>} : memref<4096xi32, #tpu.memory_space<vmem>>, vector<16xi32>,
    %add3A_1803 = arith.constant 14336 : i32
    %add3A_1804 = vector.broadcast %add3A_1803 : i32 to vector<16xi32>
    %add3A_1805 = arith.addi %get3A_1802, %add3A_1804 : vector<16xi32>
    tpu.vector_store_idx %arg5[%add3A_1805], %broadcast_in_dim3A_7 : memref<16384xf32, #tpu.memory_space<vmem>>[vector<16xi32>], vector<16xf32>,
    %get3A_1806 = arith.constant 3056 : index
    %get3A_1807 = tpu.vector_load %arg4[%get3A_1806] {strides = array<i32>} : memref<4096xi32, #tpu.memory_space<vmem>>, vector<16xi32>,
    %add3A_1808 = arith.constant 14336 : i32
    %add3A_1809 = vector.broadcast %add3A_1808 : i32 to vector<16xi32>
    %add3A_1810 = arith.addi %get3A_1807, %add3A_1809 : vector<16xi32>
    tpu.vector_store_idx %arg5[%add3A_1810], %broadcast_in_dim3A_7 : memref<16384xf32, #tpu.memory_space<vmem>>[vector<16xi32>], vector<16xf32>,
    %add3A_1811 = arith.constant 40 : i32
    %add3A_1812 = arith.addi %mul3A_2, %add3A_1811 : i32
    %mul3A_1813 = arith.constant 2048 : i32
    %mul3A_1814 = arith.muli %add3A_1812, %mul3A_1813 : i32
    %dma_start3A_1815 = tpu.memref_slice %arg3[%mul3A_1814] : memref<4194304xf32, #tpu.memory_space<hbm>> -> memref<16384xf32, #tpu.memory_space<hbm>>
    %dma_start3A_1816 = tpu.memref_slice %arg3[%mul3A_1814] : memref<4194304xf32, #tpu.memory_space<hbm>> -> memref<16384xf32, #tpu.memory_space<hbm>>
    tpu.enqueue_dma source(%arg5 : memref<16384xf32, #tpu.memory_space<vmem>>) target(%dma_start3A_1816 : memref<16384xf32, #tpu.memory_space<hbm>>) target_semaphore(%arg6 : memref<!tpu.dma_semaphore, #tpu.memory_space<semaphore_mem>>)
    %dma_wait3A_1817 = tpu.memref_slice %arg3[%mul3A_1814] : memref<4194304xf32, #tpu.memory_space<hbm>> -> memref<16384xf32, #tpu.memory_space<hbm>>
    %dma_wait3A_1818 = tpu.memref_slice %arg3[%mul3A_1814] : memref<4194304xf32, #tpu.memory_space<hbm>> -> memref<16384xf32, #tpu.memory_space<hbm>>
    tpu.wait_dma2 semaphore(%arg6 : memref<!tpu.dma_semaphore, #tpu.memory_space<semaphore_mem>>) src(%arg5 : memref<16384xf32, #tpu.memory_space<vmem>>) dst(%dma_wait3A_1818 : memref<16384xf32, #tpu.memory_space<hbm>>)
    %get3A_1819 = arith.constant 2560 : index
    %get3A_1820 = tpu.vector_load %arg4[%get3A_1819] {strides = array<i32>} : memref<4096xi32, #tpu.memory_space<vmem>>, vector<16xi32>,
    %add3A_1821 = arith.constant 0 : i32
    %add3A_1822 = vector.broadcast %add3A_1821 : i32 to vector<16xi32>
    %add3A_1823 = arith.addi %get3A_1820, %add3A_1822 : vector<16xi32>
    tpu.vector_store_idx %arg5[%add3A_1823], %broadcast_in_dim3A_5 : memref<16384xf32, #tpu.memory_space<vmem>>[vector<16xi32>], vector<16xf32>,
    %get3A_1824 = arith.constant 2576 : index
    %get3A_1825 = tpu.vector_load %arg4[%get3A_1824] {strides = array<i32>} : memref<4096xi32, #tpu.memory_space<vmem>>, vector<16xi32>,
    %add3A_1826 = arith.constant 0 : i32
    %add3A_1827 = vector.broadcast %add3A_1826 : i32 to vector<16xi32>
    %add3A_1828 = arith.addi %get3A_1825, %add3A_1827 : vector<16xi32>
    tpu.vector_store_idx %arg5[%add3A_1828], %broadcast_in_dim3A_5 : memref<16384xf32, #tpu.memory_space<vmem>>[vector<16xi32>], vector<16xf32>,
    %get3A_1829 = arith.constant 2592 : index
    %get3A_1830 = tpu.vector_load %arg4[%get3A_1829] {strides = array<i32>} : memref<4096xi32, #tpu.memory_space<vmem>>, vector<16xi32>,
    %add3A_1831 = arith.constant 0 : i32
    %add3A_1832 = vector.broadcast %add3A_1831 : i32 to vector<16xi32>
    %add3A_1833 = arith.addi %get3A_1830, %add3A_1832 : vector<16xi32>
    tpu.vector_store_idx %arg5[%add3A_1833], %broadcast_in_dim3A_5 : memref<16384xf32, #tpu.memory_space<vmem>>[vector<16xi32>], vector<16xf32>,
    %get3A_1834 = arith.constant 2608 : index
    %get3A_1835 = tpu.vector_load %arg4[%get3A_1834] {strides = array<i32>} : memref<4096xi32, #tpu.memory_space<vmem>>, vector<16xi32>,
    %add3A_1836 = arith.constant 0 : i32
    %add3A_1837 = vector.broadcast %add3A_1836 : i32 to vector<16xi32>
    %add3A_1838 = arith.addi %get3A_1835, %add3A_1837 : vector<16xi32>
    tpu.vector_store_idx %arg5[%add3A_1838], %broadcast_in_dim3A_5 : memref<16384xf32, #tpu.memory_space<vmem>>[vector<16xi32>], vector<16xf32>,
    %get3A_1839 = arith.constant 2624 : index
    %get3A_1840 = tpu.vector_load %arg4[%get3A_1839] {strides = array<i32>} : memref<4096xi32, #tpu.memory_space<vmem>>, vector<16xi32>,
    %add3A_1841 = arith.constant 2048 : i32
    %add3A_1842 = vector.broadcast %add3A_1841 : i32 to vector<16xi32>
    %add3A_1843 = arith.addi %get3A_1840, %add3A_1842 : vector<16xi32>
    tpu.vector_store_idx %arg5[%add3A_1843], %broadcast_in_dim3A_5 : memref<16384xf32, #tpu.memory_space<vmem>>[vector<16xi32>], vector<16xf32>,
    %get3A_1844 = arith.constant 2640 : index
    %get3A_1845 = tpu.vector_load %arg4[%get3A_1844] {strides = array<i32>} : memref<4096xi32, #tpu.memory_space<vmem>>, vector<16xi32>,
    %add3A_1846 = arith.constant 2048 : i32
    %add3A_1847 = vector.broadcast %add3A_1846 : i32 to vector<16xi32>
    %add3A_1848 = arith.addi %get3A_1845, %add3A_1847 : vector<16xi32>
    tpu.vector_store_idx %arg5[%add3A_1848], %broadcast_in_dim3A_5 : memref<16384xf32, #tpu.memory_space<vmem>>[vector<16xi32>], vector<16xf32>,
    %get3A_1849 = arith.constant 2656 : index
    %get3A_1850 = tpu.vector_load %arg4[%get3A_1849] {strides = array<i32>} : memref<4096xi32, #tpu.memory_space<vmem>>, vector<16xi32>,
    %add3A_1851 = arith.constant 2048 : i32
    %add3A_1852 = vector.broadcast %add3A_1851 : i32 to vector<16xi32>
    %add3A_1853 = arith.addi %get3A_1850, %add3A_1852 : vector<16xi32>
    tpu.vector_store_idx %arg5[%add3A_1853], %broadcast_in_dim3A_5 : memref<16384xf32, #tpu.memory_space<vmem>>[vector<16xi32>], vector<16xf32>,
    %get3A_1854 = arith.constant 2672 : index
    %get3A_1855 = tpu.vector_load %arg4[%get3A_1854] {strides = array<i32>} : memref<4096xi32, #tpu.memory_space<vmem>>, vector<16xi32>,
    %add3A_1856 = arith.constant 2048 : i32
    %add3A_1857 = vector.broadcast %add3A_1856 : i32 to vector<16xi32>
    %add3A_1858 = arith.addi %get3A_1855, %add3A_1857 : vector<16xi32>
    tpu.vector_store_idx %arg5[%add3A_1858], %broadcast_in_dim3A_5 : memref<16384xf32, #tpu.memory_space<vmem>>[vector<16xi32>], vector<16xf32>,
    %get3A_1859 = arith.constant 2688 : index
    %get3A_1860 = tpu.vector_load %arg4[%get3A_1859] {strides = array<i32>} : memref<4096xi32, #tpu.memory_space<vmem>>, vector<16xi32>,
    %add3A_1861 = arith.constant 4096 : i32
    %add3A_1862 = vector.broadcast %add3A_1861 : i32 to vector<16xi32>
    %add3A_1863 = arith.addi %get3A_1860, %add3A_1862 : vector<16xi32>
    tpu.vector_store_idx %arg5[%add3A_1863], %broadcast_in_dim3A_5 : memref<16384xf32, #tpu.memory_space<vmem>>[vector<16xi32>], vector<16xf32>,
    %get3A_1864 = arith.constant 2704 : index
    %get3A_1865 = tpu.vector_load %arg4[%get3A_1864] {strides = array<i32>} : memref<4096xi32, #tpu.memory_space<vmem>>, vector<16xi32>,
    %add3A_1866 = arith.constant 4096 : i32
    %add3A_1867 = vector.broadcast %add3A_1866 : i32 to vector<16xi32>
    %add3A_1868 = arith.addi %get3A_1865, %add3A_1867 : vector<16xi32>
    tpu.vector_store_idx %arg5[%add3A_1868], %broadcast_in_dim3A_5 : memref<16384xf32, #tpu.memory_space<vmem>>[vector<16xi32>], vector<16xf32>,
    %get3A_1869 = arith.constant 2720 : index
    %get3A_1870 = tpu.vector_load %arg4[%get3A_1869] {strides = array<i32>} : memref<4096xi32, #tpu.memory_space<vmem>>, vector<16xi32>,
    %add3A_1871 = arith.constant 4096 : i32
    %add3A_1872 = vector.broadcast %add3A_1871 : i32 to vector<16xi32>
    %add3A_1873 = arith.addi %get3A_1870, %add3A_1872 : vector<16xi32>
    tpu.vector_store_idx %arg5[%add3A_1873], %broadcast_in_dim3A_5 : memref<16384xf32, #tpu.memory_space<vmem>>[vector<16xi32>], vector<16xf32>,
    %get3A_1874 = arith.constant 2736 : index
    %get3A_1875 = tpu.vector_load %arg4[%get3A_1874] {strides = array<i32>} : memref<4096xi32, #tpu.memory_space<vmem>>, vector<16xi32>,
    %add3A_1876 = arith.constant 4096 : i32
    %add3A_1877 = vector.broadcast %add3A_1876 : i32 to vector<16xi32>
    %add3A_1878 = arith.addi %get3A_1875, %add3A_1877 : vector<16xi32>
    tpu.vector_store_idx %arg5[%add3A_1878], %broadcast_in_dim3A_5 : memref<16384xf32, #tpu.memory_space<vmem>>[vector<16xi32>], vector<16xf32>,
    %get3A_1879 = arith.constant 2752 : index
    %get3A_1880 = tpu.vector_load %arg4[%get3A_1879] {strides = array<i32>} : memref<4096xi32, #tpu.memory_space<vmem>>, vector<16xi32>,
    %add3A_1881 = arith.constant 6144 : i32
    %add3A_1882 = vector.broadcast %add3A_1881 : i32 to vector<16xi32>
    %add3A_1883 = arith.addi %get3A_1880, %add3A_1882 : vector<16xi32>
    tpu.vector_store_idx %arg5[%add3A_1883], %broadcast_in_dim3A_5 : memref<16384xf32, #tpu.memory_space<vmem>>[vector<16xi32>], vector<16xf32>,
    %get3A_1884 = arith.constant 2768 : index
    %get3A_1885 = tpu.vector_load %arg4[%get3A_1884] {strides = array<i32>} : memref<4096xi32, #tpu.memory_space<vmem>>, vector<16xi32>,
    %add3A_1886 = arith.constant 6144 : i32
    %add3A_1887 = vector.broadcast %add3A_1886 : i32 to vector<16xi32>
    %add3A_1888 = arith.addi %get3A_1885, %add3A_1887 : vector<16xi32>
    tpu.vector_store_idx %arg5[%add3A_1888], %broadcast_in_dim3A_5 : memref<16384xf32, #tpu.memory_space<vmem>>[vector<16xi32>], vector<16xf32>,
    %get3A_1889 = arith.constant 2784 : index
    %get3A_1890 = tpu.vector_load %arg4[%get3A_1889] {strides = array<i32>} : memref<4096xi32, #tpu.memory_space<vmem>>, vector<16xi32>,
    %add3A_1891 = arith.constant 6144 : i32
    %add3A_1892 = vector.broadcast %add3A_1891 : i32 to vector<16xi32>
    %add3A_1893 = arith.addi %get3A_1890, %add3A_1892 : vector<16xi32>
    tpu.vector_store_idx %arg5[%add3A_1893], %broadcast_in_dim3A_5 : memref<16384xf32, #tpu.memory_space<vmem>>[vector<16xi32>], vector<16xf32>,
    %get3A_1894 = arith.constant 2800 : index
    %get3A_1895 = tpu.vector_load %arg4[%get3A_1894] {strides = array<i32>} : memref<4096xi32, #tpu.memory_space<vmem>>, vector<16xi32>,
    %add3A_1896 = arith.constant 6144 : i32
    %add3A_1897 = vector.broadcast %add3A_1896 : i32 to vector<16xi32>
    %add3A_1898 = arith.addi %get3A_1895, %add3A_1897 : vector<16xi32>
    tpu.vector_store_idx %arg5[%add3A_1898], %broadcast_in_dim3A_5 : memref<16384xf32, #tpu.memory_space<vmem>>[vector<16xi32>], vector<16xf32>,
    %get3A_1899 = arith.constant 2816 : index
    %get3A_1900 = tpu.vector_load %arg4[%get3A_1899] {strides = array<i32>} : memref<4096xi32, #tpu.memory_space<vmem>>, vector<16xi32>,
    %add3A_1901 = arith.constant 8192 : i32
    %add3A_1902 = vector.broadcast %add3A_1901 : i32 to vector<16xi32>
    %add3A_1903 = arith.addi %get3A_1900, %add3A_1902 : vector<16xi32>
    tpu.vector_store_idx %arg5[%add3A_1903], %broadcast_in_dim3A_5 : memref<16384xf32, #tpu.memory_space<vmem>>[vector<16xi32>], vector<16xf32>,
    %get3A_1904 = arith.constant 2832 : index
    %get3A_1905 = tpu.vector_load %arg4[%get3A_1904] {strides = array<i32>} : memref<4096xi32, #tpu.memory_space<vmem>>, vector<16xi32>,
    %add3A_1906 = arith.constant 8192 : i32
    %add3A_1907 = vector.broadcast %add3A_1906 : i32 to vector<16xi32>
    %add3A_1908 = arith.addi %get3A_1905, %add3A_1907 : vector<16xi32>
    tpu.vector_store_idx %arg5[%add3A_1908], %broadcast_in_dim3A_5 : memref<16384xf32, #tpu.memory_space<vmem>>[vector<16xi32>], vector<16xf32>,
    %get3A_1909 = arith.constant 2848 : index
    %get3A_1910 = tpu.vector_load %arg4[%get3A_1909] {strides = array<i32>} : memref<4096xi32, #tpu.memory_space<vmem>>, vector<16xi32>,
    %add3A_1911 = arith.constant 8192 : i32
    %add3A_1912 = vector.broadcast %add3A_1911 : i32 to vector<16xi32>
    %add3A_1913 = arith.addi %get3A_1910, %add3A_1912 : vector<16xi32>
    tpu.vector_store_idx %arg5[%add3A_1913], %broadcast_in_dim3A_5 : memref<16384xf32, #tpu.memory_space<vmem>>[vector<16xi32>], vector<16xf32>,
    %get3A_1914 = arith.constant 2864 : index
    %get3A_1915 = tpu.vector_load %arg4[%get3A_1914] {strides = array<i32>} : memref<4096xi32, #tpu.memory_space<vmem>>, vector<16xi32>,
    %add3A_1916 = arith.constant 8192 : i32
    %add3A_1917 = vector.broadcast %add3A_1916 : i32 to vector<16xi32>
    %add3A_1918 = arith.addi %get3A_1915, %add3A_1917 : vector<16xi32>
    tpu.vector_store_idx %arg5[%add3A_1918], %broadcast_in_dim3A_5 : memref<16384xf32, #tpu.memory_space<vmem>>[vector<16xi32>], vector<16xf32>,
    %get3A_1919 = arith.constant 2880 : index
    %get3A_1920 = tpu.vector_load %arg4[%get3A_1919] {strides = array<i32>} : memref<4096xi32, #tpu.memory_space<vmem>>, vector<16xi32>,
    %add3A_1921 = arith.constant 10240 : i32
    %add3A_1922 = vector.broadcast %add3A_1921 : i32 to vector<16xi32>
    %add3A_1923 = arith.addi %get3A_1920, %add3A_1922 : vector<16xi32>
    tpu.vector_store_idx %arg5[%add3A_1923], %broadcast_in_dim3A_5 : memref<16384xf32, #tpu.memory_space<vmem>>[vector<16xi32>], vector<16xf32>,
    %get3A_1924 = arith.constant 2896 : index
    %get3A_1925 = tpu.vector_load %arg4[%get3A_1924] {strides = array<i32>} : memref<4096xi32, #tpu.memory_space<vmem>>, vector<16xi32>,
    %add3A_1926 = arith.constant 10240 : i32
    %add3A_1927 = vector.broadcast %add3A_1926 : i32 to vector<16xi32>
    %add3A_1928 = arith.addi %get3A_1925, %add3A_1927 : vector<16xi32>
    tpu.vector_store_idx %arg5[%add3A_1928], %broadcast_in_dim3A_5 : memref<16384xf32, #tpu.memory_space<vmem>>[vector<16xi32>], vector<16xf32>,
    %get3A_1929 = arith.constant 2912 : index
    %get3A_1930 = tpu.vector_load %arg4[%get3A_1929] {strides = array<i32>} : memref<4096xi32, #tpu.memory_space<vmem>>, vector<16xi32>,
    %add3A_1931 = arith.constant 10240 : i32
    %add3A_1932 = vector.broadcast %add3A_1931 : i32 to vector<16xi32>
    %add3A_1933 = arith.addi %get3A_1930, %add3A_1932 : vector<16xi32>
    tpu.vector_store_idx %arg5[%add3A_1933], %broadcast_in_dim3A_5 : memref<16384xf32, #tpu.memory_space<vmem>>[vector<16xi32>], vector<16xf32>,
    %get3A_1934 = arith.constant 2928 : index
    %get3A_1935 = tpu.vector_load %arg4[%get3A_1934] {strides = array<i32>} : memref<4096xi32, #tpu.memory_space<vmem>>, vector<16xi32>,
    %add3A_1936 = arith.constant 10240 : i32
    %add3A_1937 = vector.broadcast %add3A_1936 : i32 to vector<16xi32>
    %add3A_1938 = arith.addi %get3A_1935, %add3A_1937 : vector<16xi32>
    tpu.vector_store_idx %arg5[%add3A_1938], %broadcast_in_dim3A_5 : memref<16384xf32, #tpu.memory_space<vmem>>[vector<16xi32>], vector<16xf32>,
    %get3A_1939 = arith.constant 2944 : index
    %get3A_1940 = tpu.vector_load %arg4[%get3A_1939] {strides = array<i32>} : memref<4096xi32, #tpu.memory_space<vmem>>, vector<16xi32>,
    %add3A_1941 = arith.constant 12288 : i32
    %add3A_1942 = vector.broadcast %add3A_1941 : i32 to vector<16xi32>
    %add3A_1943 = arith.addi %get3A_1940, %add3A_1942 : vector<16xi32>
    tpu.vector_store_idx %arg5[%add3A_1943], %broadcast_in_dim3A_5 : memref<16384xf32, #tpu.memory_space<vmem>>[vector<16xi32>], vector<16xf32>,
    %get3A_1944 = arith.constant 2960 : index
    %get3A_1945 = tpu.vector_load %arg4[%get3A_1944] {strides = array<i32>} : memref<4096xi32, #tpu.memory_space<vmem>>, vector<16xi32>,
    %add3A_1946 = arith.constant 12288 : i32
    %add3A_1947 = vector.broadcast %add3A_1946 : i32 to vector<16xi32>
    %add3A_1948 = arith.addi %get3A_1945, %add3A_1947 : vector<16xi32>
    tpu.vector_store_idx %arg5[%add3A_1948], %broadcast_in_dim3A_5 : memref<16384xf32, #tpu.memory_space<vmem>>[vector<16xi32>], vector<16xf32>,
    %get3A_1949 = arith.constant 2976 : index
    %get3A_1950 = tpu.vector_load %arg4[%get3A_1949] {strides = array<i32>} : memref<4096xi32, #tpu.memory_space<vmem>>, vector<16xi32>,
    %add3A_1951 = arith.constant 12288 : i32
    %add3A_1952 = vector.broadcast %add3A_1951 : i32 to vector<16xi32>
    %add3A_1953 = arith.addi %get3A_1950, %add3A_1952 : vector<16xi32>
    tpu.vector_store_idx %arg5[%add3A_1953], %broadcast_in_dim3A_5 : memref<16384xf32, #tpu.memory_space<vmem>>[vector<16xi32>], vector<16xf32>,
    %get3A_1954 = arith.constant 2992 : index
    %get3A_1955 = tpu.vector_load %arg4[%get3A_1954] {strides = array<i32>} : memref<4096xi32, #tpu.memory_space<vmem>>, vector<16xi32>,
    %add3A_1956 = arith.constant 12288 : i32
    %add3A_1957 = vector.broadcast %add3A_1956 : i32 to vector<16xi32>
    %add3A_1958 = arith.addi %get3A_1955, %add3A_1957 : vector<16xi32>
    tpu.vector_store_idx %arg5[%add3A_1958], %broadcast_in_dim3A_5 : memref<16384xf32, #tpu.memory_space<vmem>>[vector<16xi32>], vector<16xf32>,
    %get3A_1959 = arith.constant 3008 : index
    %get3A_1960 = tpu.vector_load %arg4[%get3A_1959] {strides = array<i32>} : memref<4096xi32, #tpu.memory_space<vmem>>, vector<16xi32>,
    %add3A_1961 = arith.constant 14336 : i32
    %add3A_1962 = vector.broadcast %add3A_1961 : i32 to vector<16xi32>
    %add3A_1963 = arith.addi %get3A_1960, %add3A_1962 : vector<16xi32>
    tpu.vector_store_idx %arg5[%add3A_1963], %broadcast_in_dim3A_5 : memref<16384xf32, #tpu.memory_space<vmem>>[vector<16xi32>], vector<16xf32>,
    %get3A_1964 = arith.constant 3024 : index
    %get3A_1965 = tpu.vector_load %arg4[%get3A_1964] {strides = array<i32>} : memref<4096xi32, #tpu.memory_space<vmem>>, vector<16xi32>,
    %add3A_1966 = arith.constant 14336 : i32
    %add3A_1967 = vector.broadcast %add3A_1966 : i32 to vector<16xi32>
    %add3A_1968 = arith.addi %get3A_1965, %add3A_1967 : vector<16xi32>
    tpu.vector_store_idx %arg5[%add3A_1968], %broadcast_in_dim3A_5 : memref<16384xf32, #tpu.memory_space<vmem>>[vector<16xi32>], vector<16xf32>,
    %get3A_1969 = arith.constant 3040 : index
    %get3A_1970 = tpu.vector_load %arg4[%get3A_1969] {strides = array<i32>} : memref<4096xi32, #tpu.memory_space<vmem>>, vector<16xi32>,
    %add3A_1971 = arith.constant 14336 : i32
    %add3A_1972 = vector.broadcast %add3A_1971 : i32 to vector<16xi32>
    %add3A_1973 = arith.addi %get3A_1970, %add3A_1972 : vector<16xi32>
    tpu.vector_store_idx %arg5[%add3A_1973], %broadcast_in_dim3A_5 : memref<16384xf32, #tpu.memory_space<vmem>>[vector<16xi32>], vector<16xf32>,
    %get3A_1974 = arith.constant 3056 : index
    %get3A_1975 = tpu.vector_load %arg4[%get3A_1974] {strides = array<i32>} : memref<4096xi32, #tpu.memory_space<vmem>>, vector<16xi32>,
    %add3A_1976 = arith.constant 14336 : i32
    %add3A_1977 = vector.broadcast %add3A_1976 : i32 to vector<16xi32>
    %add3A_1978 = arith.addi %get3A_1975, %add3A_1977 : vector<16xi32>
    tpu.vector_store_idx %arg5[%add3A_1978], %broadcast_in_dim3A_5 : memref<16384xf32, #tpu.memory_space<vmem>>[vector<16xi32>], vector<16xf32>,
    %get3A_1979 = arith.constant 3072 : index
    %get3A_1980 = tpu.vector_load %arg4[%get3A_1979] {strides = array<i32>} : memref<4096xi32, #tpu.memory_space<vmem>>, vector<16xi32>,
    %add3A_1981 = arith.constant 0 : i32
    %add3A_1982 = vector.broadcast %add3A_1981 : i32 to vector<16xi32>
    %add3A_1983 = arith.addi %get3A_1980, %add3A_1982 : vector<16xi32>
    tpu.vector_store_idx %arg5[%add3A_1983], %broadcast_in_dim3A_7 : memref<16384xf32, #tpu.memory_space<vmem>>[vector<16xi32>], vector<16xf32>,
    %get3A_1984 = arith.constant 3088 : index
    %get3A_1985 = tpu.vector_load %arg4[%get3A_1984] {strides = array<i32>} : memref<4096xi32, #tpu.memory_space<vmem>>, vector<16xi32>,
    %add3A_1986 = arith.constant 0 : i32
    %add3A_1987 = vector.broadcast %add3A_1986 : i32 to vector<16xi32>
    %add3A_1988 = arith.addi %get3A_1985, %add3A_1987 : vector<16xi32>
    tpu.vector_store_idx %arg5[%add3A_1988], %broadcast_in_dim3A_7 : memref<16384xf32, #tpu.memory_space<vmem>>[vector<16xi32>], vector<16xf32>,
    %get3A_1989 = arith.constant 3104 : index
    %get3A_1990 = tpu.vector_load %arg4[%get3A_1989] {strides = array<i32>} : memref<4096xi32, #tpu.memory_space<vmem>>, vector<16xi32>,
    %add3A_1991 = arith.constant 0 : i32
    %add3A_1992 = vector.broadcast %add3A_1991 : i32 to vector<16xi32>
    %add3A_1993 = arith.addi %get3A_1990, %add3A_1992 : vector<16xi32>
    tpu.vector_store_idx %arg5[%add3A_1993], %broadcast_in_dim3A_7 : memref<16384xf32, #tpu.memory_space<vmem>>[vector<16xi32>], vector<16xf32>,
    %get3A_1994 = arith.constant 3120 : index
    %get3A_1995 = tpu.vector_load %arg4[%get3A_1994] {strides = array<i32>} : memref<4096xi32, #tpu.memory_space<vmem>>, vector<16xi32>,
    %add3A_1996 = arith.constant 0 : i32
    %add3A_1997 = vector.broadcast %add3A_1996 : i32 to vector<16xi32>
    %add3A_1998 = arith.addi %get3A_1995, %add3A_1997 : vector<16xi32>
    tpu.vector_store_idx %arg5[%add3A_1998], %broadcast_in_dim3A_7 : memref<16384xf32, #tpu.memory_space<vmem>>[vector<16xi32>], vector<16xf32>,
    %get3A_1999 = arith.constant 3136 : index
    %get3A_2000 = tpu.vector_load %arg4[%get3A_1999] {strides = array<i32>} : memref<4096xi32, #tpu.memory_space<vmem>>, vector<16xi32>,
    %add3A_2001 = arith.constant 2048 : i32
    %add3A_2002 = vector.broadcast %add3A_2001 : i32 to vector<16xi32>
    %add3A_2003 = arith.addi %get3A_2000, %add3A_2002 : vector<16xi32>
    tpu.vector_store_idx %arg5[%add3A_2003], %broadcast_in_dim3A_7 : memref<16384xf32, #tpu.memory_space<vmem>>[vector<16xi32>], vector<16xf32>,
    %get3A_2004 = arith.constant 3152 : index
    %get3A_2005 = tpu.vector_load %arg4[%get3A_2004] {strides = array<i32>} : memref<4096xi32, #tpu.memory_space<vmem>>, vector<16xi32>,
    %add3A_2006 = arith.constant 2048 : i32
    %add3A_2007 = vector.broadcast %add3A_2006 : i32 to vector<16xi32>
    %add3A_2008 = arith.addi %get3A_2005, %add3A_2007 : vector<16xi32>
    tpu.vector_store_idx %arg5[%add3A_2008], %broadcast_in_dim3A_7 : memref<16384xf32, #tpu.memory_space<vmem>>[vector<16xi32>], vector<16xf32>,
    %get3A_2009 = arith.constant 3168 : index
    %get3A_2010 = tpu.vector_load %arg4[%get3A_2009] {strides = array<i32>} : memref<4096xi32, #tpu.memory_space<vmem>>, vector<16xi32>,
    %add3A_2011 = arith.constant 2048 : i32
    %add3A_2012 = vector.broadcast %add3A_2011 : i32 to vector<16xi32>
    %add3A_2013 = arith.addi %get3A_2010, %add3A_2012 : vector<16xi32>
    tpu.vector_store_idx %arg5[%add3A_2013], %broadcast_in_dim3A_7 : memref<16384xf32, #tpu.memory_space<vmem>>[vector<16xi32>], vector<16xf32>,
    %get3A_2014 = arith.constant 3184 : index
    %get3A_2015 = tpu.vector_load %arg4[%get3A_2014] {strides = array<i32>} : memref<4096xi32, #tpu.memory_space<vmem>>, vector<16xi32>,
    %add3A_2016 = arith.constant 2048 : i32
    %add3A_2017 = vector.broadcast %add3A_2016 : i32 to vector<16xi32>
    %add3A_2018 = arith.addi %get3A_2015, %add3A_2017 : vector<16xi32>
    tpu.vector_store_idx %arg5[%add3A_2018], %broadcast_in_dim3A_7 : memref<16384xf32, #tpu.memory_space<vmem>>[vector<16xi32>], vector<16xf32>,
    %get3A_2019 = arith.constant 3200 : index
    %get3A_2020 = tpu.vector_load %arg4[%get3A_2019] {strides = array<i32>} : memref<4096xi32, #tpu.memory_space<vmem>>, vector<16xi32>,
    %add3A_2021 = arith.constant 4096 : i32
    %add3A_2022 = vector.broadcast %add3A_2021 : i32 to vector<16xi32>
    %add3A_2023 = arith.addi %get3A_2020, %add3A_2022 : vector<16xi32>
    tpu.vector_store_idx %arg5[%add3A_2023], %broadcast_in_dim3A_7 : memref<16384xf32, #tpu.memory_space<vmem>>[vector<16xi32>], vector<16xf32>,
    %get3A_2024 = arith.constant 3216 : index
    %get3A_2025 = tpu.vector_load %arg4[%get3A_2024] {strides = array<i32>} : memref<4096xi32, #tpu.memory_space<vmem>>, vector<16xi32>,
    %add3A_2026 = arith.constant 4096 : i32
    %add3A_2027 = vector.broadcast %add3A_2026 : i32 to vector<16xi32>
    %add3A_2028 = arith.addi %get3A_2025, %add3A_2027 : vector<16xi32>
    tpu.vector_store_idx %arg5[%add3A_2028], %broadcast_in_dim3A_7 : memref<16384xf32, #tpu.memory_space<vmem>>[vector<16xi32>], vector<16xf32>,
    %get3A_2029 = arith.constant 3232 : index
    %get3A_2030 = tpu.vector_load %arg4[%get3A_2029] {strides = array<i32>} : memref<4096xi32, #tpu.memory_space<vmem>>, vector<16xi32>,
    %add3A_2031 = arith.constant 4096 : i32
    %add3A_2032 = vector.broadcast %add3A_2031 : i32 to vector<16xi32>
    %add3A_2033 = arith.addi %get3A_2030, %add3A_2032 : vector<16xi32>
    tpu.vector_store_idx %arg5[%add3A_2033], %broadcast_in_dim3A_7 : memref<16384xf32, #tpu.memory_space<vmem>>[vector<16xi32>], vector<16xf32>,
    %get3A_2034 = arith.constant 3248 : index
    %get3A_2035 = tpu.vector_load %arg4[%get3A_2034] {strides = array<i32>} : memref<4096xi32, #tpu.memory_space<vmem>>, vector<16xi32>,
    %add3A_2036 = arith.constant 4096 : i32
    %add3A_2037 = vector.broadcast %add3A_2036 : i32 to vector<16xi32>
    %add3A_2038 = arith.addi %get3A_2035, %add3A_2037 : vector<16xi32>
    tpu.vector_store_idx %arg5[%add3A_2038], %broadcast_in_dim3A_7 : memref<16384xf32, #tpu.memory_space<vmem>>[vector<16xi32>], vector<16xf32>,
    %get3A_2039 = arith.constant 3264 : index
    %get3A_2040 = tpu.vector_load %arg4[%get3A_2039] {strides = array<i32>} : memref<4096xi32, #tpu.memory_space<vmem>>, vector<16xi32>,
    %add3A_2041 = arith.constant 6144 : i32
    %add3A_2042 = vector.broadcast %add3A_2041 : i32 to vector<16xi32>
    %add3A_2043 = arith.addi %get3A_2040, %add3A_2042 : vector<16xi32>
    tpu.vector_store_idx %arg5[%add3A_2043], %broadcast_in_dim3A_7 : memref<16384xf32, #tpu.memory_space<vmem>>[vector<16xi32>], vector<16xf32>,
    %get3A_2044 = arith.constant 3280 : index
    %get3A_2045 = tpu.vector_load %arg4[%get3A_2044] {strides = array<i32>} : memref<4096xi32, #tpu.memory_space<vmem>>, vector<16xi32>,
    %add3A_2046 = arith.constant 6144 : i32
    %add3A_2047 = vector.broadcast %add3A_2046 : i32 to vector<16xi32>
    %add3A_2048 = arith.addi %get3A_2045, %add3A_2047 : vector<16xi32>
    tpu.vector_store_idx %arg5[%add3A_2048], %broadcast_in_dim3A_7 : memref<16384xf32, #tpu.memory_space<vmem>>[vector<16xi32>], vector<16xf32>,
    %get3A_2049 = arith.constant 3296 : index
    %get3A_2050 = tpu.vector_load %arg4[%get3A_2049] {strides = array<i32>} : memref<4096xi32, #tpu.memory_space<vmem>>, vector<16xi32>,
    %add3A_2051 = arith.constant 6144 : i32
    %add3A_2052 = vector.broadcast %add3A_2051 : i32 to vector<16xi32>
    %add3A_2053 = arith.addi %get3A_2050, %add3A_2052 : vector<16xi32>
    tpu.vector_store_idx %arg5[%add3A_2053], %broadcast_in_dim3A_7 : memref<16384xf32, #tpu.memory_space<vmem>>[vector<16xi32>], vector<16xf32>,
    %get3A_2054 = arith.constant 3312 : index
    %get3A_2055 = tpu.vector_load %arg4[%get3A_2054] {strides = array<i32>} : memref<4096xi32, #tpu.memory_space<vmem>>, vector<16xi32>,
    %add3A_2056 = arith.constant 6144 : i32
    %add3A_2057 = vector.broadcast %add3A_2056 : i32 to vector<16xi32>
    %add3A_2058 = arith.addi %get3A_2055, %add3A_2057 : vector<16xi32>
    tpu.vector_store_idx %arg5[%add3A_2058], %broadcast_in_dim3A_7 : memref<16384xf32, #tpu.memory_space<vmem>>[vector<16xi32>], vector<16xf32>,
    %get3A_2059 = arith.constant 3328 : index
    %get3A_2060 = tpu.vector_load %arg4[%get3A_2059] {strides = array<i32>} : memref<4096xi32, #tpu.memory_space<vmem>>, vector<16xi32>,
    %add3A_2061 = arith.constant 8192 : i32
    %add3A_2062 = vector.broadcast %add3A_2061 : i32 to vector<16xi32>
    %add3A_2063 = arith.addi %get3A_2060, %add3A_2062 : vector<16xi32>
    tpu.vector_store_idx %arg5[%add3A_2063], %broadcast_in_dim3A_7 : memref<16384xf32, #tpu.memory_space<vmem>>[vector<16xi32>], vector<16xf32>,
    %get3A_2064 = arith.constant 3344 : index
    %get3A_2065 = tpu.vector_load %arg4[%get3A_2064] {strides = array<i32>} : memref<4096xi32, #tpu.memory_space<vmem>>, vector<16xi32>,
    %add3A_2066 = arith.constant 8192 : i32
    %add3A_2067 = vector.broadcast %add3A_2066 : i32 to vector<16xi32>
    %add3A_2068 = arith.addi %get3A_2065, %add3A_2067 : vector<16xi32>
    tpu.vector_store_idx %arg5[%add3A_2068], %broadcast_in_dim3A_7 : memref<16384xf32, #tpu.memory_space<vmem>>[vector<16xi32>], vector<16xf32>,
    %get3A_2069 = arith.constant 3360 : index
    %get3A_2070 = tpu.vector_load %arg4[%get3A_2069] {strides = array<i32>} : memref<4096xi32, #tpu.memory_space<vmem>>, vector<16xi32>,
    %add3A_2071 = arith.constant 8192 : i32
    %add3A_2072 = vector.broadcast %add3A_2071 : i32 to vector<16xi32>
    %add3A_2073 = arith.addi %get3A_2070, %add3A_2072 : vector<16xi32>
    tpu.vector_store_idx %arg5[%add3A_2073], %broadcast_in_dim3A_7 : memref<16384xf32, #tpu.memory_space<vmem>>[vector<16xi32>], vector<16xf32>,
    %get3A_2074 = arith.constant 3376 : index
    %get3A_2075 = tpu.vector_load %arg4[%get3A_2074] {strides = array<i32>} : memref<4096xi32, #tpu.memory_space<vmem>>, vector<16xi32>,
    %add3A_2076 = arith.constant 8192 : i32
    %add3A_2077 = vector.broadcast %add3A_2076 : i32 to vector<16xi32>
    %add3A_2078 = arith.addi %get3A_2075, %add3A_2077 : vector<16xi32>
    tpu.vector_store_idx %arg5[%add3A_2078], %broadcast_in_dim3A_7 : memref<16384xf32, #tpu.memory_space<vmem>>[vector<16xi32>], vector<16xf32>,
    %get3A_2079 = arith.constant 3392 : index
    %get3A_2080 = tpu.vector_load %arg4[%get3A_2079] {strides = array<i32>} : memref<4096xi32, #tpu.memory_space<vmem>>, vector<16xi32>,
    %add3A_2081 = arith.constant 10240 : i32
    %add3A_2082 = vector.broadcast %add3A_2081 : i32 to vector<16xi32>
    %add3A_2083 = arith.addi %get3A_2080, %add3A_2082 : vector<16xi32>
    tpu.vector_store_idx %arg5[%add3A_2083], %broadcast_in_dim3A_7 : memref<16384xf32, #tpu.memory_space<vmem>>[vector<16xi32>], vector<16xf32>,
    %get3A_2084 = arith.constant 3408 : index
    %get3A_2085 = tpu.vector_load %arg4[%get3A_2084] {strides = array<i32>} : memref<4096xi32, #tpu.memory_space<vmem>>, vector<16xi32>,
    %add3A_2086 = arith.constant 10240 : i32
    %add3A_2087 = vector.broadcast %add3A_2086 : i32 to vector<16xi32>
    %add3A_2088 = arith.addi %get3A_2085, %add3A_2087 : vector<16xi32>
    tpu.vector_store_idx %arg5[%add3A_2088], %broadcast_in_dim3A_7 : memref<16384xf32, #tpu.memory_space<vmem>>[vector<16xi32>], vector<16xf32>,
    %get3A_2089 = arith.constant 3424 : index
    %get3A_2090 = tpu.vector_load %arg4[%get3A_2089] {strides = array<i32>} : memref<4096xi32, #tpu.memory_space<vmem>>, vector<16xi32>,
    %add3A_2091 = arith.constant 10240 : i32
    %add3A_2092 = vector.broadcast %add3A_2091 : i32 to vector<16xi32>
    %add3A_2093 = arith.addi %get3A_2090, %add3A_2092 : vector<16xi32>
    tpu.vector_store_idx %arg5[%add3A_2093], %broadcast_in_dim3A_7 : memref<16384xf32, #tpu.memory_space<vmem>>[vector<16xi32>], vector<16xf32>,
    %get3A_2094 = arith.constant 3440 : index
    %get3A_2095 = tpu.vector_load %arg4[%get3A_2094] {strides = array<i32>} : memref<4096xi32, #tpu.memory_space<vmem>>, vector<16xi32>,
    %add3A_2096 = arith.constant 10240 : i32
    %add3A_2097 = vector.broadcast %add3A_2096 : i32 to vector<16xi32>
    %add3A_2098 = arith.addi %get3A_2095, %add3A_2097 : vector<16xi32>
    tpu.vector_store_idx %arg5[%add3A_2098], %broadcast_in_dim3A_7 : memref<16384xf32, #tpu.memory_space<vmem>>[vector<16xi32>], vector<16xf32>,
    %get3A_2099 = arith.constant 3456 : index
    %get3A_2100 = tpu.vector_load %arg4[%get3A_2099] {strides = array<i32>} : memref<4096xi32, #tpu.memory_space<vmem>>, vector<16xi32>,
    %add3A_2101 = arith.constant 12288 : i32
    %add3A_2102 = vector.broadcast %add3A_2101 : i32 to vector<16xi32>
    %add3A_2103 = arith.addi %get3A_2100, %add3A_2102 : vector<16xi32>
    tpu.vector_store_idx %arg5[%add3A_2103], %broadcast_in_dim3A_7 : memref<16384xf32, #tpu.memory_space<vmem>>[vector<16xi32>], vector<16xf32>,
    %get3A_2104 = arith.constant 3472 : index
    %get3A_2105 = tpu.vector_load %arg4[%get3A_2104] {strides = array<i32>} : memref<4096xi32, #tpu.memory_space<vmem>>, vector<16xi32>,
    %add3A_2106 = arith.constant 12288 : i32
    %add3A_2107 = vector.broadcast %add3A_2106 : i32 to vector<16xi32>
    %add3A_2108 = arith.addi %get3A_2105, %add3A_2107 : vector<16xi32>
    tpu.vector_store_idx %arg5[%add3A_2108], %broadcast_in_dim3A_7 : memref<16384xf32, #tpu.memory_space<vmem>>[vector<16xi32>], vector<16xf32>,
    %get3A_2109 = arith.constant 3488 : index
    %get3A_2110 = tpu.vector_load %arg4[%get3A_2109] {strides = array<i32>} : memref<4096xi32, #tpu.memory_space<vmem>>, vector<16xi32>,
    %add3A_2111 = arith.constant 12288 : i32
    %add3A_2112 = vector.broadcast %add3A_2111 : i32 to vector<16xi32>
    %add3A_2113 = arith.addi %get3A_2110, %add3A_2112 : vector<16xi32>
    tpu.vector_store_idx %arg5[%add3A_2113], %broadcast_in_dim3A_7 : memref<16384xf32, #tpu.memory_space<vmem>>[vector<16xi32>], vector<16xf32>,
    %get3A_2114 = arith.constant 3504 : index
    %get3A_2115 = tpu.vector_load %arg4[%get3A_2114] {strides = array<i32>} : memref<4096xi32, #tpu.memory_space<vmem>>, vector<16xi32>,
    %add3A_2116 = arith.constant 12288 : i32
    %add3A_2117 = vector.broadcast %add3A_2116 : i32 to vector<16xi32>
    %add3A_2118 = arith.addi %get3A_2115, %add3A_2117 : vector<16xi32>
    tpu.vector_store_idx %arg5[%add3A_2118], %broadcast_in_dim3A_7 : memref<16384xf32, #tpu.memory_space<vmem>>[vector<16xi32>], vector<16xf32>,
    %get3A_2119 = arith.constant 3520 : index
    %get3A_2120 = tpu.vector_load %arg4[%get3A_2119] {strides = array<i32>} : memref<4096xi32, #tpu.memory_space<vmem>>, vector<16xi32>,
    %add3A_2121 = arith.constant 14336 : i32
    %add3A_2122 = vector.broadcast %add3A_2121 : i32 to vector<16xi32>
    %add3A_2123 = arith.addi %get3A_2120, %add3A_2122 : vector<16xi32>
    tpu.vector_store_idx %arg5[%add3A_2123], %broadcast_in_dim3A_7 : memref<16384xf32, #tpu.memory_space<vmem>>[vector<16xi32>], vector<16xf32>,
    %get3A_2124 = arith.constant 3536 : index
    %get3A_2125 = tpu.vector_load %arg4[%get3A_2124] {strides = array<i32>} : memref<4096xi32, #tpu.memory_space<vmem>>, vector<16xi32>,
    %add3A_2126 = arith.constant 14336 : i32
    %add3A_2127 = vector.broadcast %add3A_2126 : i32 to vector<16xi32>
    %add3A_2128 = arith.addi %get3A_2125, %add3A_2127 : vector<16xi32>
    tpu.vector_store_idx %arg5[%add3A_2128], %broadcast_in_dim3A_7 : memref<16384xf32, #tpu.memory_space<vmem>>[vector<16xi32>], vector<16xf32>,
    %get3A_2129 = arith.constant 3552 : index
    %get3A_2130 = tpu.vector_load %arg4[%get3A_2129] {strides = array<i32>} : memref<4096xi32, #tpu.memory_space<vmem>>, vector<16xi32>,
    %add3A_2131 = arith.constant 14336 : i32
    %add3A_2132 = vector.broadcast %add3A_2131 : i32 to vector<16xi32>
    %add3A_2133 = arith.addi %get3A_2130, %add3A_2132 : vector<16xi32>
    tpu.vector_store_idx %arg5[%add3A_2133], %broadcast_in_dim3A_7 : memref<16384xf32, #tpu.memory_space<vmem>>[vector<16xi32>], vector<16xf32>,
    %get3A_2134 = arith.constant 3568 : index
    %get3A_2135 = tpu.vector_load %arg4[%get3A_2134] {strides = array<i32>} : memref<4096xi32, #tpu.memory_space<vmem>>, vector<16xi32>,
    %add3A_2136 = arith.constant 14336 : i32
    %add3A_2137 = vector.broadcast %add3A_2136 : i32 to vector<16xi32>
    %add3A_2138 = arith.addi %get3A_2135, %add3A_2137 : vector<16xi32>
    tpu.vector_store_idx %arg5[%add3A_2138], %broadcast_in_dim3A_7 : memref<16384xf32, #tpu.memory_space<vmem>>[vector<16xi32>], vector<16xf32>,
    %add3A_2139 = arith.constant 48 : i32
    %add3A_2140 = arith.addi %mul3A_2, %add3A_2139 : i32
    %mul3A_2141 = arith.constant 2048 : i32
    %mul3A_2142 = arith.muli %add3A_2140, %mul3A_2141 : i32
    %dma_start3A_2143 = tpu.memref_slice %arg3[%mul3A_2142] : memref<4194304xf32, #tpu.memory_space<hbm>> -> memref<16384xf32, #tpu.memory_space<hbm>>
    %dma_start3A_2144 = tpu.memref_slice %arg3[%mul3A_2142] : memref<4194304xf32, #tpu.memory_space<hbm>> -> memref<16384xf32, #tpu.memory_space<hbm>>
    tpu.enqueue_dma source(%arg5 : memref<16384xf32, #tpu.memory_space<vmem>>) target(%dma_start3A_2144 : memref<16384xf32, #tpu.memory_space<hbm>>) target_semaphore(%arg6 : memref<!tpu.dma_semaphore, #tpu.memory_space<semaphore_mem>>)
    %dma_wait3A_2145 = tpu.memref_slice %arg3[%mul3A_2142] : memref<4194304xf32, #tpu.memory_space<hbm>> -> memref<16384xf32, #tpu.memory_space<hbm>>
    %dma_wait3A_2146 = tpu.memref_slice %arg3[%mul3A_2142] : memref<4194304xf32, #tpu.memory_space<hbm>> -> memref<16384xf32, #tpu.memory_space<hbm>>
    tpu.wait_dma2 semaphore(%arg6 : memref<!tpu.dma_semaphore, #tpu.memory_space<semaphore_mem>>) src(%arg5 : memref<16384xf32, #tpu.memory_space<vmem>>) dst(%dma_wait3A_2146 : memref<16384xf32, #tpu.memory_space<hbm>>)
    %get3A_2147 = arith.constant 3072 : index
    %get3A_2148 = tpu.vector_load %arg4[%get3A_2147] {strides = array<i32>} : memref<4096xi32, #tpu.memory_space<vmem>>, vector<16xi32>,
    %add3A_2149 = arith.constant 0 : i32
    %add3A_2150 = vector.broadcast %add3A_2149 : i32 to vector<16xi32>
    %add3A_2151 = arith.addi %get3A_2148, %add3A_2150 : vector<16xi32>
    tpu.vector_store_idx %arg5[%add3A_2151], %broadcast_in_dim3A_5 : memref<16384xf32, #tpu.memory_space<vmem>>[vector<16xi32>], vector<16xf32>,
    %get3A_2152 = arith.constant 3088 : index
    %get3A_2153 = tpu.vector_load %arg4[%get3A_2152] {strides = array<i32>} : memref<4096xi32, #tpu.memory_space<vmem>>, vector<16xi32>,
    %add3A_2154 = arith.constant 0 : i32
    %add3A_2155 = vector.broadcast %add3A_2154 : i32 to vector<16xi32>
    %add3A_2156 = arith.addi %get3A_2153, %add3A_2155 : vector<16xi32>
    tpu.vector_store_idx %arg5[%add3A_2156], %broadcast_in_dim3A_5 : memref<16384xf32, #tpu.memory_space<vmem>>[vector<16xi32>], vector<16xf32>,
    %get3A_2157 = arith.constant 3104 : index
    %get3A_2158 = tpu.vector_load %arg4[%get3A_2157] {strides = array<i32>} : memref<4096xi32, #tpu.memory_space<vmem>>, vector<16xi32>,
    %add3A_2159 = arith.constant 0 : i32
    %add3A_2160 = vector.broadcast %add3A_2159 : i32 to vector<16xi32>
    %add3A_2161 = arith.addi %get3A_2158, %add3A_2160 : vector<16xi32>
    tpu.vector_store_idx %arg5[%add3A_2161], %broadcast_in_dim3A_5 : memref<16384xf32, #tpu.memory_space<vmem>>[vector<16xi32>], vector<16xf32>,
    %get3A_2162 = arith.constant 3120 : index
    %get3A_2163 = tpu.vector_load %arg4[%get3A_2162] {strides = array<i32>} : memref<4096xi32, #tpu.memory_space<vmem>>, vector<16xi32>,
    %add3A_2164 = arith.constant 0 : i32
    %add3A_2165 = vector.broadcast %add3A_2164 : i32 to vector<16xi32>
    %add3A_2166 = arith.addi %get3A_2163, %add3A_2165 : vector<16xi32>
    tpu.vector_store_idx %arg5[%add3A_2166], %broadcast_in_dim3A_5 : memref<16384xf32, #tpu.memory_space<vmem>>[vector<16xi32>], vector<16xf32>,
    %get3A_2167 = arith.constant 3136 : index
    %get3A_2168 = tpu.vector_load %arg4[%get3A_2167] {strides = array<i32>} : memref<4096xi32, #tpu.memory_space<vmem>>, vector<16xi32>,
    %add3A_2169 = arith.constant 2048 : i32
    %add3A_2170 = vector.broadcast %add3A_2169 : i32 to vector<16xi32>
    %add3A_2171 = arith.addi %get3A_2168, %add3A_2170 : vector<16xi32>
    tpu.vector_store_idx %arg5[%add3A_2171], %broadcast_in_dim3A_5 : memref<16384xf32, #tpu.memory_space<vmem>>[vector<16xi32>], vector<16xf32>,
    %get3A_2172 = arith.constant 3152 : index
    %get3A_2173 = tpu.vector_load %arg4[%get3A_2172] {strides = array<i32>} : memref<4096xi32, #tpu.memory_space<vmem>>, vector<16xi32>,
    %add3A_2174 = arith.constant 2048 : i32
    %add3A_2175 = vector.broadcast %add3A_2174 : i32 to vector<16xi32>
    %add3A_2176 = arith.addi %get3A_2173, %add3A_2175 : vector<16xi32>
    tpu.vector_store_idx %arg5[%add3A_2176], %broadcast_in_dim3A_5 : memref<16384xf32, #tpu.memory_space<vmem>>[vector<16xi32>], vector<16xf32>,
    %get3A_2177 = arith.constant 3168 : index
    %get3A_2178 = tpu.vector_load %arg4[%get3A_2177] {strides = array<i32>} : memref<4096xi32, #tpu.memory_space<vmem>>, vector<16xi32>,
    %add3A_2179 = arith.constant 2048 : i32
    %add3A_2180 = vector.broadcast %add3A_2179 : i32 to vector<16xi32>
    %add3A_2181 = arith.addi %get3A_2178, %add3A_2180 : vector<16xi32>
    tpu.vector_store_idx %arg5[%add3A_2181], %broadcast_in_dim3A_5 : memref<16384xf32, #tpu.memory_space<vmem>>[vector<16xi32>], vector<16xf32>,
    %get3A_2182 = arith.constant 3184 : index
    %get3A_2183 = tpu.vector_load %arg4[%get3A_2182] {strides = array<i32>} : memref<4096xi32, #tpu.memory_space<vmem>>, vector<16xi32>,
    %add3A_2184 = arith.constant 2048 : i32
    %add3A_2185 = vector.broadcast %add3A_2184 : i32 to vector<16xi32>
    %add3A_2186 = arith.addi %get3A_2183, %add3A_2185 : vector<16xi32>
    tpu.vector_store_idx %arg5[%add3A_2186], %broadcast_in_dim3A_5 : memref<16384xf32, #tpu.memory_space<vmem>>[vector<16xi32>], vector<16xf32>,
    %get3A_2187 = arith.constant 3200 : index
    %get3A_2188 = tpu.vector_load %arg4[%get3A_2187] {strides = array<i32>} : memref<4096xi32, #tpu.memory_space<vmem>>, vector<16xi32>,
    %add3A_2189 = arith.constant 4096 : i32
    %add3A_2190 = vector.broadcast %add3A_2189 : i32 to vector<16xi32>
    %add3A_2191 = arith.addi %get3A_2188, %add3A_2190 : vector<16xi32>
    tpu.vector_store_idx %arg5[%add3A_2191], %broadcast_in_dim3A_5 : memref<16384xf32, #tpu.memory_space<vmem>>[vector<16xi32>], vector<16xf32>,
    %get3A_2192 = arith.constant 3216 : index
    %get3A_2193 = tpu.vector_load %arg4[%get3A_2192] {strides = array<i32>} : memref<4096xi32, #tpu.memory_space<vmem>>, vector<16xi32>,
    %add3A_2194 = arith.constant 4096 : i32
    %add3A_2195 = vector.broadcast %add3A_2194 : i32 to vector<16xi32>
    %add3A_2196 = arith.addi %get3A_2193, %add3A_2195 : vector<16xi32>
    tpu.vector_store_idx %arg5[%add3A_2196], %broadcast_in_dim3A_5 : memref<16384xf32, #tpu.memory_space<vmem>>[vector<16xi32>], vector<16xf32>,
    %get3A_2197 = arith.constant 3232 : index
    %get3A_2198 = tpu.vector_load %arg4[%get3A_2197] {strides = array<i32>} : memref<4096xi32, #tpu.memory_space<vmem>>, vector<16xi32>,
    %add3A_2199 = arith.constant 4096 : i32
    %add3A_2200 = vector.broadcast %add3A_2199 : i32 to vector<16xi32>
    %add3A_2201 = arith.addi %get3A_2198, %add3A_2200 : vector<16xi32>
    tpu.vector_store_idx %arg5[%add3A_2201], %broadcast_in_dim3A_5 : memref<16384xf32, #tpu.memory_space<vmem>>[vector<16xi32>], vector<16xf32>,
    %get3A_2202 = arith.constant 3248 : index
    %get3A_2203 = tpu.vector_load %arg4[%get3A_2202] {strides = array<i32>} : memref<4096xi32, #tpu.memory_space<vmem>>, vector<16xi32>,
    %add3A_2204 = arith.constant 4096 : i32
    %add3A_2205 = vector.broadcast %add3A_2204 : i32 to vector<16xi32>
    %add3A_2206 = arith.addi %get3A_2203, %add3A_2205 : vector<16xi32>
    tpu.vector_store_idx %arg5[%add3A_2206], %broadcast_in_dim3A_5 : memref<16384xf32, #tpu.memory_space<vmem>>[vector<16xi32>], vector<16xf32>,
    %get3A_2207 = arith.constant 3264 : index
    %get3A_2208 = tpu.vector_load %arg4[%get3A_2207] {strides = array<i32>} : memref<4096xi32, #tpu.memory_space<vmem>>, vector<16xi32>,
    %add3A_2209 = arith.constant 6144 : i32
    %add3A_2210 = vector.broadcast %add3A_2209 : i32 to vector<16xi32>
    %add3A_2211 = arith.addi %get3A_2208, %add3A_2210 : vector<16xi32>
    tpu.vector_store_idx %arg5[%add3A_2211], %broadcast_in_dim3A_5 : memref<16384xf32, #tpu.memory_space<vmem>>[vector<16xi32>], vector<16xf32>,
    %get3A_2212 = arith.constant 3280 : index
    %get3A_2213 = tpu.vector_load %arg4[%get3A_2212] {strides = array<i32>} : memref<4096xi32, #tpu.memory_space<vmem>>, vector<16xi32>,
    %add3A_2214 = arith.constant 6144 : i32
    %add3A_2215 = vector.broadcast %add3A_2214 : i32 to vector<16xi32>
    %add3A_2216 = arith.addi %get3A_2213, %add3A_2215 : vector<16xi32>
    tpu.vector_store_idx %arg5[%add3A_2216], %broadcast_in_dim3A_5 : memref<16384xf32, #tpu.memory_space<vmem>>[vector<16xi32>], vector<16xf32>,
    %get3A_2217 = arith.constant 3296 : index
    %get3A_2218 = tpu.vector_load %arg4[%get3A_2217] {strides = array<i32>} : memref<4096xi32, #tpu.memory_space<vmem>>, vector<16xi32>,
    %add3A_2219 = arith.constant 6144 : i32
    %add3A_2220 = vector.broadcast %add3A_2219 : i32 to vector<16xi32>
    %add3A_2221 = arith.addi %get3A_2218, %add3A_2220 : vector<16xi32>
    tpu.vector_store_idx %arg5[%add3A_2221], %broadcast_in_dim3A_5 : memref<16384xf32, #tpu.memory_space<vmem>>[vector<16xi32>], vector<16xf32>,
    %get3A_2222 = arith.constant 3312 : index
    %get3A_2223 = tpu.vector_load %arg4[%get3A_2222] {strides = array<i32>} : memref<4096xi32, #tpu.memory_space<vmem>>, vector<16xi32>,
    %add3A_2224 = arith.constant 6144 : i32
    %add3A_2225 = vector.broadcast %add3A_2224 : i32 to vector<16xi32>
    %add3A_2226 = arith.addi %get3A_2223, %add3A_2225 : vector<16xi32>
    tpu.vector_store_idx %arg5[%add3A_2226], %broadcast_in_dim3A_5 : memref<16384xf32, #tpu.memory_space<vmem>>[vector<16xi32>], vector<16xf32>,
    %get3A_2227 = arith.constant 3328 : index
    %get3A_2228 = tpu.vector_load %arg4[%get3A_2227] {strides = array<i32>} : memref<4096xi32, #tpu.memory_space<vmem>>, vector<16xi32>,
    %add3A_2229 = arith.constant 8192 : i32
    %add3A_2230 = vector.broadcast %add3A_2229 : i32 to vector<16xi32>
    %add3A_2231 = arith.addi %get3A_2228, %add3A_2230 : vector<16xi32>
    tpu.vector_store_idx %arg5[%add3A_2231], %broadcast_in_dim3A_5 : memref<16384xf32, #tpu.memory_space<vmem>>[vector<16xi32>], vector<16xf32>,
    %get3A_2232 = arith.constant 3344 : index
    %get3A_2233 = tpu.vector_load %arg4[%get3A_2232] {strides = array<i32>} : memref<4096xi32, #tpu.memory_space<vmem>>, vector<16xi32>,
    %add3A_2234 = arith.constant 8192 : i32
    %add3A_2235 = vector.broadcast %add3A_2234 : i32 to vector<16xi32>
    %add3A_2236 = arith.addi %get3A_2233, %add3A_2235 : vector<16xi32>
    tpu.vector_store_idx %arg5[%add3A_2236], %broadcast_in_dim3A_5 : memref<16384xf32, #tpu.memory_space<vmem>>[vector<16xi32>], vector<16xf32>,
    %get3A_2237 = arith.constant 3360 : index
    %get3A_2238 = tpu.vector_load %arg4[%get3A_2237] {strides = array<i32>} : memref<4096xi32, #tpu.memory_space<vmem>>, vector<16xi32>,
    %add3A_2239 = arith.constant 8192 : i32
    %add3A_2240 = vector.broadcast %add3A_2239 : i32 to vector<16xi32>
    %add3A_2241 = arith.addi %get3A_2238, %add3A_2240 : vector<16xi32>
    tpu.vector_store_idx %arg5[%add3A_2241], %broadcast_in_dim3A_5 : memref<16384xf32, #tpu.memory_space<vmem>>[vector<16xi32>], vector<16xf32>,
    %get3A_2242 = arith.constant 3376 : index
    %get3A_2243 = tpu.vector_load %arg4[%get3A_2242] {strides = array<i32>} : memref<4096xi32, #tpu.memory_space<vmem>>, vector<16xi32>,
    %add3A_2244 = arith.constant 8192 : i32
    %add3A_2245 = vector.broadcast %add3A_2244 : i32 to vector<16xi32>
    %add3A_2246 = arith.addi %get3A_2243, %add3A_2245 : vector<16xi32>
    tpu.vector_store_idx %arg5[%add3A_2246], %broadcast_in_dim3A_5 : memref<16384xf32, #tpu.memory_space<vmem>>[vector<16xi32>], vector<16xf32>,
    %get3A_2247 = arith.constant 3392 : index
    %get3A_2248 = tpu.vector_load %arg4[%get3A_2247] {strides = array<i32>} : memref<4096xi32, #tpu.memory_space<vmem>>, vector<16xi32>,
    %add3A_2249 = arith.constant 10240 : i32
    %add3A_2250 = vector.broadcast %add3A_2249 : i32 to vector<16xi32>
    %add3A_2251 = arith.addi %get3A_2248, %add3A_2250 : vector<16xi32>
    tpu.vector_store_idx %arg5[%add3A_2251], %broadcast_in_dim3A_5 : memref<16384xf32, #tpu.memory_space<vmem>>[vector<16xi32>], vector<16xf32>,
    %get3A_2252 = arith.constant 3408 : index
    %get3A_2253 = tpu.vector_load %arg4[%get3A_2252] {strides = array<i32>} : memref<4096xi32, #tpu.memory_space<vmem>>, vector<16xi32>,
    %add3A_2254 = arith.constant 10240 : i32
    %add3A_2255 = vector.broadcast %add3A_2254 : i32 to vector<16xi32>
    %add3A_2256 = arith.addi %get3A_2253, %add3A_2255 : vector<16xi32>
    tpu.vector_store_idx %arg5[%add3A_2256], %broadcast_in_dim3A_5 : memref<16384xf32, #tpu.memory_space<vmem>>[vector<16xi32>], vector<16xf32>,
    %get3A_2257 = arith.constant 3424 : index
    %get3A_2258 = tpu.vector_load %arg4[%get3A_2257] {strides = array<i32>} : memref<4096xi32, #tpu.memory_space<vmem>>, vector<16xi32>,
    %add3A_2259 = arith.constant 10240 : i32
    %add3A_2260 = vector.broadcast %add3A_2259 : i32 to vector<16xi32>
    %add3A_2261 = arith.addi %get3A_2258, %add3A_2260 : vector<16xi32>
    tpu.vector_store_idx %arg5[%add3A_2261], %broadcast_in_dim3A_5 : memref<16384xf32, #tpu.memory_space<vmem>>[vector<16xi32>], vector<16xf32>,
    %get3A_2262 = arith.constant 3440 : index
    %get3A_2263 = tpu.vector_load %arg4[%get3A_2262] {strides = array<i32>} : memref<4096xi32, #tpu.memory_space<vmem>>, vector<16xi32>,
    %add3A_2264 = arith.constant 10240 : i32
    %add3A_2265 = vector.broadcast %add3A_2264 : i32 to vector<16xi32>
    %add3A_2266 = arith.addi %get3A_2263, %add3A_2265 : vector<16xi32>
    tpu.vector_store_idx %arg5[%add3A_2266], %broadcast_in_dim3A_5 : memref<16384xf32, #tpu.memory_space<vmem>>[vector<16xi32>], vector<16xf32>,
    %get3A_2267 = arith.constant 3456 : index
    %get3A_2268 = tpu.vector_load %arg4[%get3A_2267] {strides = array<i32>} : memref<4096xi32, #tpu.memory_space<vmem>>, vector<16xi32>,
    %add3A_2269 = arith.constant 12288 : i32
    %add3A_2270 = vector.broadcast %add3A_2269 : i32 to vector<16xi32>
    %add3A_2271 = arith.addi %get3A_2268, %add3A_2270 : vector<16xi32>
    tpu.vector_store_idx %arg5[%add3A_2271], %broadcast_in_dim3A_5 : memref<16384xf32, #tpu.memory_space<vmem>>[vector<16xi32>], vector<16xf32>,
    %get3A_2272 = arith.constant 3472 : index
    %get3A_2273 = tpu.vector_load %arg4[%get3A_2272] {strides = array<i32>} : memref<4096xi32, #tpu.memory_space<vmem>>, vector<16xi32>,
    %add3A_2274 = arith.constant 12288 : i32
    %add3A_2275 = vector.broadcast %add3A_2274 : i32 to vector<16xi32>
    %add3A_2276 = arith.addi %get3A_2273, %add3A_2275 : vector<16xi32>
    tpu.vector_store_idx %arg5[%add3A_2276], %broadcast_in_dim3A_5 : memref<16384xf32, #tpu.memory_space<vmem>>[vector<16xi32>], vector<16xf32>,
    %get3A_2277 = arith.constant 3488 : index
    %get3A_2278 = tpu.vector_load %arg4[%get3A_2277] {strides = array<i32>} : memref<4096xi32, #tpu.memory_space<vmem>>, vector<16xi32>,
    %add3A_2279 = arith.constant 12288 : i32
    %add3A_2280 = vector.broadcast %add3A_2279 : i32 to vector<16xi32>
    %add3A_2281 = arith.addi %get3A_2278, %add3A_2280 : vector<16xi32>
    tpu.vector_store_idx %arg5[%add3A_2281], %broadcast_in_dim3A_5 : memref<16384xf32, #tpu.memory_space<vmem>>[vector<16xi32>], vector<16xf32>,
    %get3A_2282 = arith.constant 3504 : index
    %get3A_2283 = tpu.vector_load %arg4[%get3A_2282] {strides = array<i32>} : memref<4096xi32, #tpu.memory_space<vmem>>, vector<16xi32>,
    %add3A_2284 = arith.constant 12288 : i32
    %add3A_2285 = vector.broadcast %add3A_2284 : i32 to vector<16xi32>
    %add3A_2286 = arith.addi %get3A_2283, %add3A_2285 : vector<16xi32>
    tpu.vector_store_idx %arg5[%add3A_2286], %broadcast_in_dim3A_5 : memref<16384xf32, #tpu.memory_space<vmem>>[vector<16xi32>], vector<16xf32>,
    %get3A_2287 = arith.constant 3520 : index
    %get3A_2288 = tpu.vector_load %arg4[%get3A_2287] {strides = array<i32>} : memref<4096xi32, #tpu.memory_space<vmem>>, vector<16xi32>,
    %add3A_2289 = arith.constant 14336 : i32
    %add3A_2290 = vector.broadcast %add3A_2289 : i32 to vector<16xi32>
    %add3A_2291 = arith.addi %get3A_2288, %add3A_2290 : vector<16xi32>
    tpu.vector_store_idx %arg5[%add3A_2291], %broadcast_in_dim3A_5 : memref<16384xf32, #tpu.memory_space<vmem>>[vector<16xi32>], vector<16xf32>,
    %get3A_2292 = arith.constant 3536 : index
    %get3A_2293 = tpu.vector_load %arg4[%get3A_2292] {strides = array<i32>} : memref<4096xi32, #tpu.memory_space<vmem>>, vector<16xi32>,
    %add3A_2294 = arith.constant 14336 : i32
    %add3A_2295 = vector.broadcast %add3A_2294 : i32 to vector<16xi32>
    %add3A_2296 = arith.addi %get3A_2293, %add3A_2295 : vector<16xi32>
    tpu.vector_store_idx %arg5[%add3A_2296], %broadcast_in_dim3A_5 : memref<16384xf32, #tpu.memory_space<vmem>>[vector<16xi32>], vector<16xf32>,
    %get3A_2297 = arith.constant 3552 : index
    %get3A_2298 = tpu.vector_load %arg4[%get3A_2297] {strides = array<i32>} : memref<4096xi32, #tpu.memory_space<vmem>>, vector<16xi32>,
    %add3A_2299 = arith.constant 14336 : i32
    %add3A_2300 = vector.broadcast %add3A_2299 : i32 to vector<16xi32>
    %add3A_2301 = arith.addi %get3A_2298, %add3A_2300 : vector<16xi32>
    tpu.vector_store_idx %arg5[%add3A_2301], %broadcast_in_dim3A_5 : memref<16384xf32, #tpu.memory_space<vmem>>[vector<16xi32>], vector<16xf32>,
    %get3A_2302 = arith.constant 3568 : index
    %get3A_2303 = tpu.vector_load %arg4[%get3A_2302] {strides = array<i32>} : memref<4096xi32, #tpu.memory_space<vmem>>, vector<16xi32>,
    %add3A_2304 = arith.constant 14336 : i32
    %add3A_2305 = vector.broadcast %add3A_2304 : i32 to vector<16xi32>
    %add3A_2306 = arith.addi %get3A_2303, %add3A_2305 : vector<16xi32>
    tpu.vector_store_idx %arg5[%add3A_2306], %broadcast_in_dim3A_5 : memref<16384xf32, #tpu.memory_space<vmem>>[vector<16xi32>], vector<16xf32>,
    %get3A_2307 = arith.constant 3584 : index
    %get3A_2308 = tpu.vector_load %arg4[%get3A_2307] {strides = array<i32>} : memref<4096xi32, #tpu.memory_space<vmem>>, vector<16xi32>,
    %add3A_2309 = arith.constant 0 : i32
    %add3A_2310 = vector.broadcast %add3A_2309 : i32 to vector<16xi32>
    %add3A_2311 = arith.addi %get3A_2308, %add3A_2310 : vector<16xi32>
    tpu.vector_store_idx %arg5[%add3A_2311], %broadcast_in_dim3A_7 : memref<16384xf32, #tpu.memory_space<vmem>>[vector<16xi32>], vector<16xf32>,
    %get3A_2312 = arith.constant 3600 : index
    %get3A_2313 = tpu.vector_load %arg4[%get3A_2312] {strides = array<i32>} : memref<4096xi32, #tpu.memory_space<vmem>>, vector<16xi32>,
    %add3A_2314 = arith.constant 0 : i32
    %add3A_2315 = vector.broadcast %add3A_2314 : i32 to vector<16xi32>
    %add3A_2316 = arith.addi %get3A_2313, %add3A_2315 : vector<16xi32>
    tpu.vector_store_idx %arg5[%add3A_2316], %broadcast_in_dim3A_7 : memref<16384xf32, #tpu.memory_space<vmem>>[vector<16xi32>], vector<16xf32>,
    %get3A_2317 = arith.constant 3616 : index
    %get3A_2318 = tpu.vector_load %arg4[%get3A_2317] {strides = array<i32>} : memref<4096xi32, #tpu.memory_space<vmem>>, vector<16xi32>,
    %add3A_2319 = arith.constant 0 : i32
    %add3A_2320 = vector.broadcast %add3A_2319 : i32 to vector<16xi32>
    %add3A_2321 = arith.addi %get3A_2318, %add3A_2320 : vector<16xi32>
    tpu.vector_store_idx %arg5[%add3A_2321], %broadcast_in_dim3A_7 : memref<16384xf32, #tpu.memory_space<vmem>>[vector<16xi32>], vector<16xf32>,
    %get3A_2322 = arith.constant 3632 : index
    %get3A_2323 = tpu.vector_load %arg4[%get3A_2322] {strides = array<i32>} : memref<4096xi32, #tpu.memory_space<vmem>>, vector<16xi32>,
    %add3A_2324 = arith.constant 0 : i32
    %add3A_2325 = vector.broadcast %add3A_2324 : i32 to vector<16xi32>
    %add3A_2326 = arith.addi %get3A_2323, %add3A_2325 : vector<16xi32>
    tpu.vector_store_idx %arg5[%add3A_2326], %broadcast_in_dim3A_7 : memref<16384xf32, #tpu.memory_space<vmem>>[vector<16xi32>], vector<16xf32>,
    %get3A_2327 = arith.constant 3648 : index
    %get3A_2328 = tpu.vector_load %arg4[%get3A_2327] {strides = array<i32>} : memref<4096xi32, #tpu.memory_space<vmem>>, vector<16xi32>,
    %add3A_2329 = arith.constant 2048 : i32
    %add3A_2330 = vector.broadcast %add3A_2329 : i32 to vector<16xi32>
    %add3A_2331 = arith.addi %get3A_2328, %add3A_2330 : vector<16xi32>
    tpu.vector_store_idx %arg5[%add3A_2331], %broadcast_in_dim3A_7 : memref<16384xf32, #tpu.memory_space<vmem>>[vector<16xi32>], vector<16xf32>,
    %get3A_2332 = arith.constant 3664 : index
    %get3A_2333 = tpu.vector_load %arg4[%get3A_2332] {strides = array<i32>} : memref<4096xi32, #tpu.memory_space<vmem>>, vector<16xi32>,
    %add3A_2334 = arith.constant 2048 : i32
    %add3A_2335 = vector.broadcast %add3A_2334 : i32 to vector<16xi32>
    %add3A_2336 = arith.addi %get3A_2333, %add3A_2335 : vector<16xi32>
    tpu.vector_store_idx %arg5[%add3A_2336], %broadcast_in_dim3A_7 : memref<16384xf32, #tpu.memory_space<vmem>>[vector<16xi32>], vector<16xf32>,
    %get3A_2337 = arith.constant 3680 : index
    %get3A_2338 = tpu.vector_load %arg4[%get3A_2337] {strides = array<i32>} : memref<4096xi32, #tpu.memory_space<vmem>>, vector<16xi32>,
    %add3A_2339 = arith.constant 2048 : i32
    %add3A_2340 = vector.broadcast %add3A_2339 : i32 to vector<16xi32>
    %add3A_2341 = arith.addi %get3A_2338, %add3A_2340 : vector<16xi32>
    tpu.vector_store_idx %arg5[%add3A_2341], %broadcast_in_dim3A_7 : memref<16384xf32, #tpu.memory_space<vmem>>[vector<16xi32>], vector<16xf32>,
    %get3A_2342 = arith.constant 3696 : index
    %get3A_2343 = tpu.vector_load %arg4[%get3A_2342] {strides = array<i32>} : memref<4096xi32, #tpu.memory_space<vmem>>, vector<16xi32>,
    %add3A_2344 = arith.constant 2048 : i32
    %add3A_2345 = vector.broadcast %add3A_2344 : i32 to vector<16xi32>
    %add3A_2346 = arith.addi %get3A_2343, %add3A_2345 : vector<16xi32>
    tpu.vector_store_idx %arg5[%add3A_2346], %broadcast_in_dim3A_7 : memref<16384xf32, #tpu.memory_space<vmem>>[vector<16xi32>], vector<16xf32>,
    %get3A_2347 = arith.constant 3712 : index
    %get3A_2348 = tpu.vector_load %arg4[%get3A_2347] {strides = array<i32>} : memref<4096xi32, #tpu.memory_space<vmem>>, vector<16xi32>,
    %add3A_2349 = arith.constant 4096 : i32
    %add3A_2350 = vector.broadcast %add3A_2349 : i32 to vector<16xi32>
    %add3A_2351 = arith.addi %get3A_2348, %add3A_2350 : vector<16xi32>
    tpu.vector_store_idx %arg5[%add3A_2351], %broadcast_in_dim3A_7 : memref<16384xf32, #tpu.memory_space<vmem>>[vector<16xi32>], vector<16xf32>,
    %get3A_2352 = arith.constant 3728 : index
    %get3A_2353 = tpu.vector_load %arg4[%get3A_2352] {strides = array<i32>} : memref<4096xi32, #tpu.memory_space<vmem>>, vector<16xi32>,
    %add3A_2354 = arith.constant 4096 : i32
    %add3A_2355 = vector.broadcast %add3A_2354 : i32 to vector<16xi32>
    %add3A_2356 = arith.addi %get3A_2353, %add3A_2355 : vector<16xi32>
    tpu.vector_store_idx %arg5[%add3A_2356], %broadcast_in_dim3A_7 : memref<16384xf32, #tpu.memory_space<vmem>>[vector<16xi32>], vector<16xf32>,
    %get3A_2357 = arith.constant 3744 : index
    %get3A_2358 = tpu.vector_load %arg4[%get3A_2357] {strides = array<i32>} : memref<4096xi32, #tpu.memory_space<vmem>>, vector<16xi32>,
    %add3A_2359 = arith.constant 4096 : i32
    %add3A_2360 = vector.broadcast %add3A_2359 : i32 to vector<16xi32>
    %add3A_2361 = arith.addi %get3A_2358, %add3A_2360 : vector<16xi32>
    tpu.vector_store_idx %arg5[%add3A_2361], %broadcast_in_dim3A_7 : memref<16384xf32, #tpu.memory_space<vmem>>[vector<16xi32>], vector<16xf32>,
    %get3A_2362 = arith.constant 3760 : index
    %get3A_2363 = tpu.vector_load %arg4[%get3A_2362] {strides = array<i32>} : memref<4096xi32, #tpu.memory_space<vmem>>, vector<16xi32>,
    %add3A_2364 = arith.constant 4096 : i32
    %add3A_2365 = vector.broadcast %add3A_2364 : i32 to vector<16xi32>
    %add3A_2366 = arith.addi %get3A_2363, %add3A_2365 : vector<16xi32>
    tpu.vector_store_idx %arg5[%add3A_2366], %broadcast_in_dim3A_7 : memref<16384xf32, #tpu.memory_space<vmem>>[vector<16xi32>], vector<16xf32>,
    %get3A_2367 = arith.constant 3776 : index
    %get3A_2368 = tpu.vector_load %arg4[%get3A_2367] {strides = array<i32>} : memref<4096xi32, #tpu.memory_space<vmem>>, vector<16xi32>,
    %add3A_2369 = arith.constant 6144 : i32
    %add3A_2370 = vector.broadcast %add3A_2369 : i32 to vector<16xi32>
    %add3A_2371 = arith.addi %get3A_2368, %add3A_2370 : vector<16xi32>
    tpu.vector_store_idx %arg5[%add3A_2371], %broadcast_in_dim3A_7 : memref<16384xf32, #tpu.memory_space<vmem>>[vector<16xi32>], vector<16xf32>,
    %get3A_2372 = arith.constant 3792 : index
    %get3A_2373 = tpu.vector_load %arg4[%get3A_2372] {strides = array<i32>} : memref<4096xi32, #tpu.memory_space<vmem>>, vector<16xi32>,
    %add3A_2374 = arith.constant 6144 : i32
    %add3A_2375 = vector.broadcast %add3A_2374 : i32 to vector<16xi32>
    %add3A_2376 = arith.addi %get3A_2373, %add3A_2375 : vector<16xi32>
    tpu.vector_store_idx %arg5[%add3A_2376], %broadcast_in_dim3A_7 : memref<16384xf32, #tpu.memory_space<vmem>>[vector<16xi32>], vector<16xf32>,
    %get3A_2377 = arith.constant 3808 : index
    %get3A_2378 = tpu.vector_load %arg4[%get3A_2377] {strides = array<i32>} : memref<4096xi32, #tpu.memory_space<vmem>>, vector<16xi32>,
    %add3A_2379 = arith.constant 6144 : i32
    %add3A_2380 = vector.broadcast %add3A_2379 : i32 to vector<16xi32>
    %add3A_2381 = arith.addi %get3A_2378, %add3A_2380 : vector<16xi32>
    tpu.vector_store_idx %arg5[%add3A_2381], %broadcast_in_dim3A_7 : memref<16384xf32, #tpu.memory_space<vmem>>[vector<16xi32>], vector<16xf32>,
    %get3A_2382 = arith.constant 3824 : index
    %get3A_2383 = tpu.vector_load %arg4[%get3A_2382] {strides = array<i32>} : memref<4096xi32, #tpu.memory_space<vmem>>, vector<16xi32>,
    %add3A_2384 = arith.constant 6144 : i32
    %add3A_2385 = vector.broadcast %add3A_2384 : i32 to vector<16xi32>
    %add3A_2386 = arith.addi %get3A_2383, %add3A_2385 : vector<16xi32>
    tpu.vector_store_idx %arg5[%add3A_2386], %broadcast_in_dim3A_7 : memref<16384xf32, #tpu.memory_space<vmem>>[vector<16xi32>], vector<16xf32>,
    %get3A_2387 = arith.constant 3840 : index
    %get3A_2388 = tpu.vector_load %arg4[%get3A_2387] {strides = array<i32>} : memref<4096xi32, #tpu.memory_space<vmem>>, vector<16xi32>,
    %add3A_2389 = arith.constant 8192 : i32
    %add3A_2390 = vector.broadcast %add3A_2389 : i32 to vector<16xi32>
    %add3A_2391 = arith.addi %get3A_2388, %add3A_2390 : vector<16xi32>
    tpu.vector_store_idx %arg5[%add3A_2391], %broadcast_in_dim3A_7 : memref<16384xf32, #tpu.memory_space<vmem>>[vector<16xi32>], vector<16xf32>,
    %get3A_2392 = arith.constant 3856 : index
    %get3A_2393 = tpu.vector_load %arg4[%get3A_2392] {strides = array<i32>} : memref<4096xi32, #tpu.memory_space<vmem>>, vector<16xi32>,
    %add3A_2394 = arith.constant 8192 : i32
    %add3A_2395 = vector.broadcast %add3A_2394 : i32 to vector<16xi32>
    %add3A_2396 = arith.addi %get3A_2393, %add3A_2395 : vector<16xi32>
    tpu.vector_store_idx %arg5[%add3A_2396], %broadcast_in_dim3A_7 : memref<16384xf32, #tpu.memory_space<vmem>>[vector<16xi32>], vector<16xf32>,
    %get3A_2397 = arith.constant 3872 : index
    %get3A_2398 = tpu.vector_load %arg4[%get3A_2397] {strides = array<i32>} : memref<4096xi32, #tpu.memory_space<vmem>>, vector<16xi32>,
    %add3A_2399 = arith.constant 8192 : i32
    %add3A_2400 = vector.broadcast %add3A_2399 : i32 to vector<16xi32>
    %add3A_2401 = arith.addi %get3A_2398, %add3A_2400 : vector<16xi32>
    tpu.vector_store_idx %arg5[%add3A_2401], %broadcast_in_dim3A_7 : memref<16384xf32, #tpu.memory_space<vmem>>[vector<16xi32>], vector<16xf32>,
    %get3A_2402 = arith.constant 3888 : index
    %get3A_2403 = tpu.vector_load %arg4[%get3A_2402] {strides = array<i32>} : memref<4096xi32, #tpu.memory_space<vmem>>, vector<16xi32>,
    %add3A_2404 = arith.constant 8192 : i32
    %add3A_2405 = vector.broadcast %add3A_2404 : i32 to vector<16xi32>
    %add3A_2406 = arith.addi %get3A_2403, %add3A_2405 : vector<16xi32>
    tpu.vector_store_idx %arg5[%add3A_2406], %broadcast_in_dim3A_7 : memref<16384xf32, #tpu.memory_space<vmem>>[vector<16xi32>], vector<16xf32>,
    %get3A_2407 = arith.constant 3904 : index
    %get3A_2408 = tpu.vector_load %arg4[%get3A_2407] {strides = array<i32>} : memref<4096xi32, #tpu.memory_space<vmem>>, vector<16xi32>,
    %add3A_2409 = arith.constant 10240 : i32
    %add3A_2410 = vector.broadcast %add3A_2409 : i32 to vector<16xi32>
    %add3A_2411 = arith.addi %get3A_2408, %add3A_2410 : vector<16xi32>
    tpu.vector_store_idx %arg5[%add3A_2411], %broadcast_in_dim3A_7 : memref<16384xf32, #tpu.memory_space<vmem>>[vector<16xi32>], vector<16xf32>,
    %get3A_2412 = arith.constant 3920 : index
    %get3A_2413 = tpu.vector_load %arg4[%get3A_2412] {strides = array<i32>} : memref<4096xi32, #tpu.memory_space<vmem>>, vector<16xi32>,
    %add3A_2414 = arith.constant 10240 : i32
    %add3A_2415 = vector.broadcast %add3A_2414 : i32 to vector<16xi32>
    %add3A_2416 = arith.addi %get3A_2413, %add3A_2415 : vector<16xi32>
    tpu.vector_store_idx %arg5[%add3A_2416], %broadcast_in_dim3A_7 : memref<16384xf32, #tpu.memory_space<vmem>>[vector<16xi32>], vector<16xf32>,
    %get3A_2417 = arith.constant 3936 : index
    %get3A_2418 = tpu.vector_load %arg4[%get3A_2417] {strides = array<i32>} : memref<4096xi32, #tpu.memory_space<vmem>>, vector<16xi32>,
    %add3A_2419 = arith.constant 10240 : i32
    %add3A_2420 = vector.broadcast %add3A_2419 : i32 to vector<16xi32>
    %add3A_2421 = arith.addi %get3A_2418, %add3A_2420 : vector<16xi32>
    tpu.vector_store_idx %arg5[%add3A_2421], %broadcast_in_dim3A_7 : memref<16384xf32, #tpu.memory_space<vmem>>[vector<16xi32>], vector<16xf32>,
    %get3A_2422 = arith.constant 3952 : index
    %get3A_2423 = tpu.vector_load %arg4[%get3A_2422] {strides = array<i32>} : memref<4096xi32, #tpu.memory_space<vmem>>, vector<16xi32>,
    %add3A_2424 = arith.constant 10240 : i32
    %add3A_2425 = vector.broadcast %add3A_2424 : i32 to vector<16xi32>
    %add3A_2426 = arith.addi %get3A_2423, %add3A_2425 : vector<16xi32>
    tpu.vector_store_idx %arg5[%add3A_2426], %broadcast_in_dim3A_7 : memref<16384xf32, #tpu.memory_space<vmem>>[vector<16xi32>], vector<16xf32>,
    %get3A_2427 = arith.constant 3968 : index
    %get3A_2428 = tpu.vector_load %arg4[%get3A_2427] {strides = array<i32>} : memref<4096xi32, #tpu.memory_space<vmem>>, vector<16xi32>,
    %add3A_2429 = arith.constant 12288 : i32
    %add3A_2430 = vector.broadcast %add3A_2429 : i32 to vector<16xi32>
    %add3A_2431 = arith.addi %get3A_2428, %add3A_2430 : vector<16xi32>
    tpu.vector_store_idx %arg5[%add3A_2431], %broadcast_in_dim3A_7 : memref<16384xf32, #tpu.memory_space<vmem>>[vector<16xi32>], vector<16xf32>,
    %get3A_2432 = arith.constant 3984 : index
    %get3A_2433 = tpu.vector_load %arg4[%get3A_2432] {strides = array<i32>} : memref<4096xi32, #tpu.memory_space<vmem>>, vector<16xi32>,
    %add3A_2434 = arith.constant 12288 : i32
    %add3A_2435 = vector.broadcast %add3A_2434 : i32 to vector<16xi32>
    %add3A_2436 = arith.addi %get3A_2433, %add3A_2435 : vector<16xi32>
    tpu.vector_store_idx %arg5[%add3A_2436], %broadcast_in_dim3A_7 : memref<16384xf32, #tpu.memory_space<vmem>>[vector<16xi32>], vector<16xf32>,
    %get3A_2437 = arith.constant 4000 : index
    %get3A_2438 = tpu.vector_load %arg4[%get3A_2437] {strides = array<i32>} : memref<4096xi32, #tpu.memory_space<vmem>>, vector<16xi32>,
    %add3A_2439 = arith.constant 12288 : i32
    %add3A_2440 = vector.broadcast %add3A_2439 : i32 to vector<16xi32>
    %add3A_2441 = arith.addi %get3A_2438, %add3A_2440 : vector<16xi32>
    tpu.vector_store_idx %arg5[%add3A_2441], %broadcast_in_dim3A_7 : memref<16384xf32, #tpu.memory_space<vmem>>[vector<16xi32>], vector<16xf32>,
    %get3A_2442 = arith.constant 4016 : index
    %get3A_2443 = tpu.vector_load %arg4[%get3A_2442] {strides = array<i32>} : memref<4096xi32, #tpu.memory_space<vmem>>, vector<16xi32>,
    %add3A_2444 = arith.constant 12288 : i32
    %add3A_2445 = vector.broadcast %add3A_2444 : i32 to vector<16xi32>
    %add3A_2446 = arith.addi %get3A_2443, %add3A_2445 : vector<16xi32>
    tpu.vector_store_idx %arg5[%add3A_2446], %broadcast_in_dim3A_7 : memref<16384xf32, #tpu.memory_space<vmem>>[vector<16xi32>], vector<16xf32>,
    %get3A_2447 = arith.constant 4032 : index
    %get3A_2448 = tpu.vector_load %arg4[%get3A_2447] {strides = array<i32>} : memref<4096xi32, #tpu.memory_space<vmem>>, vector<16xi32>,
    %add3A_2449 = arith.constant 14336 : i32
    %add3A_2450 = vector.broadcast %add3A_2449 : i32 to vector<16xi32>
    %add3A_2451 = arith.addi %get3A_2448, %add3A_2450 : vector<16xi32>
    tpu.vector_store_idx %arg5[%add3A_2451], %broadcast_in_dim3A_7 : memref<16384xf32, #tpu.memory_space<vmem>>[vector<16xi32>], vector<16xf32>,
    %get3A_2452 = arith.constant 4048 : index
    %get3A_2453 = tpu.vector_load %arg4[%get3A_2452] {strides = array<i32>} : memref<4096xi32, #tpu.memory_space<vmem>>, vector<16xi32>,
    %add3A_2454 = arith.constant 14336 : i32
    %add3A_2455 = vector.broadcast %add3A_2454 : i32 to vector<16xi32>
    %add3A_2456 = arith.addi %get3A_2453, %add3A_2455 : vector<16xi32>
    tpu.vector_store_idx %arg5[%add3A_2456], %broadcast_in_dim3A_7 : memref<16384xf32, #tpu.memory_space<vmem>>[vector<16xi32>], vector<16xf32>,
    %get3A_2457 = arith.constant 4064 : index
    %get3A_2458 = tpu.vector_load %arg4[%get3A_2457] {strides = array<i32>} : memref<4096xi32, #tpu.memory_space<vmem>>, vector<16xi32>,
    %add3A_2459 = arith.constant 14336 : i32
    %add3A_2460 = vector.broadcast %add3A_2459 : i32 to vector<16xi32>
    %add3A_2461 = arith.addi %get3A_2458, %add3A_2460 : vector<16xi32>
    tpu.vector_store_idx %arg5[%add3A_2461], %broadcast_in_dim3A_7 : memref<16384xf32, #tpu.memory_space<vmem>>[vector<16xi32>], vector<16xf32>,
    %get3A_2462 = arith.constant 4080 : index
    %get3A_2463 = tpu.vector_load %arg4[%get3A_2462] {strides = array<i32>} : memref<4096xi32, #tpu.memory_space<vmem>>, vector<16xi32>,
    %add3A_2464 = arith.constant 14336 : i32
    %add3A_2465 = vector.broadcast %add3A_2464 : i32 to vector<16xi32>
    %add3A_2466 = arith.addi %get3A_2463, %add3A_2465 : vector<16xi32>
    tpu.vector_store_idx %arg5[%add3A_2466], %broadcast_in_dim3A_7 : memref<16384xf32, #tpu.memory_space<vmem>>[vector<16xi32>], vector<16xf32>,
    %add3A_2467 = arith.constant 56 : i32
    %add3A_2468 = arith.addi %mul3A_2, %add3A_2467 : i32
    %mul3A_2469 = arith.constant 2048 : i32
    %mul3A_2470 = arith.muli %add3A_2468, %mul3A_2469 : i32
    %dma_start3A_2471 = tpu.memref_slice %arg3[%mul3A_2470] : memref<4194304xf32, #tpu.memory_space<hbm>> -> memref<16384xf32, #tpu.memory_space<hbm>>
    %dma_start3A_2472 = tpu.memref_slice %arg3[%mul3A_2470] : memref<4194304xf32, #tpu.memory_space<hbm>> -> memref<16384xf32, #tpu.memory_space<hbm>>
    tpu.enqueue_dma source(%arg5 : memref<16384xf32, #tpu.memory_space<vmem>>) target(%dma_start3A_2472 : memref<16384xf32, #tpu.memory_space<hbm>>) target_semaphore(%arg6 : memref<!tpu.dma_semaphore, #tpu.memory_space<semaphore_mem>>)
    %dma_wait3A_2473 = tpu.memref_slice %arg3[%mul3A_2470] : memref<4194304xf32, #tpu.memory_space<hbm>> -> memref<16384xf32, #tpu.memory_space<hbm>>
    %dma_wait3A_2474 = tpu.memref_slice %arg3[%mul3A_2470] : memref<4194304xf32, #tpu.memory_space<hbm>> -> memref<16384xf32, #tpu.memory_space<hbm>>
    tpu.wait_dma2 semaphore(%arg6 : memref<!tpu.dma_semaphore, #tpu.memory_space<semaphore_mem>>) src(%arg5 : memref<16384xf32, #tpu.memory_space<vmem>>) dst(%dma_wait3A_2474 : memref<16384xf32, #tpu.memory_space<hbm>>)
    %get3A_2475 = arith.constant 3584 : index
    %get3A_2476 = tpu.vector_load %arg4[%get3A_2475] {strides = array<i32>} : memref<4096xi32, #tpu.memory_space<vmem>>, vector<16xi32>,
    %add3A_2477 = arith.constant 0 : i32
    %add3A_2478 = vector.broadcast %add3A_2477 : i32 to vector<16xi32>
    %add3A_2479 = arith.addi %get3A_2476, %add3A_2478 : vector<16xi32>
    tpu.vector_store_idx %arg5[%add3A_2479], %broadcast_in_dim3A_5 : memref<16384xf32, #tpu.memory_space<vmem>>[vector<16xi32>], vector<16xf32>,
    %get3A_2480 = arith.constant 3600 : index
    %get3A_2481 = tpu.vector_load %arg4[%get3A_2480] {strides = array<i32>} : memref<4096xi32, #tpu.memory_space<vmem>>, vector<16xi32>,
    %add3A_2482 = arith.constant 0 : i32
    %add3A_2483 = vector.broadcast %add3A_2482 : i32 to vector<16xi32>
    %add3A_2484 = arith.addi %get3A_2481, %add3A_2483 : vector<16xi32>
    tpu.vector_store_idx %arg5[%add3A_2484], %broadcast_in_dim3A_5 : memref<16384xf32, #tpu.memory_space<vmem>>[vector<16xi32>], vector<16xf32>,
    %get3A_2485 = arith.constant 3616 : index
    %get3A_2486 = tpu.vector_load %arg4[%get3A_2485] {strides = array<i32>} : memref<4096xi32, #tpu.memory_space<vmem>>, vector<16xi32>,
    %add3A_2487 = arith.constant 0 : i32
    %add3A_2488 = vector.broadcast %add3A_2487 : i32 to vector<16xi32>
    %add3A_2489 = arith.addi %get3A_2486, %add3A_2488 : vector<16xi32>
    tpu.vector_store_idx %arg5[%add3A_2489], %broadcast_in_dim3A_5 : memref<16384xf32, #tpu.memory_space<vmem>>[vector<16xi32>], vector<16xf32>,
    %get3A_2490 = arith.constant 3632 : index
    %get3A_2491 = tpu.vector_load %arg4[%get3A_2490] {strides = array<i32>} : memref<4096xi32, #tpu.memory_space<vmem>>, vector<16xi32>,
    %add3A_2492 = arith.constant 0 : i32
    %add3A_2493 = vector.broadcast %add3A_2492 : i32 to vector<16xi32>
    %add3A_2494 = arith.addi %get3A_2491, %add3A_2493 : vector<16xi32>
    tpu.vector_store_idx %arg5[%add3A_2494], %broadcast_in_dim3A_5 : memref<16384xf32, #tpu.memory_space<vmem>>[vector<16xi32>], vector<16xf32>,
    %get3A_2495 = arith.constant 3648 : index
    %get3A_2496 = tpu.vector_load %arg4[%get3A_2495] {strides = array<i32>} : memref<4096xi32, #tpu.memory_space<vmem>>, vector<16xi32>,
    %add3A_2497 = arith.constant 2048 : i32
    %add3A_2498 = vector.broadcast %add3A_2497 : i32 to vector<16xi32>
    %add3A_2499 = arith.addi %get3A_2496, %add3A_2498 : vector<16xi32>
    tpu.vector_store_idx %arg5[%add3A_2499], %broadcast_in_dim3A_5 : memref<16384xf32, #tpu.memory_space<vmem>>[vector<16xi32>], vector<16xf32>,
    %get3A_2500 = arith.constant 3664 : index
    %get3A_2501 = tpu.vector_load %arg4[%get3A_2500] {strides = array<i32>} : memref<4096xi32, #tpu.memory_space<vmem>>, vector<16xi32>,
    %add3A_2502 = arith.constant 2048 : i32
    %add3A_2503 = vector.broadcast %add3A_2502 : i32 to vector<16xi32>
    %add3A_2504 = arith.addi %get3A_2501, %add3A_2503 : vector<16xi32>
    tpu.vector_store_idx %arg5[%add3A_2504], %broadcast_in_dim3A_5 : memref<16384xf32, #tpu.memory_space<vmem>>[vector<16xi32>], vector<16xf32>,
    %get3A_2505 = arith.constant 3680 : index
    %get3A_2506 = tpu.vector_load %arg4[%get3A_2505] {strides = array<i32>} : memref<4096xi32, #tpu.memory_space<vmem>>, vector<16xi32>,
    %add3A_2507 = arith.constant 2048 : i32
    %add3A_2508 = vector.broadcast %add3A_2507 : i32 to vector<16xi32>
    %add3A_2509 = arith.addi %get3A_2506, %add3A_2508 : vector<16xi32>
    tpu.vector_store_idx %arg5[%add3A_2509], %broadcast_in_dim3A_5 : memref<16384xf32, #tpu.memory_space<vmem>>[vector<16xi32>], vector<16xf32>,
    %get3A_2510 = arith.constant 3696 : index
    %get3A_2511 = tpu.vector_load %arg4[%get3A_2510] {strides = array<i32>} : memref<4096xi32, #tpu.memory_space<vmem>>, vector<16xi32>,
    %add3A_2512 = arith.constant 2048 : i32
    %add3A_2513 = vector.broadcast %add3A_2512 : i32 to vector<16xi32>
    %add3A_2514 = arith.addi %get3A_2511, %add3A_2513 : vector<16xi32>
    tpu.vector_store_idx %arg5[%add3A_2514], %broadcast_in_dim3A_5 : memref<16384xf32, #tpu.memory_space<vmem>>[vector<16xi32>], vector<16xf32>,
    %get3A_2515 = arith.constant 3712 : index
    %get3A_2516 = tpu.vector_load %arg4[%get3A_2515] {strides = array<i32>} : memref<4096xi32, #tpu.memory_space<vmem>>, vector<16xi32>,
    %add3A_2517 = arith.constant 4096 : i32
    %add3A_2518 = vector.broadcast %add3A_2517 : i32 to vector<16xi32>
    %add3A_2519 = arith.addi %get3A_2516, %add3A_2518 : vector<16xi32>
    tpu.vector_store_idx %arg5[%add3A_2519], %broadcast_in_dim3A_5 : memref<16384xf32, #tpu.memory_space<vmem>>[vector<16xi32>], vector<16xf32>,
    %get3A_2520 = arith.constant 3728 : index
    %get3A_2521 = tpu.vector_load %arg4[%get3A_2520] {strides = array<i32>} : memref<4096xi32, #tpu.memory_space<vmem>>, vector<16xi32>,
    %add3A_2522 = arith.constant 4096 : i32
    %add3A_2523 = vector.broadcast %add3A_2522 : i32 to vector<16xi32>
    %add3A_2524 = arith.addi %get3A_2521, %add3A_2523 : vector<16xi32>
    tpu.vector_store_idx %arg5[%add3A_2524], %broadcast_in_dim3A_5 : memref<16384xf32, #tpu.memory_space<vmem>>[vector<16xi32>], vector<16xf32>,
    %get3A_2525 = arith.constant 3744 : index
    %get3A_2526 = tpu.vector_load %arg4[%get3A_2525] {strides = array<i32>} : memref<4096xi32, #tpu.memory_space<vmem>>, vector<16xi32>,
    %add3A_2527 = arith.constant 4096 : i32
    %add3A_2528 = vector.broadcast %add3A_2527 : i32 to vector<16xi32>
    %add3A_2529 = arith.addi %get3A_2526, %add3A_2528 : vector<16xi32>
    tpu.vector_store_idx %arg5[%add3A_2529], %broadcast_in_dim3A_5 : memref<16384xf32, #tpu.memory_space<vmem>>[vector<16xi32>], vector<16xf32>,
    %get3A_2530 = arith.constant 3760 : index
    %get3A_2531 = tpu.vector_load %arg4[%get3A_2530] {strides = array<i32>} : memref<4096xi32, #tpu.memory_space<vmem>>, vector<16xi32>,
    %add3A_2532 = arith.constant 4096 : i32
    %add3A_2533 = vector.broadcast %add3A_2532 : i32 to vector<16xi32>
    %add3A_2534 = arith.addi %get3A_2531, %add3A_2533 : vector<16xi32>
    tpu.vector_store_idx %arg5[%add3A_2534], %broadcast_in_dim3A_5 : memref<16384xf32, #tpu.memory_space<vmem>>[vector<16xi32>], vector<16xf32>,
    %get3A_2535 = arith.constant 3776 : index
    %get3A_2536 = tpu.vector_load %arg4[%get3A_2535] {strides = array<i32>} : memref<4096xi32, #tpu.memory_space<vmem>>, vector<16xi32>,
    %add3A_2537 = arith.constant 6144 : i32
    %add3A_2538 = vector.broadcast %add3A_2537 : i32 to vector<16xi32>
    %add3A_2539 = arith.addi %get3A_2536, %add3A_2538 : vector<16xi32>
    tpu.vector_store_idx %arg5[%add3A_2539], %broadcast_in_dim3A_5 : memref<16384xf32, #tpu.memory_space<vmem>>[vector<16xi32>], vector<16xf32>,
    %get3A_2540 = arith.constant 3792 : index
    %get3A_2541 = tpu.vector_load %arg4[%get3A_2540] {strides = array<i32>} : memref<4096xi32, #tpu.memory_space<vmem>>, vector<16xi32>,
    %add3A_2542 = arith.constant 6144 : i32
    %add3A_2543 = vector.broadcast %add3A_2542 : i32 to vector<16xi32>
    %add3A_2544 = arith.addi %get3A_2541, %add3A_2543 : vector<16xi32>
    tpu.vector_store_idx %arg5[%add3A_2544], %broadcast_in_dim3A_5 : memref<16384xf32, #tpu.memory_space<vmem>>[vector<16xi32>], vector<16xf32>,
    %get3A_2545 = arith.constant 3808 : index
    %get3A_2546 = tpu.vector_load %arg4[%get3A_2545] {strides = array<i32>} : memref<4096xi32, #tpu.memory_space<vmem>>, vector<16xi32>,
    %add3A_2547 = arith.constant 6144 : i32
    %add3A_2548 = vector.broadcast %add3A_2547 : i32 to vector<16xi32>
    %add3A_2549 = arith.addi %get3A_2546, %add3A_2548 : vector<16xi32>
    tpu.vector_store_idx %arg5[%add3A_2549], %broadcast_in_dim3A_5 : memref<16384xf32, #tpu.memory_space<vmem>>[vector<16xi32>], vector<16xf32>,
    %get3A_2550 = arith.constant 3824 : index
    %get3A_2551 = tpu.vector_load %arg4[%get3A_2550] {strides = array<i32>} : memref<4096xi32, #tpu.memory_space<vmem>>, vector<16xi32>,
    %add3A_2552 = arith.constant 6144 : i32
    %add3A_2553 = vector.broadcast %add3A_2552 : i32 to vector<16xi32>
    %add3A_2554 = arith.addi %get3A_2551, %add3A_2553 : vector<16xi32>
    tpu.vector_store_idx %arg5[%add3A_2554], %broadcast_in_dim3A_5 : memref<16384xf32, #tpu.memory_space<vmem>>[vector<16xi32>], vector<16xf32>,
    %get3A_2555 = arith.constant 3840 : index
    %get3A_2556 = tpu.vector_load %arg4[%get3A_2555] {strides = array<i32>} : memref<4096xi32, #tpu.memory_space<vmem>>, vector<16xi32>,
    %add3A_2557 = arith.constant 8192 : i32
    %add3A_2558 = vector.broadcast %add3A_2557 : i32 to vector<16xi32>
    %add3A_2559 = arith.addi %get3A_2556, %add3A_2558 : vector<16xi32>
    tpu.vector_store_idx %arg5[%add3A_2559], %broadcast_in_dim3A_5 : memref<16384xf32, #tpu.memory_space<vmem>>[vector<16xi32>], vector<16xf32>,
    %get3A_2560 = arith.constant 3856 : index
    %get3A_2561 = tpu.vector_load %arg4[%get3A_2560] {strides = array<i32>} : memref<4096xi32, #tpu.memory_space<vmem>>, vector<16xi32>,
    %add3A_2562 = arith.constant 8192 : i32
    %add3A_2563 = vector.broadcast %add3A_2562 : i32 to vector<16xi32>
    %add3A_2564 = arith.addi %get3A_2561, %add3A_2563 : vector<16xi32>
    tpu.vector_store_idx %arg5[%add3A_2564], %broadcast_in_dim3A_5 : memref<16384xf32, #tpu.memory_space<vmem>>[vector<16xi32>], vector<16xf32>,
    %get3A_2565 = arith.constant 3872 : index
    %get3A_2566 = tpu.vector_load %arg4[%get3A_2565] {strides = array<i32>} : memref<4096xi32, #tpu.memory_space<vmem>>, vector<16xi32>,
    %add3A_2567 = arith.constant 8192 : i32
    %add3A_2568 = vector.broadcast %add3A_2567 : i32 to vector<16xi32>
    %add3A_2569 = arith.addi %get3A_2566, %add3A_2568 : vector<16xi32>
    tpu.vector_store_idx %arg5[%add3A_2569], %broadcast_in_dim3A_5 : memref<16384xf32, #tpu.memory_space<vmem>>[vector<16xi32>], vector<16xf32>,
    %get3A_2570 = arith.constant 3888 : index
    %get3A_2571 = tpu.vector_load %arg4[%get3A_2570] {strides = array<i32>} : memref<4096xi32, #tpu.memory_space<vmem>>, vector<16xi32>,
    %add3A_2572 = arith.constant 8192 : i32
    %add3A_2573 = vector.broadcast %add3A_2572 : i32 to vector<16xi32>
    %add3A_2574 = arith.addi %get3A_2571, %add3A_2573 : vector<16xi32>
    tpu.vector_store_idx %arg5[%add3A_2574], %broadcast_in_dim3A_5 : memref<16384xf32, #tpu.memory_space<vmem>>[vector<16xi32>], vector<16xf32>,
    %get3A_2575 = arith.constant 3904 : index
    %get3A_2576 = tpu.vector_load %arg4[%get3A_2575] {strides = array<i32>} : memref<4096xi32, #tpu.memory_space<vmem>>, vector<16xi32>,
    %add3A_2577 = arith.constant 10240 : i32
    %add3A_2578 = vector.broadcast %add3A_2577 : i32 to vector<16xi32>
    %add3A_2579 = arith.addi %get3A_2576, %add3A_2578 : vector<16xi32>
    tpu.vector_store_idx %arg5[%add3A_2579], %broadcast_in_dim3A_5 : memref<16384xf32, #tpu.memory_space<vmem>>[vector<16xi32>], vector<16xf32>,
    %get3A_2580 = arith.constant 3920 : index
    %get3A_2581 = tpu.vector_load %arg4[%get3A_2580] {strides = array<i32>} : memref<4096xi32, #tpu.memory_space<vmem>>, vector<16xi32>,
    %add3A_2582 = arith.constant 10240 : i32
    %add3A_2583 = vector.broadcast %add3A_2582 : i32 to vector<16xi32>
    %add3A_2584 = arith.addi %get3A_2581, %add3A_2583 : vector<16xi32>
    tpu.vector_store_idx %arg5[%add3A_2584], %broadcast_in_dim3A_5 : memref<16384xf32, #tpu.memory_space<vmem>>[vector<16xi32>], vector<16xf32>,
    %get3A_2585 = arith.constant 3936 : index
    %get3A_2586 = tpu.vector_load %arg4[%get3A_2585] {strides = array<i32>} : memref<4096xi32, #tpu.memory_space<vmem>>, vector<16xi32>,
    %add3A_2587 = arith.constant 10240 : i32
    %add3A_2588 = vector.broadcast %add3A_2587 : i32 to vector<16xi32>
    %add3A_2589 = arith.addi %get3A_2586, %add3A_2588 : vector<16xi32>
    tpu.vector_store_idx %arg5[%add3A_2589], %broadcast_in_dim3A_5 : memref<16384xf32, #tpu.memory_space<vmem>>[vector<16xi32>], vector<16xf32>,
    %get3A_2590 = arith.constant 3952 : index
    %get3A_2591 = tpu.vector_load %arg4[%get3A_2590] {strides = array<i32>} : memref<4096xi32, #tpu.memory_space<vmem>>, vector<16xi32>,
    %add3A_2592 = arith.constant 10240 : i32
    %add3A_2593 = vector.broadcast %add3A_2592 : i32 to vector<16xi32>
    %add3A_2594 = arith.addi %get3A_2591, %add3A_2593 : vector<16xi32>
    tpu.vector_store_idx %arg5[%add3A_2594], %broadcast_in_dim3A_5 : memref<16384xf32, #tpu.memory_space<vmem>>[vector<16xi32>], vector<16xf32>,
    %get3A_2595 = arith.constant 3968 : index
    %get3A_2596 = tpu.vector_load %arg4[%get3A_2595] {strides = array<i32>} : memref<4096xi32, #tpu.memory_space<vmem>>, vector<16xi32>,
    %add3A_2597 = arith.constant 12288 : i32
    %add3A_2598 = vector.broadcast %add3A_2597 : i32 to vector<16xi32>
    %add3A_2599 = arith.addi %get3A_2596, %add3A_2598 : vector<16xi32>
    tpu.vector_store_idx %arg5[%add3A_2599], %broadcast_in_dim3A_5 : memref<16384xf32, #tpu.memory_space<vmem>>[vector<16xi32>], vector<16xf32>,
    %get3A_2600 = arith.constant 3984 : index
    %get3A_2601 = tpu.vector_load %arg4[%get3A_2600] {strides = array<i32>} : memref<4096xi32, #tpu.memory_space<vmem>>, vector<16xi32>,
    %add3A_2602 = arith.constant 12288 : i32
    %add3A_2603 = vector.broadcast %add3A_2602 : i32 to vector<16xi32>
    %add3A_2604 = arith.addi %get3A_2601, %add3A_2603 : vector<16xi32>
    tpu.vector_store_idx %arg5[%add3A_2604], %broadcast_in_dim3A_5 : memref<16384xf32, #tpu.memory_space<vmem>>[vector<16xi32>], vector<16xf32>,
    %get3A_2605 = arith.constant 4000 : index
    %get3A_2606 = tpu.vector_load %arg4[%get3A_2605] {strides = array<i32>} : memref<4096xi32, #tpu.memory_space<vmem>>, vector<16xi32>,
    %add3A_2607 = arith.constant 12288 : i32
    %add3A_2608 = vector.broadcast %add3A_2607 : i32 to vector<16xi32>
    %add3A_2609 = arith.addi %get3A_2606, %add3A_2608 : vector<16xi32>
    tpu.vector_store_idx %arg5[%add3A_2609], %broadcast_in_dim3A_5 : memref<16384xf32, #tpu.memory_space<vmem>>[vector<16xi32>], vector<16xf32>,
    %get3A_2610 = arith.constant 4016 : index
    %get3A_2611 = tpu.vector_load %arg4[%get3A_2610] {strides = array<i32>} : memref<4096xi32, #tpu.memory_space<vmem>>, vector<16xi32>,
    %add3A_2612 = arith.constant 12288 : i32
    %add3A_2613 = vector.broadcast %add3A_2612 : i32 to vector<16xi32>
    %add3A_2614 = arith.addi %get3A_2611, %add3A_2613 : vector<16xi32>
    tpu.vector_store_idx %arg5[%add3A_2614], %broadcast_in_dim3A_5 : memref<16384xf32, #tpu.memory_space<vmem>>[vector<16xi32>], vector<16xf32>,
    %get3A_2615 = arith.constant 4032 : index
    %get3A_2616 = tpu.vector_load %arg4[%get3A_2615] {strides = array<i32>} : memref<4096xi32, #tpu.memory_space<vmem>>, vector<16xi32>,
    %add3A_2617 = arith.constant 14336 : i32
    %add3A_2618 = vector.broadcast %add3A_2617 : i32 to vector<16xi32>
    %add3A_2619 = arith.addi %get3A_2616, %add3A_2618 : vector<16xi32>
    tpu.vector_store_idx %arg5[%add3A_2619], %broadcast_in_dim3A_5 : memref<16384xf32, #tpu.memory_space<vmem>>[vector<16xi32>], vector<16xf32>,
    %get3A_2620 = arith.constant 4048 : index
    %get3A_2621 = tpu.vector_load %arg4[%get3A_2620] {strides = array<i32>} : memref<4096xi32, #tpu.memory_space<vmem>>, vector<16xi32>,
    %add3A_2622 = arith.constant 14336 : i32
    %add3A_2623 = vector.broadcast %add3A_2622 : i32 to vector<16xi32>
    %add3A_2624 = arith.addi %get3A_2621, %add3A_2623 : vector<16xi32>
    tpu.vector_store_idx %arg5[%add3A_2624], %broadcast_in_dim3A_5 : memref<16384xf32, #tpu.memory_space<vmem>>[vector<16xi32>], vector<16xf32>,
    %get3A_2625 = arith.constant 4064 : index
    %get3A_2626 = tpu.vector_load %arg4[%get3A_2625] {strides = array<i32>} : memref<4096xi32, #tpu.memory_space<vmem>>, vector<16xi32>,
    %add3A_2627 = arith.constant 14336 : i32
    %add3A_2628 = vector.broadcast %add3A_2627 : i32 to vector<16xi32>
    %add3A_2629 = arith.addi %get3A_2626, %add3A_2628 : vector<16xi32>
    tpu.vector_store_idx %arg5[%add3A_2629], %broadcast_in_dim3A_5 : memref<16384xf32, #tpu.memory_space<vmem>>[vector<16xi32>], vector<16xf32>,
    %get3A_2630 = arith.constant 4080 : index
    %get3A_2631 = tpu.vector_load %arg4[%get3A_2630] {strides = array<i32>} : memref<4096xi32, #tpu.memory_space<vmem>>, vector<16xi32>,
    %add3A_2632 = arith.constant 14336 : i32
    %add3A_2633 = vector.broadcast %add3A_2632 : i32 to vector<16xi32>
    %add3A_2634 = arith.addi %get3A_2631, %add3A_2633 : vector<16xi32>
    tpu.vector_store_idx %arg5[%add3A_2634], %broadcast_in_dim3A_5 : memref<16384xf32, #tpu.memory_space<vmem>>[vector<16xi32>], vector<16xf32>,
    return
  }
}

</mosaic_0001>

<sc_bundles>
// kernel: _sc_build_s.3.cloned.1.call-start
scs
__scs_entry_jumppad:
0x0: {  	(pc) =	sbr.rel $0x88, $3  }
0x1: {  	(tag) =	ssettag $0x0;
	lr =	simm.s32 $0x1  }
0x2: {  	[smem:$0x3FA0] =	sst lr;
	_ =	strace $0xD0000000  }
0x3: {  	_ = 	snop  }
0x4: {  	_ = 	snop  }
0x5: {  	_ = 	snop  }
0x6: {  	_ = 	snop  }
0x7: {  	_ = 	snop  }
__scs_overlays_trampoline_lowered:
0x8: {  	[smem:$0x3FAF] =	sst s0  }
0x9: {  	[smem:$0x3FB0] =	sst s1  }
0xa: {  	[smem:$0x3FB1] =	sst s2  }
0xb: {  	[smem:$0x3FB2] =	sst s3  }
0xc: {  	[smem:$0x3FB3] =	sst s4  }
0xd: {  	[smem:$0x3FB4] =	sst s5  }
0xe: {  	[smem:$0x3FB5] =	sst s6  }
0xf: {  	[smem:$0x3FB6] =	sst s7  }
0x10: {  	[smem:$0x3FB7] =	sst s8  }
0x11: {  	[smem:$0x3FB8] =	sst s9;
	s0 =	simm.s32 @!p0 $0x0  }
0x12: {  	s1 =	sld [smem:$0x3F9E];
	s0 =	simm.s32 @p0 $0x1  }
0x13: {  	[smem:$0x3FB9] =	sst s0;
	s0 =	simm.s32 @!p1 $0x0  }
0x14: {  	s2 =	sld [smem:$0x3F9D];
	s0 =	simm.s32 @p1 $0x1  }
0x15: {  	[smem:$0x3FBA] =	sst s0;
	s0 =	simm.s32 @!p2 $0x0  }
0x16: {  	s3 =	sld [smem:$0x3FDB];
	s0 =	simm.s32 @p2 $0x1  }
0x17: {  	s4 =	simm.s32 $0x1BF5;
	[smem:$0x3FBC] =	sst s0  }
0x18: {  	s0 =	sld [smem:$0x3F9F];
	_ =	swait.ge [sflag:s4], $0x0  }
0x19: {  	s7 =	sld [smem:$0x3FA0]  }
0x1a: {  	s8 =	sadd.s32 $0xFFFFE003, lr  }
0x1b: {  	s9 =	sadd.s32 $0xFFFFFEF7, lr;
	s5 =	simm.s32 $0xFFFFFFFF;
	p2 =	slt.u32 s8, $0xFFFFF086  }
0x1c: {  	p1 =	slt.u32 s9, $0xF7A;
	s5 =	simm.s32 @!p2 $0x0  }
0x1d: {  	s5 =	simm.s32 @p1 $0x1;
	p0 =	seq.s32 s7, s2  }
0x1e: {  	s7 =	smul.u32 @!p0 $0xF7A, s2;
	p2 =	seq.s32 @!p0 s5, $0x0  }
0x1f: {  	s9 =	smul.u32 $0xF7A, s1;
	s8 =	simm.s32 @!p0 $0x1BF5;
	p2 =	por !p2, p0  }
0x20: {  	[sflag:s8] =	ssyncset.s32 @!p0 $0xFFFFF086;
	s6 =	sadd.s32 @!p0 s3, s7;
	s7 =	simm.s32 @!p0 $0x108  }
0x21: {  	s3 =	sadd.s32 s3, s9;
	s6 =	sadd.s32 @!p0 $0x88, s6;
	s7 =	simm.s32 @p2 $0x1082  }
0x22: {  	[simem:s7], [sflag:s8] =	dma.local @!p0 [hbm:s6], $0xF7A  }
0x23: {  	s9 =	sor.u32 $0xD0000000, s2;
	s6 =	simm.s32 $0x108;
	_ =	swait.ge @!p0 [sflag:s8], $0x0  }
0x24: {  	s3 =	sadd.s32 $0x88, s3;
	s6 =	simm.s32 @!p1 $0x1082;
	[sflag:s4] =	ssyncset.s32 $0xFFFFF086  }
0x25: {  	[simem:s6], [sflag:s4] =	dma.local [hbm:s3], $0xF7A  }
0x26: {  	[smem:$0x3FA0] =	sst s1;
	(tag) =	ssettag s2;
	_ =	strace s9  }
0x27: {  	s1 =	sld [smem:$0x3FB0]  }
0x28: {  	s2 =	sld [smem:$0x3FB1]  }
0x29: {  	s4 =	sld [smem:$0x3FB3]  }
0x2a: {  	p0 =	seq.s32 s5, $0x0;
	s5 =	sld [smem:$0x3FB4]  }
0x2b: {  	s6 =	sld [smem:$0x3FB5]  }
0x2c: {  	s7 =	sld [smem:$0x3FB6]  }
0x2d: {  	s3 =	simm.s32 $0x108;
	s8 =	sld [smem:$0x3FB7]  }
0x2e: {  	s3 =	simm.s32 @!p0 $0x1082;
	s9 =	sld [smem:$0x3FB8]  }
0x2f: {  	lr =	sadd.s32 s0, s3;
	s0 =	sld [smem:$0x3FAF]  }
0x30: {  	s3 =	sld [smem:$0x3FB2]  }
0x31: {  	[smem:$0x3FBB] =	sst s10  }
0x32: {  	s10 =	sld [smem:$0x3FB9];
	_ =	sdelay $0x3  }
0x33: {  	p0 =	seq.s32 s10, $0x1;
	s10 =	sld [smem:$0x3FBB];
	_ =	sdelay $0x3  }
0x34: {  	[smem:$0x3FBB] =	sst s10  }
0x35: {  	s10 =	sld [smem:$0x3FBA];
	_ =	sdelay $0x3  }
0x36: {  	p1 =	seq.s32 s10, $0x1;
	s10 =	sld [smem:$0x3FBB];
	_ =	sdelay $0x3  }
0x37: {  	[smem:$0x3FBB] =	sst s10  }
0x38: {  	s10 =	sld [smem:$0x3FBC]  }
0x39: {  	_ = 	snop;
	(pc) =	sbr.ind lr, $3  }
0x3a: {  	_ = 	snop  }
0x3b: {  	_ = 	snop  }
0x3c: {  	p2 =	seq.s32 s10, $0x1;
	s10 =	sld [smem:$0x3FBB]  }
0x3d: {  	_ =	shalt  }
0x3e: {  	_ =	shalt  }
0x3f: {  	_ =	shalt  }
0x40: {  	_ =	shalt  }
0x41: {  	_ =	shalt  }
0x42: {  	_ =	shalt  }
0x43: {  	_ =	shalt  }
0x44: {  	_ =	shalt  }
0x45: {  	_ =	shalt  }
0x46: {  	_ =	shalt  }
0x47: {  	_ =	shalt  }
0x48: {  	_ =	shalt  }
0x49: {  	_ =	shalt  }
0x4a: {  	_ =	shalt  }
0x4b: {  	_ =	shalt  }
0x4c: {  	_ =	shalt  }
0x4d: {  	_ =	shalt  }
0x4e: {  	_ =	shalt  }
0x4f: {  	_ =	shalt  }
0x50: {  	_ =	shalt  }
0x51: {  	_ =	shalt  }
0x52: {  	_ =	shalt  }
0x53: {  	_ =	shalt  }
0x54: {  	_ =	shalt  }
0x55: {  	_ =	shalt  }
0x56: {  	_ =	shalt  }
0x57: {  	_ =	shalt  }
0x58: {  	_ =	shalt  }
0x59: {  	_ =	shalt  }
0x5a: {  	_ =	shalt  }
0x5b: {  	_ =	shalt  }
0x5c: {  	_ =	shalt  }
0x5d: {  	_ =	shalt  }
0x5e: {  	_ =	shalt  }
0x5f: {  	_ =	shalt  }
0x60: {  	_ =	shalt  }
0x61: {  	_ =	shalt  }
0x62: {  	_ =	shalt  }
0x63: {  	_ =	shalt  }
0x64: {  	_ =	shalt  }
0x65: {  	_ =	shalt  }
0x66: {  	_ =	shalt  }
0x67: {  	_ =	shalt  }
0x68: {  	_ =	shalt  }
0x69: {  	_ =	shalt  }
0x6a: {  	_ =	shalt  }
0x6b: {  	_ =	shalt  }
0x6c: {  	_ =	shalt  }
0x6d: {  	_ =	shalt  }
0x6e: {  	_ =	shalt  }
0x6f: {  	_ =	shalt  }
0x70: {  	_ =	shalt  }
0x71: {  	_ =	shalt  }
0x72: {  	_ =	shalt  }
0x73: {  	_ =	shalt  }
0x74: {  	_ =	shalt  }
0x75: {  	_ =	shalt  }
0x76: {  	_ =	shalt  }
0x77: {  	_ =	shalt  }
0x78: {  	_ =	shalt  }
0x79: {  	_ =	shalt  }
0x7a: {  	_ =	shalt  }
0x7b: {  	_ =	shalt  }
0x7c: {  	_ =	shalt  }
0x7d: {  	_ =	shalt  }
0x7e: {  	_ =	shalt  }
0x7f: {  	_ =	shalt  }
0x80: {  	_ =	shalt  }
0x81: {  	_ =	shalt  }
0x82: {  	_ =	shalt  }
0x83: {  	_ =	shalt  }
0x84: {  	_ =	shalt  }
0x85: {  	_ =	shalt  }
0x86: {  	_ =	shalt  }
0x87: {  	_ =	shalt  }
.Lfunc_end0:
.L_simem_size_0:
called_computation_lowered:
.L_overlay_start_0:
0x88: {  	s2 =	sld [smem:$0x3FD9]  }
0x89: {  	s3 =	sld [smem:$0x3FFE];
	_ =	sdelay $0x1  }
0x8a: {  	s1 =	srdreg.scid  }
0x8b: {  	s0 =	sand.u32 $0x1, s1  }
0x8c: {  	s17 =	sshll.u32 s0, $0xA;
	s2 =	sadd.s32 s3, s2  }
0x8d: {  	s2 =	sadd.s32 s2, s17  }
0x8e: {  	[smem:$0x3FC7] =	sst s2  }
0x8f: {  	_ = 	snop  }
0x90: {  	s2 =	sld [smem:$0x3FD0];
	(tm) =	ssettm $0x1  }
0x91: {  	s18 =	sld [smem:$0x3FFB];
	_ =	sdelay $0x3  }
0x92: {  	_ =	strace s18  }
0x93: {  	s3 =	sld [smem:$0x3FFC];
	_ =	sdelay $0x3  }
0x94: {  	_ =	strace s3  }
0x95: {  	s3 =	sld [smem:$0x3FFD];
	_ =	sdelay $0x3  }
0x96: {  	_ =	strace s3  }
0x97: {  	_ =	strace $0x8FFFFFFF  }
0x98: {  	s19 =	sld [smem:$0x3FDB];
	_ =	sdelay $0x1  }
0x99: {  	s4 =	simm.s32 $_scs_section_size  }
0x9a: {  	s5 =	simm.s32 $_size__tile_overlayer_lowered;
	s6 =	simm.s32 $_tile_overlayer_lowered  }
0x9b: {  	s22 =	simm.s32 $0x1BFF;
	s21 =	sshll.u32 s6, $0x1;
	s3 =	sadd.s32 s4, s19  }
0x9c: {  	s7 =	simm.s32 $0x0;
	s20 =	sshll.u32 s5, $0x1;
	s5 =	sadd.s32 s21, s3  }
0x9d: {  	[timem:s7], [sflag:s22] =	dma.local [hbm:s5], s20  }
0x9e: {  	_ =	swait.ge [sflag:s22], s20  }
0x9f: {  	s4 =	ssub.s32 $0x0, s20;
	[sflag:s22] =	ssyncset.done $0x0  }
0xa0: {  	[sflag:s22] =	ssyncadd.s32 s4;
	_ =	sdelay $0x1  }
0xa1: {  	s23 =	simm.s32 $0x1B8B  }
0xa2: {  	_ =	swait.ge [sflag:s23], $0x1  }
0xa3: {  	[sflag:s23] =	ssyncset.done $0x0  }
0xa4: {  	s25 =	simm.s32 $0x1B8E;
	s24 =	sld [smem:$0x3FFE];
	[sflag:s23] =	ssyncadd.s32 $0xFFFFFFFF  }
0xa5: {  	s26 =	simm.s32 $execute0_lowered;
	[smem:$0x3FD2] =	sst s25  }
0xa6: {  	s5 =	sshll.u32 s26, $0x1;
	_ =	strace $0x80000046;
	[dreg:$0x1] =	wrdreg $0xFFFFFFFF  }
0xa7: {  	s28 =	simm.s32 $_size_execute0_lowered;
	s3 =	sadd.s32 s3, s5;
	[dreg:$0x0] =	wrdreg $0x0  }
0xa8: {  	s5 =	sshll.u32 s28, $0x1;
	[dreg:$0x2] =	wrdreg s3  }
0xa9: {  	[dreg:$0x3] =	wrdreg s5  }
0xaa: {  	[dreg:$0x4] =	wrdreg $0xC0  }
0xab: {  	_ =	task [dreg:s7], $0x5FFFF  }
0xac: {  	[dreg:$0x1] =	wrdreg $0xFFFFFFFF  }
0xad: {  	[dreg:$0x0] =	wrdreg $0x60  }
0xae: {  	[dreg:$0x2] =	wrdreg s2  }
0xaf: {  	[dreg:$0x3] =	wrdreg s24  }
0xb0: {  	[dreg:$0x4] =	wrdreg $0x9  }
0xb1: {  	_ =	task.clear_ibuf [dreg:s7], $0x5FFFF;
	_ =	strace $0x90000046  }
0xb2: {  	s29 =	simm.s32 $0x9;
	_ =	strace $0x80000048  }
0xb3: {  	_ =	swait.ge [sflag:s29], $0x1  }
0xb4: {  	[sflag:s29] =	ssyncadd.s32 $0xFFFFFFFF  }
0xb5: {  	_ =	strace $0x90000048  }
0xb6: {  	_ =	sfence  }
0xb7: {  	s30 =	sld [smem:$0x0];
	_ =	sdelay $0x2  }
0xb8: {  	s31 =	sshll.u32 s1, $0xD;
	s1 =	sshrl.u32 s1, $0x2  }
0xb9: {  	s3 =	sand.u32 $0x4000, s31;
	s1 =	sadd.s32 s1, s30  }
0xba: {  	s0 =	sor.u32 s3, s0;
	s1 =	sshll.u32 s1, $0x11  }
0xbb: {  	s0 =	sor.u32 s1, s0  }
0xbc: {  	s0 =	sadd.s32 $0x8F2B, s0  }
0xbd: {  	[sflag:s0] =	ssyncadd.remote.s32 $0x1  }
0xbe: {  	_ =	sfence.sel $0xFFFF  }
0xbf: {  	[dreg:$0x0] =	wrdreg $0xFFFFFFFF;
	(pc) =	sbr.abs _section_cstart, $3  }
0xc0: {  	[dreg:$0x1] =	wrdreg $0xFFFFFFFF  }
0xc1: {  	_ =	task.clear_ibuf [dreg:s7], $0x2FFFF;
	_ =	strace $0x9FFFFFFF  }
0xc2: {  	(tm) =	ssettm $0x7FFFFFFF  }
0xc3: {  	_ =	shalt  }
tec
execute0_lowered:
.L_overlay_start_1:
0x0: {  	(tag) =	ssettag $0x1  }
0x1: {  	s3 =	rddreg [dreg:$0x0]  }
0x2: {  	s4 =	rddreg [dreg:$0x1]  }
0x3: {  	s0 =	rddreg [dreg:$0x2];
	s5 =	srdreg.scid  }
0x4: {  	s1 =	stileid.u32;
	s2 =	simm.s32 $0x0;
	s13 =	simm.s32 $0x2  }
0x5: {  	s14 =	simm.s32 $0x1000;
	s15 =	simm.s32 $0x1;
	s16 =	simm.s32 $0x0  }
0x6: {  	s5 =	sand.u32 $0x1, s5;
	s6 =	sshll.u32 s1, $0x1;
	[smem:$0x7FF] =	sst s2  }
0x7: {  	s6 =	sor.u32 s5, s6;
	_ =	strace $0x80000047;
	s5 =	ssub.s32 $0x2, s5  }
0x8: {  	s7 =	sshll.u32 s6, $0xE;
	s31 =	sshrl.u32 s5, $0x1;
	s6 =	sshll.u32 s6, $0x9  }
0x9: {  	s11 =	sadd.s32 s7, s4;
	s12 =	ssub.s32 s5, s31;
	s3 =	sadd.s32 s3, s6  }
0xa: {  	s4 =	sadd.s32 $0x400, s11;
	s5 =	sadd.s32 $0xC00, s11;
	s6 =	sadd.s32 $0x1400, s11  }
0xb: {  	s7 =	sadd.s32 $0x1C00, s11;
	s8 =	sadd.s32 $0x2400, s11;
	s9 =	sadd.s32 $0x2C00, s11  }
0xc: {  	v0 =	vimm.f32 $0.0e+00;
	v1 =	vimm.f32 $1.000000000e+00;
	s10 =	sadd.s32 $0x3400, s11;
	s11 =	sadd.s32 $0x3C00, s11;
	s12 =	smax.u32 s12, $0x1  }
.LBB2_1:
0xd: {  	[tilespmem:s2], [sflag:$0x2] =	stream.linear.gather [hbm4b:s3+s2], $0x1000, $0x38;
	[tilespmem:$0x5000] =	vst v63  }
0xe: {  	_ =	swait.ge [sflag:s13], $0x1000  }
0xf: {  	[sflag:s13] =	ssyncset.done $0x0  }
0x10: {  	s17 =	simm.s32 $0x0;
	s18 =	simm.s32 $0x200;
	[sflag:s13] =	ssyncadd.s32 $0xFFFFF000  }
.LBB2_2:
0x11: {  	p0 =	sne.s32 s18, $0xFE00;
	[tilespmem:s17+$0x1070] =	vst v0  }
0x12: {  	[tilespmem:s17+$0x1000] =	vst v0  }
0x13: {  	[tilespmem:s17+$0x1010] =	vst v0  }
.Ltmp0:
0x14: {  	[tilespmem:s17+$0x1020] =	vst v0;
	(pc) =	sbr.rel @p0 .LBB2_2-.Ltmp0, $4  }
0x15: {  	[tilespmem:s17+$0x1030] =	vst v0  }
0x16: {  	[tilespmem:s17+$0x1040] =	vst v0  }
0x17: {  	[tilespmem:s17+$0x1050] =	vst v0  }
0x18: {  	[tilespmem:s17+$0x1060] =	vst v0;
	s17 =	sshra.s32 s18, $0x2;
	s18 =	sadd.s32 $0x200, s18  }
0x19: {  	[tilespmem:s17+$0x1070] =	vst v0  }
0x1a: {  	[tilespmem:s17+$0x1000] =	vst v0  }
0x1b: {  	[tilespmem:s17+$0x1010] =	vst v0  }
0x1c: {  	[tilespmem:s17+$0x1020] =	vst v0  }
0x1d: {  	[tilespmem:s17+$0x1030] =	vst v0  }
0x1e: {  	[tilespmem:s17+$0x1040] =	vst v0  }
0x1f: {  	[tilespmem:s17+$0x1050] =	vst v0  }
0x20: {  	[tilespmem:s17+$0x1060] =	vst v0  }
0x21: {  	v2 =	vld [tilespmem:$0x0];
	_ =	sdelay $0x7  }
0x22: {  	[tilespmem:v2+s14+$0x0] =	vst.idx.msk $0xffff, v1  }
0x23: {  	v2 =	vld [tilespmem:$0x10];
	_ =	sdelay $0x7  }
0x24: {  	[tilespmem:v2+s14+$0x0] =	vst.idx.msk $0xffff, v1  }
0x25: {  	v2 =	vld [tilespmem:$0x20];
	_ =	sdelay $0x7  }
0x26: {  	[tilespmem:v2+s14+$0x0] =	vst.idx.msk $0xffff, v1  }
0x27: {  	v2 =	vld [tilespmem:$0x30];
	_ =	sdelay $0x7  }
0x28: {  	[tilespmem:v2+s14+$0x0] =	vst.idx.msk $0xffff, v1  }
0x29: {  	v2 =	vld [tilespmem:$0x40];
	_ =	sdelay $0x4  }
0x2a: {  	v2 =	vadd.s32 $0x800, v2;
	_ =	sdelay $0x4  }
0x2b: {  	[tilespmem:v2+s14+$0x0] =	vst.idx.msk $0xffff, v1  }
0x2c: {  	v2 =	vld [tilespmem:$0x50];
	_ =	sdelay $0x4  }
0x2d: {  	v2 =	vadd.s32 $0x800, v2;
	_ =	sdelay $0x4  }
0x2e: {  	[tilespmem:v2+s14+$0x0] =	vst.idx.msk $0xffff, v1  }
0x2f: {  	v2 =	vld [tilespmem:$0x60];
	_ =	sdelay $0x4  }
0x30: {  	v2 =	vadd.s32 $0x800, v2;
	_ =	sdelay $0x4  }
0x31: {  	[tilespmem:v2+s14+$0x0] =	vst.idx.msk $0xffff, v1  }
0x32: {  	v2 =	vld [tilespmem:$0x70];
	_ =	sdelay $0x4  }
0x33: {  	v2 =	vadd.s32 $0x800, v2;
	_ =	sdelay $0x4  }
0x34: {  	[tilespmem:v2+s14+$0x0] =	vst.idx.msk $0xffff, v1  }
0x35: {  	v2 =	vld [tilespmem:$0x80];
	_ =	sdelay $0x4  }
0x36: {  	v2 =	vadd.s32 $0x1000, v2;
	_ =	sdelay $0x4  }
0x37: {  	[tilespmem:v2+s14+$0x0] =	vst.idx.msk $0xffff, v1  }
0x38: {  	v2 =	vld [tilespmem:$0x90];
	_ =	sdelay $0x4  }
0x39: {  	v2 =	vadd.s32 $0x1000, v2;
	_ =	sdelay $0x4  }
0x3a: {  	[tilespmem:v2+s14+$0x0] =	vst.idx.msk $0xffff, v1  }
0x3b: {  	v2 =	vld [tilespmem:$0xA0];
	_ =	sdelay $0x4  }
0x3c: {  	v2 =	vadd.s32 $0x1000, v2;
	_ =	sdelay $0x4  }
0x3d: {  	[tilespmem:v2+s14+$0x0] =	vst.idx.msk $0xffff, v1  }
0x3e: {  	v2 =	vld [tilespmem:$0xB0];
	_ =	sdelay $0x4  }
0x3f: {  	v2 =	vadd.s32 $0x1000, v2;
	_ =	sdelay $0x4  }
0x40: {  	[tilespmem:v2+s14+$0x0] =	vst.idx.msk $0xffff, v1  }
0x41: {  	v2 =	vld [tilespmem:$0xC0];
	_ =	sdelay $0x4  }
0x42: {  	v2 =	vadd.s32 $0x1800, v2;
	_ =	sdelay $0x4  }
0x43: {  	[tilespmem:v2+s14+$0x0] =	vst.idx.msk $0xffff, v1  }
0x44: {  	v2 =	vld [tilespmem:$0xD0];
	_ =	sdelay $0x4  }
0x45: {  	v2 =	vadd.s32 $0x1800, v2;
	_ =	sdelay $0x4  }
0x46: {  	[tilespmem:v2+s14+$0x0] =	vst.idx.msk $0xffff, v1  }
0x47: {  	v2 =	vld [tilespmem:$0xE0];
	_ =	sdelay $0x4  }
0x48: {  	v2 =	vadd.s32 $0x1800, v2;
	_ =	sdelay $0x4  }
0x49: {  	[tilespmem:v2+s14+$0x0] =	vst.idx.msk $0xffff, v1  }
0x4a: {  	v2 =	vld [tilespmem:$0xF0];
	_ =	sdelay $0x4  }
0x4b: {  	v2 =	vadd.s32 $0x1800, v2;
	_ =	sdelay $0x4  }
0x4c: {  	[tilespmem:v2+s14+$0x0] =	vst.idx.msk $0xffff, v1  }
0x4d: {  	v2 =	vld [tilespmem:$0x100];
	_ =	sdelay $0x4  }
0x4e: {  	v2 =	vadd.s32 $0x2000, v2;
	_ =	sdelay $0x4  }
0x4f: {  	[tilespmem:v2+s14+$0x0] =	vst.idx.msk $0xffff, v1  }
0x50: {  	v2 =	vld [tilespmem:$0x110];
	_ =	sdelay $0x4  }
0x51: {  	v2 =	vadd.s32 $0x2000, v2;
	_ =	sdelay $0x4  }
0x52: {  	[tilespmem:v2+s14+$0x0] =	vst.idx.msk $0xffff, v1  }
0x53: {  	v2 =	vld [tilespmem:$0x120];
	_ =	sdelay $0x4  }
0x54: {  	v2 =	vadd.s32 $0x2000, v2;
	_ =	sdelay $0x4  }
0x55: {  	[tilespmem:v2+s14+$0x0] =	vst.idx.msk $0xffff, v1  }
0x56: {  	v2 =	vld [tilespmem:$0x130];
	_ =	sdelay $0x4  }
0x57: {  	v2 =	vadd.s32 $0x2000, v2;
	_ =	sdelay $0x4  }
0x58: {  	[tilespmem:v2+s14+$0x0] =	vst.idx.msk $0xffff, v1  }
0x59: {  	v2 =	vld [tilespmem:$0x140];
	_ =	sdelay $0x4  }
0x5a: {  	v2 =	vadd.s32 $0x2800, v2;
	_ =	sdelay $0x4  }
0x5b: {  	[tilespmem:v2+s14+$0x0] =	vst.idx.msk $0xffff, v1  }
0x5c: {  	v2 =	vld [tilespmem:$0x150];
	_ =	sdelay $0x4  }
0x5d: {  	v2 =	vadd.s32 $0x2800, v2;
	_ =	sdelay $0x4  }
0x5e: {  	[tilespmem:v2+s14+$0x0] =	vst.idx.msk $0xffff, v1  }
0x5f: {  	v2 =	vld [tilespmem:$0x160];
	_ =	sdelay $0x4  }
0x60: {  	v2 =	vadd.s32 $0x2800, v2;
	_ =	sdelay $0x4  }
0x61: {  	[tilespmem:v2+s14+$0x0] =	vst.idx.msk $0xffff, v1  }
0x62: {  	v2 =	vld [tilespmem:$0x170];
	_ =	sdelay $0x4  }
0x63: {  	v2 =	vadd.s32 $0x2800, v2;
	_ =	sdelay $0x4  }
0x64: {  	[tilespmem:v2+s14+$0x0] =	vst.idx.msk $0xffff, v1  }
0x65: {  	v2 =	vld [tilespmem:$0x180];
	_ =	sdelay $0x4  }
0x66: {  	v2 =	vadd.s32 $0x3000, v2;
	_ =	sdelay $0x4  }
0x67: {  	[tilespmem:v2+s14+$0x0] =	vst.idx.msk $0xffff, v1  }
0x68: {  	v2 =	vld [tilespmem:$0x190];
	_ =	sdelay $0x4  }
0x69: {  	v2 =	vadd.s32 $0x3000, v2;
	_ =	sdelay $0x4  }
0x6a: {  	[tilespmem:v2+s14+$0x0] =	vst.idx.msk $0xffff, v1  }
0x6b: {  	v2 =	vld [tilespmem:$0x1A0];
	_ =	sdelay $0x4  }
0x6c: {  	v2 =	vadd.s32 $0x3000, v2;
	_ =	sdelay $0x4  }
0x6d: {  	[tilespmem:v2+s14+$0x0] =	vst.idx.msk $0xffff, v1  }
0x6e: {  	v2 =	vld [tilespmem:$0x1B0];
	_ =	sdelay $0x4  }
0x6f: {  	v2 =	vadd.s32 $0x3000, v2;
	_ =	sdelay $0x4  }
0x70: {  	[tilespmem:v2+s14+$0x0] =	vst.idx.msk $0xffff, v1  }
0x71: {  	v2 =	vld [tilespmem:$0x1C0];
	_ =	sdelay $0x4  }
0x72: {  	v2 =	vadd.s32 $0x3800, v2;
	_ =	sdelay $0x4  }
0x73: {  	[tilespmem:v2+s14+$0x0] =	vst.idx.msk $0xffff, v1  }
0x74: {  	v2 =	vld [tilespmem:$0x1D0];
	_ =	sdelay $0x4  }
0x75: {  	v2 =	vadd.s32 $0x3800, v2;
	_ =	sdelay $0x4  }
0x76: {  	[tilespmem:v2+s14+$0x0] =	vst.idx.msk $0xffff, v1  }
0x77: {  	v2 =	vld [tilespmem:$0x1E0];
	_ =	sdelay $0x4  }
0x78: {  	v2 =	vadd.s32 $0x3800, v2;
	_ =	sdelay $0x4  }
0x79: {  	[tilespmem:v2+s14+$0x0] =	vst.idx.msk $0xffff, v1  }
0x7a: {  	v2 =	vld [tilespmem:$0x1F0];
	_ =	sdelay $0x4  }
0x7b: {  	v2 =	vadd.s32 $0x3800, v2;
	_ =	sdelay $0x4  }
0x7c: {  	[tilespmem:v2+s14+$0x0] =	vst.idx.msk $0xffff, v1  }
0x7d: {  	[hbm4b:s4+s2] =	stream.linear.scatter [tilespmem:s14], [sflag:$0x1], $0x4000, $0x38;
	[tilespmem:$0x5000] =	vst v63  }
0x7e: {  	_ =	swait.ge [sflag:s15], $0x4000  }
0x7f: {  	[sflag:s15] =	ssyncset.done $0x0  }
0x80: {  	[sflag:s15] =	ssyncadd.s32 $0xFFFFC000  }
0x81: {  	v2 =	vld [tilespmem:$0x0];
	_ =	sdelay $0x7  }
0x82: {  	[tilespmem:v2+s14+$0x0] =	vst.idx.msk $0xffff, v0  }
0x83: {  	v2 =	vld [tilespmem:$0x10];
	_ =	sdelay $0x7  }
0x84: {  	[tilespmem:v2+s14+$0x0] =	vst.idx.msk $0xffff, v0  }
0x85: {  	v2 =	vld [tilespmem:$0x20];
	_ =	sdelay $0x7  }
0x86: {  	[tilespmem:v2+s14+$0x0] =	vst.idx.msk $0xffff, v0  }
0x87: {  	v2 =	vld [tilespmem:$0x30];
	_ =	sdelay $0x7  }
0x88: {  	[tilespmem:v2+s14+$0x0] =	vst.idx.msk $0xffff, v0  }
0x89: {  	v2 =	vld [tilespmem:$0x40];
	_ =	sdelay $0x4  }
0x8a: {  	v2 =	vadd.s32 $0x800, v2;
	_ =	sdelay $0x4  }
0x8b: {  	[tilespmem:v2+s14+$0x0] =	vst.idx.msk $0xffff, v0  }
0x8c: {  	v2 =	vld [tilespmem:$0x50];
	_ =	sdelay $0x4  }
0x8d: {  	v2 =	vadd.s32 $0x800, v2;
	_ =	sdelay $0x4  }
0x8e: {  	[tilespmem:v2+s14+$0x0] =	vst.idx.msk $0xffff, v0  }
0x8f: {  	v2 =	vld [tilespmem:$0x60];
	_ =	sdelay $0x4  }
0x90: {  	v2 =	vadd.s32 $0x800, v2;
	_ =	sdelay $0x4  }
0x91: {  	[tilespmem:v2+s14+$0x0] =	vst.idx.msk $0xffff, v0  }
0x92: {  	v2 =	vld [tilespmem:$0x70];
	_ =	sdelay $0x4  }
0x93: {  	v2 =	vadd.s32 $0x800, v2;
	_ =	sdelay $0x4  }
0x94: {  	[tilespmem:v2+s14+$0x0] =	vst.idx.msk $0xffff, v0  }
0x95: {  	v2 =	vld [tilespmem:$0x80];
	_ =	sdelay $0x4  }
0x96: {  	v2 =	vadd.s32 $0x1000, v2;
	_ =	sdelay $0x4  }
0x97: {  	[tilespmem:v2+s14+$0x0] =	vst.idx.msk $0xffff, v0  }
0x98: {  	v2 =	vld [tilespmem:$0x90];
	_ =	sdelay $0x4  }
0x99: {  	v2 =	vadd.s32 $0x1000, v2;
	_ =	sdelay $0x4  }
0x9a: {  	[tilespmem:v2+s14+$0x0] =	vst.idx.msk $0xffff, v0  }
0x9b: {  	v2 =	vld [tilespmem:$0xA0];
	_ =	sdelay $0x4  }
0x9c: {  	v2 =	vadd.s32 $0x1000, v2;
	_ =	sdelay $0x4  }
0x9d: {  	[tilespmem:v2+s14+$0x0] =	vst.idx.msk $0xffff, v0  }
0x9e: {  	v2 =	vld [tilespmem:$0xB0];
	_ =	sdelay $0x4  }
0x9f: {  	v2 =	vadd.s32 $0x1000, v2;
	_ =	sdelay $0x4  }
0xa0: {  	[tilespmem:v2+s14+$0x0] =	vst.idx.msk $0xffff, v0  }
0xa1: {  	v2 =	vld [tilespmem:$0xC0];
	_ =	sdelay $0x4  }
0xa2: {  	v2 =	vadd.s32 $0x1800, v2;
	_ =	sdelay $0x4  }
0xa3: {  	[tilespmem:v2+s14+$0x0] =	vst.idx.msk $0xffff, v0  }
0xa4: {  	v2 =	vld [tilespmem:$0xD0];
	_ =	sdelay $0x4  }
0xa5: {  	v2 =	vadd.s32 $0x1800, v2;
	_ =	sdelay $0x4  }
0xa6: {  	[tilespmem:v2+s14+$0x0] =	vst.idx.msk $0xffff, v0  }
0xa7: {  	v2 =	vld [tilespmem:$0xE0];
	_ =	sdelay $0x4  }
0xa8: {  	v2 =	vadd.s32 $0x1800, v2;
	_ =	sdelay $0x4  }
0xa9: {  	[tilespmem:v2+s14+$0x0] =	vst.idx.msk $0xffff, v0  }
0xaa: {  	v2 =	vld [tilespmem:$0xF0];
	_ =	sdelay $0x4  }
0xab: {  	v2 =	vadd.s32 $0x1800, v2;
	_ =	sdelay $0x4  }
0xac: {  	[tilespmem:v2+s14+$0x0] =	vst.idx.msk $0xffff, v0  }
0xad: {  	v2 =	vld [tilespmem:$0x100];
	_ =	sdelay $0x4  }
0xae: {  	v2 =	vadd.s32 $0x2000, v2;
	_ =	sdelay $0x4  }
0xaf: {  	[tilespmem:v2+s14+$0x0] =	vst.idx.msk $0xffff, v0  }
0xb0: {  	v2 =	vld [tilespmem:$0x110];
	_ =	sdelay $0x4  }
0xb1: {  	v2 =	vadd.s32 $0x2000, v2;
	_ =	sdelay $0x4  }
0xb2: {  	[tilespmem:v2+s14+$0x0] =	vst.idx.msk $0xffff, v0  }
0xb3: {  	v2 =	vld [tilespmem:$0x120];
	_ =	sdelay $0x4  }
0xb4: {  	v2 =	vadd.s32 $0x2000, v2;
	_ =	sdelay $0x4  }
0xb5: {  	[tilespmem:v2+s14+$0x0] =	vst.idx.msk $0xffff, v0  }
0xb6: {  	v2 =	vld [tilespmem:$0x130];
	_ =	sdelay $0x4  }
0xb7: {  	v2 =	vadd.s32 $0x2000, v2;
	_ =	sdelay $0x4  }
0xb8: {  	[tilespmem:v2+s14+$0x0] =	vst.idx.msk $0xffff, v0  }
0xb9: {  	v2 =	vld [tilespmem:$0x140];
	_ =	sdelay $0x4  }
0xba: {  	v2 =	vadd.s32 $0x2800, v2;
	_ =	sdelay $0x4  }
0xbb: {  	[tilespmem:v2+s14+$0x0] =	vst.idx.msk $0xffff, v0  }
0xbc: {  	v2 =	vld [tilespmem:$0x150];
	_ =	sdelay $0x4  }
0xbd: {  	v2 =	vadd.s32 $0x2800, v2;
	_ =	sdelay $0x4  }
0xbe: {  	[tilespmem:v2+s14+$0x0] =	vst.idx.msk $0xffff, v0  }
0xbf: {  	v2 =	vld [tilespmem:$0x160];
	_ =	sdelay $0x4  }
0xc0: {  	v2 =	vadd.s32 $0x2800, v2;
	_ =	sdelay $0x4  }
0xc1: {  	[tilespmem:v2+s14+$0x0] =	vst.idx.msk $0xffff, v0  }
0xc2: {  	v2 =	vld [tilespmem:$0x170];
	_ =	sdelay $0x4  }
0xc3: {  	v2 =	vadd.s32 $0x2800, v2;
	_ =	sdelay $0x4  }
0xc4: {  	[tilespmem:v2+s14+$0x0] =	vst.idx.msk $0xffff, v0  }
0xc5: {  	v2 =	vld [tilespmem:$0x180];
	_ =	sdelay $0x4  }
0xc6: {  	v2 =	vadd.s32 $0x3000, v2;
	_ =	sdelay $0x4  }
0xc7: {  	[tilespmem:v2+s14+$0x0] =	vst.idx.msk $0xffff, v0  }
0xc8: {  	v2 =	vld [tilespmem:$0x190];
	_ =	sdelay $0x4  }
0xc9: {  	v2 =	vadd.s32 $0x3000, v2;
	_ =	sdelay $0x4  }
0xca: {  	[tilespmem:v2+s14+$0x0] =	vst.idx.msk $0xffff, v0  }
0xcb: {  	v2 =	vld [tilespmem:$0x1A0];
	_ =	sdelay $0x4  }
0xcc: {  	v2 =	vadd.s32 $0x3000, v2;
	_ =	sdelay $0x4  }
0xcd: {  	[tilespmem:v2+s14+$0x0] =	vst.idx.msk $0xffff, v0  }
0xce: {  	v2 =	vld [tilespmem:$0x1B0];
	_ =	sdelay $0x4  }
0xcf: {  	v2 =	vadd.s32 $0x3000, v2;
	_ =	sdelay $0x4  }
0xd0: {  	[tilespmem:v2+s14+$0x0] =	vst.idx.msk $0xffff, v0  }
0xd1: {  	v2 =	vld [tilespmem:$0x1C0];
	_ =	sdelay $0x4  }
0xd2: {  	v2 =	vadd.s32 $0x3800, v2;
	_ =	sdelay $0x4  }
0xd3: {  	[tilespmem:v2+s14+$0x0] =	vst.idx.msk $0xffff, v0  }
0xd4: {  	v2 =	vld [tilespmem:$0x1D0];
	_ =	sdelay $0x4  }
0xd5: {  	v2 =	vadd.s32 $0x3800, v2;
	_ =	sdelay $0x4  }
0xd6: {  	[tilespmem:v2+s14+$0x0] =	vst.idx.msk $0xffff, v0  }
0xd7: {  	v2 =	vld [tilespmem:$0x1E0];
	_ =	sdelay $0x4  }
0xd8: {  	v2 =	vadd.s32 $0x3800, v2;
	_ =	sdelay $0x4  }
0xd9: {  	[tilespmem:v2+s14+$0x0] =	vst.idx.msk $0xffff, v0  }
0xda: {  	v2 =	vld [tilespmem:$0x1F0];
	_ =	sdelay $0x4  }
0xdb: {  	v2 =	vadd.s32 $0x3800, v2;
	_ =	sdelay $0x4  }
0xdc: {  	[tilespmem:v2+s14+$0x0] =	vst.idx.msk $0xffff, v0  }
0xdd: {  	v2 =	vld [tilespmem:$0x200];
	_ =	sdelay $0x7  }
0xde: {  	[tilespmem:v2+s14+$0x0] =	vst.idx.msk $0xffff, v1  }
0xdf: {  	v2 =	vld [tilespmem:$0x210];
	_ =	sdelay $0x7  }
0xe0: {  	[tilespmem:v2+s14+$0x0] =	vst.idx.msk $0xffff, v1  }
0xe1: {  	v2 =	vld [tilespmem:$0x220];
	_ =	sdelay $0x7  }
0xe2: {  	[tilespmem:v2+s14+$0x0] =	vst.idx.msk $0xffff, v1  }
0xe3: {  	v2 =	vld [tilespmem:$0x230];
	_ =	sdelay $0x7  }
0xe4: {  	[tilespmem:v2+s14+$0x0] =	vst.idx.msk $0xffff, v1  }
0xe5: {  	v2 =	vld [tilespmem:$0x240];
	_ =	sdelay $0x4  }
0xe6: {  	v2 =	vadd.s32 $0x800, v2;
	_ =	sdelay $0x4  }
0xe7: {  	[tilespmem:v2+s14+$0x0] =	vst.idx.msk $0xffff, v1  }
0xe8: {  	v2 =	vld [tilespmem:$0x250];
	_ =	sdelay $0x4  }
0xe9: {  	v2 =	vadd.s32 $0x800, v2;
	_ =	sdelay $0x4  }
0xea: {  	[tilespmem:v2+s14+$0x0] =	vst.idx.msk $0xffff, v1  }
0xeb: {  	v2 =	vld [tilespmem:$0x260];
	_ =	sdelay $0x4  }
0xec: {  	v2 =	vadd.s32 $0x800, v2;
	_ =	sdelay $0x4  }
0xed: {  	[tilespmem:v2+s14+$0x0] =	vst.idx.msk $0xffff, v1  }
0xee: {  	v2 =	vld [tilespmem:$0x270];
	_ =	sdelay $0x4  }
0xef: {  	v2 =	vadd.s32 $0x800, v2;
	_ =	sdelay $0x4  }
0xf0: {  	[tilespmem:v2+s14+$0x0] =	vst.idx.msk $0xffff, v1  }
0xf1: {  	v2 =	vld [tilespmem:$0x280];
	_ =	sdelay $0x4  }
0xf2: {  	v2 =	vadd.s32 $0x1000, v2;
	_ =	sdelay $0x4  }
0xf3: {  	[tilespmem:v2+s14+$0x0] =	vst.idx.msk $0xffff, v1  }
0xf4: {  	v2 =	vld [tilespmem:$0x290];
	_ =	sdelay $0x4  }
0xf5: {  	v2 =	vadd.s32 $0x1000, v2;
	_ =	sdelay $0x4  }
0xf6: {  	[tilespmem:v2+s14+$0x0] =	vst.idx.msk $0xffff, v1  }
0xf7: {  	v2 =	vld [tilespmem:$0x2A0];
	_ =	sdelay $0x4  }
0xf8: {  	v2 =	vadd.s32 $0x1000, v2;
	_ =	sdelay $0x4  }
0xf9: {  	[tilespmem:v2+s14+$0x0] =	vst.idx.msk $0xffff, v1  }
0xfa: {  	v2 =	vld [tilespmem:$0x2B0];
	_ =	sdelay $0x4  }
0xfb: {  	v2 =	vadd.s32 $0x1000, v2;
	_ =	sdelay $0x4  }
0xfc: {  	[tilespmem:v2+s14+$0x0] =	vst.idx.msk $0xffff, v1  }
0xfd: {  	v2 =	vld [tilespmem:$0x2C0];
	_ =	sdelay $0x4  }
0xfe: {  	v2 =	vadd.s32 $0x1800, v2;
	_ =	sdelay $0x4  }
0xff: {  	[tilespmem:v2+s14+$0x0] =	vst.idx.msk $0xffff, v1  }
0x100: {  	v2 =	vld [tilespmem:$0x2D0];
	_ =	sdelay $0x4  }
0x101: {  	v2 =	vadd.s32 $0x1800, v2;
	_ =	sdelay $0x4  }
0x102: {  	[tilespmem:v2+s14+$0x0] =	vst.idx.msk $0xffff, v1  }
0x103: {  	v2 =	vld [tilespmem:$0x2E0];
	_ =	sdelay $0x4  }
0x104: {  	v2 =	vadd.s32 $0x1800, v2;
	_ =	sdelay $0x4  }
0x105: {  	[tilespmem:v2+s14+$0x0] =	vst.idx.msk $0xffff, v1  }
0x106: {  	v2 =	vld [tilespmem:$0x2F0];
	_ =	sdelay $0x4  }
0x107: {  	v2 =	vadd.s32 $0x1800, v2;
	_ =	sdelay $0x4  }
0x108: {  	[tilespmem:v2+s14+$0x0] =	vst.idx.msk $0xffff, v1  }
0x109: {  	v2 =	vld [tilespmem:$0x300];
	_ =	sdelay $0x4  }
0x10a: {  	v2 =	vadd.s32 $0x2000, v2;
	_ =	sdelay $0x4  }
0x10b: {  	[tilespmem:v2+s14+$0x0] =	vst.idx.msk $0xffff, v1  }
0x10c: {  	v2 =	vld [tilespmem:$0x310];
	_ =	sdelay $0x4  }
0x10d: {  	v2 =	vadd.s32 $0x2000, v2;
	_ =	sdelay $0x4  }
0x10e: {  	[tilespmem:v2+s14+$0x0] =	vst.idx.msk $0xffff, v1  }
0x10f: {  	v2 =	vld [tilespmem:$0x320];
	_ =	sdelay $0x4  }
0x110: {  	v2 =	vadd.s32 $0x2000, v2;
	_ =	sdelay $0x4  }
0x111: {  	[tilespmem:v2+s14+$0x0] =	vst.idx.msk $0xffff, v1  }
0x112: {  	v2 =	vld [tilespmem:$0x330];
	_ =	sdelay $0x4  }
0x113: {  	v2 =	vadd.s32 $0x2000, v2;
	_ =	sdelay $0x4  }
0x114: {  	[tilespmem:v2+s14+$0x0] =	vst.idx.msk $0xffff, v1  }
0x115: {  	v2 =	vld [tilespmem:$0x340];
	_ =	sdelay $0x4  }
0x116: {  	v2 =	vadd.s32 $0x2800, v2;
	_ =	sdelay $0x4  }
0x117: {  	[tilespmem:v2+s14+$0x0] =	vst.idx.msk $0xffff, v1  }
0x118: {  	v2 =	vld [tilespmem:$0x350];
	_ =	sdelay $0x4  }
0x119: {  	v2 =	vadd.s32 $0x2800, v2;
	_ =	sdelay $0x4  }
0x11a: {  	[tilespmem:v2+s14+$0x0] =	vst.idx.msk $0xffff, v1  }
0x11b: {  	v2 =	vld [tilespmem:$0x360];
	_ =	sdelay $0x4  }
0x11c: {  	v2 =	vadd.s32 $0x2800, v2;
	_ =	sdelay $0x4  }
0x11d: {  	[tilespmem:v2+s14+$0x0] =	vst.idx.msk $0xffff, v1  }
0x11e: {  	v2 =	vld [tilespmem:$0x370];
	_ =	sdelay $0x4  }
0x11f: {  	v2 =	vadd.s32 $0x2800, v2;
	_ =	sdelay $0x4  }
0x120: {  	[tilespmem:v2+s14+$0x0] =	vst.idx.msk $0xffff, v1  }
0x121: {  	v2 =	vld [tilespmem:$0x380];
	_ =	sdelay $0x4  }
0x122: {  	v2 =	vadd.s32 $0x3000, v2;
	_ =	sdelay $0x4  }
0x123: {  	[tilespmem:v2+s14+$0x0] =	vst.idx.msk $0xffff, v1  }
0x124: {  	v2 =	vld [tilespmem:$0x390];
	_ =	sdelay $0x4  }
0x125: {  	v2 =	vadd.s32 $0x3000, v2;
	_ =	sdelay $0x4  }
0x126: {  	[tilespmem:v2+s14+$0x0] =	vst.idx.msk $0xffff, v1  }
0x127: {  	v2 =	vld [tilespmem:$0x3A0];
	_ =	sdelay $0x4  }
0x128: {  	v2 =	vadd.s32 $0x3000, v2;
	_ =	sdelay $0x4  }
0x129: {  	[tilespmem:v2+s14+$0x0] =	vst.idx.msk $0xffff, v1  }
0x12a: {  	v2 =	vld [tilespmem:$0x3B0];
	_ =	sdelay $0x4  }
0x12b: {  	v2 =	vadd.s32 $0x3000, v2;
	_ =	sdelay $0x4  }
0x12c: {  	[tilespmem:v2+s14+$0x0] =	vst.idx.msk $0xffff, v1  }
0x12d: {  	v2 =	vld [tilespmem:$0x3C0];
	_ =	sdelay $0x4  }
0x12e: {  	v2 =	vadd.s32 $0x3800, v2;
	_ =	sdelay $0x4  }
0x12f: {  	[tilespmem:v2+s14+$0x0] =	vst.idx.msk $0xffff, v1  }
0x130: {  	v2 =	vld [tilespmem:$0x3D0];
	_ =	sdelay $0x4  }
0x131: {  	v2 =	vadd.s32 $0x3800, v2;
	_ =	sdelay $0x4  }
0x132: {  	[tilespmem:v2+s14+$0x0] =	vst.idx.msk $0xffff, v1  }
0x133: {  	v2 =	vld [tilespmem:$0x3E0];
	_ =	sdelay $0x4  }
0x134: {  	v2 =	vadd.s32 $0x3800, v2;
	_ =	sdelay $0x4  }
0x135: {  	[tilespmem:v2+s14+$0x0] =	vst.idx.msk $0xffff, v1  }
0x136: {  	v2 =	vld [tilespmem:$0x3F0];
	_ =	sdelay $0x4  }
0x137: {  	v2 =	vadd.s32 $0x3800, v2;
	_ =	sdelay $0x4  }
0x138: {  	[tilespmem:v2+s14+$0x0] =	vst.idx.msk $0xffff, v1  }
0x139: {  	[hbm4b:s5+s2] =	stream.linear.scatter [tilespmem:s14], [sflag:$0x1], $0x4000, $0x38;
	[tilespmem:$0x5000] =	vst v63  }
0x13a: {  	_ =	swait.ge [sflag:s15], $0x4000  }
0x13b: {  	[sflag:s15] =	ssyncset.done $0x0  }
0x13c: {  	[sflag:s15] =	ssyncadd.s32 $0xFFFFC000  }
0x13d: {  	v2 =	vld [tilespmem:$0x200];
	_ =	sdelay $0x7  }
0x13e: {  	[tilespmem:v2+s14+$0x0] =	vst.idx.msk $0xffff, v0  }
0x13f: {  	v2 =	vld [tilespmem:$0x210];
	_ =	sdelay $0x7  }
0x140: {  	[tilespmem:v2+s14+$0x0] =	vst.idx.msk $0xffff, v0  }
0x141: {  	v2 =	vld [tilespmem:$0x220];
	_ =	sdelay $0x7  }
0x142: {  	[tilespmem:v2+s14+$0x0] =	vst.idx.msk $0xffff, v0  }
0x143: {  	v2 =	vld [tilespmem:$0x230];
	_ =	sdelay $0x7  }
0x144: {  	[tilespmem:v2+s14+$0x0] =	vst.idx.msk $0xffff, v0  }
0x145: {  	v2 =	vld [tilespmem:$0x240];
	_ =	sdelay $0x4  }
0x146: {  	v2 =	vadd.s32 $0x800, v2;
	_ =	sdelay $0x4  }
0x147: {  	[tilespmem:v2+s14+$0x0] =	vst.idx.msk $0xffff, v0  }
0x148: {  	v2 =	vld [tilespmem:$0x250];
	_ =	sdelay $0x4  }
0x149: {  	v2 =	vadd.s32 $0x800, v2;
	_ =	sdelay $0x4  }
0x14a: {  	[tilespmem:v2+s14+$0x0] =	vst.idx.msk $0xffff, v0  }
0x14b: {  	v2 =	vld [tilespmem:$0x260];
	_ =	sdelay $0x4  }
0x14c: {  	v2 =	vadd.s32 $0x800, v2;
	_ =	sdelay $0x4  }
0x14d: {  	[tilespmem:v2+s14+$0x0] =	vst.idx.msk $0xffff, v0  }
0x14e: {  	v2 =	vld [tilespmem:$0x270];
	_ =	sdelay $0x4  }
0x14f: {  	v2 =	vadd.s32 $0x800, v2;
	_ =	sdelay $0x4  }
0x150: {  	[tilespmem:v2+s14+$0x0] =	vst.idx.msk $0xffff, v0  }
0x151: {  	v2 =	vld [tilespmem:$0x280];
	_ =	sdelay $0x4  }
0x152: {  	v2 =	vadd.s32 $0x1000, v2;
	_ =	sdelay $0x4  }
0x153: {  	[tilespmem:v2+s14+$0x0] =	vst.idx.msk $0xffff, v0  }
0x154: {  	v2 =	vld [tilespmem:$0x290];
	_ =	sdelay $0x4  }
0x155: {  	v2 =	vadd.s32 $0x1000, v2;
	_ =	sdelay $0x4  }
0x156: {  	[tilespmem:v2+s14+$0x0] =	vst.idx.msk $0xffff, v0  }
0x157: {  	v2 =	vld [tilespmem:$0x2A0];
	_ =	sdelay $0x4  }
0x158: {  	v2 =	vadd.s32 $0x1000, v2;
	_ =	sdelay $0x4  }
0x159: {  	[tilespmem:v2+s14+$0x0] =	vst.idx.msk $0xffff, v0  }
0x15a: {  	v2 =	vld [tilespmem:$0x2B0];
	_ =	sdelay $0x4  }
0x15b: {  	v2 =	vadd.s32 $0x1000, v2;
	_ =	sdelay $0x4  }
0x15c: {  	[tilespmem:v2+s14+$0x0] =	vst.idx.msk $0xffff, v0  }
0x15d: {  	v2 =	vld [tilespmem:$0x2C0];
	_ =	sdelay $0x4  }
0x15e: {  	v2 =	vadd.s32 $0x1800, v2;
	_ =	sdelay $0x4  }
0x15f: {  	[tilespmem:v2+s14+$0x0] =	vst.idx.msk $0xffff, v0  }
0x160: {  	v2 =	vld [tilespmem:$0x2D0];
	_ =	sdelay $0x4  }
0x161: {  	v2 =	vadd.s32 $0x1800, v2;
	_ =	sdelay $0x4  }
0x162: {  	[tilespmem:v2+s14+$0x0] =	vst.idx.msk $0xffff, v0  }
0x163: {  	v2 =	vld [tilespmem:$0x2E0];
	_ =	sdelay $0x4  }
0x164: {  	v2 =	vadd.s32 $0x1800, v2;
	_ =	sdelay $0x4  }
0x165: {  	[tilespmem:v2+s14+$0x0] =	vst.idx.msk $0xffff, v0  }
0x166: {  	v2 =	vld [tilespmem:$0x2F0];
	_ =	sdelay $0x4  }
0x167: {  	v2 =	vadd.s32 $0x1800, v2;
	_ =	sdelay $0x4  }
0x168: {  	[tilespmem:v2+s14+$0x0] =	vst.idx.msk $0xffff, v0  }
0x169: {  	v2 =	vld [tilespmem:$0x300];
	_ =	sdelay $0x4  }
0x16a: {  	v2 =	vadd.s32 $0x2000, v2;
	_ =	sdelay $0x4  }
0x16b: {  	[tilespmem:v2+s14+$0x0] =	vst.idx.msk $0xffff, v0  }
0x16c: {  	v2 =	vld [tilespmem:$0x310];
	_ =	sdelay $0x4  }
0x16d: {  	v2 =	vadd.s32 $0x2000, v2;
	_ =	sdelay $0x4  }
0x16e: {  	[tilespmem:v2+s14+$0x0] =	vst.idx.msk $0xffff, v0  }
0x16f: {  	v2 =	vld [tilespmem:$0x320];
	_ =	sdelay $0x4  }
0x170: {  	v2 =	vadd.s32 $0x2000, v2;
	_ =	sdelay $0x4  }
0x171: {  	[tilespmem:v2+s14+$0x0] =	vst.idx.msk $0xffff, v0  }
0x172: {  	v2 =	vld [tilespmem:$0x330];
	_ =	sdelay $0x4  }
0x173: {  	v2 =	vadd.s32 $0x2000, v2;
	_ =	sdelay $0x4  }
0x174: {  	[tilespmem:v2+s14+$0x0] =	vst.idx.msk $0xffff, v0  }
0x175: {  	v2 =	vld [tilespmem:$0x340];
	_ =	sdelay $0x4  }
0x176: {  	v2 =	vadd.s32 $0x2800, v2;
	_ =	sdelay $0x4  }
0x177: {  	[tilespmem:v2+s14+$0x0] =	vst.idx.msk $0xffff, v0  }
0x178: {  	v2 =	vld [tilespmem:$0x350];
	_ =	sdelay $0x4  }
0x179: {  	v2 =	vadd.s32 $0x2800, v2;
	_ =	sdelay $0x4  }
0x17a: {  	[tilespmem:v2+s14+$0x0] =	vst.idx.msk $0xffff, v0  }
0x17b: {  	v2 =	vld [tilespmem:$0x360];
	_ =	sdelay $0x4  }
0x17c: {  	v2 =	vadd.s32 $0x2800, v2;
	_ =	sdelay $0x4  }
0x17d: {  	[tilespmem:v2+s14+$0x0] =	vst.idx.msk $0xffff, v0  }
0x17e: {  	v2 =	vld [tilespmem:$0x370];
	_ =	sdelay $0x4  }
0x17f: {  	v2 =	vadd.s32 $0x2800, v2;
	_ =	sdelay $0x4  }
0x180: {  	[tilespmem:v2+s14+$0x0] =	vst.idx.msk $0xffff, v0  }
0x181: {  	v2 =	vld [tilespmem:$0x380];
	_ =	sdelay $0x4  }
0x182: {  	v2 =	vadd.s32 $0x3000, v2;
	_ =	sdelay $0x4  }
0x183: {  	[tilespmem:v2+s14+$0x0] =	vst.idx.msk $0xffff, v0  }
0x184: {  	v2 =	vld [tilespmem:$0x390];
	_ =	sdelay $0x4  }
0x185: {  	v2 =	vadd.s32 $0x3000, v2;
	_ =	sdelay $0x4  }
0x186: {  	[tilespmem:v2+s14+$0x0] =	vst.idx.msk $0xffff, v0  }
0x187: {  	v2 =	vld [tilespmem:$0x3A0];
	_ =	sdelay $0x4  }
0x188: {  	v2 =	vadd.s32 $0x3000, v2;
	_ =	sdelay $0x4  }
0x189: {  	[tilespmem:v2+s14+$0x0] =	vst.idx.msk $0xffff, v0  }
0x18a: {  	v2 =	vld [tilespmem:$0x3B0];
	_ =	sdelay $0x4  }
0x18b: {  	v2 =	vadd.s32 $0x3000, v2;
	_ =	sdelay $0x4  }
0x18c: {  	[tilespmem:v2+s14+$0x0] =	vst.idx.msk $0xffff, v0  }
0x18d: {  	v2 =	vld [tilespmem:$0x3C0];
	_ =	sdelay $0x4  }
0x18e: {  	v2 =	vadd.s32 $0x3800, v2;
	_ =	sdelay $0x4  }
0x18f: {  	[tilespmem:v2+s14+$0x0] =	vst.idx.msk $0xffff, v0  }
0x190: {  	v2 =	vld [tilespmem:$0x3D0];
	_ =	sdelay $0x4  }
0x191: {  	v2 =	vadd.s32 $0x3800, v2;
	_ =	sdelay $0x4  }
0x192: {  	[tilespmem:v2+s14+$0x0] =	vst.idx.msk $0xffff, v0  }
0x193: {  	v2 =	vld [tilespmem:$0x3E0];
	_ =	sdelay $0x4  }
0x194: {  	v2 =	vadd.s32 $0x3800, v2;
	_ =	sdelay $0x4  }
0x195: {  	[tilespmem:v2+s14+$0x0] =	vst.idx.msk $0xffff, v0  }
0x196: {  	v2 =	vld [tilespmem:$0x3F0];
	_ =	sdelay $0x4  }
0x197: {  	v2 =	vadd.s32 $0x3800, v2;
	_ =	sdelay $0x4  }
0x198: {  	[tilespmem:v2+s14+$0x0] =	vst.idx.msk $0xffff, v0  }
0x199: {  	v2 =	vld [tilespmem:$0x400];
	_ =	sdelay $0x7  }
0x19a: {  	[tilespmem:v2+s14+$0x0] =	vst.idx.msk $0xffff, v1  }
0x19b: {  	v2 =	vld [tilespmem:$0x410];
	_ =	sdelay $0x7  }
0x19c: {  	[tilespmem:v2+s14+$0x0] =	vst.idx.msk $0xffff, v1  }
0x19d: {  	v2 =	vld [tilespmem:$0x420];
	_ =	sdelay $0x7  }
0x19e: {  	[tilespmem:v2+s14+$0x0] =	vst.idx.msk $0xffff, v1  }
0x19f: {  	v2 =	vld [tilespmem:$0x430];
	_ =	sdelay $0x7  }
0x1a0: {  	[tilespmem:v2+s14+$0x0] =	vst.idx.msk $0xffff, v1  }
0x1a1: {  	v2 =	vld [tilespmem:$0x440];
	_ =	sdelay $0x4  }
0x1a2: {  	v2 =	vadd.s32 $0x800, v2;
	_ =	sdelay $0x4  }
0x1a3: {  	[tilespmem:v2+s14+$0x0] =	vst.idx.msk $0xffff, v1  }
0x1a4: {  	v2 =	vld [tilespmem:$0x450];
	_ =	sdelay $0x4  }
0x1a5: {  	v2 =	vadd.s32 $0x800, v2;
	_ =	sdelay $0x4  }
0x1a6: {  	[tilespmem:v2+s14+$0x0] =	vst.idx.msk $0xffff, v1  }
0x1a7: {  	v2 =	vld [tilespmem:$0x460];
	_ =	sdelay $0x4  }
0x1a8: {  	v2 =	vadd.s32 $0x800, v2;
	_ =	sdelay $0x4  }
0x1a9: {  	[tilespmem:v2+s14+$0x0] =	vst.idx.msk $0xffff, v1  }
0x1aa: {  	v2 =	vld [tilespmem:$0x470];
	_ =	sdelay $0x4  }
0x1ab: {  	v2 =	vadd.s32 $0x800, v2;
	_ =	sdelay $0x4  }
0x1ac: {  	[tilespmem:v2+s14+$0x0] =	vst.idx.msk $0xffff, v1  }
0x1ad: {  	v2 =	vld [tilespmem:$0x480];
	_ =	sdelay $0x4  }
0x1ae: {  	v2 =	vadd.s32 $0x1000, v2;
	_ =	sdelay $0x4  }
0x1af: {  	[tilespmem:v2+s14+$0x0] =	vst.idx.msk $0xffff, v1  }
0x1b0: {  	v2 =	vld [tilespmem:$0x490];
	_ =	sdelay $0x4  }
0x1b1: {  	v2 =	vadd.s32 $0x1000, v2;
	_ =	sdelay $0x4  }
0x1b2: {  	[tilespmem:v2+s14+$0x0] =	vst.idx.msk $0xffff, v1  }
0x1b3: {  	v2 =	vld [tilespmem:$0x4A0];
	_ =	sdelay $0x4  }
0x1b4: {  	v2 =	vadd.s32 $0x1000, v2;
	_ =	sdelay $0x4  }
0x1b5: {  	[tilespmem:v2+s14+$0x0] =	vst.idx.msk $0xffff, v1  }
0x1b6: {  	v2 =	vld [tilespmem:$0x4B0];
	_ =	sdelay $0x4  }
0x1b7: {  	v2 =	vadd.s32 $0x1000, v2;
	_ =	sdelay $0x4  }
0x1b8: {  	[tilespmem:v2+s14+$0x0] =	vst.idx.msk $0xffff, v1  }
0x1b9: {  	v2 =	vld [tilespmem:$0x4C0];
	_ =	sdelay $0x4  }
0x1ba: {  	v2 =	vadd.s32 $0x1800, v2;
	_ =	sdelay $0x4  }
0x1bb: {  	[tilespmem:v2+s14+$0x0] =	vst.idx.msk $0xffff, v1  }
0x1bc: {  	v2 =	vld [tilespmem:$0x4D0];
	_ =	sdelay $0x4  }
0x1bd: {  	v2 =	vadd.s32 $0x1800, v2;
	_ =	sdelay $0x4  }
0x1be: {  	[tilespmem:v2+s14+$0x0] =	vst.idx.msk $0xffff, v1  }
0x1bf: {  	v2 =	vld [tilespmem:$0x4E0];
	_ =	sdelay $0x4  }
0x1c0: {  	v2 =	vadd.s32 $0x1800, v2;
	_ =	sdelay $0x4  }
0x1c1: {  	[tilespmem:v2+s14+$0x0] =	vst.idx.msk $0xffff, v1  }
0x1c2: {  	v2 =	vld [tilespmem:$0x4F0];
	_ =	sdelay $0x4  }
0x1c3: {  	v2 =	vadd.s32 $0x1800, v2;
	_ =	sdelay $0x4  }
0x1c4: {  	[tilespmem:v2+s14+$0x0] =	vst.idx.msk $0xffff, v1  }
0x1c5: {  	v2 =	vld [tilespmem:$0x500];
	_ =	sdelay $0x4  }
0x1c6: {  	v2 =	vadd.s32 $0x2000, v2;
	_ =	sdelay $0x4  }
0x1c7: {  	[tilespmem:v2+s14+$0x0] =	vst.idx.msk $0xffff, v1  }
0x1c8: {  	v2 =	vld [tilespmem:$0x510];
	_ =	sdelay $0x4  }
0x1c9: {  	v2 =	vadd.s32 $0x2000, v2;
	_ =	sdelay $0x4  }
0x1ca: {  	[tilespmem:v2+s14+$0x0] =	vst.idx.msk $0xffff, v1  }
0x1cb: {  	v2 =	vld [tilespmem:$0x520];
	_ =	sdelay $0x4  }
0x1cc: {  	v2 =	vadd.s32 $0x2000, v2;
	_ =	sdelay $0x4  }
0x1cd: {  	[tilespmem:v2+s14+$0x0] =	vst.idx.msk $0xffff, v1  }
0x1ce: {  	v2 =	vld [tilespmem:$0x530];
	_ =	sdelay $0x4  }
0x1cf: {  	v2 =	vadd.s32 $0x2000, v2;
	_ =	sdelay $0x4  }
0x1d0: {  	[tilespmem:v2+s14+$0x0] =	vst.idx.msk $0xffff, v1  }
0x1d1: {  	v2 =	vld [tilespmem:$0x540];
	_ =	sdelay $0x4  }
0x1d2: {  	v2 =	vadd.s32 $0x2800, v2;
	_ =	sdelay $0x4  }
0x1d3: {  	[tilespmem:v2+s14+$0x0] =	vst.idx.msk $0xffff, v1  }
0x1d4: {  	v2 =	vld [tilespmem:$0x550];
	_ =	sdelay $0x4  }
0x1d5: {  	v2 =	vadd.s32 $0x2800, v2;
	_ =	sdelay $0x4  }
0x1d6: {  	[tilespmem:v2+s14+$0x0] =	vst.idx.msk $0xffff, v1  }
0x1d7: {  	v2 =	vld [tilespmem:$0x560];
	_ =	sdelay $0x4  }
0x1d8: {  	v2 =	vadd.s32 $0x2800, v2;
	_ =	sdelay $0x4  }
0x1d9: {  	[tilespmem:v2+s14+$0x0] =	vst.idx.msk $0xffff, v1  }
0x1da: {  	v2 =	vld [tilespmem:$0x570];
	_ =	sdelay $0x4  }
0x1db: {  	v2 =	vadd.s32 $0x2800, v2;
	_ =	sdelay $0x4  }
0x1dc: {  	[tilespmem:v2+s14+$0x0] =	vst.idx.msk $0xffff, v1  }
0x1dd: {  	v2 =	vld [tilespmem:$0x580];
	_ =	sdelay $0x4  }
0x1de: {  	v2 =	vadd.s32 $0x3000, v2;
	_ =	sdelay $0x4  }
0x1df: {  	[tilespmem:v2+s14+$0x0] =	vst.idx.msk $0xffff, v1  }
0x1e0: {  	v2 =	vld [tilespmem:$0x590];
	_ =	sdelay $0x4  }
0x1e1: {  	v2 =	vadd.s32 $0x3000, v2;
	_ =	sdelay $0x4  }
0x1e2: {  	[tilespmem:v2+s14+$0x0] =	vst.idx.msk $0xffff, v1  }
0x1e3: {  	v2 =	vld [tilespmem:$0x5A0];
	_ =	sdelay $0x4  }
0x1e4: {  	v2 =	vadd.s32 $0x3000, v2;
	_ =	sdelay $0x4  }
0x1e5: {  	[tilespmem:v2+s14+$0x0] =	vst.idx.msk $0xffff, v1  }
0x1e6: {  	v2 =	vld [tilespmem:$0x5B0];
	_ =	sdelay $0x4  }
0x1e7: {  	v2 =	vadd.s32 $0x3000, v2;
	_ =	sdelay $0x4  }
0x1e8: {  	[tilespmem:v2+s14+$0x0] =	vst.idx.msk $0xffff, v1  }
0x1e9: {  	v2 =	vld [tilespmem:$0x5C0];
	_ =	sdelay $0x4  }
0x1ea: {  	v2 =	vadd.s32 $0x3800, v2;
	_ =	sdelay $0x4  }
0x1eb: {  	[tilespmem:v2+s14+$0x0] =	vst.idx.msk $0xffff, v1  }
0x1ec: {  	v2 =	vld [tilespmem:$0x5D0];
	_ =	sdelay $0x4  }
0x1ed: {  	v2 =	vadd.s32 $0x3800, v2;
	_ =	sdelay $0x4  }
0x1ee: {  	[tilespmem:v2+s14+$0x0] =	vst.idx.msk $0xffff, v1  }
0x1ef: {  	v2 =	vld [tilespmem:$0x5E0];
	_ =	sdelay $0x4  }
0x1f0: {  	v2 =	vadd.s32 $0x3800, v2;
	_ =	sdelay $0x4  }
0x1f1: {  	[tilespmem:v2+s14+$0x0] =	vst.idx.msk $0xffff, v1  }
0x1f2: {  	v2 =	vld [tilespmem:$0x5F0];
	_ =	sdelay $0x4  }
0x1f3: {  	v2 =	vadd.s32 $0x3800, v2;
	_ =	sdelay $0x4  }
0x1f4: {  	[tilespmem:v2+s14+$0x0] =	vst.idx.msk $0xffff, v1  }
0x1f5: {  	[hbm4b:s6+s2] =	stream.linear.scatter [tilespmem:s14], [sflag:$0x1], $0x4000, $0x38;
	[tilespmem:$0x5000] =	vst v63  }
0x1f6: {  	_ =	swait.ge [sflag:s15], $0x4000  }
0x1f7: {  	[sflag:s15] =	ssyncset.done $0x0  }
0x1f8: {  	[sflag:s15] =	ssyncadd.s32 $0xFFFFC000  }
0x1f9: {  	v2 =	vld [tilespmem:$0x400];
	_ =	sdelay $0x7  }
0x1fa: {  	[tilespmem:v2+s14+$0x0] =	vst.idx.msk $0xffff, v0  }
0x1fb: {  	v2 =	vld [tilespmem:$0x410];
	_ =	sdelay $0x7  }
0x1fc: {  	[tilespmem:v2+s14+$0x0] =	vst.idx.msk $0xffff, v0  }
0x1fd: {  	v2 =	vld [tilespmem:$0x420];
	_ =	sdelay $0x7  }
0x1fe: {  	[tilespmem:v2+s14+$0x0] =	vst.idx.msk $0xffff, v0  }
0x1ff: {  	v2 =	vld [tilespmem:$0x430];
	_ =	sdelay $0x7  }
0x200: {  	[tilespmem:v2+s14+$0x0] =	vst.idx.msk $0xffff, v0  }
0x201: {  	v2 =	vld [tilespmem:$0x440];
	_ =	sdelay $0x4  }
0x202: {  	v2 =	vadd.s32 $0x800, v2;
	_ =	sdelay $0x4  }
0x203: {  	[tilespmem:v2+s14+$0x0] =	vst.idx.msk $0xffff, v0  }
0x204: {  	v2 =	vld [tilespmem:$0x450];
	_ =	sdelay $0x4  }
0x205: {  	v2 =	vadd.s32 $0x800, v2;
	_ =	sdelay $0x4  }
0x206: {  	[tilespmem:v2+s14+$0x0] =	vst.idx.msk $0xffff, v0  }
0x207: {  	v2 =	vld [tilespmem:$0x460];
	_ =	sdelay $0x4  }
0x208: {  	v2 =	vadd.s32 $0x800, v2;
	_ =	sdelay $0x4  }
0x209: {  	[tilespmem:v2+s14+$0x0] =	vst.idx.msk $0xffff, v0  }
0x20a: {  	v2 =	vld [tilespmem:$0x470];
	_ =	sdelay $0x4  }
0x20b: {  	v2 =	vadd.s32 $0x800, v2;
	_ =	sdelay $0x4  }
0x20c: {  	[tilespmem:v2+s14+$0x0] =	vst.idx.msk $0xffff, v0  }
0x20d: {  	v2 =	vld [tilespmem:$0x480];
	_ =	sdelay $0x4  }
0x20e: {  	v2 =	vadd.s32 $0x1000, v2;
	_ =	sdelay $0x4  }
0x20f: {  	[tilespmem:v2+s14+$0x0] =	vst.idx.msk $0xffff, v0  }
0x210: {  	v2 =	vld [tilespmem:$0x490];
	_ =	sdelay $0x4  }
0x211: {  	v2 =	vadd.s32 $0x1000, v2;
	_ =	sdelay $0x4  }
0x212: {  	[tilespmem:v2+s14+$0x0] =	vst.idx.msk $0xffff, v0  }
0x213: {  	v2 =	vld [tilespmem:$0x4A0];
	_ =	sdelay $0x4  }
0x214: {  	v2 =	vadd.s32 $0x1000, v2;
	_ =	sdelay $0x4  }
0x215: {  	[tilespmem:v2+s14+$0x0] =	vst.idx.msk $0xffff, v0  }
0x216: {  	v2 =	vld [tilespmem:$0x4B0];
	_ =	sdelay $0x4  }
0x217: {  	v2 =	vadd.s32 $0x1000, v2;
	_ =	sdelay $0x4  }
0x218: {  	[tilespmem:v2+s14+$0x0] =	vst.idx.msk $0xffff, v0  }
0x219: {  	v2 =	vld [tilespmem:$0x4C0];
	_ =	sdelay $0x4  }
0x21a: {  	v2 =	vadd.s32 $0x1800, v2;
	_ =	sdelay $0x4  }
0x21b: {  	[tilespmem:v2+s14+$0x0] =	vst.idx.msk $0xffff, v0  }
0x21c: {  	v2 =	vld [tilespmem:$0x4D0];
	_ =	sdelay $0x4  }
0x21d: {  	v2 =	vadd.s32 $0x1800, v2;
	_ =	sdelay $0x4  }
0x21e: {  	[tilespmem:v2+s14+$0x0] =	vst.idx.msk $0xffff, v0  }
0x21f: {  	v2 =	vld [tilespmem:$0x4E0];
	_ =	sdelay $0x4  }
0x220: {  	v2 =	vadd.s32 $0x1800, v2;
	_ =	sdelay $0x4  }
0x221: {  	[tilespmem:v2+s14+$0x0] =	vst.idx.msk $0xffff, v0  }
0x222: {  	v2 =	vld [tilespmem:$0x4F0];
	_ =	sdelay $0x4  }
0x223: {  	v2 =	vadd.s32 $0x1800, v2;
	_ =	sdelay $0x4  }
0x224: {  	[tilespmem:v2+s14+$0x0] =	vst.idx.msk $0xffff, v0  }
0x225: {  	v2 =	vld [tilespmem:$0x500];
	_ =	sdelay $0x4  }
0x226: {  	v2 =	vadd.s32 $0x2000, v2;
	_ =	sdelay $0x4  }
0x227: {  	[tilespmem:v2+s14+$0x0] =	vst.idx.msk $0xffff, v0  }
0x228: {  	v2 =	vld [tilespmem:$0x510];
	_ =	sdelay $0x4  }
0x229: {  	v2 =	vadd.s32 $0x2000, v2;
	_ =	sdelay $0x4  }
0x22a: {  	[tilespmem:v2+s14+$0x0] =	vst.idx.msk $0xffff, v0  }
0x22b: {  	v2 =	vld [tilespmem:$0x520];
	_ =	sdelay $0x4  }
0x22c: {  	v2 =	vadd.s32 $0x2000, v2;
	_ =	sdelay $0x4  }
0x22d: {  	[tilespmem:v2+s14+$0x0] =	vst.idx.msk $0xffff, v0  }
0x22e: {  	v2 =	vld [tilespmem:$0x530];
	_ =	sdelay $0x4  }
0x22f: {  	v2 =	vadd.s32 $0x2000, v2;
	_ =	sdelay $0x4  }
0x230: {  	[tilespmem:v2+s14+$0x0] =	vst.idx.msk $0xffff, v0  }
0x231: {  	v2 =	vld [tilespmem:$0x540];
	_ =	sdelay $0x4  }
0x232: {  	v2 =	vadd.s32 $0x2800, v2;
	_ =	sdelay $0x4  }
0x233: {  	[tilespmem:v2+s14+$0x0] =	vst.idx.msk $0xffff, v0  }
0x234: {  	v2 =	vld [tilespmem:$0x550];
	_ =	sdelay $0x4  }
0x235: {  	v2 =	vadd.s32 $0x2800, v2;
	_ =	sdelay $0x4  }
0x236: {  	[tilespmem:v2+s14+$0x0] =	vst.idx.msk $0xffff, v0  }
0x237: {  	v2 =	vld [tilespmem:$0x560];
	_ =	sdelay $0x4  }
0x238: {  	v2 =	vadd.s32 $0x2800, v2;
	_ =	sdelay $0x4  }
0x239: {  	[tilespmem:v2+s14+$0x0] =	vst.idx.msk $0xffff, v0  }
0x23a: {  	v2 =	vld [tilespmem:$0x570];
	_ =	sdelay $0x4  }
0x23b: {  	v2 =	vadd.s32 $0x2800, v2;
	_ =	sdelay $0x4  }
0x23c: {  	[tilespmem:v2+s14+$0x0] =	vst.idx.msk $0xffff, v0  }
0x23d: {  	v2 =	vld [tilespmem:$0x580];
	_ =	sdelay $0x4  }
0x23e: {  	v2 =	vadd.s32 $0x3000, v2;
	_ =	sdelay $0x4  }
0x23f: {  	[tilespmem:v2+s14+$0x0] =	vst.idx.msk $0xffff, v0  }
0x240: {  	v2 =	vld [tilespmem:$0x590];
	_ =	sdelay $0x4  }
0x241: {  	v2 =	vadd.s32 $0x3000, v2;
	_ =	sdelay $0x4  }
0x242: {  	[tilespmem:v2+s14+$0x0] =	vst.idx.msk $0xffff, v0  }
0x243: {  	v2 =	vld [tilespmem:$0x5A0];
	_ =	sdelay $0x4  }
0x244: {  	v2 =	vadd.s32 $0x3000, v2;
	_ =	sdelay $0x4  }
0x245: {  	[tilespmem:v2+s14+$0x0] =	vst.idx.msk $0xffff, v0  }
0x246: {  	v2 =	vld [tilespmem:$0x5B0];
	_ =	sdelay $0x4  }
0x247: {  	v2 =	vadd.s32 $0x3000, v2;
	_ =	sdelay $0x4  }
0x248: {  	[tilespmem:v2+s14+$0x0] =	vst.idx.msk $0xffff, v0  }
0x249: {  	v2 =	vld [tilespmem:$0x5C0];
	_ =	sdelay $0x4  }
0x24a: {  	v2 =	vadd.s32 $0x3800, v2;
	_ =	sdelay $0x4  }
0x24b: {  	[tilespmem:v2+s14+$0x0] =	vst.idx.msk $0xffff, v0  }
0x24c: {  	v2 =	vld [tilespmem:$0x5D0];
	_ =	sdelay $0x4  }
0x24d: {  	v2 =	vadd.s32 $0x3800, v2;
	_ =	sdelay $0x4  }
0x24e: {  	[tilespmem:v2+s14+$0x0] =	vst.idx.msk $0xffff, v0  }
0x24f: {  	v2 =	vld [tilespmem:$0x5E0];
	_ =	sdelay $0x4  }
0x250: {  	v2 =	vadd.s32 $0x3800, v2;
	_ =	sdelay $0x4  }
0x251: {  	[tilespmem:v2+s14+$0x0] =	vst.idx.msk $0xffff, v0  }
0x252: {  	v2 =	vld [tilespmem:$0x5F0];
	_ =	sdelay $0x4  }
0x253: {  	v2 =	vadd.s32 $0x3800, v2;
	_ =	sdelay $0x4  }
0x254: {  	[tilespmem:v2+s14+$0x0] =	vst.idx.msk $0xffff, v0  }
0x255: {  	v2 =	vld [tilespmem:$0x600];
	_ =	sdelay $0x7  }
0x256: {  	[tilespmem:v2+s14+$0x0] =	vst.idx.msk $0xffff, v1  }
0x257: {  	v2 =	vld [tilespmem:$0x610];
	_ =	sdelay $0x7  }
0x258: {  	[tilespmem:v2+s14+$0x0] =	vst.idx.msk $0xffff, v1  }
0x259: {  	v2 =	vld [tilespmem:$0x620];
	_ =	sdelay $0x7  }
0x25a: {  	[tilespmem:v2+s14+$0x0] =	vst.idx.msk $0xffff, v1  }
0x25b: {  	v2 =	vld [tilespmem:$0x630];
	_ =	sdelay $0x7  }
0x25c: {  	[tilespmem:v2+s14+$0x0] =	vst.idx.msk $0xffff, v1  }
0x25d: {  	v2 =	vld [tilespmem:$0x640];
	_ =	sdelay $0x4  }
0x25e: {  	v2 =	vadd.s32 $0x800, v2;
	_ =	sdelay $0x4  }
0x25f: {  	[tilespmem:v2+s14+$0x0] =	vst.idx.msk $0xffff, v1  }
0x260: {  	v2 =	vld [tilespmem:$0x650];
	_ =	sdelay $0x4  }
0x261: {  	v2 =	vadd.s32 $0x800, v2;
	_ =	sdelay $0x4  }
0x262: {  	[tilespmem:v2+s14+$0x0] =	vst.idx.msk $0xffff, v1  }
0x263: {  	v2 =	vld [tilespmem:$0x660];
	_ =	sdelay $0x4  }
0x264: {  	v2 =	vadd.s32 $0x800, v2;
	_ =	sdelay $0x4  }
0x265: {  	[tilespmem:v2+s14+$0x0] =	vst.idx.msk $0xffff, v1  }
0x266: {  	v2 =	vld [tilespmem:$0x670];
	_ =	sdelay $0x4  }
0x267: {  	v2 =	vadd.s32 $0x800, v2;
	_ =	sdelay $0x4  }
0x268: {  	[tilespmem:v2+s14+$0x0] =	vst.idx.msk $0xffff, v1  }
0x269: {  	v2 =	vld [tilespmem:$0x680];
	_ =	sdelay $0x4  }
0x26a: {  	v2 =	vadd.s32 $0x1000, v2;
	_ =	sdelay $0x4  }
0x26b: {  	[tilespmem:v2+s14+$0x0] =	vst.idx.msk $0xffff, v1  }
0x26c: {  	v2 =	vld [tilespmem:$0x690];
	_ =	sdelay $0x4  }
0x26d: {  	v2 =	vadd.s32 $0x1000, v2;
	_ =	sdelay $0x4  }
0x26e: {  	[tilespmem:v2+s14+$0x0] =	vst.idx.msk $0xffff, v1  }
0x26f: {  	v2 =	vld [tilespmem:$0x6A0];
	_ =	sdelay $0x4  }
0x270: {  	v2 =	vadd.s32 $0x1000, v2;
	_ =	sdelay $0x4  }
0x271: {  	[tilespmem:v2+s14+$0x0] =	vst.idx.msk $0xffff, v1  }
0x272: {  	v2 =	vld [tilespmem:$0x6B0];
	_ =	sdelay $0x4  }
0x273: {  	v2 =	vadd.s32 $0x1000, v2;
	_ =	sdelay $0x4  }
0x274: {  	[tilespmem:v2+s14+$0x0] =	vst.idx.msk $0xffff, v1  }
0x275: {  	v2 =	vld [tilespmem:$0x6C0];
	_ =	sdelay $0x4  }
0x276: {  	v2 =	vadd.s32 $0x1800, v2;
	_ =	sdelay $0x4  }
0x277: {  	[tilespmem:v2+s14+$0x0] =	vst.idx.msk $0xffff, v1  }
0x278: {  	v2 =	vld [tilespmem:$0x6D0];
	_ =	sdelay $0x4  }
0x279: {  	v2 =	vadd.s32 $0x1800, v2;
	_ =	sdelay $0x4  }
0x27a: {  	[tilespmem:v2+s14+$0x0] =	vst.idx.msk $0xffff, v1  }
0x27b: {  	v2 =	vld [tilespmem:$0x6E0];
	_ =	sdelay $0x4  }
0x27c: {  	v2 =	vadd.s32 $0x1800, v2;
	_ =	sdelay $0x4  }
0x27d: {  	[tilespmem:v2+s14+$0x0] =	vst.idx.msk $0xffff, v1  }
0x27e: {  	v2 =	vld [tilespmem:$0x6F0];
	_ =	sdelay $0x4  }
0x27f: {  	v2 =	vadd.s32 $0x1800, v2;
	_ =	sdelay $0x4  }
0x280: {  	[tilespmem:v2+s14+$0x0] =	vst.idx.msk $0xffff, v1  }
0x281: {  	v2 =	vld [tilespmem:$0x700];
	_ =	sdelay $0x4  }
0x282: {  	v2 =	vadd.s32 $0x2000, v2;
	_ =	sdelay $0x4  }
0x283: {  	[tilespmem:v2+s14+$0x0] =	vst.idx.msk $0xffff, v1  }
0x284: {  	v2 =	vld [tilespmem:$0x710];
	_ =	sdelay $0x4  }
0x285: {  	v2 =	vadd.s32 $0x2000, v2;
	_ =	sdelay $0x4  }
0x286: {  	[tilespmem:v2+s14+$0x0] =	vst.idx.msk $0xffff, v1  }
0x287: {  	v2 =	vld [tilespmem:$0x720];
	_ =	sdelay $0x4  }
0x288: {  	v2 =	vadd.s32 $0x2000, v2;
	_ =	sdelay $0x4  }
0x289: {  	[tilespmem:v2+s14+$0x0] =	vst.idx.msk $0xffff, v1  }
0x28a: {  	v2 =	vld [tilespmem:$0x730];
	_ =	sdelay $0x4  }
0x28b: {  	v2 =	vadd.s32 $0x2000, v2;
	_ =	sdelay $0x4  }
0x28c: {  	[tilespmem:v2+s14+$0x0] =	vst.idx.msk $0xffff, v1  }
0x28d: {  	v2 =	vld [tilespmem:$0x740];
	_ =	sdelay $0x4  }
0x28e: {  	v2 =	vadd.s32 $0x2800, v2;
	_ =	sdelay $0x4  }
0x28f: {  	[tilespmem:v2+s14+$0x0] =	vst.idx.msk $0xffff, v1  }
0x290: {  	v2 =	vld [tilespmem:$0x750];
	_ =	sdelay $0x4  }
0x291: {  	v2 =	vadd.s32 $0x2800, v2;
	_ =	sdelay $0x4  }
0x292: {  	[tilespmem:v2+s14+$0x0] =	vst.idx.msk $0xffff, v1  }
0x293: {  	v2 =	vld [tilespmem:$0x760];
	_ =	sdelay $0x4  }
0x294: {  	v2 =	vadd.s32 $0x2800, v2;
	_ =	sdelay $0x4  }
0x295: {  	[tilespmem:v2+s14+$0x0] =	vst.idx.msk $0xffff, v1  }
0x296: {  	v2 =	vld [tilespmem:$0x770];
	_ =	sdelay $0x4  }
0x297: {  	v2 =	vadd.s32 $0x2800, v2;
	_ =	sdelay $0x4  }
0x298: {  	[tilespmem:v2+s14+$0x0] =	vst.idx.msk $0xffff, v1  }
0x299: {  	v2 =	vld [tilespmem:$0x780];
	_ =	sdelay $0x4  }
0x29a: {  	v2 =	vadd.s32 $0x3000, v2;
	_ =	sdelay $0x4  }
0x29b: {  	[tilespmem:v2+s14+$0x0] =	vst.idx.msk $0xffff, v1  }
0x29c: {  	v2 =	vld [tilespmem:$0x790];
	_ =	sdelay $0x4  }
0x29d: {  	v2 =	vadd.s32 $0x3000, v2;
	_ =	sdelay $0x4  }
0x29e: {  	[tilespmem:v2+s14+$0x0] =	vst.idx.msk $0xffff, v1  }
0x29f: {  	v2 =	vld [tilespmem:$0x7A0];
	_ =	sdelay $0x4  }
0x2a0: {  	v2 =	vadd.s32 $0x3000, v2;
	_ =	sdelay $0x4  }
0x2a1: {  	[tilespmem:v2+s14+$0x0] =	vst.idx.msk $0xffff, v1  }
0x2a2: {  	v2 =	vld [tilespmem:$0x7B0];
	_ =	sdelay $0x4  }
0x2a3: {  	v2 =	vadd.s32 $0x3000, v2;
	_ =	sdelay $0x4  }
0x2a4: {  	[tilespmem:v2+s14+$0x0] =	vst.idx.msk $0xffff, v1  }
0x2a5: {  	v2 =	vld [tilespmem:$0x7C0];
	_ =	sdelay $0x4  }
0x2a6: {  	v2 =	vadd.s32 $0x3800, v2;
	_ =	sdelay $0x4  }
0x2a7: {  	[tilespmem:v2+s14+$0x0] =	vst.idx.msk $0xffff, v1  }
0x2a8: {  	v2 =	vld [tilespmem:$0x7D0];
	_ =	sdelay $0x4  }
0x2a9: {  	v2 =	vadd.s32 $0x3800, v2;
	_ =	sdelay $0x4  }
0x2aa: {  	[tilespmem:v2+s14+$0x0] =	vst.idx.msk $0xffff, v1  }
0x2ab: {  	v2 =	vld [tilespmem:$0x7E0];
	_ =	sdelay $0x4  }
0x2ac: {  	v2 =	vadd.s32 $0x3800, v2;
	_ =	sdelay $0x4  }
0x2ad: {  	[tilespmem:v2+s14+$0x0] =	vst.idx.msk $0xffff, v1  }
0x2ae: {  	v2 =	vld [tilespmem:$0x7F0];
	_ =	sdelay $0x4  }
0x2af: {  	v2 =	vadd.s32 $0x3800, v2;
	_ =	sdelay $0x4  }
0x2b0: {  	[tilespmem:v2+s14+$0x0] =	vst.idx.msk $0xffff, v1  }
0x2b1: {  	[hbm4b:s7+s2] =	stream.linear.scatter [tilespmem:s14], [sflag:$0x1], $0x4000, $0x38;
	[tilespmem:$0x5000] =	vst v63  }
0x2b2: {  	_ =	swait.ge [sflag:s15], $0x4000  }
0x2b3: {  	[sflag:s15] =	ssyncset.done $0x0  }
0x2b4: {  	[sflag:s15] =	ssyncadd.s32 $0xFFFFC000  }
0x2b5: {  	v2 =	vld [tilespmem:$0x600];
	_ =	sdelay $0x7  }
0x2b6: {  	[tilespmem:v2+s14+$0x0] =	vst.idx.msk $0xffff, v0  }
0x2b7: {  	v2 =	vld [tilespmem:$0x610];
	_ =	sdelay $0x7  }
0x2b8: {  	[tilespmem:v2+s14+$0x0] =	vst.idx.msk $0xffff, v0  }
0x2b9: {  	v2 =	vld [tilespmem:$0x620];
	_ =	sdelay $0x7  }
0x2ba: {  	[tilespmem:v2+s14+$0x0] =	vst.idx.msk $0xffff, v0  }
0x2bb: {  	v2 =	vld [tilespmem:$0x630];
	_ =	sdelay $0x7  }
0x2bc: {  	[tilespmem:v2+s14+$0x0] =	vst.idx.msk $0xffff, v0  }
0x2bd: {  	v2 =	vld [tilespmem:$0x640];
	_ =	sdelay $0x4  }
0x2be: {  	v2 =	vadd.s32 $0x800, v2;
	_ =	sdelay $0x4  }
0x2bf: {  	[tilespmem:v2+s14+$0x0] =	vst.idx.msk $0xffff, v0  }
0x2c0: {  	v2 =	vld [tilespmem:$0x650];
	_ =	sdelay $0x4  }
0x2c1: {  	v2 =	vadd.s32 $0x800, v2;
	_ =	sdelay $0x4  }
0x2c2: {  	[tilespmem:v2+s14+$0x0] =	vst.idx.msk $0xffff, v0  }
0x2c3: {  	v2 =	vld [tilespmem:$0x660];
	_ =	sdelay $0x4  }
0x2c4: {  	v2 =	vadd.s32 $0x800, v2;
	_ =	sdelay $0x4  }
0x2c5: {  	[tilespmem:v2+s14+$0x0] =	vst.idx.msk $0xffff, v0  }
0x2c6: {  	v2 =	vld [tilespmem:$0x670];
	_ =	sdelay $0x4  }
0x2c7: {  	v2 =	vadd.s32 $0x800, v2;
	_ =	sdelay $0x4  }
0x2c8: {  	[tilespmem:v2+s14+$0x0] =	vst.idx.msk $0xffff, v0  }
0x2c9: {  	v2 =	vld [tilespmem:$0x680];
	_ =	sdelay $0x4  }
0x2ca: {  	v2 =	vadd.s32 $0x1000, v2;
	_ =	sdelay $0x4  }
0x2cb: {  	[tilespmem:v2+s14+$0x0] =	vst.idx.msk $0xffff, v0  }
0x2cc: {  	v2 =	vld [tilespmem:$0x690];
	_ =	sdelay $0x4  }
0x2cd: {  	v2 =	vadd.s32 $0x1000, v2;
	_ =	sdelay $0x4  }
0x2ce: {  	[tilespmem:v2+s14+$0x0] =	vst.idx.msk $0xffff, v0  }
0x2cf: {  	v2 =	vld [tilespmem:$0x6A0];
	_ =	sdelay $0x4  }
0x2d0: {  	v2 =	vadd.s32 $0x1000, v2;
	_ =	sdelay $0x4  }
0x2d1: {  	[tilespmem:v2+s14+$0x0] =	vst.idx.msk $0xffff, v0  }
0x2d2: {  	v2 =	vld [tilespmem:$0x6B0];
	_ =	sdelay $0x4  }
0x2d3: {  	v2 =	vadd.s32 $0x1000, v2;
	_ =	sdelay $0x4  }
0x2d4: {  	[tilespmem:v2+s14+$0x0] =	vst.idx.msk $0xffff, v0  }
0x2d5: {  	v2 =	vld [tilespmem:$0x6C0];
	_ =	sdelay $0x4  }
0x2d6: {  	v2 =	vadd.s32 $0x1800, v2;
	_ =	sdelay $0x4  }
0x2d7: {  	[tilespmem:v2+s14+$0x0] =	vst.idx.msk $0xffff, v0  }
0x2d8: {  	v2 =	vld [tilespmem:$0x6D0];
	_ =	sdelay $0x4  }
0x2d9: {  	v2 =	vadd.s32 $0x1800, v2;
	_ =	sdelay $0x4  }
0x2da: {  	[tilespmem:v2+s14+$0x0] =	vst.idx.msk $0xffff, v0  }
0x2db: {  	v2 =	vld [tilespmem:$0x6E0];
	_ =	sdelay $0x4  }
0x2dc: {  	v2 =	vadd.s32 $0x1800, v2;
	_ =	sdelay $0x4  }
0x2dd: {  	[tilespmem:v2+s14+$0x0] =	vst.idx.msk $0xffff, v0  }
0x2de: {  	v2 =	vld [tilespmem:$0x6F0];
	_ =	sdelay $0x4  }
0x2df: {  	v2 =	vadd.s32 $0x1800, v2;
	_ =	sdelay $0x4  }
0x2e0: {  	[tilespmem:v2+s14+$0x0] =	vst.idx.msk $0xffff, v0  }
0x2e1: {  	v2 =	vld [tilespmem:$0x700];
	_ =	sdelay $0x4  }
0x2e2: {  	v2 =	vadd.s32 $0x2000, v2;
	_ =	sdelay $0x4  }
0x2e3: {  	[tilespmem:v2+s14+$0x0] =	vst.idx.msk $0xffff, v0  }
0x2e4: {  	v2 =	vld [tilespmem:$0x710];
	_ =	sdelay $0x4  }
0x2e5: {  	v2 =	vadd.s32 $0x2000, v2;
	_ =	sdelay $0x4  }
0x2e6: {  	[tilespmem:v2+s14+$0x0] =	vst.idx.msk $0xffff, v0  }
0x2e7: {  	v2 =	vld [tilespmem:$0x720];
	_ =	sdelay $0x4  }
0x2e8: {  	v2 =	vadd.s32 $0x2000, v2;
	_ =	sdelay $0x4  }
0x2e9: {  	[tilespmem:v2+s14+$0x0] =	vst.idx.msk $0xffff, v0  }
0x2ea: {  	v2 =	vld [tilespmem:$0x730];
	_ =	sdelay $0x4  }
0x2eb: {  	v2 =	vadd.s32 $0x2000, v2;
	_ =	sdelay $0x4  }
0x2ec: {  	[tilespmem:v2+s14+$0x0] =	vst.idx.msk $0xffff, v0  }
0x2ed: {  	v2 =	vld [tilespmem:$0x740];
	_ =	sdelay $0x4  }
0x2ee: {  	v2 =	vadd.s32 $0x2800, v2;
	_ =	sdelay $0x4  }
0x2ef: {  	[tilespmem:v2+s14+$0x0] =	vst.idx.msk $0xffff, v0  }
0x2f0: {  	v2 =	vld [tilespmem:$0x750];
	_ =	sdelay $0x4  }
0x2f1: {  	v2 =	vadd.s32 $0x2800, v2;
	_ =	sdelay $0x4  }
0x2f2: {  	[tilespmem:v2+s14+$0x0] =	vst.idx.msk $0xffff, v0  }
0x2f3: {  	v2 =	vld [tilespmem:$0x760];
	_ =	sdelay $0x4  }
0x2f4: {  	v2 =	vadd.s32 $0x2800, v2;
	_ =	sdelay $0x4  }
0x2f5: {  	[tilespmem:v2+s14+$0x0] =	vst.idx.msk $0xffff, v0  }
0x2f6: {  	v2 =	vld [tilespmem:$0x770];
	_ =	sdelay $0x4  }
0x2f7: {  	v2 =	vadd.s32 $0x2800, v2;
	_ =	sdelay $0x4  }
0x2f8: {  	[tilespmem:v2+s14+$0x0] =	vst.idx.msk $0xffff, v0  }
0x2f9: {  	v2 =	vld [tilespmem:$0x780];
	_ =	sdelay $0x4  }
0x2fa: {  	v2 =	vadd.s32 $0x3000, v2;
	_ =	sdelay $0x4  }
0x2fb: {  	[tilespmem:v2+s14+$0x0] =	vst.idx.msk $0xffff, v0  }
0x2fc: {  	v2 =	vld [tilespmem:$0x790];
	_ =	sdelay $0x4  }
0x2fd: {  	v2 =	vadd.s32 $0x3000, v2;
	_ =	sdelay $0x4  }
0x2fe: {  	[tilespmem:v2+s14+$0x0] =	vst.idx.msk $0xffff, v0  }
0x2ff: {  	v2 =	vld [tilespmem:$0x7A0];
	_ =	sdelay $0x4  }
0x300: {  	v2 =	vadd.s32 $0x3000, v2;
	_ =	sdelay $0x4  }
0x301: {  	[tilespmem:v2+s14+$0x0] =	vst.idx.msk $0xffff, v0  }
0x302: {  	v2 =	vld [tilespmem:$0x7B0];
	_ =	sdelay $0x4  }
0x303: {  	v2 =	vadd.s32 $0x3000, v2;
	_ =	sdelay $0x4  }
0x304: {  	[tilespmem:v2+s14+$0x0] =	vst.idx.msk $0xffff, v0  }
0x305: {  	v2 =	vld [tilespmem:$0x7C0];
	_ =	sdelay $0x4  }
0x306: {  	v2 =	vadd.s32 $0x3800, v2;
	_ =	sdelay $0x4  }
0x307: {  	[tilespmem:v2+s14+$0x0] =	vst.idx.msk $0xffff, v0  }
0x308: {  	v2 =	vld [tilespmem:$0x7D0];
	_ =	sdelay $0x4  }
0x309: {  	v2 =	vadd.s32 $0x3800, v2;
	_ =	sdelay $0x4  }
0x30a: {  	[tilespmem:v2+s14+$0x0] =	vst.idx.msk $0xffff, v0  }
0x30b: {  	v2 =	vld [tilespmem:$0x7E0];
	_ =	sdelay $0x4  }
0x30c: {  	v2 =	vadd.s32 $0x3800, v2;
	_ =	sdelay $0x4  }
0x30d: {  	[tilespmem:v2+s14+$0x0] =	vst.idx.msk $0xffff, v0  }
0x30e: {  	v2 =	vld [tilespmem:$0x7F0];
	_ =	sdelay $0x4  }
0x30f: {  	v2 =	vadd.s32 $0x3800, v2;
	_ =	sdelay $0x4  }
0x310: {  	[tilespmem:v2+s14+$0x0] =	vst.idx.msk $0xffff, v0  }
0x311: {  	v2 =	vld [tilespmem:$0x800];
	_ =	sdelay $0x7  }
0x312: {  	[tilespmem:v2+s14+$0x0] =	vst.idx.msk $0xffff, v1  }
0x313: {  	v2 =	vld [tilespmem:$0x810];
	_ =	sdelay $0x7  }
0x314: {  	[tilespmem:v2+s14+$0x0] =	vst.idx.msk $0xffff, v1  }
0x315: {  	v2 =	vld [tilespmem:$0x820];
	_ =	sdelay $0x7  }
0x316: {  	[tilespmem:v2+s14+$0x0] =	vst.idx.msk $0xffff, v1  }
0x317: {  	v2 =	vld [tilespmem:$0x830];
	_ =	sdelay $0x7  }
0x318: {  	[tilespmem:v2+s14+$0x0] =	vst.idx.msk $0xffff, v1  }
0x319: {  	v2 =	vld [tilespmem:$0x840];
	_ =	sdelay $0x4  }
0x31a: {  	v2 =	vadd.s32 $0x800, v2;
	_ =	sdelay $0x4  }
0x31b: {  	[tilespmem:v2+s14+$0x0] =	vst.idx.msk $0xffff, v1  }
0x31c: {  	v2 =	vld [tilespmem:$0x850];
	_ =	sdelay $0x4  }
0x31d: {  	v2 =	vadd.s32 $0x800, v2;
	_ =	sdelay $0x4  }
0x31e: {  	[tilespmem:v2+s14+$0x0] =	vst.idx.msk $0xffff, v1  }
0x31f: {  	v2 =	vld [tilespmem:$0x860];
	_ =	sdelay $0x4  }
0x320: {  	v2 =	vadd.s32 $0x800, v2;
	_ =	sdelay $0x4  }
0x321: {  	[tilespmem:v2+s14+$0x0] =	vst.idx.msk $0xffff, v1  }
0x322: {  	v2 =	vld [tilespmem:$0x870];
	_ =	sdelay $0x4  }
0x323: {  	v2 =	vadd.s32 $0x800, v2;
	_ =	sdelay $0x4  }
0x324: {  	[tilespmem:v2+s14+$0x0] =	vst.idx.msk $0xffff, v1  }
0x325: {  	v2 =	vld [tilespmem:$0x880];
	_ =	sdelay $0x4  }
0x326: {  	v2 =	vadd.s32 $0x1000, v2;
	_ =	sdelay $0x4  }
0x327: {  	[tilespmem:v2+s14+$0x0] =	vst.idx.msk $0xffff, v1  }
0x328: {  	v2 =	vld [tilespmem:$0x890];
	_ =	sdelay $0x4  }
0x329: {  	v2 =	vadd.s32 $0x1000, v2;
	_ =	sdelay $0x4  }
0x32a: {  	[tilespmem:v2+s14+$0x0] =	vst.idx.msk $0xffff, v1  }
0x32b: {  	v2 =	vld [tilespmem:$0x8A0];
	_ =	sdelay $0x4  }
0x32c: {  	v2 =	vadd.s32 $0x1000, v2;
	_ =	sdelay $0x4  }
0x32d: {  	[tilespmem:v2+s14+$0x0] =	vst.idx.msk $0xffff, v1  }
0x32e: {  	v2 =	vld [tilespmem:$0x8B0];
	_ =	sdelay $0x4  }
0x32f: {  	v2 =	vadd.s32 $0x1000, v2;
	_ =	sdelay $0x4  }
0x330: {  	[tilespmem:v2+s14+$0x0] =	vst.idx.msk $0xffff, v1  }
0x331: {  	v2 =	vld [tilespmem:$0x8C0];
	_ =	sdelay $0x4  }
0x332: {  	v2 =	vadd.s32 $0x1800, v2;
	_ =	sdelay $0x4  }
0x333: {  	[tilespmem:v2+s14+$0x0] =	vst.idx.msk $0xffff, v1  }
0x334: {  	v2 =	vld [tilespmem:$0x8D0];
	_ =	sdelay $0x4  }
0x335: {  	v2 =	vadd.s32 $0x1800, v2;
	_ =	sdelay $0x4  }
0x336: {  	[tilespmem:v2+s14+$0x0] =	vst.idx.msk $0xffff, v1  }
0x337: {  	v2 =	vld [tilespmem:$0x8E0];
	_ =	sdelay $0x4  }
0x338: {  	v2 =	vadd.s32 $0x1800, v2;
	_ =	sdelay $0x4  }
0x339: {  	[tilespmem:v2+s14+$0x0] =	vst.idx.msk $0xffff, v1  }
0x33a: {  	v2 =	vld [tilespmem:$0x8F0];
	_ =	sdelay $0x4  }
0x33b: {  	v2 =	vadd.s32 $0x1800, v2;
	_ =	sdelay $0x4  }
0x33c: {  	[tilespmem:v2+s14+$0x0] =	vst.idx.msk $0xffff, v1  }
0x33d: {  	v2 =	vld [tilespmem:$0x900];
	_ =	sdelay $0x4  }
0x33e: {  	v2 =	vadd.s32 $0x2000, v2;
	_ =	sdelay $0x4  }
0x33f: {  	[tilespmem:v2+s14+$0x0] =	vst.idx.msk $0xffff, v1  }
0x340: {  	v2 =	vld [tilespmem:$0x910];
	_ =	sdelay $0x4  }
0x341: {  	v2 =	vadd.s32 $0x2000, v2;
	_ =	sdelay $0x4  }
0x342: {  	[tilespmem:v2+s14+$0x0] =	vst.idx.msk $0xffff, v1  }
0x343: {  	v2 =	vld [tilespmem:$0x920];
	_ =	sdelay $0x4  }
0x344: {  	v2 =	vadd.s32 $0x2000, v2;
	_ =	sdelay $0x4  }
0x345: {  	[tilespmem:v2+s14+$0x0] =	vst.idx.msk $0xffff, v1  }
0x346: {  	v2 =	vld [tilespmem:$0x930];
	_ =	sdelay $0x4  }
0x347: {  	v2 =	vadd.s32 $0x2000, v2;
	_ =	sdelay $0x4  }
0x348: {  	[tilespmem:v2+s14+$0x0] =	vst.idx.msk $0xffff, v1  }
0x349: {  	v2 =	vld [tilespmem:$0x940];
	_ =	sdelay $0x4  }
0x34a: {  	v2 =	vadd.s32 $0x2800, v2;
	_ =	sdelay $0x4  }
0x34b: {  	[tilespmem:v2+s14+$0x0] =	vst.idx.msk $0xffff, v1  }
0x34c: {  	v2 =	vld [tilespmem:$0x950];
	_ =	sdelay $0x4  }
0x34d: {  	v2 =	vadd.s32 $0x2800, v2;
	_ =	sdelay $0x4  }
0x34e: {  	[tilespmem:v2+s14+$0x0] =	vst.idx.msk $0xffff, v1  }
0x34f: {  	v2 =	vld [tilespmem:$0x960];
	_ =	sdelay $0x4  }
0x350: {  	v2 =	vadd.s32 $0x2800, v2;
	_ =	sdelay $0x4  }
0x351: {  	[tilespmem:v2+s14+$0x0] =	vst.idx.msk $0xffff, v1  }
0x352: {  	v2 =	vld [tilespmem:$0x970];
	_ =	sdelay $0x4  }
0x353: {  	v2 =	vadd.s32 $0x2800, v2;
	_ =	sdelay $0x4  }
0x354: {  	[tilespmem:v2+s14+$0x0] =	vst.idx.msk $0xffff, v1  }
0x355: {  	v2 =	vld [tilespmem:$0x980];
	_ =	sdelay $0x4  }
0x356: {  	v2 =	vadd.s32 $0x3000, v2;
	_ =	sdelay $0x4  }
0x357: {  	[tilespmem:v2+s14+$0x0] =	vst.idx.msk $0xffff, v1  }
0x358: {  	v2 =	vld [tilespmem:$0x990];
	_ =	sdelay $0x4  }
0x359: {  	v2 =	vadd.s32 $0x3000, v2;
	_ =	sdelay $0x4  }
0x35a: {  	[tilespmem:v2+s14+$0x0] =	vst.idx.msk $0xffff, v1  }
0x35b: {  	v2 =	vld [tilespmem:$0x9A0];
	_ =	sdelay $0x4  }
0x35c: {  	v2 =	vadd.s32 $0x3000, v2;
	_ =	sdelay $0x4  }
0x35d: {  	[tilespmem:v2+s14+$0x0] =	vst.idx.msk $0xffff, v1  }
0x35e: {  	v2 =	vld [tilespmem:$0x9B0];
	_ =	sdelay $0x4  }
0x35f: {  	v2 =	vadd.s32 $0x3000, v2;
	_ =	sdelay $0x4  }
0x360: {  	[tilespmem:v2+s14+$0x0] =	vst.idx.msk $0xffff, v1  }
0x361: {  	v2 =	vld [tilespmem:$0x9C0];
	_ =	sdelay $0x4  }
0x362: {  	v2 =	vadd.s32 $0x3800, v2;
	_ =	sdelay $0x4  }
0x363: {  	[tilespmem:v2+s14+$0x0] =	vst.idx.msk $0xffff, v1  }
0x364: {  	v2 =	vld [tilespmem:$0x9D0];
	_ =	sdelay $0x4  }
0x365: {  	v2 =	vadd.s32 $0x3800, v2;
	_ =	sdelay $0x4  }
0x366: {  	[tilespmem:v2+s14+$0x0] =	vst.idx.msk $0xffff, v1  }
0x367: {  	v2 =	vld [tilespmem:$0x9E0];
	_ =	sdelay $0x4  }
0x368: {  	v2 =	vadd.s32 $0x3800, v2;
	_ =	sdelay $0x4  }
0x369: {  	[tilespmem:v2+s14+$0x0] =	vst.idx.msk $0xffff, v1  }
0x36a: {  	v2 =	vld [tilespmem:$0x9F0];
	_ =	sdelay $0x4  }
0x36b: {  	v2 =	vadd.s32 $0x3800, v2;
	_ =	sdelay $0x4  }
0x36c: {  	[tilespmem:v2+s14+$0x0] =	vst.idx.msk $0xffff, v1  }
0x36d: {  	[hbm4b:s8+s2] =	stream.linear.scatter [tilespmem:s14], [sflag:$0x1], $0x4000, $0x38;
	[tilespmem:$0x5000] =	vst v63  }
0x36e: {  	_ =	swait.ge [sflag:s15], $0x4000  }
0x36f: {  	[sflag:s15] =	ssyncset.done $0x0  }
0x370: {  	[sflag:s15] =	ssyncadd.s32 $0xFFFFC000  }
0x371: {  	v2 =	vld [tilespmem:$0x800];
	_ =	sdelay $0x7  }
0x372: {  	[tilespmem:v2+s14+$0x0] =	vst.idx.msk $0xffff, v0  }
0x373: {  	v2 =	vld [tilespmem:$0x810];
	_ =	sdelay $0x7  }
0x374: {  	[tilespmem:v2+s14+$0x0] =	vst.idx.msk $0xffff, v0  }
0x375: {  	v2 =	vld [tilespmem:$0x820];
	_ =	sdelay $0x7  }
0x376: {  	[tilespmem:v2+s14+$0x0] =	vst.idx.msk $0xffff, v0  }
0x377: {  	v2 =	vld [tilespmem:$0x830];
	_ =	sdelay $0x7  }
0x378: {  	[tilespmem:v2+s14+$0x0] =	vst.idx.msk $0xffff, v0  }
0x379: {  	v2 =	vld [tilespmem:$0x840];
	_ =	sdelay $0x4  }
0x37a: {  	v2 =	vadd.s32 $0x800, v2;
	_ =	sdelay $0x4  }
0x37b: {  	[tilespmem:v2+s14+$0x0] =	vst.idx.msk $0xffff, v0  }
0x37c: {  	v2 =	vld [tilespmem:$0x850];
	_ =	sdelay $0x4  }
0x37d: {  	v2 =	vadd.s32 $0x800, v2;
	_ =	sdelay $0x4  }
0x37e: {  	[tilespmem:v2+s14+$0x0] =	vst.idx.msk $0xffff, v0  }
0x37f: {  	v2 =	vld [tilespmem:$0x860];
	_ =	sdelay $0x4  }
0x380: {  	v2 =	vadd.s32 $0x800, v2;
	_ =	sdelay $0x4  }
0x381: {  	[tilespmem:v2+s14+$0x0] =	vst.idx.msk $0xffff, v0  }
0x382: {  	v2 =	vld [tilespmem:$0x870];
	_ =	sdelay $0x4  }
0x383: {  	v2 =	vadd.s32 $0x800, v2;
	_ =	sdelay $0x4  }
0x384: {  	[tilespmem:v2+s14+$0x0] =	vst.idx.msk $0xffff, v0  }
0x385: {  	v2 =	vld [tilespmem:$0x880];
	_ =	sdelay $0x4  }
0x386: {  	v2 =	vadd.s32 $0x1000, v2;
	_ =	sdelay $0x4  }
0x387: {  	[tilespmem:v2+s14+$0x0] =	vst.idx.msk $0xffff, v0  }
0x388: {  	v2 =	vld [tilespmem:$0x890];
	_ =	sdelay $0x4  }
0x389: {  	v2 =	vadd.s32 $0x1000, v2;
	_ =	sdelay $0x4  }
0x38a: {  	[tilespmem:v2+s14+$0x0] =	vst.idx.msk $0xffff, v0  }
0x38b: {  	v2 =	vld [tilespmem:$0x8A0];
	_ =	sdelay $0x4  }
0x38c: {  	v2 =	vadd.s32 $0x1000, v2;
	_ =	sdelay $0x4  }
0x38d: {  	[tilespmem:v2+s14+$0x0] =	vst.idx.msk $0xffff, v0  }
0x38e: {  	v2 =	vld [tilespmem:$0x8B0];
	_ =	sdelay $0x4  }
0x38f: {  	v2 =	vadd.s32 $0x1000, v2;
	_ =	sdelay $0x4  }
0x390: {  	[tilespmem:v2+s14+$0x0] =	vst.idx.msk $0xffff, v0  }
0x391: {  	v2 =	vld [tilespmem:$0x8C0];
	_ =	sdelay $0x4  }
0x392: {  	v2 =	vadd.s32 $0x1800, v2;
	_ =	sdelay $0x4  }
0x393: {  	[tilespmem:v2+s14+$0x0] =	vst.idx.msk $0xffff, v0  }
0x394: {  	v2 =	vld [tilespmem:$0x8D0];
	_ =	sdelay $0x4  }
0x395: {  	v2 =	vadd.s32 $0x1800, v2;
	_ =	sdelay $0x4  }
0x396: {  	[tilespmem:v2+s14+$0x0] =	vst.idx.msk $0xffff, v0  }
0x397: {  	v2 =	vld [tilespmem:$0x8E0];
	_ =	sdelay $0x4  }
0x398: {  	v2 =	vadd.s32 $0x1800, v2;
	_ =	sdelay $0x4  }
0x399: {  	[tilespmem:v2+s14+$0x0] =	vst.idx.msk $0xffff, v0  }
0x39a: {  	v2 =	vld [tilespmem:$0x8F0];
	_ =	sdelay $0x4  }
0x39b: {  	v2 =	vadd.s32 $0x1800, v2;
	_ =	sdelay $0x4  }
0x39c: {  	[tilespmem:v2+s14+$0x0] =	vst.idx.msk $0xffff, v0  }
0x39d: {  	v2 =	vld [tilespmem:$0x900];
	_ =	sdelay $0x4  }
0x39e: {  	v2 =	vadd.s32 $0x2000, v2;
	_ =	sdelay $0x4  }
0x39f: {  	[tilespmem:v2+s14+$0x0] =	vst.idx.msk $0xffff, v0  }
0x3a0: {  	v2 =	vld [tilespmem:$0x910];
	_ =	sdelay $0x4  }
0x3a1: {  	v2 =	vadd.s32 $0x2000, v2;
	_ =	sdelay $0x4  }
0x3a2: {  	[tilespmem:v2+s14+$0x0] =	vst.idx.msk $0xffff, v0  }
0x3a3: {  	v2 =	vld [tilespmem:$0x920];
	_ =	sdelay $0x4  }
0x3a4: {  	v2 =	vadd.s32 $0x2000, v2;
	_ =	sdelay $0x4  }
0x3a5: {  	[tilespmem:v2+s14+$0x0] =	vst.idx.msk $0xffff, v0  }
0x3a6: {  	v2 =	vld [tilespmem:$0x930];
	_ =	sdelay $0x4  }
0x3a7: {  	v2 =	vadd.s32 $0x2000, v2;
	_ =	sdelay $0x4  }
0x3a8: {  	[tilespmem:v2+s14+$0x0] =	vst.idx.msk $0xffff, v0  }
0x3a9: {  	v2 =	vld [tilespmem:$0x940];
	_ =	sdelay $0x4  }
0x3aa: {  	v2 =	vadd.s32 $0x2800, v2;
	_ =	sdelay $0x4  }
0x3ab: {  	[tilespmem:v2+s14+$0x0] =	vst.idx.msk $0xffff, v0  }
0x3ac: {  	v2 =	vld [tilespmem:$0x950];
	_ =	sdelay $0x4  }
0x3ad: {  	v2 =	vadd.s32 $0x2800, v2;
	_ =	sdelay $0x4  }
0x3ae: {  	[tilespmem:v2+s14+$0x0] =	vst.idx.msk $0xffff, v0  }
0x3af: {  	v2 =	vld [tilespmem:$0x960];
	_ =	sdelay $0x4  }
0x3b0: {  	v2 =	vadd.s32 $0x2800, v2;
	_ =	sdelay $0x4  }
0x3b1: {  	[tilespmem:v2+s14+$0x0] =	vst.idx.msk $0xffff, v0  }
0x3b2: {  	v2 =	vld [tilespmem:$0x970];
	_ =	sdelay $0x4  }
0x3b3: {  	v2 =	vadd.s32 $0x2800, v2;
	_ =	sdelay $0x4  }
0x3b4: {  	[tilespmem:v2+s14+$0x0] =	vst.idx.msk $0xffff, v0  }
0x3b5: {  	v2 =	vld [tilespmem:$0x980];
	_ =	sdelay $0x4  }
0x3b6: {  	v2 =	vadd.s32 $0x3000, v2;
	_ =	sdelay $0x4  }
0x3b7: {  	[tilespmem:v2+s14+$0x0] =	vst.idx.msk $0xffff, v0  }
0x3b8: {  	v2 =	vld [tilespmem:$0x990];
	_ =	sdelay $0x4  }
0x3b9: {  	v2 =	vadd.s32 $0x3000, v2;
	_ =	sdelay $0x4  }
0x3ba: {  	[tilespmem:v2+s14+$0x0] =	vst.idx.msk $0xffff, v0  }
0x3bb: {  	v2 =	vld [tilespmem:$0x9A0];
	_ =	sdelay $0x4  }
0x3bc: {  	v2 =	vadd.s32 $0x3000, v2;
	_ =	sdelay $0x4  }
0x3bd: {  	[tilespmem:v2+s14+$0x0] =	vst.idx.msk $0xffff, v0  }
0x3be: {  	v2 =	vld [tilespmem:$0x9B0];
	_ =	sdelay $0x4  }
0x3bf: {  	v2 =	vadd.s32 $0x3000, v2;
	_ =	sdelay $0x4  }
0x3c0: {  	[tilespmem:v2+s14+$0x0] =	vst.idx.msk $0xffff, v0  }
0x3c1: {  	v2 =	vld [tilespmem:$0x9C0];
	_ =	sdelay $0x4  }
0x3c2: {  	v2 =	vadd.s32 $0x3800, v2;
	_ =	sdelay $0x4  }
0x3c3: {  	[tilespmem:v2+s14+$0x0] =	vst.idx.msk $0xffff, v0  }
0x3c4: {  	v2 =	vld [tilespmem:$0x9D0];
	_ =	sdelay $0x4  }
0x3c5: {  	v2 =	vadd.s32 $0x3800, v2;
	_ =	sdelay $0x4  }
0x3c6: {  	[tilespmem:v2+s14+$0x0] =	vst.idx.msk $0xffff, v0  }
0x3c7: {  	v2 =	vld [tilespmem:$0x9E0];
	_ =	sdelay $0x4  }
0x3c8: {  	v2 =	vadd.s32 $0x3800, v2;
	_ =	sdelay $0x4  }
0x3c9: {  	[tilespmem:v2+s14+$0x0] =	vst.idx.msk $0xffff, v0  }
0x3ca: {  	v2 =	vld [tilespmem:$0x9F0];
	_ =	sdelay $0x4  }
0x3cb: {  	v2 =	vadd.s32 $0x3800, v2;
	_ =	sdelay $0x4  }
0x3cc: {  	[tilespmem:v2+s14+$0x0] =	vst.idx.msk $0xffff, v0  }
0x3cd: {  	v2 =	vld [tilespmem:$0xA00];
	_ =	sdelay $0x7  }
0x3ce: {  	[tilespmem:v2+s14+$0x0] =	vst.idx.msk $0xffff, v1  }
0x3cf: {  	v2 =	vld [tilespmem:$0xA10];
	_ =	sdelay $0x7  }
0x3d0: {  	[tilespmem:v2+s14+$0x0] =	vst.idx.msk $0xffff, v1  }
0x3d1: {  	v2 =	vld [tilespmem:$0xA20];
	_ =	sdelay $0x7  }
0x3d2: {  	[tilespmem:v2+s14+$0x0] =	vst.idx.msk $0xffff, v1  }
0x3d3: {  	v2 =	vld [tilespmem:$0xA30];
	_ =	sdelay $0x7  }
0x3d4: {  	[tilespmem:v2+s14+$0x0] =	vst.idx.msk $0xffff, v1  }
0x3d5: {  	v2 =	vld [tilespmem:$0xA40];
	_ =	sdelay $0x4  }
0x3d6: {  	v2 =	vadd.s32 $0x800, v2;
	_ =	sdelay $0x4  }
0x3d7: {  	[tilespmem:v2+s14+$0x0] =	vst.idx.msk $0xffff, v1  }
0x3d8: {  	v2 =	vld [tilespmem:$0xA50];
	_ =	sdelay $0x4  }
0x3d9: {  	v2 =	vadd.s32 $0x800, v2;
	_ =	sdelay $0x4  }
0x3da: {  	[tilespmem:v2+s14+$0x0] =	vst.idx.msk $0xffff, v1  }
0x3db: {  	v2 =	vld [tilespmem:$0xA60];
	_ =	sdelay $0x4  }
0x3dc: {  	v2 =	vadd.s32 $0x800, v2;
	_ =	sdelay $0x4  }
0x3dd: {  	[tilespmem:v2+s14+$0x0] =	vst.idx.msk $0xffff, v1  }
0x3de: {  	v2 =	vld [tilespmem:$0xA70];
	_ =	sdelay $0x4  }
0x3df: {  	v2 =	vadd.s32 $0x800, v2;
	_ =	sdelay $0x4  }
0x3e0: {  	[tilespmem:v2+s14+$0x0] =	vst.idx.msk $0xffff, v1  }
0x3e1: {  	v2 =	vld [tilespmem:$0xA80];
	_ =	sdelay $0x4  }
0x3e2: {  	v2 =	vadd.s32 $0x1000, v2;
	_ =	sdelay $0x4  }
0x3e3: {  	[tilespmem:v2+s14+$0x0] =	vst.idx.msk $0xffff, v1  }
0x3e4: {  	v2 =	vld [tilespmem:$0xA90];
	_ =	sdelay $0x4  }
0x3e5: {  	v2 =	vadd.s32 $0x1000, v2;
	_ =	sdelay $0x4  }
0x3e6: {  	[tilespmem:v2+s14+$0x0] =	vst.idx.msk $0xffff, v1  }
0x3e7: {  	v2 =	vld [tilespmem:$0xAA0];
	_ =	sdelay $0x4  }
0x3e8: {  	v2 =	vadd.s32 $0x1000, v2;
	_ =	sdelay $0x4  }
0x3e9: {  	[tilespmem:v2+s14+$0x0] =	vst.idx.msk $0xffff, v1  }
0x3ea: {  	v2 =	vld [tilespmem:$0xAB0];
	_ =	sdelay $0x4  }
0x3eb: {  	v2 =	vadd.s32 $0x1000, v2;
	_ =	sdelay $0x4  }
0x3ec: {  	[tilespmem:v2+s14+$0x0] =	vst.idx.msk $0xffff, v1  }
0x3ed: {  	v2 =	vld [tilespmem:$0xAC0];
	_ =	sdelay $0x4  }
0x3ee: {  	v2 =	vadd.s32 $0x1800, v2;
	_ =	sdelay $0x4  }
0x3ef: {  	[tilespmem:v2+s14+$0x0] =	vst.idx.msk $0xffff, v1  }
0x3f0: {  	v2 =	vld [tilespmem:$0xAD0];
	_ =	sdelay $0x4  }
0x3f1: {  	v2 =	vadd.s32 $0x1800, v2;
	_ =	sdelay $0x4  }
0x3f2: {  	[tilespmem:v2+s14+$0x0] =	vst.idx.msk $0xffff, v1  }
0x3f3: {  	v2 =	vld [tilespmem:$0xAE0];
	_ =	sdelay $0x4  }
0x3f4: {  	v2 =	vadd.s32 $0x1800, v2;
	_ =	sdelay $0x4  }
0x3f5: {  	[tilespmem:v2+s14+$0x0] =	vst.idx.msk $0xffff, v1  }
0x3f6: {  	v2 =	vld [tilespmem:$0xAF0];
	_ =	sdelay $0x4  }
0x3f7: {  	v2 =	vadd.s32 $0x1800, v2;
	_ =	sdelay $0x4  }
0x3f8: {  	[tilespmem:v2+s14+$0x0] =	vst.idx.msk $0xffff, v1  }
0x3f9: {  	v2 =	vld [tilespmem:$0xB00];
	_ =	sdelay $0x4  }
0x3fa: {  	v2 =	vadd.s32 $0x2000, v2;
	_ =	sdelay $0x4  }
0x3fb: {  	[tilespmem:v2+s14+$0x0] =	vst.idx.msk $0xffff, v1  }
0x3fc: {  	v2 =	vld [tilespmem:$0xB10];
	_ =	sdelay $0x4  }
0x3fd: {  	v2 =	vadd.s32 $0x2000, v2;
	_ =	sdelay $0x4  }
0x3fe: {  	[tilespmem:v2+s14+$0x0] =	vst.idx.msk $0xffff, v1  }
0x3ff: {  	v2 =	vld [tilespmem:$0xB20];
	_ =	sdelay $0x4  }
0x400: {  	v2 =	vadd.s32 $0x2000, v2;
	_ =	sdelay $0x4  }
0x401: {  	[tilespmem:v2+s14+$0x0] =	vst.idx.msk $0xffff, v1  }
0x402: {  	v2 =	vld [tilespmem:$0xB30];
	_ =	sdelay $0x4  }
0x403: {  	v2 =	vadd.s32 $0x2000, v2;
	_ =	sdelay $0x4  }
0x404: {  	[tilespmem:v2+s14+$0x0] =	vst.idx.msk $0xffff, v1  }
0x405: {  	v2 =	vld [tilespmem:$0xB40];
	_ =	sdelay $0x4  }
0x406: {  	v2 =	vadd.s32 $0x2800, v2;
	_ =	sdelay $0x4  }
0x407: {  	[tilespmem:v2+s14+$0x0] =	vst.idx.msk $0xffff, v1  }
0x408: {  	v2 =	vld [tilespmem:$0xB50];
	_ =	sdelay $0x4  }
0x409: {  	v2 =	vadd.s32 $0x2800, v2;
	_ =	sdelay $0x4  }
0x40a: {  	[tilespmem:v2+s14+$0x0] =	vst.idx.msk $0xffff, v1  }
0x40b: {  	v2 =	vld [tilespmem:$0xB60];
	_ =	sdelay $0x4  }
0x40c: {  	v2 =	vadd.s32 $0x2800, v2;
	_ =	sdelay $0x4  }
0x40d: {  	[tilespmem:v2+s14+$0x0] =	vst.idx.msk $0xffff, v1  }
0x40e: {  	v2 =	vld [tilespmem:$0xB70];
	_ =	sdelay $0x4  }
0x40f: {  	v2 =	vadd.s32 $0x2800, v2;
	_ =	sdelay $0x4  }
0x410: {  	[tilespmem:v2+s14+$0x0] =	vst.idx.msk $0xffff, v1  }
0x411: {  	v2 =	vld [tilespmem:$0xB80];
	_ =	sdelay $0x4  }
0x412: {  	v2 =	vadd.s32 $0x3000, v2;
	_ =	sdelay $0x4  }
0x413: {  	[tilespmem:v2+s14+$0x0] =	vst.idx.msk $0xffff, v1  }
0x414: {  	v2 =	vld [tilespmem:$0xB90];
	_ =	sdelay $0x4  }
0x415: {  	v2 =	vadd.s32 $0x3000, v2;
	_ =	sdelay $0x4  }
0x416: {  	[tilespmem:v2+s14+$0x0] =	vst.idx.msk $0xffff, v1  }
0x417: {  	v2 =	vld [tilespmem:$0xBA0];
	_ =	sdelay $0x4  }
0x418: {  	v2 =	vadd.s32 $0x3000, v2;
	_ =	sdelay $0x4  }
0x419: {  	[tilespmem:v2+s14+$0x0] =	vst.idx.msk $0xffff, v1  }
0x41a: {  	v2 =	vld [tilespmem:$0xBB0];
	_ =	sdelay $0x4  }
0x41b: {  	v2 =	vadd.s32 $0x3000, v2;
	_ =	sdelay $0x4  }
0x41c: {  	[tilespmem:v2+s14+$0x0] =	vst.idx.msk $0xffff, v1  }
0x41d: {  	v2 =	vld [tilespmem:$0xBC0];
	_ =	sdelay $0x4  }
0x41e: {  	v2 =	vadd.s32 $0x3800, v2;
	_ =	sdelay $0x4  }
0x41f: {  	[tilespmem:v2+s14+$0x0] =	vst.idx.msk $0xffff, v1  }
0x420: {  	v2 =	vld [tilespmem:$0xBD0];
	_ =	sdelay $0x4  }
0x421: {  	v2 =	vadd.s32 $0x3800, v2;
	_ =	sdelay $0x4  }
0x422: {  	[tilespmem:v2+s14+$0x0] =	vst.idx.msk $0xffff, v1  }
0x423: {  	v2 =	vld [tilespmem:$0xBE0];
	_ =	sdelay $0x4  }
0x424: {  	v2 =	vadd.s32 $0x3800, v2;
	_ =	sdelay $0x4  }
0x425: {  	[tilespmem:v2+s14+$0x0] =	vst.idx.msk $0xffff, v1  }
0x426: {  	v2 =	vld [tilespmem:$0xBF0];
	_ =	sdelay $0x4  }
0x427: {  	v2 =	vadd.s32 $0x3800, v2;
	_ =	sdelay $0x4  }
0x428: {  	[tilespmem:v2+s14+$0x0] =	vst.idx.msk $0xffff, v1  }
0x429: {  	[hbm4b:s9+s2] =	stream.linear.scatter [tilespmem:s14], [sflag:$0x1], $0x4000, $0x38;
	[tilespmem:$0x5000] =	vst v63  }
0x42a: {  	_ =	swait.ge [sflag:s15], $0x4000  }
0x42b: {  	[sflag:s15] =	ssyncset.done $0x0  }
0x42c: {  	[sflag:s15] =	ssyncadd.s32 $0xFFFFC000  }
0x42d: {  	v2 =	vld [tilespmem:$0xA00];
	_ =	sdelay $0x7  }
0x42e: {  	[tilespmem:v2+s14+$0x0] =	vst.idx.msk $0xffff, v0  }
0x42f: {  	v2 =	vld [tilespmem:$0xA10];
	_ =	sdelay $0x7  }
0x430: {  	[tilespmem:v2+s14+$0x0] =	vst.idx.msk $0xffff, v0  }
0x431: {  	v2 =	vld [tilespmem:$0xA20];
	_ =	sdelay $0x7  }
0x432: {  	[tilespmem:v2+s14+$0x0] =	vst.idx.msk $0xffff, v0  }
0x433: {  	v2 =	vld [tilespmem:$0xA30];
	_ =	sdelay $0x7  }
0x434: {  	[tilespmem:v2+s14+$0x0] =	vst.idx.msk $0xffff, v0  }
0x435: {  	v2 =	vld [tilespmem:$0xA40];
	_ =	sdelay $0x4  }
0x436: {  	v2 =	vadd.s32 $0x800, v2;
	_ =	sdelay $0x4  }
0x437: {  	[tilespmem:v2+s14+$0x0] =	vst.idx.msk $0xffff, v0  }
0x438: {  	v2 =	vld [tilespmem:$0xA50];
	_ =	sdelay $0x4  }
0x439: {  	v2 =	vadd.s32 $0x800, v2;
	_ =	sdelay $0x4  }
0x43a: {  	[tilespmem:v2+s14+$0x0] =	vst.idx.msk $0xffff, v0  }
0x43b: {  	v2 =	vld [tilespmem:$0xA60];
	_ =	sdelay $0x4  }
0x43c: {  	v2 =	vadd.s32 $0x800, v2;
	_ =	sdelay $0x4  }
0x43d: {  	[tilespmem:v2+s14+$0x0] =	vst.idx.msk $0xffff, v0  }
0x43e: {  	v2 =	vld [tilespmem:$0xA70];
	_ =	sdelay $0x4  }
0x43f: {  	v2 =	vadd.s32 $0x800, v2;
	_ =	sdelay $0x4  }
0x440: {  	[tilespmem:v2+s14+$0x0] =	vst.idx.msk $0xffff, v0  }
0x441: {  	v2 =	vld [tilespmem:$0xA80];
	_ =	sdelay $0x4  }
0x442: {  	v2 =	vadd.s32 $0x1000, v2;
	_ =	sdelay $0x4  }
0x443: {  	[tilespmem:v2+s14+$0x0] =	vst.idx.msk $0xffff, v0  }
0x444: {  	v2 =	vld [tilespmem:$0xA90];
	_ =	sdelay $0x4  }
0x445: {  	v2 =	vadd.s32 $0x1000, v2;
	_ =	sdelay $0x4  }
0x446: {  	[tilespmem:v2+s14+$0x0] =	vst.idx.msk $0xffff, v0  }
0x447: {  	v2 =	vld [tilespmem:$0xAA0];
	_ =	sdelay $0x4  }
0x448: {  	v2 =	vadd.s32 $0x1000, v2;
	_ =	sdelay $0x4  }
0x449: {  	[tilespmem:v2+s14+$0x0] =	vst.idx.msk $0xffff, v0  }
0x44a: {  	v2 =	vld [tilespmem:$0xAB0];
	_ =	sdelay $0x4  }
0x44b: {  	v2 =	vadd.s32 $0x1000, v2;
	_ =	sdelay $0x4  }
0x44c: {  	[tilespmem:v2+s14+$0x0] =	vst.idx.msk $0xffff, v0  }
0x44d: {  	v2 =	vld [tilespmem:$0xAC0];
	_ =	sdelay $0x4  }
0x44e: {  	v2 =	vadd.s32 $0x1800, v2;
	_ =	sdelay $0x4  }
0x44f: {  	[tilespmem:v2+s14+$0x0] =	vst.idx.msk $0xffff, v0  }
0x450: {  	v2 =	vld [tilespmem:$0xAD0];
	_ =	sdelay $0x4  }
0x451: {  	v2 =	vadd.s32 $0x1800, v2;
	_ =	sdelay $0x4  }
0x452: {  	[tilespmem:v2+s14+$0x0] =	vst.idx.msk $0xffff, v0  }
0x453: {  	v2 =	vld [tilespmem:$0xAE0];
	_ =	sdelay $0x4  }
0x454: {  	v2 =	vadd.s32 $0x1800, v2;
	_ =	sdelay $0x4  }
0x455: {  	[tilespmem:v2+s14+$0x0] =	vst.idx.msk $0xffff, v0  }
0x456: {  	v2 =	vld [tilespmem:$0xAF0];
	_ =	sdelay $0x4  }
0x457: {  	v2 =	vadd.s32 $0x1800, v2;
	_ =	sdelay $0x4  }
0x458: {  	[tilespmem:v2+s14+$0x0] =	vst.idx.msk $0xffff, v0  }
0x459: {  	v2 =	vld [tilespmem:$0xB00];
	_ =	sdelay $0x4  }
0x45a: {  	v2 =	vadd.s32 $0x2000, v2;
	_ =	sdelay $0x4  }
0x45b: {  	[tilespmem:v2+s14+$0x0] =	vst.idx.msk $0xffff, v0  }
0x45c: {  	v2 =	vld [tilespmem:$0xB10];
	_ =	sdelay $0x4  }
0x45d: {  	v2 =	vadd.s32 $0x2000, v2;
	_ =	sdelay $0x4  }
0x45e: {  	[tilespmem:v2+s14+$0x0] =	vst.idx.msk $0xffff, v0  }
0x45f: {  	v2 =	vld [tilespmem:$0xB20];
	_ =	sdelay $0x4  }
0x460: {  	v2 =	vadd.s32 $0x2000, v2;
	_ =	sdelay $0x4  }
0x461: {  	[tilespmem:v2+s14+$0x0] =	vst.idx.msk $0xffff, v0  }
0x462: {  	v2 =	vld [tilespmem:$0xB30];
	_ =	sdelay $0x4  }
0x463: {  	v2 =	vadd.s32 $0x2000, v2;
	_ =	sdelay $0x4  }
0x464: {  	[tilespmem:v2+s14+$0x0] =	vst.idx.msk $0xffff, v0  }
0x465: {  	v2 =	vld [tilespmem:$0xB40];
	_ =	sdelay $0x4  }
0x466: {  	v2 =	vadd.s32 $0x2800, v2;
	_ =	sdelay $0x4  }
0x467: {  	[tilespmem:v2+s14+$0x0] =	vst.idx.msk $0xffff, v0  }
0x468: {  	v2 =	vld [tilespmem:$0xB50];
	_ =	sdelay $0x4  }
0x469: {  	v2 =	vadd.s32 $0x2800, v2;
	_ =	sdelay $0x4  }
0x46a: {  	[tilespmem:v2+s14+$0x0] =	vst.idx.msk $0xffff, v0  }
0x46b: {  	v2 =	vld [tilespmem:$0xB60];
	_ =	sdelay $0x4  }
0x46c: {  	v2 =	vadd.s32 $0x2800, v2;
	_ =	sdelay $0x4  }
0x46d: {  	[tilespmem:v2+s14+$0x0] =	vst.idx.msk $0xffff, v0  }
0x46e: {  	v2 =	vld [tilespmem:$0xB70];
	_ =	sdelay $0x4  }
0x46f: {  	v2 =	vadd.s32 $0x2800, v2;
	_ =	sdelay $0x4  }
0x470: {  	[tilespmem:v2+s14+$0x0] =	vst.idx.msk $0xffff, v0  }
0x471: {  	v2 =	vld [tilespmem:$0xB80];
	_ =	sdelay $0x4  }
0x472: {  	v2 =	vadd.s32 $0x3000, v2;
	_ =	sdelay $0x4  }
0x473: {  	[tilespmem:v2+s14+$0x0] =	vst.idx.msk $0xffff, v0  }
0x474: {  	v2 =	vld [tilespmem:$0xB90];
	_ =	sdelay $0x4  }
0x475: {  	v2 =	vadd.s32 $0x3000, v2;
	_ =	sdelay $0x4  }
0x476: {  	[tilespmem:v2+s14+$0x0] =	vst.idx.msk $0xffff, v0  }
0x477: {  	v2 =	vld [tilespmem:$0xBA0];
	_ =	sdelay $0x4  }
0x478: {  	v2 =	vadd.s32 $0x3000, v2;
	_ =	sdelay $0x4  }
0x479: {  	[tilespmem:v2+s14+$0x0] =	vst.idx.msk $0xffff, v0  }
0x47a: {  	v2 =	vld [tilespmem:$0xBB0];
	_ =	sdelay $0x4  }
0x47b: {  	v2 =	vadd.s32 $0x3000, v2;
	_ =	sdelay $0x4  }
0x47c: {  	[tilespmem:v2+s14+$0x0] =	vst.idx.msk $0xffff, v0  }
0x47d: {  	v2 =	vld [tilespmem:$0xBC0];
	_ =	sdelay $0x4  }
0x47e: {  	v2 =	vadd.s32 $0x3800, v2;
	_ =	sdelay $0x4  }
0x47f: {  	[tilespmem:v2+s14+$0x0] =	vst.idx.msk $0xffff, v0  }
0x480: {  	v2 =	vld [tilespmem:$0xBD0];
	_ =	sdelay $0x4  }
0x481: {  	v2 =	vadd.s32 $0x3800, v2;
	_ =	sdelay $0x4  }
0x482: {  	[tilespmem:v2+s14+$0x0] =	vst.idx.msk $0xffff, v0  }
0x483: {  	v2 =	vld [tilespmem:$0xBE0];
	_ =	sdelay $0x4  }
0x484: {  	v2 =	vadd.s32 $0x3800, v2;
	_ =	sdelay $0x4  }
0x485: {  	[tilespmem:v2+s14+$0x0] =	vst.idx.msk $0xffff, v0  }
0x486: {  	v2 =	vld [tilespmem:$0xBF0];
	_ =	sdelay $0x4  }
0x487: {  	v2 =	vadd.s32 $0x3800, v2;
	_ =	sdelay $0x4  }
0x488: {  	[tilespmem:v2+s14+$0x0] =	vst.idx.msk $0xffff, v0  }
0x489: {  	v2 =	vld [tilespmem:$0xC00];
	_ =	sdelay $0x7  }
0x48a: {  	[tilespmem:v2+s14+$0x0] =	vst.idx.msk $0xffff, v1  }
0x48b: {  	v2 =	vld [tilespmem:$0xC10];
	_ =	sdelay $0x7  }
0x48c: {  	[tilespmem:v2+s14+$0x0] =	vst.idx.msk $0xffff, v1  }
0x48d: {  	v2 =	vld [tilespmem:$0xC20];
	_ =	sdelay $0x7  }
0x48e: {  	[tilespmem:v2+s14+$0x0] =	vst.idx.msk $0xffff, v1  }
0x48f: {  	v2 =	vld [tilespmem:$0xC30];
	_ =	sdelay $0x7  }
0x490: {  	[tilespmem:v2+s14+$0x0] =	vst.idx.msk $0xffff, v1  }
0x491: {  	v2 =	vld [tilespmem:$0xC40];
	_ =	sdelay $0x4  }
0x492: {  	v2 =	vadd.s32 $0x800, v2;
	_ =	sdelay $0x4  }
0x493: {  	[tilespmem:v2+s14+$0x0] =	vst.idx.msk $0xffff, v1  }
0x494: {  	v2 =	vld [tilespmem:$0xC50];
	_ =	sdelay $0x4  }
0x495: {  	v2 =	vadd.s32 $0x800, v2;
	_ =	sdelay $0x4  }
0x496: {  	[tilespmem:v2+s14+$0x0] =	vst.idx.msk $0xffff, v1  }
0x497: {  	v2 =	vld [tilespmem:$0xC60];
	_ =	sdelay $0x4  }
0x498: {  	v2 =	vadd.s32 $0x800, v2;
	_ =	sdelay $0x4  }
0x499: {  	[tilespmem:v2+s14+$0x0] =	vst.idx.msk $0xffff, v1  }
0x49a: {  	v2 =	vld [tilespmem:$0xC70];
	_ =	sdelay $0x4  }
0x49b: {  	v2 =	vadd.s32 $0x800, v2;
	_ =	sdelay $0x4  }
0x49c: {  	[tilespmem:v2+s14+$0x0] =	vst.idx.msk $0xffff, v1  }
0x49d: {  	v2 =	vld [tilespmem:$0xC80];
	_ =	sdelay $0x4  }
0x49e: {  	v2 =	vadd.s32 $0x1000, v2;
	_ =	sdelay $0x4  }
0x49f: {  	[tilespmem:v2+s14+$0x0] =	vst.idx.msk $0xffff, v1  }
0x4a0: {  	v2 =	vld [tilespmem:$0xC90];
	_ =	sdelay $0x4  }
0x4a1: {  	v2 =	vadd.s32 $0x1000, v2;
	_ =	sdelay $0x4  }
0x4a2: {  	[tilespmem:v2+s14+$0x0] =	vst.idx.msk $0xffff, v1  }
0x4a3: {  	v2 =	vld [tilespmem:$0xCA0];
	_ =	sdelay $0x4  }
0x4a4: {  	v2 =	vadd.s32 $0x1000, v2;
	_ =	sdelay $0x4  }
0x4a5: {  	[tilespmem:v2+s14+$0x0] =	vst.idx.msk $0xffff, v1  }
0x4a6: {  	v2 =	vld [tilespmem:$0xCB0];
	_ =	sdelay $0x4  }
0x4a7: {  	v2 =	vadd.s32 $0x1000, v2;
	_ =	sdelay $0x4  }
0x4a8: {  	[tilespmem:v2+s14+$0x0] =	vst.idx.msk $0xffff, v1  }
0x4a9: {  	v2 =	vld [tilespmem:$0xCC0];
	_ =	sdelay $0x4  }
0x4aa: {  	v2 =	vadd.s32 $0x1800, v2;
	_ =	sdelay $0x4  }
0x4ab: {  	[tilespmem:v2+s14+$0x0] =	vst.idx.msk $0xffff, v1  }
0x4ac: {  	v2 =	vld [tilespmem:$0xCD0];
	_ =	sdelay $0x4  }
0x4ad: {  	v2 =	vadd.s32 $0x1800, v2;
	_ =	sdelay $0x4  }
0x4ae: {  	[tilespmem:v2+s14+$0x0] =	vst.idx.msk $0xffff, v1  }
0x4af: {  	v2 =	vld [tilespmem:$0xCE0];
	_ =	sdelay $0x4  }
0x4b0: {  	v2 =	vadd.s32 $0x1800, v2;
	_ =	sdelay $0x4  }
0x4b1: {  	[tilespmem:v2+s14+$0x0] =	vst.idx.msk $0xffff, v1  }
0x4b2: {  	v2 =	vld [tilespmem:$0xCF0];
	_ =	sdelay $0x4  }
0x4b3: {  	v2 =	vadd.s32 $0x1800, v2;
	_ =	sdelay $0x4  }
0x4b4: {  	[tilespmem:v2+s14+$0x0] =	vst.idx.msk $0xffff, v1  }
0x4b5: {  	v2 =	vld [tilespmem:$0xD00];
	_ =	sdelay $0x4  }
0x4b6: {  	v2 =	vadd.s32 $0x2000, v2;
	_ =	sdelay $0x4  }
0x4b7: {  	[tilespmem:v2+s14+$0x0] =	vst.idx.msk $0xffff, v1  }
0x4b8: {  	v2 =	vld [tilespmem:$0xD10];
	_ =	sdelay $0x4  }
0x4b9: {  	v2 =	vadd.s32 $0x2000, v2;
	_ =	sdelay $0x4  }
0x4ba: {  	[tilespmem:v2+s14+$0x0] =	vst.idx.msk $0xffff, v1  }
0x4bb: {  	v2 =	vld [tilespmem:$0xD20];
	_ =	sdelay $0x4  }
0x4bc: {  	v2 =	vadd.s32 $0x2000, v2;
	_ =	sdelay $0x4  }
0x4bd: {  	[tilespmem:v2+s14+$0x0] =	vst.idx.msk $0xffff, v1  }
0x4be: {  	v2 =	vld [tilespmem:$0xD30];
	_ =	sdelay $0x4  }
0x4bf: {  	v2 =	vadd.s32 $0x2000, v2;
	_ =	sdelay $0x4  }
0x4c0: {  	[tilespmem:v2+s14+$0x0] =	vst.idx.msk $0xffff, v1  }
0x4c1: {  	v2 =	vld [tilespmem:$0xD40];
	_ =	sdelay $0x4  }
0x4c2: {  	v2 =	vadd.s32 $0x2800, v2;
	_ =	sdelay $0x4  }
0x4c3: {  	[tilespmem:v2+s14+$0x0] =	vst.idx.msk $0xffff, v1  }
0x4c4: {  	v2 =	vld [tilespmem:$0xD50];
	_ =	sdelay $0x4  }
0x4c5: {  	v2 =	vadd.s32 $0x2800, v2;
	_ =	sdelay $0x4  }
0x4c6: {  	[tilespmem:v2+s14+$0x0] =	vst.idx.msk $0xffff, v1  }
0x4c7: {  	v2 =	vld [tilespmem:$0xD60];
	_ =	sdelay $0x4  }
0x4c8: {  	v2 =	vadd.s32 $0x2800, v2;
	_ =	sdelay $0x4  }
0x4c9: {  	[tilespmem:v2+s14+$0x0] =	vst.idx.msk $0xffff, v1  }
0x4ca: {  	v2 =	vld [tilespmem:$0xD70];
	_ =	sdelay $0x4  }
0x4cb: {  	v2 =	vadd.s32 $0x2800, v2;
	_ =	sdelay $0x4  }
0x4cc: {  	[tilespmem:v2+s14+$0x0] =	vst.idx.msk $0xffff, v1  }
0x4cd: {  	v2 =	vld [tilespmem:$0xD80];
	_ =	sdelay $0x4  }
0x4ce: {  	v2 =	vadd.s32 $0x3000, v2;
	_ =	sdelay $0x4  }
0x4cf: {  	[tilespmem:v2+s14+$0x0] =	vst.idx.msk $0xffff, v1  }
0x4d0: {  	v2 =	vld [tilespmem:$0xD90];
	_ =	sdelay $0x4  }
0x4d1: {  	v2 =	vadd.s32 $0x3000, v2;
	_ =	sdelay $0x4  }
0x4d2: {  	[tilespmem:v2+s14+$0x0] =	vst.idx.msk $0xffff, v1  }
0x4d3: {  	v2 =	vld [tilespmem:$0xDA0];
	_ =	sdelay $0x4  }
0x4d4: {  	v2 =	vadd.s32 $0x3000, v2;
	_ =	sdelay $0x4  }
0x4d5: {  	[tilespmem:v2+s14+$0x0] =	vst.idx.msk $0xffff, v1  }
0x4d6: {  	v2 =	vld [tilespmem:$0xDB0];
	_ =	sdelay $0x4  }
0x4d7: {  	v2 =	vadd.s32 $0x3000, v2;
	_ =	sdelay $0x4  }
0x4d8: {  	[tilespmem:v2+s14+$0x0] =	vst.idx.msk $0xffff, v1  }
0x4d9: {  	v2 =	vld [tilespmem:$0xDC0];
	_ =	sdelay $0x4  }
0x4da: {  	v2 =	vadd.s32 $0x3800, v2;
	_ =	sdelay $0x4  }
0x4db: {  	[tilespmem:v2+s14+$0x0] =	vst.idx.msk $0xffff, v1  }
0x4dc: {  	v2 =	vld [tilespmem:$0xDD0];
	_ =	sdelay $0x4  }
0x4dd: {  	v2 =	vadd.s32 $0x3800, v2;
	_ =	sdelay $0x4  }
0x4de: {  	[tilespmem:v2+s14+$0x0] =	vst.idx.msk $0xffff, v1  }
0x4df: {  	v2 =	vld [tilespmem:$0xDE0];
	_ =	sdelay $0x4  }
0x4e0: {  	v2 =	vadd.s32 $0x3800, v2;
	_ =	sdelay $0x4  }
0x4e1: {  	[tilespmem:v2+s14+$0x0] =	vst.idx.msk $0xffff, v1  }
0x4e2: {  	v2 =	vld [tilespmem:$0xDF0];
	_ =	sdelay $0x4  }
0x4e3: {  	v2 =	vadd.s32 $0x3800, v2;
	_ =	sdelay $0x4  }
0x4e4: {  	[tilespmem:v2+s14+$0x0] =	vst.idx.msk $0xffff, v1  }
0x4e5: {  	[hbm4b:s10+s2] =	stream.linear.scatter [tilespmem:s14], [sflag:$0x1], $0x4000, $0x38;
	[tilespmem:$0x5000] =	vst v63  }
0x4e6: {  	_ =	swait.ge [sflag:s15], $0x4000  }
0x4e7: {  	[sflag:s15] =	ssyncset.done $0x0  }
0x4e8: {  	[sflag:s15] =	ssyncadd.s32 $0xFFFFC000  }
0x4e9: {  	v2 =	vld [tilespmem:$0xC00];
	_ =	sdelay $0x7  }
0x4ea: {  	[tilespmem:v2+s14+$0x0] =	vst.idx.msk $0xffff, v0  }
0x4eb: {  	v2 =	vld [tilespmem:$0xC10];
	_ =	sdelay $0x7  }
0x4ec: {  	[tilespmem:v2+s14+$0x0] =	vst.idx.msk $0xffff, v0  }
0x4ed: {  	v2 =	vld [tilespmem:$0xC20];
	_ =	sdelay $0x7  }
0x4ee: {  	[tilespmem:v2+s14+$0x0] =	vst.idx.msk $0xffff, v0  }
0x4ef: {  	v2 =	vld [tilespmem:$0xC30];
	_ =	sdelay $0x7  }
0x4f0: {  	[tilespmem:v2+s14+$0x0] =	vst.idx.msk $0xffff, v0  }
0x4f1: {  	v2 =	vld [tilespmem:$0xC40];
	_ =	sdelay $0x4  }
0x4f2: {  	v2 =	vadd.s32 $0x800, v2;
	_ =	sdelay $0x4  }
0x4f3: {  	[tilespmem:v2+s14+$0x0] =	vst.idx.msk $0xffff, v0  }
0x4f4: {  	v2 =	vld [tilespmem:$0xC50];
	_ =	sdelay $0x4  }
0x4f5: {  	v2 =	vadd.s32 $0x800, v2;
	_ =	sdelay $0x4  }
0x4f6: {  	[tilespmem:v2+s14+$0x0] =	vst.idx.msk $0xffff, v0  }
0x4f7: {  	v2 =	vld [tilespmem:$0xC60];
	_ =	sdelay $0x4  }
0x4f8: {  	v2 =	vadd.s32 $0x800, v2;
	_ =	sdelay $0x4  }
0x4f9: {  	[tilespmem:v2+s14+$0x0] =	vst.idx.msk $0xffff, v0  }
0x4fa: {  	v2 =	vld [tilespmem:$0xC70];
	_ =	sdelay $0x4  }
0x4fb: {  	v2 =	vadd.s32 $0x800, v2;
	_ =	sdelay $0x4  }
0x4fc: {  	[tilespmem:v2+s14+$0x0] =	vst.idx.msk $0xffff, v0  }
0x4fd: {  	v2 =	vld [tilespmem:$0xC80];
	_ =	sdelay $0x4  }
0x4fe: {  	v2 =	vadd.s32 $0x1000, v2;
	_ =	sdelay $0x4  }
0x4ff: {  	[tilespmem:v2+s14+$0x0] =	vst.idx.msk $0xffff, v0  }
0x500: {  	v2 =	vld [tilespmem:$0xC90];
	_ =	sdelay $0x4  }
0x501: {  	v2 =	vadd.s32 $0x1000, v2;
	_ =	sdelay $0x4  }
0x502: {  	[tilespmem:v2+s14+$0x0] =	vst.idx.msk $0xffff, v0  }
0x503: {  	v2 =	vld [tilespmem:$0xCA0];
	_ =	sdelay $0x4  }
0x504: {  	v2 =	vadd.s32 $0x1000, v2;
	_ =	sdelay $0x4  }
0x505: {  	[tilespmem:v2+s14+$0x0] =	vst.idx.msk $0xffff, v0  }
0x506: {  	v2 =	vld [tilespmem:$0xCB0];
	_ =	sdelay $0x4  }
0x507: {  	v2 =	vadd.s32 $0x1000, v2;
	_ =	sdelay $0x4  }
0x508: {  	[tilespmem:v2+s14+$0x0] =	vst.idx.msk $0xffff, v0  }
0x509: {  	v2 =	vld [tilespmem:$0xCC0];
	_ =	sdelay $0x4  }
0x50a: {  	v2 =	vadd.s32 $0x1800, v2;
	_ =	sdelay $0x4  }
0x50b: {  	[tilespmem:v2+s14+$0x0] =	vst.idx.msk $0xffff, v0  }
0x50c: {  	v2 =	vld [tilespmem:$0xCD0];
	_ =	sdelay $0x4  }
0x50d: {  	v2 =	vadd.s32 $0x1800, v2;
	_ =	sdelay $0x4  }
0x50e: {  	[tilespmem:v2+s14+$0x0] =	vst.idx.msk $0xffff, v0  }
0x50f: {  	v2 =	vld [tilespmem:$0xCE0];
	_ =	sdelay $0x4  }
0x510: {  	v2 =	vadd.s32 $0x1800, v2;
	_ =	sdelay $0x4  }
0x511: {  	[tilespmem:v2+s14+$0x0] =	vst.idx.msk $0xffff, v0  }
0x512: {  	v2 =	vld [tilespmem:$0xCF0];
	_ =	sdelay $0x4  }
0x513: {  	v2 =	vadd.s32 $0x1800, v2;
	_ =	sdelay $0x4  }
0x514: {  	[tilespmem:v2+s14+$0x0] =	vst.idx.msk $0xffff, v0  }
0x515: {  	v2 =	vld [tilespmem:$0xD00];
	_ =	sdelay $0x4  }
0x516: {  	v2 =	vadd.s32 $0x2000, v2;
	_ =	sdelay $0x4  }
0x517: {  	[tilespmem:v2+s14+$0x0] =	vst.idx.msk $0xffff, v0  }
0x518: {  	v2 =	vld [tilespmem:$0xD10];
	_ =	sdelay $0x4  }
0x519: {  	v2 =	vadd.s32 $0x2000, v2;
	_ =	sdelay $0x4  }
0x51a: {  	[tilespmem:v2+s14+$0x0] =	vst.idx.msk $0xffff, v0  }
0x51b: {  	v2 =	vld [tilespmem:$0xD20];
	_ =	sdelay $0x4  }
0x51c: {  	v2 =	vadd.s32 $0x2000, v2;
	_ =	sdelay $0x4  }
0x51d: {  	[tilespmem:v2+s14+$0x0] =	vst.idx.msk $0xffff, v0  }
0x51e: {  	v2 =	vld [tilespmem:$0xD30];
	_ =	sdelay $0x4  }
0x51f: {  	v2 =	vadd.s32 $0x2000, v2;
	_ =	sdelay $0x4  }
0x520: {  	[tilespmem:v2+s14+$0x0] =	vst.idx.msk $0xffff, v0  }
0x521: {  	v2 =	vld [tilespmem:$0xD40];
	_ =	sdelay $0x4  }
0x522: {  	v2 =	vadd.s32 $0x2800, v2;
	_ =	sdelay $0x4  }
0x523: {  	[tilespmem:v2+s14+$0x0] =	vst.idx.msk $0xffff, v0  }
0x524: {  	v2 =	vld [tilespmem:$0xD50];
	_ =	sdelay $0x4  }
0x525: {  	v2 =	vadd.s32 $0x2800, v2;
	_ =	sdelay $0x4  }
0x526: {  	[tilespmem:v2+s14+$0x0] =	vst.idx.msk $0xffff, v0  }
0x527: {  	v2 =	vld [tilespmem:$0xD60];
	_ =	sdelay $0x4  }
0x528: {  	v2 =	vadd.s32 $0x2800, v2;
	_ =	sdelay $0x4  }
0x529: {  	[tilespmem:v2+s14+$0x0] =	vst.idx.msk $0xffff, v0  }
0x52a: {  	v2 =	vld [tilespmem:$0xD70];
	_ =	sdelay $0x4  }
0x52b: {  	v2 =	vadd.s32 $0x2800, v2;
	_ =	sdelay $0x4  }
0x52c: {  	[tilespmem:v2+s14+$0x0] =	vst.idx.msk $0xffff, v0  }
0x52d: {  	v2 =	vld [tilespmem:$0xD80];
	_ =	sdelay $0x4  }
0x52e: {  	v2 =	vadd.s32 $0x3000, v2;
	_ =	sdelay $0x4  }
0x52f: {  	[tilespmem:v2+s14+$0x0] =	vst.idx.msk $0xffff, v0  }
0x530: {  	v2 =	vld [tilespmem:$0xD90];
	_ =	sdelay $0x4  }
0x531: {  	v2 =	vadd.s32 $0x3000, v2;
	_ =	sdelay $0x4  }
0x532: {  	[tilespmem:v2+s14+$0x0] =	vst.idx.msk $0xffff, v0  }
0x533: {  	v2 =	vld [tilespmem:$0xDA0];
	_ =	sdelay $0x4  }
0x534: {  	v2 =	vadd.s32 $0x3000, v2;
	_ =	sdelay $0x4  }
0x535: {  	[tilespmem:v2+s14+$0x0] =	vst.idx.msk $0xffff, v0  }
0x536: {  	v2 =	vld [tilespmem:$0xDB0];
	_ =	sdelay $0x4  }
0x537: {  	v2 =	vadd.s32 $0x3000, v2;
	_ =	sdelay $0x4  }
0x538: {  	[tilespmem:v2+s14+$0x0] =	vst.idx.msk $0xffff, v0  }
0x539: {  	v2 =	vld [tilespmem:$0xDC0];
	_ =	sdelay $0x4  }
0x53a: {  	v2 =	vadd.s32 $0x3800, v2;
	_ =	sdelay $0x4  }
0x53b: {  	[tilespmem:v2+s14+$0x0] =	vst.idx.msk $0xffff, v0  }
0x53c: {  	v2 =	vld [tilespmem:$0xDD0];
	_ =	sdelay $0x4  }
0x53d: {  	v2 =	vadd.s32 $0x3800, v2;
	_ =	sdelay $0x4  }
0x53e: {  	[tilespmem:v2+s14+$0x0] =	vst.idx.msk $0xffff, v0  }
0x53f: {  	v2 =	vld [tilespmem:$0xDE0];
	_ =	sdelay $0x4  }
0x540: {  	v2 =	vadd.s32 $0x3800, v2;
	_ =	sdelay $0x4  }
0x541: {  	[tilespmem:v2+s14+$0x0] =	vst.idx.msk $0xffff, v0  }
0x542: {  	v2 =	vld [tilespmem:$0xDF0];
	_ =	sdelay $0x4  }
0x543: {  	v2 =	vadd.s32 $0x3800, v2;
	_ =	sdelay $0x4  }
0x544: {  	[tilespmem:v2+s14+$0x0] =	vst.idx.msk $0xffff, v0  }
0x545: {  	v2 =	vld [tilespmem:$0xE00];
	_ =	sdelay $0x7  }
0x546: {  	[tilespmem:v2+s14+$0x0] =	vst.idx.msk $0xffff, v1  }
0x547: {  	v2 =	vld [tilespmem:$0xE10];
	_ =	sdelay $0x7  }
0x548: {  	[tilespmem:v2+s14+$0x0] =	vst.idx.msk $0xffff, v1  }
0x549: {  	v2 =	vld [tilespmem:$0xE20];
	_ =	sdelay $0x7  }
0x54a: {  	[tilespmem:v2+s14+$0x0] =	vst.idx.msk $0xffff, v1  }
0x54b: {  	v2 =	vld [tilespmem:$0xE30];
	_ =	sdelay $0x7  }
0x54c: {  	[tilespmem:v2+s14+$0x0] =	vst.idx.msk $0xffff, v1  }
0x54d: {  	v2 =	vld [tilespmem:$0xE40];
	_ =	sdelay $0x4  }
0x54e: {  	v2 =	vadd.s32 $0x800, v2;
	_ =	sdelay $0x4  }
0x54f: {  	[tilespmem:v2+s14+$0x0] =	vst.idx.msk $0xffff, v1  }
0x550: {  	v2 =	vld [tilespmem:$0xE50];
	_ =	sdelay $0x4  }
0x551: {  	v2 =	vadd.s32 $0x800, v2;
	_ =	sdelay $0x4  }
0x552: {  	[tilespmem:v2+s14+$0x0] =	vst.idx.msk $0xffff, v1  }
0x553: {  	v2 =	vld [tilespmem:$0xE60];
	_ =	sdelay $0x4  }
0x554: {  	v2 =	vadd.s32 $0x800, v2;
	_ =	sdelay $0x4  }
0x555: {  	[tilespmem:v2+s14+$0x0] =	vst.idx.msk $0xffff, v1  }
0x556: {  	v2 =	vld [tilespmem:$0xE70];
	_ =	sdelay $0x4  }
0x557: {  	v2 =	vadd.s32 $0x800, v2;
	_ =	sdelay $0x4  }
0x558: {  	[tilespmem:v2+s14+$0x0] =	vst.idx.msk $0xffff, v1  }
0x559: {  	v2 =	vld [tilespmem:$0xE80];
	_ =	sdelay $0x4  }
0x55a: {  	v2 =	vadd.s32 $0x1000, v2;
	_ =	sdelay $0x4  }
0x55b: {  	[tilespmem:v2+s14+$0x0] =	vst.idx.msk $0xffff, v1  }
0x55c: {  	v2 =	vld [tilespmem:$0xE90];
	_ =	sdelay $0x4  }
0x55d: {  	v2 =	vadd.s32 $0x1000, v2;
	_ =	sdelay $0x4  }
0x55e: {  	[tilespmem:v2+s14+$0x0] =	vst.idx.msk $0xffff, v1  }
0x55f: {  	v2 =	vld [tilespmem:$0xEA0];
	_ =	sdelay $0x4  }
0x560: {  	v2 =	vadd.s32 $0x1000, v2;
	_ =	sdelay $0x4  }
0x561: {  	[tilespmem:v2+s14+$0x0] =	vst.idx.msk $0xffff, v1  }
0x562: {  	v2 =	vld [tilespmem:$0xEB0];
	_ =	sdelay $0x4  }
0x563: {  	v2 =	vadd.s32 $0x1000, v2;
	_ =	sdelay $0x4  }
0x564: {  	[tilespmem:v2+s14+$0x0] =	vst.idx.msk $0xffff, v1  }
0x565: {  	v2 =	vld [tilespmem:$0xEC0];
	_ =	sdelay $0x4  }
0x566: {  	v2 =	vadd.s32 $0x1800, v2;
	_ =	sdelay $0x4  }
0x567: {  	[tilespmem:v2+s14+$0x0] =	vst.idx.msk $0xffff, v1  }
0x568: {  	v2 =	vld [tilespmem:$0xED0];
	_ =	sdelay $0x4  }
0x569: {  	v2 =	vadd.s32 $0x1800, v2;
	_ =	sdelay $0x4  }
0x56a: {  	[tilespmem:v2+s14+$0x0] =	vst.idx.msk $0xffff, v1  }
0x56b: {  	v2 =	vld [tilespmem:$0xEE0];
	_ =	sdelay $0x4  }
0x56c: {  	v2 =	vadd.s32 $0x1800, v2;
	_ =	sdelay $0x4  }
0x56d: {  	[tilespmem:v2+s14+$0x0] =	vst.idx.msk $0xffff, v1  }
0x56e: {  	v2 =	vld [tilespmem:$0xEF0];
	_ =	sdelay $0x4  }
0x56f: {  	v2 =	vadd.s32 $0x1800, v2;
	_ =	sdelay $0x4  }
0x570: {  	[tilespmem:v2+s14+$0x0] =	vst.idx.msk $0xffff, v1  }
0x571: {  	v2 =	vld [tilespmem:$0xF00];
	_ =	sdelay $0x4  }
0x572: {  	v2 =	vadd.s32 $0x2000, v2;
	_ =	sdelay $0x4  }
0x573: {  	[tilespmem:v2+s14+$0x0] =	vst.idx.msk $0xffff, v1  }
0x574: {  	v2 =	vld [tilespmem:$0xF10];
	_ =	sdelay $0x4  }
0x575: {  	v2 =	vadd.s32 $0x2000, v2;
	_ =	sdelay $0x4  }
0x576: {  	[tilespmem:v2+s14+$0x0] =	vst.idx.msk $0xffff, v1  }
0x577: {  	v2 =	vld [tilespmem:$0xF20];
	_ =	sdelay $0x4  }
0x578: {  	v2 =	vadd.s32 $0x2000, v2;
	_ =	sdelay $0x4  }
0x579: {  	[tilespmem:v2+s14+$0x0] =	vst.idx.msk $0xffff, v1  }
0x57a: {  	v2 =	vld [tilespmem:$0xF30];
	_ =	sdelay $0x4  }
0x57b: {  	v2 =	vadd.s32 $0x2000, v2;
	_ =	sdelay $0x4  }
0x57c: {  	[tilespmem:v2+s14+$0x0] =	vst.idx.msk $0xffff, v1  }
0x57d: {  	v2 =	vld [tilespmem:$0xF40];
	_ =	sdelay $0x4  }
0x57e: {  	v2 =	vadd.s32 $0x2800, v2;
	_ =	sdelay $0x4  }
0x57f: {  	[tilespmem:v2+s14+$0x0] =	vst.idx.msk $0xffff, v1  }
0x580: {  	v2 =	vld [tilespmem:$0xF50];
	_ =	sdelay $0x4  }
0x581: {  	v2 =	vadd.s32 $0x2800, v2;
	_ =	sdelay $0x4  }
0x582: {  	[tilespmem:v2+s14+$0x0] =	vst.idx.msk $0xffff, v1  }
0x583: {  	v2 =	vld [tilespmem:$0xF60];
	_ =	sdelay $0x4  }
0x584: {  	v2 =	vadd.s32 $0x2800, v2;
	_ =	sdelay $0x4  }
0x585: {  	[tilespmem:v2+s14+$0x0] =	vst.idx.msk $0xffff, v1  }
0x586: {  	v2 =	vld [tilespmem:$0xF70];
	_ =	sdelay $0x4  }
0x587: {  	v2 =	vadd.s32 $0x2800, v2;
	_ =	sdelay $0x4  }
0x588: {  	[tilespmem:v2+s14+$0x0] =	vst.idx.msk $0xffff, v1  }
0x589: {  	v2 =	vld [tilespmem:$0xF80];
	_ =	sdelay $0x4  }
0x58a: {  	v2 =	vadd.s32 $0x3000, v2;
	_ =	sdelay $0x4  }
0x58b: {  	[tilespmem:v2+s14+$0x0] =	vst.idx.msk $0xffff, v1  }
0x58c: {  	v2 =	vld [tilespmem:$0xF90];
	_ =	sdelay $0x4  }
0x58d: {  	v2 =	vadd.s32 $0x3000, v2;
	_ =	sdelay $0x4  }
0x58e: {  	[tilespmem:v2+s14+$0x0] =	vst.idx.msk $0xffff, v1  }
0x58f: {  	v2 =	vld [tilespmem:$0xFA0];
	_ =	sdelay $0x4  }
0x590: {  	v2 =	vadd.s32 $0x3000, v2;
	_ =	sdelay $0x4  }
0x591: {  	[tilespmem:v2+s14+$0x0] =	vst.idx.msk $0xffff, v1  }
0x592: {  	v2 =	vld [tilespmem:$0xFB0];
	_ =	sdelay $0x4  }
0x593: {  	v2 =	vadd.s32 $0x3000, v2;
	_ =	sdelay $0x4  }
0x594: {  	[tilespmem:v2+s14+$0x0] =	vst.idx.msk $0xffff, v1  }
0x595: {  	v2 =	vld [tilespmem:$0xFC0];
	_ =	sdelay $0x4  }
0x596: {  	v2 =	vadd.s32 $0x3800, v2;
	_ =	sdelay $0x4  }
0x597: {  	[tilespmem:v2+s14+$0x0] =	vst.idx.msk $0xffff, v1  }
0x598: {  	v2 =	vld [tilespmem:$0xFD0];
	_ =	sdelay $0x4  }
0x599: {  	v2 =	vadd.s32 $0x3800, v2;
	_ =	sdelay $0x4  }
0x59a: {  	[tilespmem:v2+s14+$0x0] =	vst.idx.msk $0xffff, v1  }
0x59b: {  	v2 =	vld [tilespmem:$0xFE0];
	_ =	sdelay $0x4  }
0x59c: {  	v2 =	vadd.s32 $0x3800, v2;
	_ =	sdelay $0x4  }
0x59d: {  	[tilespmem:v2+s14+$0x0] =	vst.idx.msk $0xffff, v1  }
0x59e: {  	v2 =	vld [tilespmem:$0xFF0];
	_ =	sdelay $0x4  }
0x59f: {  	v2 =	vadd.s32 $0x3800, v2;
	_ =	sdelay $0x4  }
0x5a0: {  	[tilespmem:v2+s14+$0x0] =	vst.idx.msk $0xffff, v1  }
0x5a1: {  	[hbm4b:s11+s2] =	stream.linear.scatter [tilespmem:s14], [sflag:$0x1], $0x4000, $0x38;
	[tilespmem:$0x5000] =	vst v63  }
0x5a2: {  	_ =	swait.ge [sflag:s15], $0x4000  }
0x5a3: {  	[sflag:s15] =	ssyncset.done $0x0  }
0x5a4: {  	[sflag:s15] =	ssyncadd.s32 $0xFFFFC000  }
0x5a5: {  	v2 =	vld [tilespmem:$0xE00];
	_ =	sdelay $0x7  }
0x5a6: {  	[tilespmem:v2+s14+$0x0] =	vst.idx.msk $0xffff, v0  }
0x5a7: {  	v2 =	vld [tilespmem:$0xE10];
	_ =	sdelay $0x7  }
0x5a8: {  	[tilespmem:v2+s14+$0x0] =	vst.idx.msk $0xffff, v0  }
0x5a9: {  	v2 =	vld [tilespmem:$0xE20];
	_ =	sdelay $0x7  }
0x5aa: {  	[tilespmem:v2+s14+$0x0] =	vst.idx.msk $0xffff, v0  }
0x5ab: {  	v2 =	vld [tilespmem:$0xE30];
	_ =	sdelay $0x7  }
0x5ac: {  	[tilespmem:v2+s14+$0x0] =	vst.idx.msk $0xffff, v0  }
0x5ad: {  	v2 =	vld [tilespmem:$0xE40];
	_ =	sdelay $0x4  }
0x5ae: {  	v2 =	vadd.s32 $0x800, v2;
	_ =	sdelay $0x4  }
0x5af: {  	[tilespmem:v2+s14+$0x0] =	vst.idx.msk $0xffff, v0  }
0x5b0: {  	v2 =	vld [tilespmem:$0xE50];
	_ =	sdelay $0x4  }
0x5b1: {  	v2 =	vadd.s32 $0x800, v2;
	_ =	sdelay $0x4  }
0x5b2: {  	[tilespmem:v2+s14+$0x0] =	vst.idx.msk $0xffff, v0  }
0x5b3: {  	v2 =	vld [tilespmem:$0xE60];
	_ =	sdelay $0x4  }
0x5b4: {  	v2 =	vadd.s32 $0x800, v2;
	_ =	sdelay $0x4  }
0x5b5: {  	[tilespmem:v2+s14+$0x0] =	vst.idx.msk $0xffff, v0  }
0x5b6: {  	v2 =	vld [tilespmem:$0xE70];
	_ =	sdelay $0x4  }
0x5b7: {  	v2 =	vadd.s32 $0x800, v2;
	_ =	sdelay $0x4  }
0x5b8: {  	[tilespmem:v2+s14+$0x0] =	vst.idx.msk $0xffff, v0  }
0x5b9: {  	v2 =	vld [tilespmem:$0xE80];
	_ =	sdelay $0x4  }
0x5ba: {  	v2 =	vadd.s32 $0x1000, v2;
	_ =	sdelay $0x4  }
0x5bb: {  	[tilespmem:v2+s14+$0x0] =	vst.idx.msk $0xffff, v0  }
0x5bc: {  	v2 =	vld [tilespmem:$0xE90];
	_ =	sdelay $0x4  }
0x5bd: {  	v2 =	vadd.s32 $0x1000, v2;
	_ =	sdelay $0x4  }
0x5be: {  	[tilespmem:v2+s14+$0x0] =	vst.idx.msk $0xffff, v0  }
0x5bf: {  	v2 =	vld [tilespmem:$0xEA0];
	_ =	sdelay $0x4  }
0x5c0: {  	v2 =	vadd.s32 $0x1000, v2;
	_ =	sdelay $0x4  }
0x5c1: {  	[tilespmem:v2+s14+$0x0] =	vst.idx.msk $0xffff, v0  }
0x5c2: {  	v2 =	vld [tilespmem:$0xEB0];
	_ =	sdelay $0x4  }
0x5c3: {  	v2 =	vadd.s32 $0x1000, v2;
	_ =	sdelay $0x4  }
0x5c4: {  	[tilespmem:v2+s14+$0x0] =	vst.idx.msk $0xffff, v0  }
0x5c5: {  	v2 =	vld [tilespmem:$0xEC0];
	_ =	sdelay $0x4  }
0x5c6: {  	v2 =	vadd.s32 $0x1800, v2;
	_ =	sdelay $0x4  }
0x5c7: {  	[tilespmem:v2+s14+$0x0] =	vst.idx.msk $0xffff, v0  }
0x5c8: {  	v2 =	vld [tilespmem:$0xED0];
	_ =	sdelay $0x4  }
0x5c9: {  	v2 =	vadd.s32 $0x1800, v2;
	_ =	sdelay $0x4  }
0x5ca: {  	[tilespmem:v2+s14+$0x0] =	vst.idx.msk $0xffff, v0  }
0x5cb: {  	v2 =	vld [tilespmem:$0xEE0];
	_ =	sdelay $0x4  }
0x5cc: {  	v2 =	vadd.s32 $0x1800, v2;
	_ =	sdelay $0x4  }
0x5cd: {  	[tilespmem:v2+s14+$0x0] =	vst.idx.msk $0xffff, v0  }
0x5ce: {  	v2 =	vld [tilespmem:$0xEF0];
	_ =	sdelay $0x4  }
0x5cf: {  	v2 =	vadd.s32 $0x1800, v2;
	_ =	sdelay $0x4  }
0x5d0: {  	[tilespmem:v2+s14+$0x0] =	vst.idx.msk $0xffff, v0  }
0x5d1: {  	v2 =	vld [tilespmem:$0xF00];
	_ =	sdelay $0x4  }
0x5d2: {  	v2 =	vadd.s32 $0x2000, v2;
	_ =	sdelay $0x4  }
0x5d3: {  	[tilespmem:v2+s14+$0x0] =	vst.idx.msk $0xffff, v0  }
0x5d4: {  	v2 =	vld [tilespmem:$0xF10];
	_ =	sdelay $0x4  }
0x5d5: {  	v2 =	vadd.s32 $0x2000, v2;
	_ =	sdelay $0x4  }
0x5d6: {  	[tilespmem:v2+s14+$0x0] =	vst.idx.msk $0xffff, v0  }
0x5d7: {  	v2 =	vld [tilespmem:$0xF20];
	_ =	sdelay $0x4  }
0x5d8: {  	v2 =	vadd.s32 $0x2000, v2;
	_ =	sdelay $0x4  }
0x5d9: {  	[tilespmem:v2+s14+$0x0] =	vst.idx.msk $0xffff, v0  }
0x5da: {  	v2 =	vld [tilespmem:$0xF30];
	_ =	sdelay $0x4  }
0x5db: {  	v2 =	vadd.s32 $0x2000, v2;
	_ =	sdelay $0x4  }
0x5dc: {  	[tilespmem:v2+s14+$0x0] =	vst.idx.msk $0xffff, v0  }
0x5dd: {  	v2 =	vld [tilespmem:$0xF40];
	_ =	sdelay $0x4  }
0x5de: {  	v2 =	vadd.s32 $0x2800, v2;
	_ =	sdelay $0x4  }
0x5df: {  	[tilespmem:v2+s14+$0x0] =	vst.idx.msk $0xffff, v0  }
0x5e0: {  	v2 =	vld [tilespmem:$0xF50];
	_ =	sdelay $0x4  }
0x5e1: {  	v2 =	vadd.s32 $0x2800, v2;
	_ =	sdelay $0x4  }
0x5e2: {  	[tilespmem:v2+s14+$0x0] =	vst.idx.msk $0xffff, v0  }
0x5e3: {  	v2 =	vld [tilespmem:$0xF60];
	_ =	sdelay $0x4  }
0x5e4: {  	v2 =	vadd.s32 $0x2800, v2;
	_ =	sdelay $0x4  }
0x5e5: {  	[tilespmem:v2+s14+$0x0] =	vst.idx.msk $0xffff, v0  }
0x5e6: {  	v2 =	vld [tilespmem:$0xF70];
	_ =	sdelay $0x4  }
0x5e7: {  	v2 =	vadd.s32 $0x2800, v2;
	_ =	sdelay $0x4  }
0x5e8: {  	[tilespmem:v2+s14+$0x0] =	vst.idx.msk $0xffff, v0  }
0x5e9: {  	v2 =	vld [tilespmem:$0xF80];
	_ =	sdelay $0x4  }
0x5ea: {  	v2 =	vadd.s32 $0x3000, v2;
	_ =	sdelay $0x4  }
0x5eb: {  	[tilespmem:v2+s14+$0x0] =	vst.idx.msk $0xffff, v0  }
0x5ec: {  	v2 =	vld [tilespmem:$0xF90];
	_ =	sdelay $0x4  }
0x5ed: {  	v2 =	vadd.s32 $0x3000, v2;
	_ =	sdelay $0x4  }
0x5ee: {  	[tilespmem:v2+s14+$0x0] =	vst.idx.msk $0xffff, v0  }
0x5ef: {  	v2 =	vld [tilespmem:$0xFA0];
	_ =	sdelay $0x4  }
0x5f0: {  	v2 =	vadd.s32 $0x3000, v2;
	_ =	sdelay $0x4  }
0x5f1: {  	[tilespmem:v2+s14+$0x0] =	vst.idx.msk $0xffff, v0  }
0x5f2: {  	v2 =	vld [tilespmem:$0xFB0];
	_ =	sdelay $0x4  }
0x5f3: {  	v2 =	vadd.s32 $0x3000, v2;
	_ =	sdelay $0x4  }
0x5f4: {  	[tilespmem:v2+s14+$0x0] =	vst.idx.msk $0xffff, v0  }
0x5f5: {  	v2 =	vld [tilespmem:$0xFC0];
	_ =	sdelay $0x4  }
0x5f6: {  	v2 =	vadd.s32 $0x3800, v2;
	_ =	sdelay $0x4  }
0x5f7: {  	[tilespmem:v2+s14+$0x0] =	vst.idx.msk $0xffff, v0  }
0x5f8: {  	v2 =	vld [tilespmem:$0xFD0];
	_ =	sdelay $0x4  }
0x5f9: {  	v2 =	vadd.s32 $0x3800, v2;
	_ =	sdelay $0x4  }
0x5fa: {  	[tilespmem:v2+s14+$0x0] =	vst.idx.msk $0xffff, v0  }
0x5fb: {  	v2 =	vld [tilespmem:$0xFE0];
	_ =	sdelay $0x4  }
0x5fc: {  	v2 =	vadd.s32 $0x3800, v2;
	_ =	sdelay $0x4  }
0x5fd: {  	[tilespmem:v2+s14+$0x0] =	vst.idx.msk $0xffff, v0  }
0x5fe: {  	v2 =	vld [tilespmem:$0xFF0];
	_ =	sdelay $0x3  }
0x5ff: {  	s16 =	sadd.s32 $0x1, s16  }
0x600: {  	p0 =	sne.s32 s16, s12;
	v2 =	vadd.s32 $0x3800, v2  }
.Ltmp1:
0x601: {  	_ = 	snop;
	(pc) =	sbr.rel @p0 .LBB2_1-.Ltmp1, $2  }
0x602: {  	_ =	sdelay $0x2  }
0x603: {  	[tilespmem:v2+s14+$0x0] =	vst.idx.msk $0xffff, v0  }
0x604: {  	_ =	sfence.sel $0x180000  }
0x605: {  	[bflag:$0x0] =	sbarrier.arrive $0xFFFF  }
0x606: {  	p0 =	sne.s32 s1, $0x0;
	_ =	strace $0x90000047  }
0x607: {  	s0 =	sadd.s32 @!p0 $0x100000, s0;
	[bflag:$0x2] =	sbarrier.arrive $0xFFFF  }
0x608: {  	[sflag:s0] =	ssyncadd.tile.s32 @!p0 $0x1;
	_ =	shalt  }
.Lfunc_end2:
_tile_overlayer_lowered:
.L_overlay_start_2:
0x609: {  	(tag) =	ssettag $0x2  }
0x60a: {  	s0 =	rddreg [dreg:$0x0];
	s2 =	stileid.u32  }
0x60b: {  	s1 =	rddreg [dreg:$0x1];
	p0 =	sne.s32 s2, $0x0  }
0x60c: {  	s3 =	rddreg [dreg:$0x2];
	[bflag:$0x3] =	sbarrier.arrive $0xFFFF;
	s2 =	simm.s32 @!p0 $0x1C02  }
0x60d: {  	[timem:s3], [sflag:s2] =	dma.local @!p0 [hbm:s0], s1  }
0x60e: {  	s0 =	simm.s32 @!p0 $0x2  }
0x60f: {  	_ =	swait.ge @!p0 [sflag:s0], s1  }
0x610: {  	s1 =	ssub.s32 @!p0 $0x0, s1;
	[sflag:s0] =	ssyncset.done @!p0 $0x0  }
0x611: {  	[sflag:s0] =	ssyncadd.s32 @!p0 s1  }
0x612: {  	[bflag:$0x3] =	sbarrier.arrive $0xFFFF  }
0x613: {  	_ =	shalt  }

</sc_bundles>
